<compile_context>
chip_gen: v7x
topology: tpu7x:2x2x1
jax: 0.10.2.dev20260603
libtpu: 0.0.44.dev20260713+nightly
codegen_flags: <defaults>
</compile_context>

<pallas_src>
import functools

import jax
import jax.numpy as jnp
from jax import lax
from jax.experimental import pallas as pl
from jax.experimental.pallas import tpu as pltpu
from jax.experimental.pallas import tpu_sc as plsc

N = 10000
E = 320000
R = 10
DIN = 128
H = 64
G = 64

NC = 2
NS = 16
NW = NC * NS

C = 128
EPAD = 323584
EROWS = EPAD // C
RPW = EROWS // NW
RPT = EROWS // NS
NRP = 100352
NPAD = 10240

BN = 400
NB = N // BN



def _dense_body(x_ref, w_ref, root_ref, b_ref, xw_ref, rt_ref):
    r = pl.program_id(1)
    xb = x_ref[...]
    xw_ref[0] = jnp.dot(xb, w_ref[r], preferred_element_type=jnp.float32)

    @pl.when(r == 0)
    def _():
        rt_ref[...] = (
            jnp.dot(xb, root_ref[...], preferred_element_type=jnp.float32)
            + b_ref[...]
        )


def _dense_call(x, w, root, b, din):
    return pl.pallas_call(
        _dense_body,
        grid=(NB, R),
        in_specs=[
            pl.BlockSpec((BN, din), lambda n, r: (n, 0)),
            pl.BlockSpec((R, din, H), lambda n, r: (0, 0, 0)),
            pl.BlockSpec((din, H), lambda n, r: (0, 0)),
            pl.BlockSpec((1, H), lambda n, r: (0, 0)),
        ],
        out_specs=[
            pl.BlockSpec((1, BN, H), lambda n, r: (r, n, 0)),
            pl.BlockSpec((BN, H), lambda n, r: (n, 0)),
        ],
        out_shape=[
            jax.ShapeDtypeStruct((R, N, H), jnp.float32),
            jax.ShapeDtypeStruct((N, H), jnp.float32),
        ],
    )(x, w, root, b.reshape(1, H))


def _dense2_body(a0_ref, a1_ref, rt1_ref, w_ref, root_ref, b_ref, xw_ref, rt_ref):
    r = pl.program_id(1)
    h = jnp.maximum(a0_ref[...] + a1_ref[...] + rt1_ref[...], 0.0)
    xw_ref[0] = jnp.dot(h, w_ref[r], preferred_element_type=jnp.float32)

    @pl.when(r == 0)
    def _():
        rt_ref[...] = (
            jnp.dot(h, root_ref[...], preferred_element_type=jnp.float32)
            + b_ref[...]
        )


def _dense2_call(a0, a1, rt1, w, root, b):
    return pl.pallas_call(
        _dense2_body,
        grid=(NB, R),
        in_specs=[
            pl.BlockSpec((BN, H), lambda n, r: (n, 0)),
            pl.BlockSpec((BN, H), lambda n, r: (n, 0)),
            pl.BlockSpec((BN, H), lambda n, r: (n, 0)),
            pl.BlockSpec((R, H, H), lambda n, r: (0, 0, 0)),
            pl.BlockSpec((H, H), lambda n, r: (0, 0)),
            pl.BlockSpec((1, H), lambda n, r: (0, 0)),
        ],
        out_specs=[
            pl.BlockSpec((1, BN, H), lambda n, r: (r, n, 0)),
            pl.BlockSpec((BN, H), lambda n, r: (n, 0)),
        ],
        out_shape=[
            jax.ShapeDtypeStruct((R, N, H), jnp.float32),
            jax.ShapeDtypeStruct((N, H), jnp.float32),
        ],
    )(a0, a1, rt1, w, root, b.reshape(1, H))



def _head_body(a0_ref, a1_ref, rt2_ref, batch_ref, clsw_ref, clsb_ref,
               out_ref, psum, cnt):
    i = pl.program_id(0)

    @pl.when(i == 0)
    def _():
        psum[...] = jnp.zeros((G, H), jnp.float32)
        cnt[...] = jnp.zeros((G, 1), jnp.float32)

    h = jnp.maximum(a0_ref[...] + a1_ref[...] + rt2_ref[...], 0.0)
    onehot = (batch_ref[...] == lax.broadcasted_iota(jnp.int32, (BN, G), 1))
    onehot = onehot.astype(jnp.float32)
    psum[...] += lax.dot_general(
        onehot, h, (((0,), (0,)), ((), ())),
        preferred_element_type=jnp.float32)
    cnt[...] += lax.dot_general(
        onehot, jnp.ones((BN, 1), jnp.float32), (((0,), (0,)), ((), ())),
        preferred_element_type=jnp.float32)

    @pl.when(i == NB - 1)
    def _():
        mat = jnp.dot(psum[...], clsw_ref[...],
                      preferred_element_type=jnp.float32)
        out_ref[...] = mat / jnp.maximum(cnt[...], 1.0) + clsb_ref[...]


def _head_call(a0, a1, rt2, batch, cls_w, cls_b):
    return pl.pallas_call(
        _head_body,
        grid=(NB,),
        in_specs=[
            pl.BlockSpec((BN, H), lambda n: (n, 0)),
            pl.BlockSpec((BN, H), lambda n: (n, 0)),
            pl.BlockSpec((BN, H), lambda n: (n, 0)),
            pl.BlockSpec((BN, 1), lambda n: (n, 0)),
            pl.BlockSpec((H, 1), lambda n: (0, 0)),
            pl.BlockSpec((1, 1), lambda n: (0, 0)),
        ],
        out_specs=pl.BlockSpec((G, 1), lambda n: (0, 0)),
        out_shape=jax.ShapeDtypeStruct((G, 1), jnp.float32),
        scratch_shapes=[
            pltpu.VMEM((G, H), jnp.float32),
            pltpu.VMEM((G, 1), jnp.float32),
        ],
    )(a0, a1, rt2, batch.reshape(N, 1), cls_w, cls_b.reshape(1, 1))



def _counts_body(src_hbm, dst_hbm, et_hbm,
                 norm_hbm, gidx_hbm, comp_hbm,
                 cnt_sh, sv, dv, ev, comp_v, gidx_v, ones_v, zbuf, cbuf):
    c = lax.axis_index("c")
    s = lax.axis_index("s")

    ZT = NRP // NS

    def zb(i, _):
        zbuf[pl.ds(i * 16, 16)] = jnp.zeros((16,), jnp.float32)
        return _

    lax.fori_loop(0, ZT // 16, zb, None)
    pltpu.sync_copy(zbuf, cnt_sh.at[pl.ds(s * ZT, ZT)])

    def ob(i, _):
        ones_v[pl.ds(i * 16, 16)] = jnp.ones((16,), jnp.float32)
        return _

    lax.fori_loop(0, C // 16, ob, None)
    plsc.subcore_barrier()

    half = RPT // 2

    def chunk(k, _):
        row = s * RPT + k
        pltpu.sync_copy(src_hbm.at[row], sv)
        pltpu.sync_copy(dst_hbm.at[row], dv)
        pltpu.sync_copy(et_hbm.at[row], ev)

        def sub(j, _):
            sl = pl.ds(j * 16, 16)
            et = ev[sl] * N
            comp_v[sl] = et + dv[sl]
            gidx_v[sl] = et + sv[sl]
            return _

        lax.fori_loop(0, C // 16, sub, None)

        own = jnp.where(c == 0, k < half, k >= half)

        @pl.when(own)
        def _():
            pltpu.sync_copy(comp_v, comp_hbm.at[row])
            pltpu.sync_copy(gidx_v, gidx_hbm.at[row])

        pltpu.sync_copy(ones_v, cnt_sh.at[comp_v], add=True)
        return _

    lax.fori_loop(0, RPT, chunk, None)
    plsc.subcore_barrier()

    HS = NRP // NC
    TS = HS // NS
    off = c * HS + s * TS
    pltpu.sync_copy(cnt_sh.at[pl.ds(off, TS)], cbuf)

    def nb(i, _):
        sl = pl.ds(i * 16, 16)
        idx = off + i * 16 + lax.iota(jnp.int32, 16)
        nv = 1.0 / jnp.maximum(cbuf[sl], 1.0)
        cbuf[sl] = jnp.where(idx < N * R, nv, 0.0)
        return _

    lax.fori_loop(0, TS // 16, nb, None)
    pltpu.sync_copy(cbuf, norm_hbm.at[pl.ds(off, TS)])


def _counts_call(src, dst, et):
    return pl.kernel(
        _counts_body,
        out_type=[
            jax.ShapeDtypeStruct((NRP,), jnp.float32),
            jax.ShapeDtypeStruct((EROWS, C), jnp.int32),
            jax.ShapeDtypeStruct((EROWS, C), jnp.int32),
        ],
        mesh=plsc.VectorSubcoreMesh(core_axis_name="c", subcore_axis_name="s"),
        scratch_types=[
            pltpu.VMEM_SHARED((NRP,), jnp.float32),
            pltpu.VMEM((C,), jnp.int32),
            pltpu.VMEM((C,), jnp.int32),
            pltpu.VMEM((C,), jnp.int32),
            pltpu.VMEM((C,), jnp.int32),
            pltpu.VMEM((C,), jnp.int32),
            pltpu.VMEM((C,), jnp.float32),
            pltpu.VMEM((NRP // NS,), jnp.float32),
            pltpu.VMEM((NRP // NC // NS,), jnp.float32),
        ],
    )(src, dst, et)



def _agg_body(xw_hbm, gidx_hbm, comp_hbm, dst_hbm, norm_hbm,
              out_hbm, acc_sh, gv, cv, dv, nv, rows_v, sem, sem2):
    c = lax.axis_index("c")
    s = lax.axis_index("s")
    w = s * NC + c

    def zb(e, _):
        for j in range(4):
            rows_v[e, pl.ds(j * 16, 16)] = jnp.zeros((16,), jnp.float32)
        return _

    lax.fori_loop(0, C, zb, None)
    DT = NPAD // NS
    for j in range(DT // C):
        pltpu.sync_copy(rows_v, acc_sh.at[pl.ds(s * DT + j * C, C)])
    plsc.subcore_barrier()

    def chunk(k, _):
        row = w * RPW + k
        pltpu.sync_copy(gidx_hbm.at[row], gv)
        pltpu.sync_copy(comp_hbm.at[row], cv)
        pltpu.sync_copy(dst_hbm.at[row], dv)
        pltpu.async_copy(norm_hbm.at[cv], nv, sem).wait()
        pltpu.async_copy(xw_hbm.at[gv], rows_v, sem2).wait()

        def sc(g, _):
            nvec = nv[pl.ds(g * 16, 16)]
            for t in range(16):
                ns = nvec[t]
                e = g * 16 + t
                for j in range(4):
                    sl = pl.ds(j * 16, 16)
                    rows_v[e, sl] = rows_v[e, sl] * ns
            return _

        lax.fori_loop(0, C // 16, sc, None)
        pltpu.sync_copy(rows_v, acc_sh.at[dv], add=True)
        return _

    lax.fori_loop(0, RPW, chunk, None)
    plsc.subcore_barrier()

    DT = NPAD // NS
    pltpu.sync_copy(acc_sh.at[pl.ds(s * DT, DT)],
                    out_hbm.at[c, pl.ds(s * DT, DT)])


def _agg_call(xw, gidx, comp, dst, norm):
    return pl.kernel(
        _agg_body,
        out_type=jax.ShapeDtypeStruct((NC, NPAD, H), jnp.float32),
        mesh=plsc.VectorSubcoreMesh(core_axis_name="c", subcore_axis_name="s"),
        scratch_types=[
            pltpu.VMEM_SHARED((NPAD, H), jnp.float32),
            pltpu.VMEM((C,), jnp.int32),
            pltpu.VMEM((C,), jnp.int32),
            pltpu.VMEM((C,), jnp.int32),
            pltpu.VMEM((C,), jnp.float32),
            pltpu.VMEM((C, H), jnp.float32),
            pltpu.SemaphoreType.DMA,
            pltpu.SemaphoreType.DMA,
        ],
        compiler_params=pltpu.CompilerParams(use_tc_tiling_on_sc=False),
    )(xw, gidx, comp, dst, norm)



def kernel(x, edge_index, edge_type, batch, W1, root1, b1, W2, root2, b2,
           cls_w, cls_b):
    pad = EPAD - E
    src = jnp.concatenate(
        [edge_index[0], jnp.full((pad,), -R * N, jnp.int32)]).reshape(EROWS, C)
    dst = jnp.concatenate(
        [edge_index[1], jnp.zeros((pad,), jnp.int32)]).reshape(EROWS, C)
    et = jnp.concatenate(
        [edge_type, jnp.full((pad,), R, jnp.int32)]).reshape(EROWS, C)

    norm, gidx, comp = _counts_call(src, dst, et)
    xw1, rt1 = _dense_call(x, W1, root1, b1, DIN)

    agg1 = _agg_call(xw1.reshape(R * N, H), gidx, comp, dst, norm)
    xw2, rt2 = _dense2_call(agg1[0, :N], agg1[1, :N], rt1, W2, root2, b2)

    agg2 = _agg_call(xw2.reshape(R * N, H), gidx, comp, dst, norm)
    out = _head_call(agg2[0, :N], agg2[1, :N], rt2, batch, cls_w, cls_b)
    return out.reshape(-1)

# --- scband reference (transcript-rebuilt; emitter-appended) ---
"""Pipeline reference for scband-edge-type-aware-gnn-41180146434141 (READ-ONLY COPY).

The authoritative reference and input builder live on the scoring server;
editing this copy changes nothing except your own understanding.
"""

import jax, jax.numpy as jnp
import numpy as np

N = 10000
E = 320000
R = 10
DIN = 128
H = 64
G = 64


def setup_inputs(seed: int = 0) -> dict:
    key = jax.random.key(seed)
    ks = jax.random.split(key, 12)
    x = jax.random.normal(ks[0], (N, DIN), dtype=jnp.float32)
    edge_index = jax.random.randint(ks[1], (2, E), 0, N, dtype=jnp.int32)
    edge_type = jax.random.randint(ks[2], (E,), 0, R, dtype=jnp.int32)
    batch = jnp.sort(jax.random.randint(ks[3], (N,), 0, G, dtype=jnp.int32))
    # RGCN layer 1 params: per-relation weight, root weight, bias
    W1 = jax.random.normal(ks[4], (R, DIN, H), dtype=jnp.float32) * 0.05
    root1 = jax.random.normal(ks[5], (DIN, H), dtype=jnp.float32) * 0.05
    b1 = jnp.zeros((H,), dtype=jnp.float32)
    # RGCN layer 2 params
    W2 = jax.random.normal(ks[6], (R, H, H), dtype=jnp.float32) * 0.05
    root2 = jax.random.normal(ks[7], (H, H), dtype=jnp.float32) * 0.05
    b2 = jnp.zeros((H,), dtype=jnp.float32)
    # classifier Linear(H, 1)
    cls_w = jax.random.normal(ks[8], (H, 1), dtype=jnp.float32) * 0.05
    cls_b = jnp.zeros((1,), dtype=jnp.float32)
    return {"x": x, "edge_index": edge_index, "edge_type": edge_type, "batch": batch,
            "W1": W1, "root1": root1, "b1": b1,
            "W2": W2, "root2": root2, "b2": b2,
            "cls_w": cls_w, "cls_b": cls_b}


def _rgcn_layer(x, edge_index, edge_type, W, Wroot, b):
    # PyG-style RGCNConv: out_i = x_i @ Wroot + b + sum_r (1/c_{i,r}) * sum_{j in N_r(i)} x_j @ W_r
    src = edge_index[0]
    dst = edge_index[1]
    # transform all nodes by all relation weights: [N, R, out]
    xw = jnp.einsum('ni,rio->nro', x, W)
    # gather per-edge message: [E, out]
    msg = xw[src, edge_type]
    # mean normalization per (dst, relation) pair
    comp = dst * R + edge_type
    cnt = jax.ops.segment_sum(jnp.ones((src.shape[0],), dtype=jnp.float32), comp, num_segments=x.shape[0] * R)
    norm = 1.0 / jnp.maximum(cnt, 1.0)
    msg = msg * norm[comp][:, None]
    # scatter-add to destination nodes
    agg = jax.ops.segment_sum(msg, dst, num_segments=x.shape[0])
    return agg + x @ Wroot + b


def _global_mean_pool(h, batch, num_graphs):
    sums = jax.ops.segment_sum(h, batch, num_segments=num_graphs)
    cnts = jax.ops.segment_sum(jnp.ones((h.shape[0],), dtype=jnp.float32), batch, num_segments=num_graphs)
    return sums / jnp.maximum(cnts, 1.0)[:, None]


def reference(x, edge_index, edge_type, batch, W1, root1, b1, W2, root2, b2, cls_w, cls_b):
    # layer 1 + relu (dropout is identity in eval mode)
    h = _rgcn_layer(x, edge_index, edge_type, W1, root1, b1)
    h = jax.nn.relu(h)
    # layer 2 + relu
    h = _rgcn_layer(h, edge_index, edge_type, W2, root2, b2)
    h = jax.nn.relu(h)
    # global mean pool over graphs then linear classifier
    pooled = _global_mean_pool(h, batch, G)
    out = pooled @ cls_w + cls_b
    return out.reshape(-1)

if __name__ == "__main__":
    import jax
    _d = setup_inputs()
    print(jax.jit(kernel)(*tuple(_d.values())))

</pallas_src>

<mosaic_0001>
#map = affine_map<(d0, d1) -> (0, 0)>
#map1 = affine_map<(d0, d1) -> (0)>
module attributes {stable_mosaic.version = 14 : i64} {
  func.func @_counts_body(%arg0: i32, %arg1: i32, %arg2: memref<2528x128xi32, #tpu.memory_space<hbm>>, %arg3: memref<2528x128xi32, #tpu.memory_space<hbm>>, %arg4: memref<2528x128xi32, #tpu.memory_space<hbm>>, %arg5: memref<100352xf32, #tpu.memory_space<hbm>>, %arg6: memref<2528x128xi32, #tpu.memory_space<hbm>>, %arg7: memref<2528x128xi32, #tpu.memory_space<hbm>>, %arg8: memref<100352xf32, #tpu.memory_space<vmem_shared>>, %arg9: memref<128xi32, #tpu.memory_space<vmem>>, %arg10: memref<128xi32, #tpu.memory_space<vmem>>, %arg11: memref<128xi32, #tpu.memory_space<vmem>>, %arg12: memref<128xi32, #tpu.memory_space<vmem>>, %arg13: memref<128xi32, #tpu.memory_space<vmem>>, %arg14: memref<128xf32, #tpu.memory_space<vmem>>, %arg15: memref<6272xf32, #tpu.memory_space<vmem>>, %arg16: memref<3136xf32, #tpu.memory_space<vmem>>) attributes {dimension_semantics = [#tpu.dimension_semantics<core_parallel>, #tpu.dimension_semantics<subcore_parallel>], iteration_bounds = array<i64: 2, 16>, scalar_prefetch = 0 : i64, scratch_operands = 9 : i64, tpu.core_type = #tpu.core_type<sc_vector_subcore>, window_params = [{transform_indices = #map}, {transform_indices = #map}, {transform_indices = #map}, {transform_indices = #map1}, {transform_indices = #map}, {transform_indices = #map}]} {
    %scan3A = arith.constant 0 : i32
    %scan3A_0 = arith.constant 392 : i32
    %scan3A_1 = arith.addi %scan3A, %scan3A_0 : i32
    %scan3A_2 = arith.constant 1 : i32
    scf.for %scan3A_25 = %scan3A to %scan3A_1 step %scan3A_2  : i32 {
      %broadcast_in_dim3A = arith.constant 0.000000e+00 : f32
      %broadcast_in_dim3A_26 = vector.broadcast %broadcast_in_dim3A : f32 to vector<16xf32>
      %mul3A_27 = arith.constant 16 : i32
      %mul3A_28 = arith.muli %scan3A_25, %mul3A_27 : i32
      %swap3A = arith.index_cast %mul3A_28 : i32 to index
      %swap3A_29 = tpu.vector_load %arg15[%swap3A] {strides = array<i32>} : memref<6272xf32, #tpu.memory_space<vmem>>, vector<16xf32>,
      %swap3A_30 = vector.shape_cast %swap3A_29 : vector<16xf32> to vector<16xf32>
      %swap3A_31 = vector.shape_cast %broadcast_in_dim3A_26 : vector<16xf32> to vector<16xf32>
      tpu.vector_store %arg15[%swap3A], %swap3A_31 {strides = array<i32>} : memref<6272xf32, #tpu.memory_space<vmem>>, vector<16xf32>,
    }
    %scan3A_3 = arith.constant 392 : i32
    %mul3A = arith.constant 6272 : i32
    %mul3A_4 = arith.muli %arg1, %mul3A : i32
    "tpu.region"() ({
      %run_scoped3A = tpu.sem_alloc : memref<!tpu.dma_semaphore, #tpu.memory_space<semaphore_mem>>
      %dma_start3A = tpu.memref_slice %arg8[%mul3A_4] : memref<100352xf32, #tpu.memory_space<vmem_shared>> -> memref<6272xf32, #tpu.memory_space<vmem_shared>>
      %dma_start3A_25 = tpu.memref_slice %arg8[%mul3A_4] : memref<100352xf32, #tpu.memory_space<vmem_shared>> -> memref<6272xf32, #tpu.memory_space<vmem_shared>>
      tpu.enqueue_dma source(%arg15 : memref<6272xf32, #tpu.memory_space<vmem>>) target(%dma_start3A_25 : memref<6272xf32, #tpu.memory_space<vmem_shared>>) target_semaphore(%run_scoped3A : memref<!tpu.dma_semaphore, #tpu.memory_space<semaphore_mem>>)
      %dma_wait3A = tpu.memref_slice %arg8[%mul3A_4] : memref<100352xf32, #tpu.memory_space<vmem_shared>> -> memref<6272xf32, #tpu.memory_space<vmem_shared>>
      %dma_wait3A_26 = tpu.memref_slice %arg8[%mul3A_4] : memref<100352xf32, #tpu.memory_space<vmem_shared>> -> memref<6272xf32, #tpu.memory_space<vmem_shared>>
      tpu.wait_dma2 semaphore(%run_scoped3A : memref<!tpu.dma_semaphore, #tpu.memory_space<semaphore_mem>>) src(%arg15 : memref<6272xf32, #tpu.memory_space<vmem>>) dst(%dma_wait3A_26 : memref<6272xf32, #tpu.memory_space<vmem_shared>>)
      tpu.yield
    }) : () -> ()
    %scan3A_5 = arith.constant 0 : i32
    %scan3A_6 = arith.constant 8 : i32
    %scan3A_7 = arith.addi %scan3A_5, %scan3A_6 : i32
    %scan3A_8 = arith.constant 1 : i32
    scf.for %scan3A_25 = %scan3A_5 to %scan3A_7 step %scan3A_8  : i32 {
      %broadcast_in_dim3A = arith.constant 1.000000e+00 : f32
      %broadcast_in_dim3A_26 = vector.broadcast %broadcast_in_dim3A : f32 to vector<16xf32>
      %mul3A_27 = arith.constant 16 : i32
      %mul3A_28 = arith.muli %scan3A_25, %mul3A_27 : i32
      %swap3A = arith.index_cast %mul3A_28 : i32 to index
      %swap3A_29 = tpu.vector_load %arg14[%swap3A] {strides = array<i32>} : memref<128xf32, #tpu.memory_space<vmem>>, vector<16xf32>,
      %swap3A_30 = vector.shape_cast %swap3A_29 : vector<16xf32> to vector<16xf32>
      %swap3A_31 = vector.shape_cast %broadcast_in_dim3A_26 : vector<16xf32> to vector<16xf32>
      tpu.vector_store %arg14[%swap3A], %swap3A_31 {strides = array<i32>} : memref<128xf32, #tpu.memory_space<vmem>>, vector<16xf32>,
    }
    %scan3A_9 = arith.constant 8 : i32
    %barrier3A = arith.constant 0 : index
    tpu.barrier barrier_id(%barrier3A)
    %scan3A_10 = arith.constant 0 : i32
    %scan3A_11 = arith.constant 158 : i32
    %scan3A_12 = arith.addi %scan3A_10, %scan3A_11 : i32
    %scan3A_13 = arith.constant 1 : i32
    scf.for %scan3A_25 = %scan3A_10 to %scan3A_12 step %scan3A_13  : i32 {
      %mul3A_26 = arith.constant 158 : i32
      %mul3A_27 = arith.muli %arg1, %mul3A_26 : i32
      %add3A_28 = arith.addi %mul3A_27, %scan3A_25 : i32
      "tpu.region"() ({
        %run_scoped3A = tpu.sem_alloc : memref<!tpu.dma_semaphore, #tpu.memory_space<semaphore_mem>>
        %dma_start3A = arith.constant 0 : i32
        %dma_start3A_38 = tpu.memref_slice %arg2[%add3A_28, %dma_start3A] : memref<2528x128xi32, #tpu.memory_space<hbm>> -> memref<1x128xi32, #tpu.memory_space<hbm>>
        %dma_start3A_39 = tpu.memref_squeeze %dma_start3A_38 : memref<1x128xi32, #tpu.memory_space<hbm>> -> memref<128xi32, #tpu.memory_space<hbm>>
        %dma_start3A_40 = arith.constant 0 : i32
        %dma_start3A_41 = tpu.memref_slice %arg2[%add3A_28, %dma_start3A_40] : memref<2528x128xi32, #tpu.memory_space<hbm>> -> memref<1x128xi32, #tpu.memory_space<hbm>>
        %dma_start3A_42 = tpu.memref_squeeze %dma_start3A_41 : memref<1x128xi32, #tpu.memory_space<hbm>> -> memref<128xi32, #tpu.memory_space<hbm>>
        tpu.enqueue_dma source(%dma_start3A_42 : memref<128xi32, #tpu.memory_space<hbm>>) target(%arg9 : memref<128xi32, #tpu.memory_space<vmem>>) target_semaphore(%run_scoped3A : memref<!tpu.dma_semaphore, #tpu.memory_space<semaphore_mem>>)
        %dma_wait3A = arith.constant 0 : i32
        %dma_wait3A_43 = tpu.memref_slice %arg2[%add3A_28, %dma_wait3A] : memref<2528x128xi32, #tpu.memory_space<hbm>> -> memref<1x128xi32, #tpu.memory_space<hbm>>
        %dma_wait3A_44 = tpu.memref_squeeze %dma_wait3A_43 : memref<1x128xi32, #tpu.memory_space<hbm>> -> memref<128xi32, #tpu.memory_space<hbm>>
        %dma_wait3A_45 = arith.constant 0 : i32
        %dma_wait3A_46 = tpu.memref_slice %arg2[%add3A_28, %dma_wait3A_45] : memref<2528x128xi32, #tpu.memory_space<hbm>> -> memref<1x128xi32, #tpu.memory_space<hbm>>
        %dma_wait3A_47 = tpu.memref_squeeze %dma_wait3A_46 : memref<1x128xi32, #tpu.memory_space<hbm>> -> memref<128xi32, #tpu.memory_space<hbm>>
        tpu.wait_dma2 semaphore(%run_scoped3A : memref<!tpu.dma_semaphore, #tpu.memory_space<semaphore_mem>>) src(%dma_wait3A_47 : memref<128xi32, #tpu.memory_space<hbm>>) dst(%arg9 : memref<128xi32, #tpu.memory_space<vmem>>)
        tpu.yield
      }) : () -> ()
      "tpu.region"() ({
        %run_scoped3A = tpu.sem_alloc : memref<!tpu.dma_semaphore, #tpu.memory_space<semaphore_mem>>
        %dma_start3A = arith.constant 0 : i32
        %dma_start3A_38 = tpu.memref_slice %arg3[%add3A_28, %dma_start3A] : memref<2528x128xi32, #tpu.memory_space<hbm>> -> memref<1x128xi32, #tpu.memory_space<hbm>>
        %dma_start3A_39 = tpu.memref_squeeze %dma_start3A_38 : memref<1x128xi32, #tpu.memory_space<hbm>> -> memref<128xi32, #tpu.memory_space<hbm>>
        %dma_start3A_40 = arith.constant 0 : i32
        %dma_start3A_41 = tpu.memref_slice %arg3[%add3A_28, %dma_start3A_40] : memref<2528x128xi32, #tpu.memory_space<hbm>> -> memref<1x128xi32, #tpu.memory_space<hbm>>
        %dma_start3A_42 = tpu.memref_squeeze %dma_start3A_41 : memref<1x128xi32, #tpu.memory_space<hbm>> -> memref<128xi32, #tpu.memory_space<hbm>>
        tpu.enqueue_dma source(%dma_start3A_42 : memref<128xi32, #tpu.memory_space<hbm>>) target(%arg10 : memref<128xi32, #tpu.memory_space<vmem>>) target_semaphore(%run_scoped3A : memref<!tpu.dma_semaphore, #tpu.memory_space<semaphore_mem>>)
        %dma_wait3A = arith.constant 0 : i32
        %dma_wait3A_43 = tpu.memref_slice %arg3[%add3A_28, %dma_wait3A] : memref<2528x128xi32, #tpu.memory_space<hbm>> -> memref<1x128xi32, #tpu.memory_space<hbm>>
        %dma_wait3A_44 = tpu.memref_squeeze %dma_wait3A_43 : memref<1x128xi32, #tpu.memory_space<hbm>> -> memref<128xi32, #tpu.memory_space<hbm>>
        %dma_wait3A_45 = arith.constant 0 : i32
        %dma_wait3A_46 = tpu.memref_slice %arg3[%add3A_28, %dma_wait3A_45] : memref<2528x128xi32, #tpu.memory_space<hbm>> -> memref<1x128xi32, #tpu.memory_space<hbm>>
        %dma_wait3A_47 = tpu.memref_squeeze %dma_wait3A_46 : memref<1x128xi32, #tpu.memory_space<hbm>> -> memref<128xi32, #tpu.memory_space<hbm>>
        tpu.wait_dma2 semaphore(%run_scoped3A : memref<!tpu.dma_semaphore, #tpu.memory_space<semaphore_mem>>) src(%dma_wait3A_47 : memref<128xi32, #tpu.memory_space<hbm>>) dst(%arg10 : memref<128xi32, #tpu.memory_space<vmem>>)
        tpu.yield
      }) : () -> ()
      "tpu.region"() ({
        %run_scoped3A = tpu.sem_alloc : memref<!tpu.dma_semaphore, #tpu.memory_space<semaphore_mem>>
        %dma_start3A = arith.constant 0 : i32
        %dma_start3A_38 = tpu.memref_slice %arg4[%add3A_28, %dma_start3A] : memref<2528x128xi32, #tpu.memory_space<hbm>> -> memref<1x128xi32, #tpu.memory_space<hbm>>
        %dma_start3A_39 = tpu.memref_squeeze %dma_start3A_38 : memref<1x128xi32, #tpu.memory_space<hbm>> -> memref<128xi32, #tpu.memory_space<hbm>>
        %dma_start3A_40 = arith.constant 0 : i32
        %dma_start3A_41 = tpu.memref_slice %arg4[%add3A_28, %dma_start3A_40] : memref<2528x128xi32, #tpu.memory_space<hbm>> -> memref<1x128xi32, #tpu.memory_space<hbm>>
        %dma_start3A_42 = tpu.memref_squeeze %dma_start3A_41 : memref<1x128xi32, #tpu.memory_space<hbm>> -> memref<128xi32, #tpu.memory_space<hbm>>
        tpu.enqueue_dma source(%dma_start3A_42 : memref<128xi32, #tpu.memory_space<hbm>>) target(%arg11 : memref<128xi32, #tpu.memory_space<vmem>>) target_semaphore(%run_scoped3A : memref<!tpu.dma_semaphore, #tpu.memory_space<semaphore_mem>>)
        %dma_wait3A = arith.constant 0 : i32
        %dma_wait3A_43 = tpu.memref_slice %arg4[%add3A_28, %dma_wait3A] : memref<2528x128xi32, #tpu.memory_space<hbm>> -> memref<1x128xi32, #tpu.memory_space<hbm>>
        %dma_wait3A_44 = tpu.memref_squeeze %dma_wait3A_43 : memref<1x128xi32, #tpu.memory_space<hbm>> -> memref<128xi32, #tpu.memory_space<hbm>>
        %dma_wait3A_45 = arith.constant 0 : i32
        %dma_wait3A_46 = tpu.memref_slice %arg4[%add3A_28, %dma_wait3A_45] : memref<2528x128xi32, #tpu.memory_space<hbm>> -> memref<1x128xi32, #tpu.memory_space<hbm>>
        %dma_wait3A_47 = tpu.memref_squeeze %dma_wait3A_46 : memref<1x128xi32, #tpu.memory_space<hbm>> -> memref<128xi32, #tpu.memory_space<hbm>>
        tpu.wait_dma2 semaphore(%run_scoped3A : memref<!tpu.dma_semaphore, #tpu.memory_space<semaphore_mem>>) src(%dma_wait3A_47 : memref<128xi32, #tpu.memory_space<hbm>>) dst(%arg11 : memref<128xi32, #tpu.memory_space<vmem>>)
        tpu.yield
      }) : () -> ()
      %scan3A_29 = arith.constant 0 : i32
      %scan3A_30 = arith.constant 8 : i32
      %scan3A_31 = arith.addi %scan3A_29, %scan3A_30 : i32
      %scan3A_32 = arith.constant 1 : i32
      scf.for %scan3A_38 = %scan3A_29 to %scan3A_31 step %scan3A_32  : i32 {
        %mul3A_39 = arith.constant 16 : i32
        %mul3A_40 = arith.muli %scan3A_38, %mul3A_39 : i32
        %get3A = arith.index_cast %mul3A_40 : i32 to index
        %get3A_41 = tpu.vector_load %arg11[%get3A] {strides = array<i32>} : memref<128xi32, #tpu.memory_space<vmem>>, vector<16xi32>,
        %get3A_42 = vector.shape_cast %get3A_41 : vector<16xi32> to vector<16xi32>
        %mul3A_43 = arith.constant 10000 : i32
        %mul3A_44 = vector.broadcast %mul3A_43 : i32 to vector<16xi32>
        %mul3A_45 = arith.muli %get3A_42, %mul3A_44 : vector<16xi32>
        %get3A_46 = arith.index_cast %mul3A_40 : i32 to index
        %get3A_47 = tpu.vector_load %arg10[%get3A_46] {strides = array<i32>} : memref<128xi32, #tpu.memory_space<vmem>>, vector<16xi32>,
        %get3A_48 = vector.shape_cast %get3A_47 : vector<16xi32> to vector<16xi32>
        %add3A_49 = arith.addi %mul3A_45, %get3A_48 : vector<16xi32>
        %swap3A = arith.index_cast %mul3A_40 : i32 to index
        %swap3A_50 = tpu.vector_load %arg12[%swap3A] {strides = array<i32>} : memref<128xi32, #tpu.memory_space<vmem>>, vector<16xi32>,
        %swap3A_51 = vector.shape_cast %swap3A_50 : vector<16xi32> to vector<16xi32>
        %swap3A_52 = vector.shape_cast %add3A_49 : vector<16xi32> to vector<16xi32>
        tpu.vector_store %arg12[%swap3A], %swap3A_52 {strides = array<i32>} : memref<128xi32, #tpu.memory_space<vmem>>, vector<16xi32>,
        %get3A_53 = arith.index_cast %mul3A_40 : i32 to index
        %get3A_54 = tpu.vector_load %arg9[%get3A_53] {strides = array<i32>} : memref<128xi32, #tpu.memory_space<vmem>>, vector<16xi32>,
        %get3A_55 = vector.shape_cast %get3A_54 : vector<16xi32> to vector<16xi32>
        %add3A_56 = arith.addi %mul3A_45, %get3A_55 : vector<16xi32>
        %swap3A_57 = arith.index_cast %mul3A_40 : i32 to index
        %swap3A_58 = tpu.vector_load %arg13[%swap3A_57] {strides = array<i32>} : memref<128xi32, #tpu.memory_space<vmem>>, vector<16xi32>,
        %swap3A_59 = vector.shape_cast %swap3A_58 : vector<16xi32> to vector<16xi32>
        %swap3A_60 = vector.shape_cast %add3A_56 : vector<16xi32> to vector<16xi32>
        tpu.vector_store %arg13[%swap3A_57], %swap3A_60 {strides = array<i32>} : memref<128xi32, #tpu.memory_space<vmem>>, vector<16xi32>,
      }
      %scan3A_33 = arith.constant 8 : i32
      %eq3A = arith.constant 0 : i32
      %eq3A_34 = arith.cmpi eq, %arg0, %eq3A : i32
      %lt3A = arith.constant 79 : i32
      %lt3A_35 = arith.cmpi slt, %scan3A_25, %lt3A : i32
      %ge3A = arith.constant 79 : i32
      %ge3A_36 = arith.cmpi sge, %scan3A_25, %ge3A : i32
      %select_n3A = arith.select %eq3A_34, %lt3A_35, %ge3A_36 : i1
      %convert_element_type3A = arith.extui %select_n3A : i1 to i32
      %cond3A = arith.constant 0 : i32
      %cond3A_37 = arith.cmpi ne, %convert_element_type3A, %cond3A : i32
      scf.if %cond3A_37 {
        "tpu.region"() ({
          %run_scoped3A = tpu.sem_alloc : memref<!tpu.dma_semaphore, #tpu.memory_space<semaphore_mem>>
          %dma_start3A = arith.constant 0 : i32
          %dma_start3A_38 = tpu.memref_slice %arg7[%add3A_28, %dma_start3A] : memref<2528x128xi32, #tpu.memory_space<hbm>> -> memref<1x128xi32, #tpu.memory_space<hbm>>
          %dma_start3A_39 = tpu.memref_squeeze %dma_start3A_38 : memref<1x128xi32, #tpu.memory_space<hbm>> -> memref<128xi32, #tpu.memory_space<hbm>>
          %dma_start3A_40 = arith.constant 0 : i32
          %dma_start3A_41 = tpu.memref_slice %arg7[%add3A_28, %dma_start3A_40] : memref<2528x128xi32, #tpu.memory_space<hbm>> -> memref<1x128xi32, #tpu.memory_space<hbm>>
          %dma_start3A_42 = tpu.memref_squeeze %dma_start3A_41 : memref<1x128xi32, #tpu.memory_space<hbm>> -> memref<128xi32, #tpu.memory_space<hbm>>
          tpu.enqueue_dma source(%arg12 : memref<128xi32, #tpu.memory_space<vmem>>) target(%dma_start3A_42 : memref<128xi32, #tpu.memory_space<hbm>>) target_semaphore(%run_scoped3A : memref<!tpu.dma_semaphore, #tpu.memory_space<semaphore_mem>>)
          %dma_wait3A = arith.constant 0 : i32
          %dma_wait3A_43 = tpu.memref_slice %arg7[%add3A_28, %dma_wait3A] : memref<2528x128xi32, #tpu.memory_space<hbm>> -> memref<1x128xi32, #tpu.memory_space<hbm>>
          %dma_wait3A_44 = tpu.memref_squeeze %dma_wait3A_43 : memref<1x128xi32, #tpu.memory_space<hbm>> -> memref<128xi32, #tpu.memory_space<hbm>>
          %dma_wait3A_45 = arith.constant 0 : i32
          %dma_wait3A_46 = tpu.memref_slice %arg7[%add3A_28, %dma_wait3A_45] : memref<2528x128xi32, #tpu.memory_space<hbm>> -> memref<1x128xi32, #tpu.memory_space<hbm>>
          %dma_wait3A_47 = tpu.memref_squeeze %dma_wait3A_46 : memref<1x128xi32, #tpu.memory_space<hbm>> -> memref<128xi32, #tpu.memory_space<hbm>>
          tpu.wait_dma2 semaphore(%run_scoped3A : memref<!tpu.dma_semaphore, #tpu.memory_space<semaphore_mem>>) src(%arg12 : memref<128xi32, #tpu.memory_space<vmem>>) dst(%dma_wait3A_47 : memref<128xi32, #tpu.memory_space<hbm>>)
          tpu.yield
        }) : () -> ()
        "tpu.region"() ({
          %run_scoped3A = tpu.sem_alloc : memref<!tpu.dma_semaphore, #tpu.memory_space<semaphore_mem>>
          %dma_start3A = arith.constant 0 : i32
          %dma_start3A_38 = tpu.memref_slice %arg6[%add3A_28, %dma_start3A] : memref<2528x128xi32, #tpu.memory_space<hbm>> -> memref<1x128xi32, #tpu.memory_space<hbm>>
          %dma_start3A_39 = tpu.memref_squeeze %dma_start3A_38 : memref<1x128xi32, #tpu.memory_space<hbm>> -> memref<128xi32, #tpu.memory_space<hbm>>
          %dma_start3A_40 = arith.constant 0 : i32
          %dma_start3A_41 = tpu.memref_slice %arg6[%add3A_28, %dma_start3A_40] : memref<2528x128xi32, #tpu.memory_space<hbm>> -> memref<1x128xi32, #tpu.memory_space<hbm>>
          %dma_start3A_42 = tpu.memref_squeeze %dma_start3A_41 : memref<1x128xi32, #tpu.memory_space<hbm>> -> memref<128xi32, #tpu.memory_space<hbm>>
          tpu.enqueue_dma source(%arg13 : memref<128xi32, #tpu.memory_space<vmem>>) target(%dma_start3A_42 : memref<128xi32, #tpu.memory_space<hbm>>) target_semaphore(%run_scoped3A : memref<!tpu.dma_semaphore, #tpu.memory_space<semaphore_mem>>)
          %dma_wait3A = arith.constant 0 : i32
          %dma_wait3A_43 = tpu.memref_slice %arg6[%add3A_28, %dma_wait3A] : memref<2528x128xi32, #tpu.memory_space<hbm>> -> memref<1x128xi32, #tpu.memory_space<hbm>>
          %dma_wait3A_44 = tpu.memref_squeeze %dma_wait3A_43 : memref<1x128xi32, #tpu.memory_space<hbm>> -> memref<128xi32, #tpu.memory_space<hbm>>
          %dma_wait3A_45 = arith.constant 0 : i32
          %dma_wait3A_46 = tpu.memref_slice %arg6[%add3A_28, %dma_wait3A_45] : memref<2528x128xi32, #tpu.memory_space<hbm>> -> memref<1x128xi32, #tpu.memory_space<hbm>>
          %dma_wait3A_47 = tpu.memref_squeeze %dma_wait3A_46 : memref<1x128xi32, #tpu.memory_space<hbm>> -> memref<128xi32, #tpu.memory_space<hbm>>
          tpu.wait_dma2 semaphore(%run_scoped3A : memref<!tpu.dma_semaphore, #tpu.memory_space<semaphore_mem>>) src(%arg13 : memref<128xi32, #tpu.memory_space<vmem>>) dst(%dma_wait3A_47 : memref<128xi32, #tpu.memory_space<hbm>>)
          tpu.yield
        }) : () -> ()
      } else {
      }
      "tpu.region"() ({
        %run_scoped3A = tpu.sem_alloc : memref<!tpu.dma_semaphore, #tpu.memory_space<semaphore_mem>>
        %dma_start3A = arith.constant 0 : i32
        %dma_start3A_38 = tpu.memref_slice %arg8[%dma_start3A] : memref<100352xf32, #tpu.memory_space<vmem_shared>> -> memref<100352xf32, #tpu.memory_space<vmem_shared>>
        tpu.enqueue_indirect_dma source(%arg14 : memref<128xf32, #tpu.memory_space<vmem>>) target(%dma_start3A_38 : memref<100352xf32, #tpu.memory_space<vmem_shared>>) offsets(%arg12 : memref<128xi32, #tpu.memory_space<vmem>>) semaphore(%run_scoped3A : memref<!tpu.dma_semaphore, #tpu.memory_space<semaphore_mem>>) {add = true}
        %dma_wait3A = arith.constant 0 : i32
        %dma_wait3A_39 = tpu.memref_slice %arg8[%dma_wait3A] : memref<100352xf32, #tpu.memory_space<vmem_shared>> -> memref<100352xf32, #tpu.memory_space<vmem_shared>>
        tpu.wait_indirect_dma semaphore(%run_scoped3A : memref<!tpu.dma_semaphore, #tpu.memory_space<semaphore_mem>>) src(%arg14 : memref<128xf32, #tpu.memory_space<vmem>>) dst(%dma_wait3A_39 : memref<100352xf32, #tpu.memory_space<vmem_shared>>)
        tpu.yield
      }) : () -> ()
    }
    %scan3A_14 = arith.constant 158 : i32
    %barrier3A_15 = arith.constant 0 : index
    tpu.barrier barrier_id(%barrier3A_15)
    %mul3A_16 = arith.constant 50176 : i32
    %mul3A_17 = arith.muli %arg0, %mul3A_16 : i32
    %mul3A_18 = arith.constant 3136 : i32
    %mul3A_19 = arith.muli %arg1, %mul3A_18 : i32
    %add3A = arith.addi %mul3A_17, %mul3A_19 : i32
    "tpu.region"() ({
      %run_scoped3A = tpu.sem_alloc : memref<!tpu.dma_semaphore, #tpu.memory_space<semaphore_mem>>
      %dma_start3A = tpu.memref_slice %arg8[%add3A] : memref<100352xf32, #tpu.memory_space<vmem_shared>> -> memref<3136xf32, #tpu.memory_space<vmem_shared>>
      %dma_start3A_25 = tpu.memref_slice %arg8[%add3A] : memref<100352xf32, #tpu.memory_space<vmem_shared>> -> memref<3136xf32, #tpu.memory_space<vmem_shared>>
      tpu.enqueue_dma source(%dma_start3A_25 : memref<3136xf32, #tpu.memory_space<vmem_shared>>) target(%arg16 : memref<3136xf32, #tpu.memory_space<vmem>>) target_semaphore(%run_scoped3A : memref<!tpu.dma_semaphore, #tpu.memory_space<semaphore_mem>>)
      %dma_wait3A = tpu.memref_slice %arg8[%add3A] : memref<100352xf32, #tpu.memory_space<vmem_shared>> -> memref<3136xf32, #tpu.memory_space<vmem_shared>>
      %dma_wait3A_26 = tpu.memref_slice %arg8[%add3A] : memref<100352xf32, #tpu.memory_space<vmem_shared>> -> memref<3136xf32, #tpu.memory_space<vmem_shared>>
      tpu.wait_dma2 semaphore(%run_scoped3A : memref<!tpu.dma_semaphore, #tpu.memory_space<semaphore_mem>>) src(%dma_wait3A_26 : memref<3136xf32, #tpu.memory_space<vmem_shared>>) dst(%arg16 : memref<3136xf32, #tpu.memory_space<vmem>>)
      tpu.yield
    }) : () -> ()
    %scan3A_20 = arith.constant 0 : i32
    %scan3A_21 = arith.constant 196 : i32
    %scan3A_22 = arith.addi %scan3A_20, %scan3A_21 : i32
    %scan3A_23 = arith.constant 1 : i32
    scf.for %scan3A_25 = %scan3A_20 to %scan3A_22 step %scan3A_23  : i32 {
      %mul3A_26 = arith.constant 16 : i32
      %mul3A_27 = arith.muli %scan3A_25, %mul3A_26 : i32
      %mul3A_28 = arith.constant 16 : i32
      %mul3A_29 = arith.muli %scan3A_25, %mul3A_28 : i32
      %add3A_30 = arith.addi %add3A, %mul3A_29 : i32
      %iota3A = tpu.iota {dimensions = array<i32: 0>} : vector<16xi32>
      %add3A_31 = vector.broadcast %add3A_30 : i32 to vector<16xi32>
      %add3A_32 = arith.addi %add3A_31, %iota3A : vector<16xi32>
      %get3A = arith.index_cast %mul3A_27 : i32 to index
      %get3A_33 = tpu.vector_load %arg16[%get3A] {strides = array<i32>} : memref<3136xf32, #tpu.memory_space<vmem>>, vector<16xf32>,
      %get3A_34 = vector.shape_cast %get3A_33 : vector<16xf32> to vector<16xf32>
      %max3A = arith.constant 1.000000e+00 : f32
      %max3A_35 = vector.broadcast %max3A : f32 to vector<16xf32>
      %max3A_36 = arith.maximumf %get3A_34, %max3A_35 : vector<16xf32>
      %div3A = arith.constant 1.000000e+00 : f32
      %div3A_37 = vector.broadcast %div3A : f32 to vector<16xf32>
      %div3A_38 = arith.divf %div3A_37, %max3A_36 : vector<16xf32>
      %lt3A = arith.constant 100000 : i32
      %lt3A_39 = vector.broadcast %lt3A : i32 to vector<16xi32>
      %lt3A_40 = arith.cmpi slt, %add3A_32, %lt3A_39 : vector<16xi32>
      %jit3A = arith.constant 0.000000e+00 : f32
      %broadcast_in_dim3A = vector.broadcast %jit3A : f32 to vector<16xf32>
      %select_n3A = arith.select %lt3A_40, %div3A_38, %broadcast_in_dim3A : vector<16xi1>, vector<16xf32>
      %swap3A = arith.index_cast %mul3A_27 : i32 to index
      %swap3A_41 = tpu.vector_load %arg16[%swap3A] {strides = array<i32>} : memref<3136xf32, #tpu.memory_space<vmem>>, vector<16xf32>,
      %swap3A_42 = vector.shape_cast %swap3A_41 : vector<16xf32> to vector<16xf32>
      %swap3A_43 = vector.shape_cast %select_n3A : vector<16xf32> to vector<16xf32>
      tpu.vector_store %arg16[%swap3A], %swap3A_43 {strides = array<i32>} : memref<3136xf32, #tpu.memory_space<vmem>>, vector<16xf32>,
    }
    %scan3A_24 = arith.constant 196 : i32
    "tpu.region"() ({
      %run_scoped3A = tpu.sem_alloc : memref<!tpu.dma_semaphore, #tpu.memory_space<semaphore_mem>>
      %dma_start3A = tpu.memref_slice %arg5[%add3A] : memref<100352xf32, #tpu.memory_space<hbm>> -> memref<3136xf32, #tpu.memory_space<hbm>>
      %dma_start3A_25 = tpu.memref_slice %arg5[%add3A] : memref<100352xf32, #tpu.memory_space<hbm>> -> memref<3136xf32, #tpu.memory_space<hbm>>
      tpu.enqueue_dma source(%arg16 : memref<3136xf32, #tpu.memory_space<vmem>>) target(%dma_start3A_25 : memref<3136xf32, #tpu.memory_space<hbm>>) target_semaphore(%run_scoped3A : memref<!tpu.dma_semaphore, #tpu.memory_space<semaphore_mem>>)
      %dma_wait3A = tpu.memref_slice %arg5[%add3A] : memref<100352xf32, #tpu.memory_space<hbm>> -> memref<3136xf32, #tpu.memory_space<hbm>>
      %dma_wait3A_26 = tpu.memref_slice %arg5[%add3A] : memref<100352xf32, #tpu.memory_space<hbm>> -> memref<3136xf32, #tpu.memory_space<hbm>>
      tpu.wait_dma2 semaphore(%run_scoped3A : memref<!tpu.dma_semaphore, #tpu.memory_space<semaphore_mem>>) src(%arg16 : memref<3136xf32, #tpu.memory_space<vmem>>) dst(%dma_wait3A_26 : memref<3136xf32, #tpu.memory_space<hbm>>)
      tpu.yield
    }) : () -> ()
    return
  }
}

#map = affine_map<(d0, d1) -> (0, 0)>
#map1 = affine_map<(d0, d1) -> (0)>
#map2 = affine_map<(d0, d1) -> (0, 0, 0)>
module attributes {stable_mosaic.version = 14 : i64} {
  func.func @_agg_body(%arg0: i32, %arg1: i32, %arg2: memref<100000x64xf32, #tpu.memory_space<hbm>>, %arg3: memref<2528x128xi32, #tpu.memory_space<hbm>>, %arg4: memref<2528x128xi32, #tpu.memory_space<hbm>>, %arg5: memref<2528x128xi32, #tpu.memory_space<hbm>>, %arg6: memref<100352xf32, #tpu.memory_space<hbm>>, %arg7: memref<2x10240x64xf32, #tpu.memory_space<hbm>>, %arg8: memref<10240x64xf32, #tpu.memory_space<vmem_shared>>, %arg9: memref<128xi32, #tpu.memory_space<vmem>>, %arg10: memref<128xi32, #tpu.memory_space<vmem>>, %arg11: memref<128xi32, #tpu.memory_space<vmem>>, %arg12: memref<128xf32, #tpu.memory_space<vmem>>, %arg13: memref<128x64xf32, #tpu.memory_space<vmem>>, %arg14: memref<!tpu.dma_semaphore, #tpu.memory_space<semaphore_mem>>, %arg15: memref<!tpu.dma_semaphore, #tpu.memory_space<semaphore_mem>>) attributes {dimension_semantics = [#tpu.dimension_semantics<core_parallel>, #tpu.dimension_semantics<subcore_parallel>], iteration_bounds = array<i64: 2, 16>, scalar_prefetch = 0 : i64, scratch_operands = 8 : i64, tpu.core_type = #tpu.core_type<sc_vector_subcore>, window_params = [{transform_indices = #map}, {transform_indices = #map}, {transform_indices = #map}, {transform_indices = #map}, {transform_indices = #map1}, {transform_indices = #map2}]} {
    %mul3A = arith.constant 2 : i32
    %mul3A_0 = arith.muli %arg1, %mul3A : i32
    %add3A = arith.addi %mul3A_0, %arg0 : i32
    %scan3A = arith.constant 0 : i32
    %scan3A_1 = arith.constant 128 : i32
    %scan3A_2 = arith.addi %scan3A, %scan3A_1 : i32
    %scan3A_3 = arith.constant 1 : i32
    scf.for %scan3A_35 = %scan3A to %scan3A_2 step %scan3A_3  : i32 {
      %broadcast_in_dim3A = arith.constant 0.000000e+00 : f32
      %broadcast_in_dim3A_36 = vector.broadcast %broadcast_in_dim3A : f32 to vector<16xf32>
      %swap3A = arith.index_cast %scan3A_35 : i32 to index
      %swap3A_37 = arith.constant 0 : index
      %swap3A_38 = tpu.vector_load %arg13[%swap3A, %swap3A_37] {strides = array<i32>} : memref<128x64xf32, #tpu.memory_space<vmem>>, vector<1x16xf32>,
      %swap3A_39 = vector.shape_cast %swap3A_38 : vector<1x16xf32> to vector<16xf32>
      %swap3A_40 = vector.shape_cast %broadcast_in_dim3A_36 : vector<16xf32> to vector<1x16xf32>
      tpu.vector_store %arg13[%swap3A, %swap3A_37], %swap3A_40 {strides = array<i32>} : memref<128x64xf32, #tpu.memory_space<vmem>>, vector<1x16xf32>,
      %broadcast_in_dim3A_41 = arith.constant 0.000000e+00 : f32
      %broadcast_in_dim3A_42 = vector.broadcast %broadcast_in_dim3A_41 : f32 to vector<16xf32>
      %swap3A_43 = arith.index_cast %scan3A_35 : i32 to index
      %swap3A_44 = arith.constant 16 : index
      %swap3A_45 = tpu.vector_load %arg13[%swap3A_43, %swap3A_44] {strides = array<i32>} : memref<128x64xf32, #tpu.memory_space<vmem>>, vector<1x16xf32>,
      %swap3A_46 = vector.shape_cast %swap3A_45 : vector<1x16xf32> to vector<16xf32>
      %swap3A_47 = vector.shape_cast %broadcast_in_dim3A_42 : vector<16xf32> to vector<1x16xf32>
      tpu.vector_store %arg13[%swap3A_43, %swap3A_44], %swap3A_47 {strides = array<i32>} : memref<128x64xf32, #tpu.memory_space<vmem>>, vector<1x16xf32>,
      %broadcast_in_dim3A_48 = arith.constant 0.000000e+00 : f32
      %broadcast_in_dim3A_49 = vector.broadcast %broadcast_in_dim3A_48 : f32 to vector<16xf32>
      %swap3A_50 = arith.index_cast %scan3A_35 : i32 to index
      %swap3A_51 = arith.constant 32 : index
      %swap3A_52 = tpu.vector_load %arg13[%swap3A_50, %swap3A_51] {strides = array<i32>} : memref<128x64xf32, #tpu.memory_space<vmem>>, vector<1x16xf32>,
      %swap3A_53 = vector.shape_cast %swap3A_52 : vector<1x16xf32> to vector<16xf32>
      %swap3A_54 = vector.shape_cast %broadcast_in_dim3A_49 : vector<16xf32> to vector<1x16xf32>
      tpu.vector_store %arg13[%swap3A_50, %swap3A_51], %swap3A_54 {strides = array<i32>} : memref<128x64xf32, #tpu.memory_space<vmem>>, vector<1x16xf32>,
      %broadcast_in_dim3A_55 = arith.constant 0.000000e+00 : f32
      %broadcast_in_dim3A_56 = vector.broadcast %broadcast_in_dim3A_55 : f32 to vector<16xf32>
      %swap3A_57 = arith.index_cast %scan3A_35 : i32 to index
      %swap3A_58 = arith.constant 48 : index
      %swap3A_59 = tpu.vector_load %arg13[%swap3A_57, %swap3A_58] {strides = array<i32>} : memref<128x64xf32, #tpu.memory_space<vmem>>, vector<1x16xf32>,
      %swap3A_60 = vector.shape_cast %swap3A_59 : vector<1x16xf32> to vector<16xf32>
      %swap3A_61 = vector.shape_cast %broadcast_in_dim3A_56 : vector<16xf32> to vector<1x16xf32>
      tpu.vector_store %arg13[%swap3A_57, %swap3A_58], %swap3A_61 {strides = array<i32>} : memref<128x64xf32, #tpu.memory_space<vmem>>, vector<1x16xf32>,
    }
    %scan3A_4 = arith.constant 128 : i32
    %mul3A_5 = arith.constant 640 : i32
    %mul3A_6 = arith.muli %arg1, %mul3A_5 : i32
    %add3A_7 = arith.constant 0 : i32
    %add3A_8 = arith.addi %mul3A_6, %add3A_7 : i32
    "tpu.region"() ({
      %run_scoped3A = tpu.sem_alloc : memref<!tpu.dma_semaphore, #tpu.memory_space<semaphore_mem>>
      %dma_start3A = arith.constant 0 : i32
      %dma_start3A_35 = tpu.memref_slice %arg8[%add3A_8, %dma_start3A] : memref<10240x64xf32, #tpu.memory_space<vmem_shared>> -> memref<128x64xf32, #tpu.memory_space<vmem_shared>>
      %dma_start3A_36 = arith.constant 0 : i32
      %dma_start3A_37 = tpu.memref_slice %arg8[%add3A_8, %dma_start3A_36] : memref<10240x64xf32, #tpu.memory_space<vmem_shared>> -> memref<128x64xf32, #tpu.memory_space<vmem_shared>>
      tpu.enqueue_dma source(%arg13 : memref<128x64xf32, #tpu.memory_space<vmem>>) target(%dma_start3A_37 : memref<128x64xf32, #tpu.memory_space<vmem_shared>>) target_semaphore(%run_scoped3A : memref<!tpu.dma_semaphore, #tpu.memory_space<semaphore_mem>>)
      %dma_wait3A = arith.constant 0 : i32
      %dma_wait3A_38 = tpu.memref_slice %arg8[%add3A_8, %dma_wait3A] : memref<10240x64xf32, #tpu.memory_space<vmem_shared>> -> memref<128x64xf32, #tpu.memory_space<vmem_shared>>
      %dma_wait3A_39 = arith.constant 0 : i32
      %dma_wait3A_40 = tpu.memref_slice %arg8[%add3A_8, %dma_wait3A_39] : memref<10240x64xf32, #tpu.memory_space<vmem_shared>> -> memref<128x64xf32, #tpu.memory_space<vmem_shared>>
      tpu.wait_dma2 semaphore(%run_scoped3A : memref<!tpu.dma_semaphore, #tpu.memory_space<semaphore_mem>>) src(%arg13 : memref<128x64xf32, #tpu.memory_space<vmem>>) dst(%dma_wait3A_40 : memref<128x64xf32, #tpu.memory_space<vmem_shared>>)
      tpu.yield
    }) : () -> ()
    %mul3A_9 = arith.constant 640 : i32
    %mul3A_10 = arith.muli %arg1, %mul3A_9 : i32
    %add3A_11 = arith.constant 128 : i32
    %add3A_12 = arith.addi %mul3A_10, %add3A_11 : i32
    "tpu.region"() ({
      %run_scoped3A = tpu.sem_alloc : memref<!tpu.dma_semaphore, #tpu.memory_space<semaphore_mem>>
      %dma_start3A = arith.constant 0 : i32
      %dma_start3A_35 = tpu.memref_slice %arg8[%add3A_12, %dma_start3A] : memref<10240x64xf32, #tpu.memory_space<vmem_shared>> -> memref<128x64xf32, #tpu.memory_space<vmem_shared>>
      %dma_start3A_36 = arith.constant 0 : i32
      %dma_start3A_37 = tpu.memref_slice %arg8[%add3A_12, %dma_start3A_36] : memref<10240x64xf32, #tpu.memory_space<vmem_shared>> -> memref<128x64xf32, #tpu.memory_space<vmem_shared>>
      tpu.enqueue_dma source(%arg13 : memref<128x64xf32, #tpu.memory_space<vmem>>) target(%dma_start3A_37 : memref<128x64xf32, #tpu.memory_space<vmem_shared>>) target_semaphore(%run_scoped3A : memref<!tpu.dma_semaphore, #tpu.memory_space<semaphore_mem>>)
      %dma_wait3A = arith.constant 0 : i32
      %dma_wait3A_38 = tpu.memref_slice %arg8[%add3A_12, %dma_wait3A] : memref<10240x64xf32, #tpu.memory_space<vmem_shared>> -> memref<128x64xf32, #tpu.memory_space<vmem_shared>>
      %dma_wait3A_39 = arith.constant 0 : i32
      %dma_wait3A_40 = tpu.memref_slice %arg8[%add3A_12, %dma_wait3A_39] : memref<10240x64xf32, #tpu.memory_space<vmem_shared>> -> memref<128x64xf32, #tpu.memory_space<vmem_shared>>
      tpu.wait_dma2 semaphore(%run_scoped3A : memref<!tpu.dma_semaphore, #tpu.memory_space<semaphore_mem>>) src(%arg13 : memref<128x64xf32, #tpu.memory_space<vmem>>) dst(%dma_wait3A_40 : memref<128x64xf32, #tpu.memory_space<vmem_shared>>)
      tpu.yield
    }) : () -> ()
    %mul3A_13 = arith.constant 640 : i32
    %mul3A_14 = arith.muli %arg1, %mul3A_13 : i32
    %add3A_15 = arith.constant 256 : i32
    %add3A_16 = arith.addi %mul3A_14, %add3A_15 : i32
    "tpu.region"() ({
      %run_scoped3A = tpu.sem_alloc : memref<!tpu.dma_semaphore, #tpu.memory_space<semaphore_mem>>
      %dma_start3A = arith.constant 0 : i32
      %dma_start3A_35 = tpu.memref_slice %arg8[%add3A_16, %dma_start3A] : memref<10240x64xf32, #tpu.memory_space<vmem_shared>> -> memref<128x64xf32, #tpu.memory_space<vmem_shared>>
      %dma_start3A_36 = arith.constant 0 : i32
      %dma_start3A_37 = tpu.memref_slice %arg8[%add3A_16, %dma_start3A_36] : memref<10240x64xf32, #tpu.memory_space<vmem_shared>> -> memref<128x64xf32, #tpu.memory_space<vmem_shared>>
      tpu.enqueue_dma source(%arg13 : memref<128x64xf32, #tpu.memory_space<vmem>>) target(%dma_start3A_37 : memref<128x64xf32, #tpu.memory_space<vmem_shared>>) target_semaphore(%run_scoped3A : memref<!tpu.dma_semaphore, #tpu.memory_space<semaphore_mem>>)
      %dma_wait3A = arith.constant 0 : i32
      %dma_wait3A_38 = tpu.memref_slice %arg8[%add3A_16, %dma_wait3A] : memref<10240x64xf32, #tpu.memory_space<vmem_shared>> -> memref<128x64xf32, #tpu.memory_space<vmem_shared>>
      %dma_wait3A_39 = arith.constant 0 : i32
      %dma_wait3A_40 = tpu.memref_slice %arg8[%add3A_16, %dma_wait3A_39] : memref<10240x64xf32, #tpu.memory_space<vmem_shared>> -> memref<128x64xf32, #tpu.memory_space<vmem_shared>>
      tpu.wait_dma2 semaphore(%run_scoped3A : memref<!tpu.dma_semaphore, #tpu.memory_space<semaphore_mem>>) src(%arg13 : memref<128x64xf32, #tpu.memory_space<vmem>>) dst(%dma_wait3A_40 : memref<128x64xf32, #tpu.memory_space<vmem_shared>>)
      tpu.yield
    }) : () -> ()
    %mul3A_17 = arith.constant 640 : i32
    %mul3A_18 = arith.muli %arg1, %mul3A_17 : i32
    %add3A_19 = arith.constant 384 : i32
    %add3A_20 = arith.addi %mul3A_18, %add3A_19 : i32
    "tpu.region"() ({
      %run_scoped3A = tpu.sem_alloc : memref<!tpu.dma_semaphore, #tpu.memory_space<semaphore_mem>>
      %dma_start3A = arith.constant 0 : i32
      %dma_start3A_35 = tpu.memref_slice %arg8[%add3A_20, %dma_start3A] : memref<10240x64xf32, #tpu.memory_space<vmem_shared>> -> memref<128x64xf32, #tpu.memory_space<vmem_shared>>
      %dma_start3A_36 = arith.constant 0 : i32
      %dma_start3A_37 = tpu.memref_slice %arg8[%add3A_20, %dma_start3A_36] : memref<10240x64xf32, #tpu.memory_space<vmem_shared>> -> memref<128x64xf32, #tpu.memory_space<vmem_shared>>
      tpu.enqueue_dma source(%arg13 : memref<128x64xf32, #tpu.memory_space<vmem>>) target(%dma_start3A_37 : memref<128x64xf32, #tpu.memory_space<vmem_shared>>) target_semaphore(%run_scoped3A : memref<!tpu.dma_semaphore, #tpu.memory_space<semaphore_mem>>)
      %dma_wait3A = arith.constant 0 : i32
      %dma_wait3A_38 = tpu.memref_slice %arg8[%add3A_20, %dma_wait3A] : memref<10240x64xf32, #tpu.memory_space<vmem_shared>> -> memref<128x64xf32, #tpu.memory_space<vmem_shared>>
      %dma_wait3A_39 = arith.constant 0 : i32
      %dma_wait3A_40 = tpu.memref_slice %arg8[%add3A_20, %dma_wait3A_39] : memref<10240x64xf32, #tpu.memory_space<vmem_shared>> -> memref<128x64xf32, #tpu.memory_space<vmem_shared>>
      tpu.wait_dma2 semaphore(%run_scoped3A : memref<!tpu.dma_semaphore, #tpu.memory_space<semaphore_mem>>) src(%arg13 : memref<128x64xf32, #tpu.memory_space<vmem>>) dst(%dma_wait3A_40 : memref<128x64xf32, #tpu.memory_space<vmem_shared>>)
      tpu.yield
    }) : () -> ()
    %mul3A_21 = arith.constant 640 : i32
    %mul3A_22 = arith.muli %arg1, %mul3A_21 : i32
    %add3A_23 = arith.constant 512 : i32
    %add3A_24 = arith.addi %mul3A_22, %add3A_23 : i32
    "tpu.region"() ({
      %run_scoped3A = tpu.sem_alloc : memref<!tpu.dma_semaphore, #tpu.memory_space<semaphore_mem>>
      %dma_start3A = arith.constant 0 : i32
      %dma_start3A_35 = tpu.memref_slice %arg8[%add3A_24, %dma_start3A] : memref<10240x64xf32, #tpu.memory_space<vmem_shared>> -> memref<128x64xf32, #tpu.memory_space<vmem_shared>>
      %dma_start3A_36 = arith.constant 0 : i32
      %dma_start3A_37 = tpu.memref_slice %arg8[%add3A_24, %dma_start3A_36] : memref<10240x64xf32, #tpu.memory_space<vmem_shared>> -> memref<128x64xf32, #tpu.memory_space<vmem_shared>>
      tpu.enqueue_dma source(%arg13 : memref<128x64xf32, #tpu.memory_space<vmem>>) target(%dma_start3A_37 : memref<128x64xf32, #tpu.memory_space<vmem_shared>>) target_semaphore(%run_scoped3A : memref<!tpu.dma_semaphore, #tpu.memory_space<semaphore_mem>>)
      %dma_wait3A = arith.constant 0 : i32
      %dma_wait3A_38 = tpu.memref_slice %arg8[%add3A_24, %dma_wait3A] : memref<10240x64xf32, #tpu.memory_space<vmem_shared>> -> memref<128x64xf32, #tpu.memory_space<vmem_shared>>
      %dma_wait3A_39 = arith.constant 0 : i32
      %dma_wait3A_40 = tpu.memref_slice %arg8[%add3A_24, %dma_wait3A_39] : memref<10240x64xf32, #tpu.memory_space<vmem_shared>> -> memref<128x64xf32, #tpu.memory_space<vmem_shared>>
      tpu.wait_dma2 semaphore(%run_scoped3A : memref<!tpu.dma_semaphore, #tpu.memory_space<semaphore_mem>>) src(%arg13 : memref<128x64xf32, #tpu.memory_space<vmem>>) dst(%dma_wait3A_40 : memref<128x64xf32, #tpu.memory_space<vmem_shared>>)
      tpu.yield
    }) : () -> ()
    %barrier3A = arith.constant 0 : index
    tpu.barrier barrier_id(%barrier3A)
    %scan3A_25 = arith.constant 0 : i32
    %scan3A_26 = arith.constant 79 : i32
    %scan3A_27 = arith.addi %scan3A_25, %scan3A_26 : i32
    %scan3A_28 = arith.constant 1 : i32
    scf.for %scan3A_35 = %scan3A_25 to %scan3A_27 step %scan3A_28  : i32 {
      %mul3A_36 = arith.constant 79 : i32
      %mul3A_37 = arith.muli %add3A, %mul3A_36 : i32
      %add3A_38 = arith.addi %mul3A_37, %scan3A_35 : i32
      "tpu.region"() ({
        %run_scoped3A = tpu.sem_alloc : memref<!tpu.dma_semaphore, #tpu.memory_space<semaphore_mem>>
        %dma_start3A_52 = arith.constant 0 : i32
        %dma_start3A_53 = tpu.memref_slice %arg3[%add3A_38, %dma_start3A_52] : memref<2528x128xi32, #tpu.memory_space<hbm>> -> memref<1x128xi32, #tpu.memory_space<hbm>>
        %dma_start3A_54 = tpu.memref_squeeze %dma_start3A_53 : memref<1x128xi32, #tpu.memory_space<hbm>> -> memref<128xi32, #tpu.memory_space<hbm>>
        %dma_start3A_55 = arith.constant 0 : i32
        %dma_start3A_56 = tpu.memref_slice %arg3[%add3A_38, %dma_start3A_55] : memref<2528x128xi32, #tpu.memory_space<hbm>> -> memref<1x128xi32, #tpu.memory_space<hbm>>
        %dma_start3A_57 = tpu.memref_squeeze %dma_start3A_56 : memref<1x128xi32, #tpu.memory_space<hbm>> -> memref<128xi32, #tpu.memory_space<hbm>>
        tpu.enqueue_dma source(%dma_start3A_57 : memref<128xi32, #tpu.memory_space<hbm>>) target(%arg9 : memref<128xi32, #tpu.memory_space<vmem>>) target_semaphore(%run_scoped3A : memref<!tpu.dma_semaphore, #tpu.memory_space<semaphore_mem>>)
        %dma_wait3A_58 = arith.constant 0 : i32
        %dma_wait3A_59 = tpu.memref_slice %arg3[%add3A_38, %dma_wait3A_58] : memref<2528x128xi32, #tpu.memory_space<hbm>> -> memref<1x128xi32, #tpu.memory_space<hbm>>
        %dma_wait3A_60 = tpu.memref_squeeze %dma_wait3A_59 : memref<1x128xi32, #tpu.memory_space<hbm>> -> memref<128xi32, #tpu.memory_space<hbm>>
        %dma_wait3A_61 = arith.constant 0 : i32
        %dma_wait3A_62 = tpu.memref_slice %arg3[%add3A_38, %dma_wait3A_61] : memref<2528x128xi32, #tpu.memory_space<hbm>> -> memref<1x128xi32, #tpu.memory_space<hbm>>
        %dma_wait3A_63 = tpu.memref_squeeze %dma_wait3A_62 : memref<1x128xi32, #tpu.memory_space<hbm>> -> memref<128xi32, #tpu.memory_space<hbm>>
        tpu.wait_dma2 semaphore(%run_scoped3A : memref<!tpu.dma_semaphore, #tpu.memory_space<semaphore_mem>>) src(%dma_wait3A_63 : memref<128xi32, #tpu.memory_space<hbm>>) dst(%arg9 : memref<128xi32, #tpu.memory_space<vmem>>)
        tpu.yield
      }) : () -> ()
      "tpu.region"() ({
        %run_scoped3A = tpu.sem_alloc : memref<!tpu.dma_semaphore, #tpu.memory_space<semaphore_mem>>
        %dma_start3A_52 = arith.constant 0 : i32
        %dma_start3A_53 = tpu.memref_slice %arg4[%add3A_38, %dma_start3A_52] : memref<2528x128xi32, #tpu.memory_space<hbm>> -> memref<1x128xi32, #tpu.memory_space<hbm>>
        %dma_start3A_54 = tpu.memref_squeeze %dma_start3A_53 : memref<1x128xi32, #tpu.memory_space<hbm>> -> memref<128xi32, #tpu.memory_space<hbm>>
        %dma_start3A_55 = arith.constant 0 : i32
        %dma_start3A_56 = tpu.memref_slice %arg4[%add3A_38, %dma_start3A_55] : memref<2528x128xi32, #tpu.memory_space<hbm>> -> memref<1x128xi32, #tpu.memory_space<hbm>>
        %dma_start3A_57 = tpu.memref_squeeze %dma_start3A_56 : memref<1x128xi32, #tpu.memory_space<hbm>> -> memref<128xi32, #tpu.memory_space<hbm>>
        tpu.enqueue_dma source(%dma_start3A_57 : memref<128xi32, #tpu.memory_space<hbm>>) target(%arg10 : memref<128xi32, #tpu.memory_space<vmem>>) target_semaphore(%run_scoped3A : memref<!tpu.dma_semaphore, #tpu.memory_space<semaphore_mem>>)
        %dma_wait3A_58 = arith.constant 0 : i32
        %dma_wait3A_59 = tpu.memref_slice %arg4[%add3A_38, %dma_wait3A_58] : memref<2528x128xi32, #tpu.memory_space<hbm>> -> memref<1x128xi32, #tpu.memory_space<hbm>>
        %dma_wait3A_60 = tpu.memref_squeeze %dma_wait3A_59 : memref<1x128xi32, #tpu.memory_space<hbm>> -> memref<128xi32, #tpu.memory_space<hbm>>
        %dma_wait3A_61 = arith.constant 0 : i32
        %dma_wait3A_62 = tpu.memref_slice %arg4[%add3A_38, %dma_wait3A_61] : memref<2528x128xi32, #tpu.memory_space<hbm>> -> memref<1x128xi32, #tpu.memory_space<hbm>>
        %dma_wait3A_63 = tpu.memref_squeeze %dma_wait3A_62 : memref<1x128xi32, #tpu.memory_space<hbm>> -> memref<128xi32, #tpu.memory_space<hbm>>
        tpu.wait_dma2 semaphore(%run_scoped3A : memref<!tpu.dma_semaphore, #tpu.memory_space<semaphore_mem>>) src(%dma_wait3A_63 : memref<128xi32, #tpu.memory_space<hbm>>) dst(%arg10 : memref<128xi32, #tpu.memory_space<vmem>>)
        tpu.yield
      }) : () -> ()
      "tpu.region"() ({
        %run_scoped3A = tpu.sem_alloc : memref<!tpu.dma_semaphore, #tpu.memory_space<semaphore_mem>>
        %dma_start3A_52 = arith.constant 0 : i32
        %dma_start3A_53 = tpu.memref_slice %arg5[%add3A_38, %dma_start3A_52] : memref<2528x128xi32, #tpu.memory_space<hbm>> -> memref<1x128xi32, #tpu.memory_space<hbm>>
        %dma_start3A_54 = tpu.memref_squeeze %dma_start3A_53 : memref<1x128xi32, #tpu.memory_space<hbm>> -> memref<128xi32, #tpu.memory_space<hbm>>
        %dma_start3A_55 = arith.constant 0 : i32
        %dma_start3A_56 = tpu.memref_slice %arg5[%add3A_38, %dma_start3A_55] : memref<2528x128xi32, #tpu.memory_space<hbm>> -> memref<1x128xi32, #tpu.memory_space<hbm>>
        %dma_start3A_57 = tpu.memref_squeeze %dma_start3A_56 : memref<1x128xi32, #tpu.memory_space<hbm>> -> memref<128xi32, #tpu.memory_space<hbm>>
        tpu.enqueue_dma source(%dma_start3A_57 : memref<128xi32, #tpu.memory_space<hbm>>) target(%arg11 : memref<128xi32, #tpu.memory_space<vmem>>) target_semaphore(%run_scoped3A : memref<!tpu.dma_semaphore, #tpu.memory_space<semaphore_mem>>)
        %dma_wait3A_58 = arith.constant 0 : i32
        %dma_wait3A_59 = tpu.memref_slice %arg5[%add3A_38, %dma_wait3A_58] : memref<2528x128xi32, #tpu.memory_space<hbm>> -> memref<1x128xi32, #tpu.memory_space<hbm>>
        %dma_wait3A_60 = tpu.memref_squeeze %dma_wait3A_59 : memref<1x128xi32, #tpu.memory_space<hbm>> -> memref<128xi32, #tpu.memory_space<hbm>>
        %dma_wait3A_61 = arith.constant 0 : i32
        %dma_wait3A_62 = tpu.memref_slice %arg5[%add3A_38, %dma_wait3A_61] : memref<2528x128xi32, #tpu.memory_space<hbm>> -> memref<1x128xi32, #tpu.memory_space<hbm>>
        %dma_wait3A_63 = tpu.memref_squeeze %dma_wait3A_62 : memref<1x128xi32, #tpu.memory_space<hbm>> -> memref<128xi32, #tpu.memory_space<hbm>>
        tpu.wait_dma2 semaphore(%run_scoped3A : memref<!tpu.dma_semaphore, #tpu.memory_space<semaphore_mem>>) src(%dma_wait3A_63 : memref<128xi32, #tpu.memory_space<hbm>>) dst(%arg11 : memref<128xi32, #tpu.memory_space<vmem>>)
        tpu.yield
      }) : () -> ()
      %dma_start3A = arith.constant 0 : i32
      %dma_start3A_39 = tpu.memref_slice %arg6[%dma_start3A] : memref<100352xf32, #tpu.memory_space<hbm>> -> memref<100352xf32, #tpu.memory_space<hbm>>
      tpu.enqueue_indirect_dma source(%dma_start3A_39 : memref<100352xf32, #tpu.memory_space<hbm>>) target(%arg12 : memref<128xf32, #tpu.memory_space<vmem>>) offsets(%arg10 : memref<128xi32, #tpu.memory_space<vmem>>) semaphore(%arg14 : memref<!tpu.dma_semaphore, #tpu.memory_space<semaphore_mem>>)
      %dma_wait3A = arith.constant 0 : i32
      %dma_wait3A_40 = tpu.memref_slice %arg6[%dma_wait3A] : memref<100352xf32, #tpu.memory_space<hbm>> -> memref<100352xf32, #tpu.memory_space<hbm>>
      tpu.wait_indirect_dma semaphore(%arg14 : memref<!tpu.dma_semaphore, #tpu.memory_space<semaphore_mem>>) src(%dma_wait3A_40 : memref<100352xf32, #tpu.memory_space<hbm>>) dst(%arg12 : memref<128xf32, #tpu.memory_space<vmem>>)
      %dma_start3A_41 = arith.constant 0 : i32
      %dma_start3A_42 = arith.constant 0 : i32
      %dma_start3A_43 = tpu.memref_slice %arg2[%dma_start3A_41, %dma_start3A_42] : memref<100000x64xf32, #tpu.memory_space<hbm>> -> memref<100000x64xf32, #tpu.memory_space<hbm>>
      tpu.enqueue_indirect_dma source(%dma_start3A_43 : memref<100000x64xf32, #tpu.memory_space<hbm>>) target(%arg13 : memref<128x64xf32, #tpu.memory_space<vmem>>) offsets(%arg9 : memref<128xi32, #tpu.memory_space<vmem>>) semaphore(%arg15 : memref<!tpu.dma_semaphore, #tpu.memory_space<semaphore_mem>>)
      %dma_wait3A_44 = arith.constant 0 : i32
      %dma_wait3A_45 = arith.constant 0 : i32
      %dma_wait3A_46 = tpu.memref_slice %arg2[%dma_wait3A_44, %dma_wait3A_45] : memref<100000x64xf32, #tpu.memory_space<hbm>> -> memref<100000x64xf32, #tpu.memory_space<hbm>>
      tpu.wait_indirect_dma semaphore(%arg15 : memref<!tpu.dma_semaphore, #tpu.memory_space<semaphore_mem>>) src(%dma_wait3A_46 : memref<100000x64xf32, #tpu.memory_space<hbm>>) dst(%arg13 : memref<128x64xf32, #tpu.memory_space<vmem>>)
      %scan3A_47 = arith.constant 0 : i32
      %scan3A_48 = arith.constant 8 : i32
      %scan3A_49 = arith.addi %scan3A_47, %scan3A_48 : i32
      %scan3A_50 = arith.constant 1 : i32
      scf.for %scan3A_52 = %scan3A_47 to %scan3A_49 step %scan3A_50  : i32 {
        %mul3A_53 = arith.constant 16 : i32
        %mul3A_54 = arith.muli %scan3A_52, %mul3A_53 : i32
        %get3A = arith.index_cast %mul3A_54 : i32 to index
        %get3A_55 = tpu.vector_load %arg12[%get3A] {strides = array<i32>} : memref<128xf32, #tpu.memory_space<vmem>>, vector<16xf32>,
        %get3A_56 = vector.shape_cast %get3A_55 : vector<16xf32> to vector<16xf32>
        %slice3A = vector.extract_strided_slice %get3A_56 {offsets = [0], sizes = [1], strides = [1]} : vector<16xf32> to vector<1xf32>
        %squeeze3A = vector.extract %slice3A[0] : f32 from vector<1xf32>
        %mul3A_57 = arith.constant 16 : i32
        %mul3A_58 = arith.muli %scan3A_52, %mul3A_57 : i32
        %add3A_59 = arith.constant 0 : i32
        %add3A_60 = arith.addi %mul3A_58, %add3A_59 : i32
        %get3A_61 = arith.index_cast %add3A_60 : i32 to index
        %get3A_62 = arith.constant 0 : index
        %get3A_63 = tpu.vector_load %arg13[%get3A_61, %get3A_62] {strides = array<i32>} : memref<128x64xf32, #tpu.memory_space<vmem>>, vector<1x16xf32>,
        %get3A_64 = vector.shape_cast %get3A_63 : vector<1x16xf32> to vector<16xf32>
        %mul3A_65 = vector.broadcast %squeeze3A : f32 to vector<16xf32>
        %mul3A_66 = arith.mulf %get3A_64, %mul3A_65 : vector<16xf32>
        %swap3A = arith.index_cast %add3A_60 : i32 to index
        %swap3A_67 = arith.constant 0 : index
        %swap3A_68 = tpu.vector_load %arg13[%swap3A, %swap3A_67] {strides = array<i32>} : memref<128x64xf32, #tpu.memory_space<vmem>>, vector<1x16xf32>,
        %swap3A_69 = vector.shape_cast %swap3A_68 : vector<1x16xf32> to vector<16xf32>
        %swap3A_70 = vector.shape_cast %mul3A_66 : vector<16xf32> to vector<1x16xf32>
        tpu.vector_store %arg13[%swap3A, %swap3A_67], %swap3A_70 {strides = array<i32>} : memref<128x64xf32, #tpu.memory_space<vmem>>, vector<1x16xf32>,
        %get3A_71 = arith.index_cast %add3A_60 : i32 to index
        %get3A_72 = arith.constant 16 : index
        %get3A_73 = tpu.vector_load %arg13[%get3A_71, %get3A_72] {strides = array<i32>} : memref<128x64xf32, #tpu.memory_space<vmem>>, vector<1x16xf32>,
        %get3A_74 = vector.shape_cast %get3A_73 : vector<1x16xf32> to vector<16xf32>
        %mul3A_75 = vector.broadcast %squeeze3A : f32 to vector<16xf32>
        %mul3A_76 = arith.mulf %get3A_74, %mul3A_75 : vector<16xf32>
        %swap3A_77 = arith.index_cast %add3A_60 : i32 to index
        %swap3A_78 = arith.constant 16 : index
        %swap3A_79 = tpu.vector_load %arg13[%swap3A_77, %swap3A_78] {strides = array<i32>} : memref<128x64xf32, #tpu.memory_space<vmem>>, vector<1x16xf32>,
        %swap3A_80 = vector.shape_cast %swap3A_79 : vector<1x16xf32> to vector<16xf32>
        %swap3A_81 = vector.shape_cast %mul3A_76 : vector<16xf32> to vector<1x16xf32>
        tpu.vector_store %arg13[%swap3A_77, %swap3A_78], %swap3A_81 {strides = array<i32>} : memref<128x64xf32, #tpu.memory_space<vmem>>, vector<1x16xf32>,
        %get3A_82 = arith.index_cast %add3A_60 : i32 to index
        %get3A_83 = arith.constant 32 : index
        %get3A_84 = tpu.vector_load %arg13[%get3A_82, %get3A_83] {strides = array<i32>} : memref<128x64xf32, #tpu.memory_space<vmem>>, vector<1x16xf32>,
        %get3A_85 = vector.shape_cast %get3A_84 : vector<1x16xf32> to vector<16xf32>
        %mul3A_86 = vector.broadcast %squeeze3A : f32 to vector<16xf32>
        %mul3A_87 = arith.mulf %get3A_85, %mul3A_86 : vector<16xf32>
        %swap3A_88 = arith.index_cast %add3A_60 : i32 to index
        %swap3A_89 = arith.constant 32 : index
        %swap3A_90 = tpu.vector_load %arg13[%swap3A_88, %swap3A_89] {strides = array<i32>} : memref<128x64xf32, #tpu.memory_space<vmem>>, vector<1x16xf32>,
        %swap3A_91 = vector.shape_cast %swap3A_90 : vector<1x16xf32> to vector<16xf32>
        %swap3A_92 = vector.shape_cast %mul3A_87 : vector<16xf32> to vector<1x16xf32>
        tpu.vector_store %arg13[%swap3A_88, %swap3A_89], %swap3A_92 {strides = array<i32>} : memref<128x64xf32, #tpu.memory_space<vmem>>, vector<1x16xf32>,
        %get3A_93 = arith.index_cast %add3A_60 : i32 to index
        %get3A_94 = arith.constant 48 : index
        %get3A_95 = tpu.vector_load %arg13[%get3A_93, %get3A_94] {strides = array<i32>} : memref<128x64xf32, #tpu.memory_space<vmem>>, vector<1x16xf32>,
        %get3A_96 = vector.shape_cast %get3A_95 : vector<1x16xf32> to vector<16xf32>
        %mul3A_97 = vector.broadcast %squeeze3A : f32 to vector<16xf32>
        %mul3A_98 = arith.mulf %get3A_96, %mul3A_97 : vector<16xf32>
        %swap3A_99 = arith.index_cast %add3A_60 : i32 to index
        %swap3A_100 = arith.constant 48 : index
        %swap3A_101 = tpu.vector_load %arg13[%swap3A_99, %swap3A_100] {strides = array<i32>} : memref<128x64xf32, #tpu.memory_space<vmem>>, vector<1x16xf32>,
        %swap3A_102 = vector.shape_cast %swap3A_101 : vector<1x16xf32> to vector<16xf32>
        %swap3A_103 = vector.shape_cast %mul3A_98 : vector<16xf32> to vector<1x16xf32>
        tpu.vector_store %arg13[%swap3A_99, %swap3A_100], %swap3A_103 {strides = array<i32>} : memref<128x64xf32, #tpu.memory_space<vmem>>, vector<1x16xf32>,
        %slice3A_104 = vector.extract_strided_slice %get3A_56 {offsets = [1], sizes = [1], strides = [1]} : vector<16xf32> to vector<1xf32>
        %squeeze3A_105 = vector.extract %slice3A_104[0] : f32 from vector<1xf32>
        %mul3A_106 = arith.constant 16 : i32
        %mul3A_107 = arith.muli %scan3A_52, %mul3A_106 : i32
        %add3A_108 = arith.constant 1 : i32
        %add3A_109 = arith.addi %mul3A_107, %add3A_108 : i32
        %get3A_110 = arith.index_cast %add3A_109 : i32 to index
        %get3A_111 = arith.constant 0 : index
        %get3A_112 = tpu.vector_load %arg13[%get3A_110, %get3A_111] {strides = array<i32>} : memref<128x64xf32, #tpu.memory_space<vmem>>, vector<1x16xf32>,
        %get3A_113 = vector.shape_cast %get3A_112 : vector<1x16xf32> to vector<16xf32>
        %mul3A_114 = vector.broadcast %squeeze3A_105 : f32 to vector<16xf32>
        %mul3A_115 = arith.mulf %get3A_113, %mul3A_114 : vector<16xf32>
        %swap3A_116 = arith.index_cast %add3A_109 : i32 to index
        %swap3A_117 = arith.constant 0 : index
        %swap3A_118 = tpu.vector_load %arg13[%swap3A_116, %swap3A_117] {strides = array<i32>} : memref<128x64xf32, #tpu.memory_space<vmem>>, vector<1x16xf32>,
        %swap3A_119 = vector.shape_cast %swap3A_118 : vector<1x16xf32> to vector<16xf32>
        %swap3A_120 = vector.shape_cast %mul3A_115 : vector<16xf32> to vector<1x16xf32>
        tpu.vector_store %arg13[%swap3A_116, %swap3A_117], %swap3A_120 {strides = array<i32>} : memref<128x64xf32, #tpu.memory_space<vmem>>, vector<1x16xf32>,
        %get3A_121 = arith.index_cast %add3A_109 : i32 to index
        %get3A_122 = arith.constant 16 : index
        %get3A_123 = tpu.vector_load %arg13[%get3A_121, %get3A_122] {strides = array<i32>} : memref<128x64xf32, #tpu.memory_space<vmem>>, vector<1x16xf32>,
        %get3A_124 = vector.shape_cast %get3A_123 : vector<1x16xf32> to vector<16xf32>
        %mul3A_125 = vector.broadcast %squeeze3A_105 : f32 to vector<16xf32>
        %mul3A_126 = arith.mulf %get3A_124, %mul3A_125 : vector<16xf32>
        %swap3A_127 = arith.index_cast %add3A_109 : i32 to index
        %swap3A_128 = arith.constant 16 : index
        %swap3A_129 = tpu.vector_load %arg13[%swap3A_127, %swap3A_128] {strides = array<i32>} : memref<128x64xf32, #tpu.memory_space<vmem>>, vector<1x16xf32>,
        %swap3A_130 = vector.shape_cast %swap3A_129 : vector<1x16xf32> to vector<16xf32>
        %swap3A_131 = vector.shape_cast %mul3A_126 : vector<16xf32> to vector<1x16xf32>
        tpu.vector_store %arg13[%swap3A_127, %swap3A_128], %swap3A_131 {strides = array<i32>} : memref<128x64xf32, #tpu.memory_space<vmem>>, vector<1x16xf32>,
        %get3A_132 = arith.index_cast %add3A_109 : i32 to index
        %get3A_133 = arith.constant 32 : index
        %get3A_134 = tpu.vector_load %arg13[%get3A_132, %get3A_133] {strides = array<i32>} : memref<128x64xf32, #tpu.memory_space<vmem>>, vector<1x16xf32>,
        %get3A_135 = vector.shape_cast %get3A_134 : vector<1x16xf32> to vector<16xf32>
        %mul3A_136 = vector.broadcast %squeeze3A_105 : f32 to vector<16xf32>
        %mul3A_137 = arith.mulf %get3A_135, %mul3A_136 : vector<16xf32>
        %swap3A_138 = arith.index_cast %add3A_109 : i32 to index
        %swap3A_139 = arith.constant 32 : index
        %swap3A_140 = tpu.vector_load %arg13[%swap3A_138, %swap3A_139] {strides = array<i32>} : memref<128x64xf32, #tpu.memory_space<vmem>>, vector<1x16xf32>,
        %swap3A_141 = vector.shape_cast %swap3A_140 : vector<1x16xf32> to vector<16xf32>
        %swap3A_142 = vector.shape_cast %mul3A_137 : vector<16xf32> to vector<1x16xf32>
        tpu.vector_store %arg13[%swap3A_138, %swap3A_139], %swap3A_142 {strides = array<i32>} : memref<128x64xf32, #tpu.memory_space<vmem>>, vector<1x16xf32>,
        %get3A_143 = arith.index_cast %add3A_109 : i32 to index
        %get3A_144 = arith.constant 48 : index
        %get3A_145 = tpu.vector_load %arg13[%get3A_143, %get3A_144] {strides = array<i32>} : memref<128x64xf32, #tpu.memory_space<vmem>>, vector<1x16xf32>,
        %get3A_146 = vector.shape_cast %get3A_145 : vector<1x16xf32> to vector<16xf32>
        %mul3A_147 = vector.broadcast %squeeze3A_105 : f32 to vector<16xf32>
        %mul3A_148 = arith.mulf %get3A_146, %mul3A_147 : vector<16xf32>
        %swap3A_149 = arith.index_cast %add3A_109 : i32 to index
        %swap3A_150 = arith.constant 48 : index
        %swap3A_151 = tpu.vector_load %arg13[%swap3A_149, %swap3A_150] {strides = array<i32>} : memref<128x64xf32, #tpu.memory_space<vmem>>, vector<1x16xf32>,
        %swap3A_152 = vector.shape_cast %swap3A_151 : vector<1x16xf32> to vector<16xf32>
        %swap3A_153 = vector.shape_cast %mul3A_148 : vector<16xf32> to vector<1x16xf32>
        tpu.vector_store %arg13[%swap3A_149, %swap3A_150], %swap3A_153 {strides = array<i32>} : memref<128x64xf32, #tpu.memory_space<vmem>>, vector<1x16xf32>,
        %slice3A_154 = vector.extract_strided_slice %get3A_56 {offsets = [2], sizes = [1], strides = [1]} : vector<16xf32> to vector<1xf32>
        %squeeze3A_155 = vector.extract %slice3A_154[0] : f32 from vector<1xf32>
        %mul3A_156 = arith.constant 16 : i32
        %mul3A_157 = arith.muli %scan3A_52, %mul3A_156 : i32
        %add3A_158 = arith.constant 2 : i32
        %add3A_159 = arith.addi %mul3A_157, %add3A_158 : i32
        %get3A_160 = arith.index_cast %add3A_159 : i32 to index
        %get3A_161 = arith.constant 0 : index
        %get3A_162 = tpu.vector_load %arg13[%get3A_160, %get3A_161] {strides = array<i32>} : memref<128x64xf32, #tpu.memory_space<vmem>>, vector<1x16xf32>,
        %get3A_163 = vector.shape_cast %get3A_162 : vector<1x16xf32> to vector<16xf32>
        %mul3A_164 = vector.broadcast %squeeze3A_155 : f32 to vector<16xf32>
        %mul3A_165 = arith.mulf %get3A_163, %mul3A_164 : vector<16xf32>
        %swap3A_166 = arith.index_cast %add3A_159 : i32 to index
        %swap3A_167 = arith.constant 0 : index
        %swap3A_168 = tpu.vector_load %arg13[%swap3A_166, %swap3A_167] {strides = array<i32>} : memref<128x64xf32, #tpu.memory_space<vmem>>, vector<1x16xf32>,
        %swap3A_169 = vector.shape_cast %swap3A_168 : vector<1x16xf32> to vector<16xf32>
        %swap3A_170 = vector.shape_cast %mul3A_165 : vector<16xf32> to vector<1x16xf32>
        tpu.vector_store %arg13[%swap3A_166, %swap3A_167], %swap3A_170 {strides = array<i32>} : memref<128x64xf32, #tpu.memory_space<vmem>>, vector<1x16xf32>,
        %get3A_171 = arith.index_cast %add3A_159 : i32 to index
        %get3A_172 = arith.constant 16 : index
        %get3A_173 = tpu.vector_load %arg13[%get3A_171, %get3A_172] {strides = array<i32>} : memref<128x64xf32, #tpu.memory_space<vmem>>, vector<1x16xf32>,
        %get3A_174 = vector.shape_cast %get3A_173 : vector<1x16xf32> to vector<16xf32>
        %mul3A_175 = vector.broadcast %squeeze3A_155 : f32 to vector<16xf32>
        %mul3A_176 = arith.mulf %get3A_174, %mul3A_175 : vector<16xf32>
        %swap3A_177 = arith.index_cast %add3A_159 : i32 to index
        %swap3A_178 = arith.constant 16 : index
        %swap3A_179 = tpu.vector_load %arg13[%swap3A_177, %swap3A_178] {strides = array<i32>} : memref<128x64xf32, #tpu.memory_space<vmem>>, vector<1x16xf32>,
        %swap3A_180 = vector.shape_cast %swap3A_179 : vector<1x16xf32> to vector<16xf32>
        %swap3A_181 = vector.shape_cast %mul3A_176 : vector<16xf32> to vector<1x16xf32>
        tpu.vector_store %arg13[%swap3A_177, %swap3A_178], %swap3A_181 {strides = array<i32>} : memref<128x64xf32, #tpu.memory_space<vmem>>, vector<1x16xf32>,
        %get3A_182 = arith.index_cast %add3A_159 : i32 to index
        %get3A_183 = arith.constant 32 : index
        %get3A_184 = tpu.vector_load %arg13[%get3A_182, %get3A_183] {strides = array<i32>} : memref<128x64xf32, #tpu.memory_space<vmem>>, vector<1x16xf32>,
        %get3A_185 = vector.shape_cast %get3A_184 : vector<1x16xf32> to vector<16xf32>
        %mul3A_186 = vector.broadcast %squeeze3A_155 : f32 to vector<16xf32>
        %mul3A_187 = arith.mulf %get3A_185, %mul3A_186 : vector<16xf32>
        %swap3A_188 = arith.index_cast %add3A_159 : i32 to index
        %swap3A_189 = arith.constant 32 : index
        %swap3A_190 = tpu.vector_load %arg13[%swap3A_188, %swap3A_189] {strides = array<i32>} : memref<128x64xf32, #tpu.memory_space<vmem>>, vector<1x16xf32>,
        %swap3A_191 = vector.shape_cast %swap3A_190 : vector<1x16xf32> to vector<16xf32>
        %swap3A_192 = vector.shape_cast %mul3A_187 : vector<16xf32> to vector<1x16xf32>
        tpu.vector_store %arg13[%swap3A_188, %swap3A_189], %swap3A_192 {strides = array<i32>} : memref<128x64xf32, #tpu.memory_space<vmem>>, vector<1x16xf32>,
        %get3A_193 = arith.index_cast %add3A_159 : i32 to index
        %get3A_194 = arith.constant 48 : index
        %get3A_195 = tpu.vector_load %arg13[%get3A_193, %get3A_194] {strides = array<i32>} : memref<128x64xf32, #tpu.memory_space<vmem>>, vector<1x16xf32>,
        %get3A_196 = vector.shape_cast %get3A_195 : vector<1x16xf32> to vector<16xf32>
        %mul3A_197 = vector.broadcast %squeeze3A_155 : f32 to vector<16xf32>
        %mul3A_198 = arith.mulf %get3A_196, %mul3A_197 : vector<16xf32>
        %swap3A_199 = arith.index_cast %add3A_159 : i32 to index
        %swap3A_200 = arith.constant 48 : index
        %swap3A_201 = tpu.vector_load %arg13[%swap3A_199, %swap3A_200] {strides = array<i32>} : memref<128x64xf32, #tpu.memory_space<vmem>>, vector<1x16xf32>,
        %swap3A_202 = vector.shape_cast %swap3A_201 : vector<1x16xf32> to vector<16xf32>
        %swap3A_203 = vector.shape_cast %mul3A_198 : vector<16xf32> to vector<1x16xf32>
        tpu.vector_store %arg13[%swap3A_199, %swap3A_200], %swap3A_203 {strides = array<i32>} : memref<128x64xf32, #tpu.memory_space<vmem>>, vector<1x16xf32>,
        %slice3A_204 = vector.extract_strided_slice %get3A_56 {offsets = [3], sizes = [1], strides = [1]} : vector<16xf32> to vector<1xf32>
        %squeeze3A_205 = vector.extract %slice3A_204[0] : f32 from vector<1xf32>
        %mul3A_206 = arith.constant 16 : i32
        %mul3A_207 = arith.muli %scan3A_52, %mul3A_206 : i32
        %add3A_208 = arith.constant 3 : i32
        %add3A_209 = arith.addi %mul3A_207, %add3A_208 : i32
        %get3A_210 = arith.index_cast %add3A_209 : i32 to index
        %get3A_211 = arith.constant 0 : index
        %get3A_212 = tpu.vector_load %arg13[%get3A_210, %get3A_211] {strides = array<i32>} : memref<128x64xf32, #tpu.memory_space<vmem>>, vector<1x16xf32>,
        %get3A_213 = vector.shape_cast %get3A_212 : vector<1x16xf32> to vector<16xf32>
        %mul3A_214 = vector.broadcast %squeeze3A_205 : f32 to vector<16xf32>
        %mul3A_215 = arith.mulf %get3A_213, %mul3A_214 : vector<16xf32>
        %swap3A_216 = arith.index_cast %add3A_209 : i32 to index
        %swap3A_217 = arith.constant 0 : index
        %swap3A_218 = tpu.vector_load %arg13[%swap3A_216, %swap3A_217] {strides = array<i32>} : memref<128x64xf32, #tpu.memory_space<vmem>>, vector<1x16xf32>,
        %swap3A_219 = vector.shape_cast %swap3A_218 : vector<1x16xf32> to vector<16xf32>
        %swap3A_220 = vector.shape_cast %mul3A_215 : vector<16xf32> to vector<1x16xf32>
        tpu.vector_store %arg13[%swap3A_216, %swap3A_217], %swap3A_220 {strides = array<i32>} : memref<128x64xf32, #tpu.memory_space<vmem>>, vector<1x16xf32>,
        %get3A_221 = arith.index_cast %add3A_209 : i32 to index
        %get3A_222 = arith.constant 16 : index
        %get3A_223 = tpu.vector_load %arg13[%get3A_221, %get3A_222] {strides = array<i32>} : memref<128x64xf32, #tpu.memory_space<vmem>>, vector<1x16xf32>,
        %get3A_224 = vector.shape_cast %get3A_223 : vector<1x16xf32> to vector<16xf32>
        %mul3A_225 = vector.broadcast %squeeze3A_205 : f32 to vector<16xf32>
        %mul3A_226 = arith.mulf %get3A_224, %mul3A_225 : vector<16xf32>
        %swap3A_227 = arith.index_cast %add3A_209 : i32 to index
        %swap3A_228 = arith.constant 16 : index
        %swap3A_229 = tpu.vector_load %arg13[%swap3A_227, %swap3A_228] {strides = array<i32>} : memref<128x64xf32, #tpu.memory_space<vmem>>, vector<1x16xf32>,
        %swap3A_230 = vector.shape_cast %swap3A_229 : vector<1x16xf32> to vector<16xf32>
        %swap3A_231 = vector.shape_cast %mul3A_226 : vector<16xf32> to vector<1x16xf32>
        tpu.vector_store %arg13[%swap3A_227, %swap3A_228], %swap3A_231 {strides = array<i32>} : memref<128x64xf32, #tpu.memory_space<vmem>>, vector<1x16xf32>,
        %get3A_232 = arith.index_cast %add3A_209 : i32 to index
        %get3A_233 = arith.constant 32 : index
        %get3A_234 = tpu.vector_load %arg13[%get3A_232, %get3A_233] {strides = array<i32>} : memref<128x64xf32, #tpu.memory_space<vmem>>, vector<1x16xf32>,
        %get3A_235 = vector.shape_cast %get3A_234 : vector<1x16xf32> to vector<16xf32>
        %mul3A_236 = vector.broadcast %squeeze3A_205 : f32 to vector<16xf32>
        %mul3A_237 = arith.mulf %get3A_235, %mul3A_236 : vector<16xf32>
        %swap3A_238 = arith.index_cast %add3A_209 : i32 to index
        %swap3A_239 = arith.constant 32 : index
        %swap3A_240 = tpu.vector_load %arg13[%swap3A_238, %swap3A_239] {strides = array<i32>} : memref<128x64xf32, #tpu.memory_space<vmem>>, vector<1x16xf32>,
        %swap3A_241 = vector.shape_cast %swap3A_240 : vector<1x16xf32> to vector<16xf32>
        %swap3A_242 = vector.shape_cast %mul3A_237 : vector<16xf32> to vector<1x16xf32>
        tpu.vector_store %arg13[%swap3A_238, %swap3A_239], %swap3A_242 {strides = array<i32>} : memref<128x64xf32, #tpu.memory_space<vmem>>, vector<1x16xf32>,
        %get3A_243 = arith.index_cast %add3A_209 : i32 to index
        %get3A_244 = arith.constant 48 : index
        %get3A_245 = tpu.vector_load %arg13[%get3A_243, %get3A_244] {strides = array<i32>} : memref<128x64xf32, #tpu.memory_space<vmem>>, vector<1x16xf32>,
        %get3A_246 = vector.shape_cast %get3A_245 : vector<1x16xf32> to vector<16xf32>
        %mul3A_247 = vector.broadcast %squeeze3A_205 : f32 to vector<16xf32>
        %mul3A_248 = arith.mulf %get3A_246, %mul3A_247 : vector<16xf32>
        %swap3A_249 = arith.index_cast %add3A_209 : i32 to index
        %swap3A_250 = arith.constant 48 : index
        %swap3A_251 = tpu.vector_load %arg13[%swap3A_249, %swap3A_250] {strides = array<i32>} : memref<128x64xf32, #tpu.memory_space<vmem>>, vector<1x16xf32>,
        %swap3A_252 = vector.shape_cast %swap3A_251 : vector<1x16xf32> to vector<16xf32>
        %swap3A_253 = vector.shape_cast %mul3A_248 : vector<16xf32> to vector<1x16xf32>
        tpu.vector_store %arg13[%swap3A_249, %swap3A_250], %swap3A_253 {strides = array<i32>} : memref<128x64xf32, #tpu.memory_space<vmem>>, vector<1x16xf32>,
        %slice3A_254 = vector.extract_strided_slice %get3A_56 {offsets = [4], sizes = [1], strides = [1]} : vector<16xf32> to vector<1xf32>
        %squeeze3A_255 = vector.extract %slice3A_254[0] : f32 from vector<1xf32>
        %mul3A_256 = arith.constant 16 : i32
        %mul3A_257 = arith.muli %scan3A_52, %mul3A_256 : i32
        %add3A_258 = arith.constant 4 : i32
        %add3A_259 = arith.addi %mul3A_257, %add3A_258 : i32
        %get3A_260 = arith.index_cast %add3A_259 : i32 to index
        %get3A_261 = arith.constant 0 : index
        %get3A_262 = tpu.vector_load %arg13[%get3A_260, %get3A_261] {strides = array<i32>} : memref<128x64xf32, #tpu.memory_space<vmem>>, vector<1x16xf32>,
        %get3A_263 = vector.shape_cast %get3A_262 : vector<1x16xf32> to vector<16xf32>
        %mul3A_264 = vector.broadcast %squeeze3A_255 : f32 to vector<16xf32>
        %mul3A_265 = arith.mulf %get3A_263, %mul3A_264 : vector<16xf32>
        %swap3A_266 = arith.index_cast %add3A_259 : i32 to index
        %swap3A_267 = arith.constant 0 : index
        %swap3A_268 = tpu.vector_load %arg13[%swap3A_266, %swap3A_267] {strides = array<i32>} : memref<128x64xf32, #tpu.memory_space<vmem>>, vector<1x16xf32>,
        %swap3A_269 = vector.shape_cast %swap3A_268 : vector<1x16xf32> to vector<16xf32>
        %swap3A_270 = vector.shape_cast %mul3A_265 : vector<16xf32> to vector<1x16xf32>
        tpu.vector_store %arg13[%swap3A_266, %swap3A_267], %swap3A_270 {strides = array<i32>} : memref<128x64xf32, #tpu.memory_space<vmem>>, vector<1x16xf32>,
        %get3A_271 = arith.index_cast %add3A_259 : i32 to index
        %get3A_272 = arith.constant 16 : index
        %get3A_273 = tpu.vector_load %arg13[%get3A_271, %get3A_272] {strides = array<i32>} : memref<128x64xf32, #tpu.memory_space<vmem>>, vector<1x16xf32>,
        %get3A_274 = vector.shape_cast %get3A_273 : vector<1x16xf32> to vector<16xf32>
        %mul3A_275 = vector.broadcast %squeeze3A_255 : f32 to vector<16xf32>
        %mul3A_276 = arith.mulf %get3A_274, %mul3A_275 : vector<16xf32>
        %swap3A_277 = arith.index_cast %add3A_259 : i32 to index
        %swap3A_278 = arith.constant 16 : index
        %swap3A_279 = tpu.vector_load %arg13[%swap3A_277, %swap3A_278] {strides = array<i32>} : memref<128x64xf32, #tpu.memory_space<vmem>>, vector<1x16xf32>,
        %swap3A_280 = vector.shape_cast %swap3A_279 : vector<1x16xf32> to vector<16xf32>
        %swap3A_281 = vector.shape_cast %mul3A_276 : vector<16xf32> to vector<1x16xf32>
        tpu.vector_store %arg13[%swap3A_277, %swap3A_278], %swap3A_281 {strides = array<i32>} : memref<128x64xf32, #tpu.memory_space<vmem>>, vector<1x16xf32>,
        %get3A_282 = arith.index_cast %add3A_259 : i32 to index
        %get3A_283 = arith.constant 32 : index
        %get3A_284 = tpu.vector_load %arg13[%get3A_282, %get3A_283] {strides = array<i32>} : memref<128x64xf32, #tpu.memory_space<vmem>>, vector<1x16xf32>,
        %get3A_285 = vector.shape_cast %get3A_284 : vector<1x16xf32> to vector<16xf32>
        %mul3A_286 = vector.broadcast %squeeze3A_255 : f32 to vector<16xf32>
        %mul3A_287 = arith.mulf %get3A_285, %mul3A_286 : vector<16xf32>
        %swap3A_288 = arith.index_cast %add3A_259 : i32 to index
        %swap3A_289 = arith.constant 32 : index
        %swap3A_290 = tpu.vector_load %arg13[%swap3A_288, %swap3A_289] {strides = array<i32>} : memref<128x64xf32, #tpu.memory_space<vmem>>, vector<1x16xf32>,
        %swap3A_291 = vector.shape_cast %swap3A_290 : vector<1x16xf32> to vector<16xf32>
        %swap3A_292 = vector.shape_cast %mul3A_287 : vector<16xf32> to vector<1x16xf32>
        tpu.vector_store %arg13[%swap3A_288, %swap3A_289], %swap3A_292 {strides = array<i32>} : memref<128x64xf32, #tpu.memory_space<vmem>>, vector<1x16xf32>,
        %get3A_293 = arith.index_cast %add3A_259 : i32 to index
        %get3A_294 = arith.constant 48 : index
        %get3A_295 = tpu.vector_load %arg13[%get3A_293, %get3A_294] {strides = array<i32>} : memref<128x64xf32, #tpu.memory_space<vmem>>, vector<1x16xf32>,
        %get3A_296 = vector.shape_cast %get3A_295 : vector<1x16xf32> to vector<16xf32>
        %mul3A_297 = vector.broadcast %squeeze3A_255 : f32 to vector<16xf32>
        %mul3A_298 = arith.mulf %get3A_296, %mul3A_297 : vector<16xf32>
        %swap3A_299 = arith.index_cast %add3A_259 : i32 to index
        %swap3A_300 = arith.constant 48 : index
        %swap3A_301 = tpu.vector_load %arg13[%swap3A_299, %swap3A_300] {strides = array<i32>} : memref<128x64xf32, #tpu.memory_space<vmem>>, vector<1x16xf32>,
        %swap3A_302 = vector.shape_cast %swap3A_301 : vector<1x16xf32> to vector<16xf32>
        %swap3A_303 = vector.shape_cast %mul3A_298 : vector<16xf32> to vector<1x16xf32>
        tpu.vector_store %arg13[%swap3A_299, %swap3A_300], %swap3A_303 {strides = array<i32>} : memref<128x64xf32, #tpu.memory_space<vmem>>, vector<1x16xf32>,
        %slice3A_304 = vector.extract_strided_slice %get3A_56 {offsets = [5], sizes = [1], strides = [1]} : vector<16xf32> to vector<1xf32>
        %squeeze3A_305 = vector.extract %slice3A_304[0] : f32 from vector<1xf32>
        %mul3A_306 = arith.constant 16 : i32
        %mul3A_307 = arith.muli %scan3A_52, %mul3A_306 : i32
        %add3A_308 = arith.constant 5 : i32
        %add3A_309 = arith.addi %mul3A_307, %add3A_308 : i32
        %get3A_310 = arith.index_cast %add3A_309 : i32 to index
        %get3A_311 = arith.constant 0 : index
        %get3A_312 = tpu.vector_load %arg13[%get3A_310, %get3A_311] {strides = array<i32>} : memref<128x64xf32, #tpu.memory_space<vmem>>, vector<1x16xf32>,
        %get3A_313 = vector.shape_cast %get3A_312 : vector<1x16xf32> to vector<16xf32>
        %mul3A_314 = vector.broadcast %squeeze3A_305 : f32 to vector<16xf32>
        %mul3A_315 = arith.mulf %get3A_313, %mul3A_314 : vector<16xf32>
        %swap3A_316 = arith.index_cast %add3A_309 : i32 to index
        %swap3A_317 = arith.constant 0 : index
        %swap3A_318 = tpu.vector_load %arg13[%swap3A_316, %swap3A_317] {strides = array<i32>} : memref<128x64xf32, #tpu.memory_space<vmem>>, vector<1x16xf32>,
        %swap3A_319 = vector.shape_cast %swap3A_318 : vector<1x16xf32> to vector<16xf32>
        %swap3A_320 = vector.shape_cast %mul3A_315 : vector<16xf32> to vector<1x16xf32>
        tpu.vector_store %arg13[%swap3A_316, %swap3A_317], %swap3A_320 {strides = array<i32>} : memref<128x64xf32, #tpu.memory_space<vmem>>, vector<1x16xf32>,
        %get3A_321 = arith.index_cast %add3A_309 : i32 to index
        %get3A_322 = arith.constant 16 : index
        %get3A_323 = tpu.vector_load %arg13[%get3A_321, %get3A_322] {strides = array<i32>} : memref<128x64xf32, #tpu.memory_space<vmem>>, vector<1x16xf32>,
        %get3A_324 = vector.shape_cast %get3A_323 : vector<1x16xf32> to vector<16xf32>
        %mul3A_325 = vector.broadcast %squeeze3A_305 : f32 to vector<16xf32>
        %mul3A_326 = arith.mulf %get3A_324, %mul3A_325 : vector<16xf32>
        %swap3A_327 = arith.index_cast %add3A_309 : i32 to index
        %swap3A_328 = arith.constant 16 : index
        %swap3A_329 = tpu.vector_load %arg13[%swap3A_327, %swap3A_328] {strides = array<i32>} : memref<128x64xf32, #tpu.memory_space<vmem>>, vector<1x16xf32>,
        %swap3A_330 = vector.shape_cast %swap3A_329 : vector<1x16xf32> to vector<16xf32>
        %swap3A_331 = vector.shape_cast %mul3A_326 : vector<16xf32> to vector<1x16xf32>
        tpu.vector_store %arg13[%swap3A_327, %swap3A_328], %swap3A_331 {strides = array<i32>} : memref<128x64xf32, #tpu.memory_space<vmem>>, vector<1x16xf32>,
        %get3A_332 = arith.index_cast %add3A_309 : i32 to index
        %get3A_333 = arith.constant 32 : index
        %get3A_334 = tpu.vector_load %arg13[%get3A_332, %get3A_333] {strides = array<i32>} : memref<128x64xf32, #tpu.memory_space<vmem>>, vector<1x16xf32>,
        %get3A_335 = vector.shape_cast %get3A_334 : vector<1x16xf32> to vector<16xf32>
        %mul3A_336 = vector.broadcast %squeeze3A_305 : f32 to vector<16xf32>
        %mul3A_337 = arith.mulf %get3A_335, %mul3A_336 : vector<16xf32>
        %swap3A_338 = arith.index_cast %add3A_309 : i32 to index
        %swap3A_339 = arith.constant 32 : index
        %swap3A_340 = tpu.vector_load %arg13[%swap3A_338, %swap3A_339] {strides = array<i32>} : memref<128x64xf32, #tpu.memory_space<vmem>>, vector<1x16xf32>,
        %swap3A_341 = vector.shape_cast %swap3A_340 : vector<1x16xf32> to vector<16xf32>
        %swap3A_342 = vector.shape_cast %mul3A_337 : vector<16xf32> to vector<1x16xf32>
        tpu.vector_store %arg13[%swap3A_338, %swap3A_339], %swap3A_342 {strides = array<i32>} : memref<128x64xf32, #tpu.memory_space<vmem>>, vector<1x16xf32>,
        %get3A_343 = arith.index_cast %add3A_309 : i32 to index
        %get3A_344 = arith.constant 48 : index
        %get3A_345 = tpu.vector_load %arg13[%get3A_343, %get3A_344] {strides = array<i32>} : memref<128x64xf32, #tpu.memory_space<vmem>>, vector<1x16xf32>,
        %get3A_346 = vector.shape_cast %get3A_345 : vector<1x16xf32> to vector<16xf32>
        %mul3A_347 = vector.broadcast %squeeze3A_305 : f32 to vector<16xf32>
        %mul3A_348 = arith.mulf %get3A_346, %mul3A_347 : vector<16xf32>
        %swap3A_349 = arith.index_cast %add3A_309 : i32 to index
        %swap3A_350 = arith.constant 48 : index
        %swap3A_351 = tpu.vector_load %arg13[%swap3A_349, %swap3A_350] {strides = array<i32>} : memref<128x64xf32, #tpu.memory_space<vmem>>, vector<1x16xf32>,
        %swap3A_352 = vector.shape_cast %swap3A_351 : vector<1x16xf32> to vector<16xf32>
        %swap3A_353 = vector.shape_cast %mul3A_348 : vector<16xf32> to vector<1x16xf32>
        tpu.vector_store %arg13[%swap3A_349, %swap3A_350], %swap3A_353 {strides = array<i32>} : memref<128x64xf32, #tpu.memory_space<vmem>>, vector<1x16xf32>,
        %slice3A_354 = vector.extract_strided_slice %get3A_56 {offsets = [6], sizes = [1], strides = [1]} : vector<16xf32> to vector<1xf32>
        %squeeze3A_355 = vector.extract %slice3A_354[0] : f32 from vector<1xf32>
        %mul3A_356 = arith.constant 16 : i32
        %mul3A_357 = arith.muli %scan3A_52, %mul3A_356 : i32
        %add3A_358 = arith.constant 6 : i32
        %add3A_359 = arith.addi %mul3A_357, %add3A_358 : i32
        %get3A_360 = arith.index_cast %add3A_359 : i32 to index
        %get3A_361 = arith.constant 0 : index
        %get3A_362 = tpu.vector_load %arg13[%get3A_360, %get3A_361] {strides = array<i32>} : memref<128x64xf32, #tpu.memory_space<vmem>>, vector<1x16xf32>,
        %get3A_363 = vector.shape_cast %get3A_362 : vector<1x16xf32> to vector<16xf32>
        %mul3A_364 = vector.broadcast %squeeze3A_355 : f32 to vector<16xf32>
        %mul3A_365 = arith.mulf %get3A_363, %mul3A_364 : vector<16xf32>
        %swap3A_366 = arith.index_cast %add3A_359 : i32 to index
        %swap3A_367 = arith.constant 0 : index
        %swap3A_368 = tpu.vector_load %arg13[%swap3A_366, %swap3A_367] {strides = array<i32>} : memref<128x64xf32, #tpu.memory_space<vmem>>, vector<1x16xf32>,
        %swap3A_369 = vector.shape_cast %swap3A_368 : vector<1x16xf32> to vector<16xf32>
        %swap3A_370 = vector.shape_cast %mul3A_365 : vector<16xf32> to vector<1x16xf32>
        tpu.vector_store %arg13[%swap3A_366, %swap3A_367], %swap3A_370 {strides = array<i32>} : memref<128x64xf32, #tpu.memory_space<vmem>>, vector<1x16xf32>,
        %get3A_371 = arith.index_cast %add3A_359 : i32 to index
        %get3A_372 = arith.constant 16 : index
        %get3A_373 = tpu.vector_load %arg13[%get3A_371, %get3A_372] {strides = array<i32>} : memref<128x64xf32, #tpu.memory_space<vmem>>, vector<1x16xf32>,
        %get3A_374 = vector.shape_cast %get3A_373 : vector<1x16xf32> to vector<16xf32>
        %mul3A_375 = vector.broadcast %squeeze3A_355 : f32 to vector<16xf32>
        %mul3A_376 = arith.mulf %get3A_374, %mul3A_375 : vector<16xf32>
        %swap3A_377 = arith.index_cast %add3A_359 : i32 to index
        %swap3A_378 = arith.constant 16 : index
        %swap3A_379 = tpu.vector_load %arg13[%swap3A_377, %swap3A_378] {strides = array<i32>} : memref<128x64xf32, #tpu.memory_space<vmem>>, vector<1x16xf32>,
        %swap3A_380 = vector.shape_cast %swap3A_379 : vector<1x16xf32> to vector<16xf32>
        %swap3A_381 = vector.shape_cast %mul3A_376 : vector<16xf32> to vector<1x16xf32>
        tpu.vector_store %arg13[%swap3A_377, %swap3A_378], %swap3A_381 {strides = array<i32>} : memref<128x64xf32, #tpu.memory_space<vmem>>, vector<1x16xf32>,
        %get3A_382 = arith.index_cast %add3A_359 : i32 to index
        %get3A_383 = arith.constant 32 : index
        %get3A_384 = tpu.vector_load %arg13[%get3A_382, %get3A_383] {strides = array<i32>} : memref<128x64xf32, #tpu.memory_space<vmem>>, vector<1x16xf32>,
        %get3A_385 = vector.shape_cast %get3A_384 : vector<1x16xf32> to vector<16xf32>
        %mul3A_386 = vector.broadcast %squeeze3A_355 : f32 to vector<16xf32>
        %mul3A_387 = arith.mulf %get3A_385, %mul3A_386 : vector<16xf32>
        %swap3A_388 = arith.index_cast %add3A_359 : i32 to index
        %swap3A_389 = arith.constant 32 : index
        %swap3A_390 = tpu.vector_load %arg13[%swap3A_388, %swap3A_389] {strides = array<i32>} : memref<128x64xf32, #tpu.memory_space<vmem>>, vector<1x16xf32>,
        %swap3A_391 = vector.shape_cast %swap3A_390 : vector<1x16xf32> to vector<16xf32>
        %swap3A_392 = vector.shape_cast %mul3A_387 : vector<16xf32> to vector<1x16xf32>
        tpu.vector_store %arg13[%swap3A_388, %swap3A_389], %swap3A_392 {strides = array<i32>} : memref<128x64xf32, #tpu.memory_space<vmem>>, vector<1x16xf32>,
        %get3A_393 = arith.index_cast %add3A_359 : i32 to index
        %get3A_394 = arith.constant 48 : index
        %get3A_395 = tpu.vector_load %arg13[%get3A_393, %get3A_394] {strides = array<i32>} : memref<128x64xf32, #tpu.memory_space<vmem>>, vector<1x16xf32>,
        %get3A_396 = vector.shape_cast %get3A_395 : vector<1x16xf32> to vector<16xf32>
        %mul3A_397 = vector.broadcast %squeeze3A_355 : f32 to vector<16xf32>
        %mul3A_398 = arith.mulf %get3A_396, %mul3A_397 : vector<16xf32>
        %swap3A_399 = arith.index_cast %add3A_359 : i32 to index
        %swap3A_400 = arith.constant 48 : index
        %swap3A_401 = tpu.vector_load %arg13[%swap3A_399, %swap3A_400] {strides = array<i32>} : memref<128x64xf32, #tpu.memory_space<vmem>>, vector<1x16xf32>,
        %swap3A_402 = vector.shape_cast %swap3A_401 : vector<1x16xf32> to vector<16xf32>
        %swap3A_403 = vector.shape_cast %mul3A_398 : vector<16xf32> to vector<1x16xf32>
        tpu.vector_store %arg13[%swap3A_399, %swap3A_400], %swap3A_403 {strides = array<i32>} : memref<128x64xf32, #tpu.memory_space<vmem>>, vector<1x16xf32>,
        %slice3A_404 = vector.extract_strided_slice %get3A_56 {offsets = [7], sizes = [1], strides = [1]} : vector<16xf32> to vector<1xf32>
        %squeeze3A_405 = vector.extract %slice3A_404[0] : f32 from vector<1xf32>
        %mul3A_406 = arith.constant 16 : i32
        %mul3A_407 = arith.muli %scan3A_52, %mul3A_406 : i32
        %add3A_408 = arith.constant 7 : i32
        %add3A_409 = arith.addi %mul3A_407, %add3A_408 : i32
        %get3A_410 = arith.index_cast %add3A_409 : i32 to index
        %get3A_411 = arith.constant 0 : index
        %get3A_412 = tpu.vector_load %arg13[%get3A_410, %get3A_411] {strides = array<i32>} : memref<128x64xf32, #tpu.memory_space<vmem>>, vector<1x16xf32>,
        %get3A_413 = vector.shape_cast %get3A_412 : vector<1x16xf32> to vector<16xf32>
        %mul3A_414 = vector.broadcast %squeeze3A_405 : f32 to vector<16xf32>
        %mul3A_415 = arith.mulf %get3A_413, %mul3A_414 : vector<16xf32>
        %swap3A_416 = arith.index_cast %add3A_409 : i32 to index
        %swap3A_417 = arith.constant 0 : index
        %swap3A_418 = tpu.vector_load %arg13[%swap3A_416, %swap3A_417] {strides = array<i32>} : memref<128x64xf32, #tpu.memory_space<vmem>>, vector<1x16xf32>,
        %swap3A_419 = vector.shape_cast %swap3A_418 : vector<1x16xf32> to vector<16xf32>
        %swap3A_420 = vector.shape_cast %mul3A_415 : vector<16xf32> to vector<1x16xf32>
        tpu.vector_store %arg13[%swap3A_416, %swap3A_417], %swap3A_420 {strides = array<i32>} : memref<128x64xf32, #tpu.memory_space<vmem>>, vector<1x16xf32>,
        %get3A_421 = arith.index_cast %add3A_409 : i32 to index
        %get3A_422 = arith.constant 16 : index
        %get3A_423 = tpu.vector_load %arg13[%get3A_421, %get3A_422] {strides = array<i32>} : memref<128x64xf32, #tpu.memory_space<vmem>>, vector<1x16xf32>,
        %get3A_424 = vector.shape_cast %get3A_423 : vector<1x16xf32> to vector<16xf32>
        %mul3A_425 = vector.broadcast %squeeze3A_405 : f32 to vector<16xf32>
        %mul3A_426 = arith.mulf %get3A_424, %mul3A_425 : vector<16xf32>
        %swap3A_427 = arith.index_cast %add3A_409 : i32 to index
        %swap3A_428 = arith.constant 16 : index
        %swap3A_429 = tpu.vector_load %arg13[%swap3A_427, %swap3A_428] {strides = array<i32>} : memref<128x64xf32, #tpu.memory_space<vmem>>, vector<1x16xf32>,
        %swap3A_430 = vector.shape_cast %swap3A_429 : vector<1x16xf32> to vector<16xf32>
        %swap3A_431 = vector.shape_cast %mul3A_426 : vector<16xf32> to vector<1x16xf32>
        tpu.vector_store %arg13[%swap3A_427, %swap3A_428], %swap3A_431 {strides = array<i32>} : memref<128x64xf32, #tpu.memory_space<vmem>>, vector<1x16xf32>,
        %get3A_432 = arith.index_cast %add3A_409 : i32 to index
        %get3A_433 = arith.constant 32 : index
        %get3A_434 = tpu.vector_load %arg13[%get3A_432, %get3A_433] {strides = array<i32>} : memref<128x64xf32, #tpu.memory_space<vmem>>, vector<1x16xf32>,
        %get3A_435 = vector.shape_cast %get3A_434 : vector<1x16xf32> to vector<16xf32>
        %mul3A_436 = vector.broadcast %squeeze3A_405 : f32 to vector<16xf32>
        %mul3A_437 = arith.mulf %get3A_435, %mul3A_436 : vector<16xf32>
        %swap3A_438 = arith.index_cast %add3A_409 : i32 to index
        %swap3A_439 = arith.constant 32 : index
        %swap3A_440 = tpu.vector_load %arg13[%swap3A_438, %swap3A_439] {strides = array<i32>} : memref<128x64xf32, #tpu.memory_space<vmem>>, vector<1x16xf32>,
        %swap3A_441 = vector.shape_cast %swap3A_440 : vector<1x16xf32> to vector<16xf32>
        %swap3A_442 = vector.shape_cast %mul3A_437 : vector<16xf32> to vector<1x16xf32>
        tpu.vector_store %arg13[%swap3A_438, %swap3A_439], %swap3A_442 {strides = array<i32>} : memref<128x64xf32, #tpu.memory_space<vmem>>, vector<1x16xf32>,
        %get3A_443 = arith.index_cast %add3A_409 : i32 to index
        %get3A_444 = arith.constant 48 : index
        %get3A_445 = tpu.vector_load %arg13[%get3A_443, %get3A_444] {strides = array<i32>} : memref<128x64xf32, #tpu.memory_space<vmem>>, vector<1x16xf32>,
        %get3A_446 = vector.shape_cast %get3A_445 : vector<1x16xf32> to vector<16xf32>
        %mul3A_447 = vector.broadcast %squeeze3A_405 : f32 to vector<16xf32>
        %mul3A_448 = arith.mulf %get3A_446, %mul3A_447 : vector<16xf32>
        %swap3A_449 = arith.index_cast %add3A_409 : i32 to index
        %swap3A_450 = arith.constant 48 : index
        %swap3A_451 = tpu.vector_load %arg13[%swap3A_449, %swap3A_450] {strides = array<i32>} : memref<128x64xf32, #tpu.memory_space<vmem>>, vector<1x16xf32>,
        %swap3A_452 = vector.shape_cast %swap3A_451 : vector<1x16xf32> to vector<16xf32>
        %swap3A_453 = vector.shape_cast %mul3A_448 : vector<16xf32> to vector<1x16xf32>
        tpu.vector_store %arg13[%swap3A_449, %swap3A_450], %swap3A_453 {strides = array<i32>} : memref<128x64xf32, #tpu.memory_space<vmem>>, vector<1x16xf32>,
        %slice3A_454 = vector.extract_strided_slice %get3A_56 {offsets = [8], sizes = [1], strides = [1]} : vector<16xf32> to vector<1xf32>
        %squeeze3A_455 = vector.extract %slice3A_454[0] : f32 from vector<1xf32>
        %mul3A_456 = arith.constant 16 : i32
        %mul3A_457 = arith.muli %scan3A_52, %mul3A_456 : i32
        %add3A_458 = arith.constant 8 : i32
        %add3A_459 = arith.addi %mul3A_457, %add3A_458 : i32
        %get3A_460 = arith.index_cast %add3A_459 : i32 to index
        %get3A_461 = arith.constant 0 : index
        %get3A_462 = tpu.vector_load %arg13[%get3A_460, %get3A_461] {strides = array<i32>} : memref<128x64xf32, #tpu.memory_space<vmem>>, vector<1x16xf32>,
        %get3A_463 = vector.shape_cast %get3A_462 : vector<1x16xf32> to vector<16xf32>
        %mul3A_464 = vector.broadcast %squeeze3A_455 : f32 to vector<16xf32>
        %mul3A_465 = arith.mulf %get3A_463, %mul3A_464 : vector<16xf32>
        %swap3A_466 = arith.index_cast %add3A_459 : i32 to index
        %swap3A_467 = arith.constant 0 : index
        %swap3A_468 = tpu.vector_load %arg13[%swap3A_466, %swap3A_467] {strides = array<i32>} : memref<128x64xf32, #tpu.memory_space<vmem>>, vector<1x16xf32>,
        %swap3A_469 = vector.shape_cast %swap3A_468 : vector<1x16xf32> to vector<16xf32>
        %swap3A_470 = vector.shape_cast %mul3A_465 : vector<16xf32> to vector<1x16xf32>
        tpu.vector_store %arg13[%swap3A_466, %swap3A_467], %swap3A_470 {strides = array<i32>} : memref<128x64xf32, #tpu.memory_space<vmem>>, vector<1x16xf32>,
        %get3A_471 = arith.index_cast %add3A_459 : i32 to index
        %get3A_472 = arith.constant 16 : index
        %get3A_473 = tpu.vector_load %arg13[%get3A_471, %get3A_472] {strides = array<i32>} : memref<128x64xf32, #tpu.memory_space<vmem>>, vector<1x16xf32>,
        %get3A_474 = vector.shape_cast %get3A_473 : vector<1x16xf32> to vector<16xf32>
        %mul3A_475 = vector.broadcast %squeeze3A_455 : f32 to vector<16xf32>
        %mul3A_476 = arith.mulf %get3A_474, %mul3A_475 : vector<16xf32>
        %swap3A_477 = arith.index_cast %add3A_459 : i32 to index
        %swap3A_478 = arith.constant 16 : index
        %swap3A_479 = tpu.vector_load %arg13[%swap3A_477, %swap3A_478] {strides = array<i32>} : memref<128x64xf32, #tpu.memory_space<vmem>>, vector<1x16xf32>,
        %swap3A_480 = vector.shape_cast %swap3A_479 : vector<1x16xf32> to vector<16xf32>
        %swap3A_481 = vector.shape_cast %mul3A_476 : vector<16xf32> to vector<1x16xf32>
        tpu.vector_store %arg13[%swap3A_477, %swap3A_478], %swap3A_481 {strides = array<i32>} : memref<128x64xf32, #tpu.memory_space<vmem>>, vector<1x16xf32>,
        %get3A_482 = arith.index_cast %add3A_459 : i32 to index
        %get3A_483 = arith.constant 32 : index
        %get3A_484 = tpu.vector_load %arg13[%get3A_482, %get3A_483] {strides = array<i32>} : memref<128x64xf32, #tpu.memory_space<vmem>>, vector<1x16xf32>,
        %get3A_485 = vector.shape_cast %get3A_484 : vector<1x16xf32> to vector<16xf32>
        %mul3A_486 = vector.broadcast %squeeze3A_455 : f32 to vector<16xf32>
        %mul3A_487 = arith.mulf %get3A_485, %mul3A_486 : vector<16xf32>
        %swap3A_488 = arith.index_cast %add3A_459 : i32 to index
        %swap3A_489 = arith.constant 32 : index
        %swap3A_490 = tpu.vector_load %arg13[%swap3A_488, %swap3A_489] {strides = array<i32>} : memref<128x64xf32, #tpu.memory_space<vmem>>, vector<1x16xf32>,
        %swap3A_491 = vector.shape_cast %swap3A_490 : vector<1x16xf32> to vector<16xf32>
        %swap3A_492 = vector.shape_cast %mul3A_487 : vector<16xf32> to vector<1x16xf32>
        tpu.vector_store %arg13[%swap3A_488, %swap3A_489], %swap3A_492 {strides = array<i32>} : memref<128x64xf32, #tpu.memory_space<vmem>>, vector<1x16xf32>,
        %get3A_493 = arith.index_cast %add3A_459 : i32 to index
        %get3A_494 = arith.constant 48 : index
        %get3A_495 = tpu.vector_load %arg13[%get3A_493, %get3A_494] {strides = array<i32>} : memref<128x64xf32, #tpu.memory_space<vmem>>, vector<1x16xf32>,
        %get3A_496 = vector.shape_cast %get3A_495 : vector<1x16xf32> to vector<16xf32>
        %mul3A_497 = vector.broadcast %squeeze3A_455 : f32 to vector<16xf32>
        %mul3A_498 = arith.mulf %get3A_496, %mul3A_497 : vector<16xf32>
        %swap3A_499 = arith.index_cast %add3A_459 : i32 to index
        %swap3A_500 = arith.constant 48 : index
        %swap3A_501 = tpu.vector_load %arg13[%swap3A_499, %swap3A_500] {strides = array<i32>} : memref<128x64xf32, #tpu.memory_space<vmem>>, vector<1x16xf32>,
        %swap3A_502 = vector.shape_cast %swap3A_501 : vector<1x16xf32> to vector<16xf32>
        %swap3A_503 = vector.shape_cast %mul3A_498 : vector<16xf32> to vector<1x16xf32>
        tpu.vector_store %arg13[%swap3A_499, %swap3A_500], %swap3A_503 {strides = array<i32>} : memref<128x64xf32, #tpu.memory_space<vmem>>, vector<1x16xf32>,
        %slice3A_504 = vector.extract_strided_slice %get3A_56 {offsets = [9], sizes = [1], strides = [1]} : vector<16xf32> to vector<1xf32>
        %squeeze3A_505 = vector.extract %slice3A_504[0] : f32 from vector<1xf32>
        %mul3A_506 = arith.constant 16 : i32
        %mul3A_507 = arith.muli %scan3A_52, %mul3A_506 : i32
        %add3A_508 = arith.constant 9 : i32
        %add3A_509 = arith.addi %mul3A_507, %add3A_508 : i32
        %get3A_510 = arith.index_cast %add3A_509 : i32 to index
        %get3A_511 = arith.constant 0 : index
        %get3A_512 = tpu.vector_load %arg13[%get3A_510, %get3A_511] {strides = array<i32>} : memref<128x64xf32, #tpu.memory_space<vmem>>, vector<1x16xf32>,
        %get3A_513 = vector.shape_cast %get3A_512 : vector<1x16xf32> to vector<16xf32>
        %mul3A_514 = vector.broadcast %squeeze3A_505 : f32 to vector<16xf32>
        %mul3A_515 = arith.mulf %get3A_513, %mul3A_514 : vector<16xf32>
        %swap3A_516 = arith.index_cast %add3A_509 : i32 to index
        %swap3A_517 = arith.constant 0 : index
        %swap3A_518 = tpu.vector_load %arg13[%swap3A_516, %swap3A_517] {strides = array<i32>} : memref<128x64xf32, #tpu.memory_space<vmem>>, vector<1x16xf32>,
        %swap3A_519 = vector.shape_cast %swap3A_518 : vector<1x16xf32> to vector<16xf32>
        %swap3A_520 = vector.shape_cast %mul3A_515 : vector<16xf32> to vector<1x16xf32>
        tpu.vector_store %arg13[%swap3A_516, %swap3A_517], %swap3A_520 {strides = array<i32>} : memref<128x64xf32, #tpu.memory_space<vmem>>, vector<1x16xf32>,
        %get3A_521 = arith.index_cast %add3A_509 : i32 to index
        %get3A_522 = arith.constant 16 : index
        %get3A_523 = tpu.vector_load %arg13[%get3A_521, %get3A_522] {strides = array<i32>} : memref<128x64xf32, #tpu.memory_space<vmem>>, vector<1x16xf32>,
        %get3A_524 = vector.shape_cast %get3A_523 : vector<1x16xf32> to vector<16xf32>
        %mul3A_525 = vector.broadcast %squeeze3A_505 : f32 to vector<16xf32>
        %mul3A_526 = arith.mulf %get3A_524, %mul3A_525 : vector<16xf32>
        %swap3A_527 = arith.index_cast %add3A_509 : i32 to index
        %swap3A_528 = arith.constant 16 : index
        %swap3A_529 = tpu.vector_load %arg13[%swap3A_527, %swap3A_528] {strides = array<i32>} : memref<128x64xf32, #tpu.memory_space<vmem>>, vector<1x16xf32>,
        %swap3A_530 = vector.shape_cast %swap3A_529 : vector<1x16xf32> to vector<16xf32>
        %swap3A_531 = vector.shape_cast %mul3A_526 : vector<16xf32> to vector<1x16xf32>
        tpu.vector_store %arg13[%swap3A_527, %swap3A_528], %swap3A_531 {strides = array<i32>} : memref<128x64xf32, #tpu.memory_space<vmem>>, vector<1x16xf32>,
        %get3A_532 = arith.index_cast %add3A_509 : i32 to index
        %get3A_533 = arith.constant 32 : index
        %get3A_534 = tpu.vector_load %arg13[%get3A_532, %get3A_533] {strides = array<i32>} : memref<128x64xf32, #tpu.memory_space<vmem>>, vector<1x16xf32>,
        %get3A_535 = vector.shape_cast %get3A_534 : vector<1x16xf32> to vector<16xf32>
        %mul3A_536 = vector.broadcast %squeeze3A_505 : f32 to vector<16xf32>
        %mul3A_537 = arith.mulf %get3A_535, %mul3A_536 : vector<16xf32>
        %swap3A_538 = arith.index_cast %add3A_509 : i32 to index
        %swap3A_539 = arith.constant 32 : index
        %swap3A_540 = tpu.vector_load %arg13[%swap3A_538, %swap3A_539] {strides = array<i32>} : memref<128x64xf32, #tpu.memory_space<vmem>>, vector<1x16xf32>,
        %swap3A_541 = vector.shape_cast %swap3A_540 : vector<1x16xf32> to vector<16xf32>
        %swap3A_542 = vector.shape_cast %mul3A_537 : vector<16xf32> to vector<1x16xf32>
        tpu.vector_store %arg13[%swap3A_538, %swap3A_539], %swap3A_542 {strides = array<i32>} : memref<128x64xf32, #tpu.memory_space<vmem>>, vector<1x16xf32>,
        %get3A_543 = arith.index_cast %add3A_509 : i32 to index
        %get3A_544 = arith.constant 48 : index
        %get3A_545 = tpu.vector_load %arg13[%get3A_543, %get3A_544] {strides = array<i32>} : memref<128x64xf32, #tpu.memory_space<vmem>>, vector<1x16xf32>,
        %get3A_546 = vector.shape_cast %get3A_545 : vector<1x16xf32> to vector<16xf32>
        %mul3A_547 = vector.broadcast %squeeze3A_505 : f32 to vector<16xf32>
        %mul3A_548 = arith.mulf %get3A_546, %mul3A_547 : vector<16xf32>
        %swap3A_549 = arith.index_cast %add3A_509 : i32 to index
        %swap3A_550 = arith.constant 48 : index
        %swap3A_551 = tpu.vector_load %arg13[%swap3A_549, %swap3A_550] {strides = array<i32>} : memref<128x64xf32, #tpu.memory_space<vmem>>, vector<1x16xf32>,
        %swap3A_552 = vector.shape_cast %swap3A_551 : vector<1x16xf32> to vector<16xf32>
        %swap3A_553 = vector.shape_cast %mul3A_548 : vector<16xf32> to vector<1x16xf32>
        tpu.vector_store %arg13[%swap3A_549, %swap3A_550], %swap3A_553 {strides = array<i32>} : memref<128x64xf32, #tpu.memory_space<vmem>>, vector<1x16xf32>,
        %slice3A_554 = vector.extract_strided_slice %get3A_56 {offsets = [10], sizes = [1], strides = [1]} : vector<16xf32> to vector<1xf32>
        %squeeze3A_555 = vector.extract %slice3A_554[0] : f32 from vector<1xf32>
        %mul3A_556 = arith.constant 16 : i32
        %mul3A_557 = arith.muli %scan3A_52, %mul3A_556 : i32
        %add3A_558 = arith.constant 10 : i32
        %add3A_559 = arith.addi %mul3A_557, %add3A_558 : i32
        %get3A_560 = arith.index_cast %add3A_559 : i32 to index
        %get3A_561 = arith.constant 0 : index
        %get3A_562 = tpu.vector_load %arg13[%get3A_560, %get3A_561] {strides = array<i32>} : memref<128x64xf32, #tpu.memory_space<vmem>>, vector<1x16xf32>,
        %get3A_563 = vector.shape_cast %get3A_562 : vector<1x16xf32> to vector<16xf32>
        %mul3A_564 = vector.broadcast %squeeze3A_555 : f32 to vector<16xf32>
        %mul3A_565 = arith.mulf %get3A_563, %mul3A_564 : vector<16xf32>
        %swap3A_566 = arith.index_cast %add3A_559 : i32 to index
        %swap3A_567 = arith.constant 0 : index
        %swap3A_568 = tpu.vector_load %arg13[%swap3A_566, %swap3A_567] {strides = array<i32>} : memref<128x64xf32, #tpu.memory_space<vmem>>, vector<1x16xf32>,
        %swap3A_569 = vector.shape_cast %swap3A_568 : vector<1x16xf32> to vector<16xf32>
        %swap3A_570 = vector.shape_cast %mul3A_565 : vector<16xf32> to vector<1x16xf32>
        tpu.vector_store %arg13[%swap3A_566, %swap3A_567], %swap3A_570 {strides = array<i32>} : memref<128x64xf32, #tpu.memory_space<vmem>>, vector<1x16xf32>,
        %get3A_571 = arith.index_cast %add3A_559 : i32 to index
        %get3A_572 = arith.constant 16 : index
        %get3A_573 = tpu.vector_load %arg13[%get3A_571, %get3A_572] {strides = array<i32>} : memref<128x64xf32, #tpu.memory_space<vmem>>, vector<1x16xf32>,
        %get3A_574 = vector.shape_cast %get3A_573 : vector<1x16xf32> to vector<16xf32>
        %mul3A_575 = vector.broadcast %squeeze3A_555 : f32 to vector<16xf32>
        %mul3A_576 = arith.mulf %get3A_574, %mul3A_575 : vector<16xf32>
        %swap3A_577 = arith.index_cast %add3A_559 : i32 to index
        %swap3A_578 = arith.constant 16 : index
        %swap3A_579 = tpu.vector_load %arg13[%swap3A_577, %swap3A_578] {strides = array<i32>} : memref<128x64xf32, #tpu.memory_space<vmem>>, vector<1x16xf32>,
        %swap3A_580 = vector.shape_cast %swap3A_579 : vector<1x16xf32> to vector<16xf32>
        %swap3A_581 = vector.shape_cast %mul3A_576 : vector<16xf32> to vector<1x16xf32>
        tpu.vector_store %arg13[%swap3A_577, %swap3A_578], %swap3A_581 {strides = array<i32>} : memref<128x64xf32, #tpu.memory_space<vmem>>, vector<1x16xf32>,
        %get3A_582 = arith.index_cast %add3A_559 : i32 to index
        %get3A_583 = arith.constant 32 : index
        %get3A_584 = tpu.vector_load %arg13[%get3A_582, %get3A_583] {strides = array<i32>} : memref<128x64xf32, #tpu.memory_space<vmem>>, vector<1x16xf32>,
        %get3A_585 = vector.shape_cast %get3A_584 : vector<1x16xf32> to vector<16xf32>
        %mul3A_586 = vector.broadcast %squeeze3A_555 : f32 to vector<16xf32>
        %mul3A_587 = arith.mulf %get3A_585, %mul3A_586 : vector<16xf32>
        %swap3A_588 = arith.index_cast %add3A_559 : i32 to index
        %swap3A_589 = arith.constant 32 : index
        %swap3A_590 = tpu.vector_load %arg13[%swap3A_588, %swap3A_589] {strides = array<i32>} : memref<128x64xf32, #tpu.memory_space<vmem>>, vector<1x16xf32>,
        %swap3A_591 = vector.shape_cast %swap3A_590 : vector<1x16xf32> to vector<16xf32>
        %swap3A_592 = vector.shape_cast %mul3A_587 : vector<16xf32> to vector<1x16xf32>
        tpu.vector_store %arg13[%swap3A_588, %swap3A_589], %swap3A_592 {strides = array<i32>} : memref<128x64xf32, #tpu.memory_space<vmem>>, vector<1x16xf32>,
        %get3A_593 = arith.index_cast %add3A_559 : i32 to index
        %get3A_594 = arith.constant 48 : index
        %get3A_595 = tpu.vector_load %arg13[%get3A_593, %get3A_594] {strides = array<i32>} : memref<128x64xf32, #tpu.memory_space<vmem>>, vector<1x16xf32>,
        %get3A_596 = vector.shape_cast %get3A_595 : vector<1x16xf32> to vector<16xf32>
        %mul3A_597 = vector.broadcast %squeeze3A_555 : f32 to vector<16xf32>
        %mul3A_598 = arith.mulf %get3A_596, %mul3A_597 : vector<16xf32>
        %swap3A_599 = arith.index_cast %add3A_559 : i32 to index
        %swap3A_600 = arith.constant 48 : index
        %swap3A_601 = tpu.vector_load %arg13[%swap3A_599, %swap3A_600] {strides = array<i32>} : memref<128x64xf32, #tpu.memory_space<vmem>>, vector<1x16xf32>,
        %swap3A_602 = vector.shape_cast %swap3A_601 : vector<1x16xf32> to vector<16xf32>
        %swap3A_603 = vector.shape_cast %mul3A_598 : vector<16xf32> to vector<1x16xf32>
        tpu.vector_store %arg13[%swap3A_599, %swap3A_600], %swap3A_603 {strides = array<i32>} : memref<128x64xf32, #tpu.memory_space<vmem>>, vector<1x16xf32>,
        %slice3A_604 = vector.extract_strided_slice %get3A_56 {offsets = [11], sizes = [1], strides = [1]} : vector<16xf32> to vector<1xf32>
        %squeeze3A_605 = vector.extract %slice3A_604[0] : f32 from vector<1xf32>
        %mul3A_606 = arith.constant 16 : i32
        %mul3A_607 = arith.muli %scan3A_52, %mul3A_606 : i32
        %add3A_608 = arith.constant 11 : i32
        %add3A_609 = arith.addi %mul3A_607, %add3A_608 : i32
        %get3A_610 = arith.index_cast %add3A_609 : i32 to index
        %get3A_611 = arith.constant 0 : index
        %get3A_612 = tpu.vector_load %arg13[%get3A_610, %get3A_611] {strides = array<i32>} : memref<128x64xf32, #tpu.memory_space<vmem>>, vector<1x16xf32>,
        %get3A_613 = vector.shape_cast %get3A_612 : vector<1x16xf32> to vector<16xf32>
        %mul3A_614 = vector.broadcast %squeeze3A_605 : f32 to vector<16xf32>
        %mul3A_615 = arith.mulf %get3A_613, %mul3A_614 : vector<16xf32>
        %swap3A_616 = arith.index_cast %add3A_609 : i32 to index
        %swap3A_617 = arith.constant 0 : index
        %swap3A_618 = tpu.vector_load %arg13[%swap3A_616, %swap3A_617] {strides = array<i32>} : memref<128x64xf32, #tpu.memory_space<vmem>>, vector<1x16xf32>,
        %swap3A_619 = vector.shape_cast %swap3A_618 : vector<1x16xf32> to vector<16xf32>
        %swap3A_620 = vector.shape_cast %mul3A_615 : vector<16xf32> to vector<1x16xf32>
        tpu.vector_store %arg13[%swap3A_616, %swap3A_617], %swap3A_620 {strides = array<i32>} : memref<128x64xf32, #tpu.memory_space<vmem>>, vector<1x16xf32>,
        %get3A_621 = arith.index_cast %add3A_609 : i32 to index
        %get3A_622 = arith.constant 16 : index
        %get3A_623 = tpu.vector_load %arg13[%get3A_621, %get3A_622] {strides = array<i32>} : memref<128x64xf32, #tpu.memory_space<vmem>>, vector<1x16xf32>,
        %get3A_624 = vector.shape_cast %get3A_623 : vector<1x16xf32> to vector<16xf32>
        %mul3A_625 = vector.broadcast %squeeze3A_605 : f32 to vector<16xf32>
        %mul3A_626 = arith.mulf %get3A_624, %mul3A_625 : vector<16xf32>
        %swap3A_627 = arith.index_cast %add3A_609 : i32 to index
        %swap3A_628 = arith.constant 16 : index
        %swap3A_629 = tpu.vector_load %arg13[%swap3A_627, %swap3A_628] {strides = array<i32>} : memref<128x64xf32, #tpu.memory_space<vmem>>, vector<1x16xf32>,
        %swap3A_630 = vector.shape_cast %swap3A_629 : vector<1x16xf32> to vector<16xf32>
        %swap3A_631 = vector.shape_cast %mul3A_626 : vector<16xf32> to vector<1x16xf32>
        tpu.vector_store %arg13[%swap3A_627, %swap3A_628], %swap3A_631 {strides = array<i32>} : memref<128x64xf32, #tpu.memory_space<vmem>>, vector<1x16xf32>,
        %get3A_632 = arith.index_cast %add3A_609 : i32 to index
        %get3A_633 = arith.constant 32 : index
        %get3A_634 = tpu.vector_load %arg13[%get3A_632, %get3A_633] {strides = array<i32>} : memref<128x64xf32, #tpu.memory_space<vmem>>, vector<1x16xf32>,
        %get3A_635 = vector.shape_cast %get3A_634 : vector<1x16xf32> to vector<16xf32>
        %mul3A_636 = vector.broadcast %squeeze3A_605 : f32 to vector<16xf32>
        %mul3A_637 = arith.mulf %get3A_635, %mul3A_636 : vector<16xf32>
        %swap3A_638 = arith.index_cast %add3A_609 : i32 to index
        %swap3A_639 = arith.constant 32 : index
        %swap3A_640 = tpu.vector_load %arg13[%swap3A_638, %swap3A_639] {strides = array<i32>} : memref<128x64xf32, #tpu.memory_space<vmem>>, vector<1x16xf32>,
        %swap3A_641 = vector.shape_cast %swap3A_640 : vector<1x16xf32> to vector<16xf32>
        %swap3A_642 = vector.shape_cast %mul3A_637 : vector<16xf32> to vector<1x16xf32>
        tpu.vector_store %arg13[%swap3A_638, %swap3A_639], %swap3A_642 {strides = array<i32>} : memref<128x64xf32, #tpu.memory_space<vmem>>, vector<1x16xf32>,
        %get3A_643 = arith.index_cast %add3A_609 : i32 to index
        %get3A_644 = arith.constant 48 : index
        %get3A_645 = tpu.vector_load %arg13[%get3A_643, %get3A_644] {strides = array<i32>} : memref<128x64xf32, #tpu.memory_space<vmem>>, vector<1x16xf32>,
        %get3A_646 = vector.shape_cast %get3A_645 : vector<1x16xf32> to vector<16xf32>
        %mul3A_647 = vector.broadcast %squeeze3A_605 : f32 to vector<16xf32>
        %mul3A_648 = arith.mulf %get3A_646, %mul3A_647 : vector<16xf32>
        %swap3A_649 = arith.index_cast %add3A_609 : i32 to index
        %swap3A_650 = arith.constant 48 : index
        %swap3A_651 = tpu.vector_load %arg13[%swap3A_649, %swap3A_650] {strides = array<i32>} : memref<128x64xf32, #tpu.memory_space<vmem>>, vector<1x16xf32>,
        %swap3A_652 = vector.shape_cast %swap3A_651 : vector<1x16xf32> to vector<16xf32>
        %swap3A_653 = vector.shape_cast %mul3A_648 : vector<16xf32> to vector<1x16xf32>
        tpu.vector_store %arg13[%swap3A_649, %swap3A_650], %swap3A_653 {strides = array<i32>} : memref<128x64xf32, #tpu.memory_space<vmem>>, vector<1x16xf32>,
        %slice3A_654 = vector.extract_strided_slice %get3A_56 {offsets = [12], sizes = [1], strides = [1]} : vector<16xf32> to vector<1xf32>
        %squeeze3A_655 = vector.extract %slice3A_654[0] : f32 from vector<1xf32>
        %mul3A_656 = arith.constant 16 : i32
        %mul3A_657 = arith.muli %scan3A_52, %mul3A_656 : i32
        %add3A_658 = arith.constant 12 : i32
        %add3A_659 = arith.addi %mul3A_657, %add3A_658 : i32
        %get3A_660 = arith.index_cast %add3A_659 : i32 to index
        %get3A_661 = arith.constant 0 : index
        %get3A_662 = tpu.vector_load %arg13[%get3A_660, %get3A_661] {strides = array<i32>} : memref<128x64xf32, #tpu.memory_space<vmem>>, vector<1x16xf32>,
        %get3A_663 = vector.shape_cast %get3A_662 : vector<1x16xf32> to vector<16xf32>
        %mul3A_664 = vector.broadcast %squeeze3A_655 : f32 to vector<16xf32>
        %mul3A_665 = arith.mulf %get3A_663, %mul3A_664 : vector<16xf32>
        %swap3A_666 = arith.index_cast %add3A_659 : i32 to index
        %swap3A_667 = arith.constant 0 : index
        %swap3A_668 = tpu.vector_load %arg13[%swap3A_666, %swap3A_667] {strides = array<i32>} : memref<128x64xf32, #tpu.memory_space<vmem>>, vector<1x16xf32>,
        %swap3A_669 = vector.shape_cast %swap3A_668 : vector<1x16xf32> to vector<16xf32>
        %swap3A_670 = vector.shape_cast %mul3A_665 : vector<16xf32> to vector<1x16xf32>
        tpu.vector_store %arg13[%swap3A_666, %swap3A_667], %swap3A_670 {strides = array<i32>} : memref<128x64xf32, #tpu.memory_space<vmem>>, vector<1x16xf32>,
        %get3A_671 = arith.index_cast %add3A_659 : i32 to index
        %get3A_672 = arith.constant 16 : index
        %get3A_673 = tpu.vector_load %arg13[%get3A_671, %get3A_672] {strides = array<i32>} : memref<128x64xf32, #tpu.memory_space<vmem>>, vector<1x16xf32>,
        %get3A_674 = vector.shape_cast %get3A_673 : vector<1x16xf32> to vector<16xf32>
        %mul3A_675 = vector.broadcast %squeeze3A_655 : f32 to vector<16xf32>
        %mul3A_676 = arith.mulf %get3A_674, %mul3A_675 : vector<16xf32>
        %swap3A_677 = arith.index_cast %add3A_659 : i32 to index
        %swap3A_678 = arith.constant 16 : index
        %swap3A_679 = tpu.vector_load %arg13[%swap3A_677, %swap3A_678] {strides = array<i32>} : memref<128x64xf32, #tpu.memory_space<vmem>>, vector<1x16xf32>,
        %swap3A_680 = vector.shape_cast %swap3A_679 : vector<1x16xf32> to vector<16xf32>
        %swap3A_681 = vector.shape_cast %mul3A_676 : vector<16xf32> to vector<1x16xf32>
        tpu.vector_store %arg13[%swap3A_677, %swap3A_678], %swap3A_681 {strides = array<i32>} : memref<128x64xf32, #tpu.memory_space<vmem>>, vector<1x16xf32>,
        %get3A_682 = arith.index_cast %add3A_659 : i32 to index
        %get3A_683 = arith.constant 32 : index
        %get3A_684 = tpu.vector_load %arg13[%get3A_682, %get3A_683] {strides = array<i32>} : memref<128x64xf32, #tpu.memory_space<vmem>>, vector<1x16xf32>,
        %get3A_685 = vector.shape_cast %get3A_684 : vector<1x16xf32> to vector<16xf32>
        %mul3A_686 = vector.broadcast %squeeze3A_655 : f32 to vector<16xf32>
        %mul3A_687 = arith.mulf %get3A_685, %mul3A_686 : vector<16xf32>
        %swap3A_688 = arith.index_cast %add3A_659 : i32 to index
        %swap3A_689 = arith.constant 32 : index
        %swap3A_690 = tpu.vector_load %arg13[%swap3A_688, %swap3A_689] {strides = array<i32>} : memref<128x64xf32, #tpu.memory_space<vmem>>, vector<1x16xf32>,
        %swap3A_691 = vector.shape_cast %swap3A_690 : vector<1x16xf32> to vector<16xf32>
        %swap3A_692 = vector.shape_cast %mul3A_687 : vector<16xf32> to vector<1x16xf32>
        tpu.vector_store %arg13[%swap3A_688, %swap3A_689], %swap3A_692 {strides = array<i32>} : memref<128x64xf32, #tpu.memory_space<vmem>>, vector<1x16xf32>,
        %get3A_693 = arith.index_cast %add3A_659 : i32 to index
        %get3A_694 = arith.constant 48 : index
        %get3A_695 = tpu.vector_load %arg13[%get3A_693, %get3A_694] {strides = array<i32>} : memref<128x64xf32, #tpu.memory_space<vmem>>, vector<1x16xf32>,
        %get3A_696 = vector.shape_cast %get3A_695 : vector<1x16xf32> to vector<16xf32>
        %mul3A_697 = vector.broadcast %squeeze3A_655 : f32 to vector<16xf32>
        %mul3A_698 = arith.mulf %get3A_696, %mul3A_697 : vector<16xf32>
        %swap3A_699 = arith.index_cast %add3A_659 : i32 to index
        %swap3A_700 = arith.constant 48 : index
        %swap3A_701 = tpu.vector_load %arg13[%swap3A_699, %swap3A_700] {strides = array<i32>} : memref<128x64xf32, #tpu.memory_space<vmem>>, vector<1x16xf32>,
        %swap3A_702 = vector.shape_cast %swap3A_701 : vector<1x16xf32> to vector<16xf32>
        %swap3A_703 = vector.shape_cast %mul3A_698 : vector<16xf32> to vector<1x16xf32>
        tpu.vector_store %arg13[%swap3A_699, %swap3A_700], %swap3A_703 {strides = array<i32>} : memref<128x64xf32, #tpu.memory_space<vmem>>, vector<1x16xf32>,
        %slice3A_704 = vector.extract_strided_slice %get3A_56 {offsets = [13], sizes = [1], strides = [1]} : vector<16xf32> to vector<1xf32>
        %squeeze3A_705 = vector.extract %slice3A_704[0] : f32 from vector<1xf32>
        %mul3A_706 = arith.constant 16 : i32
        %mul3A_707 = arith.muli %scan3A_52, %mul3A_706 : i32
        %add3A_708 = arith.constant 13 : i32
        %add3A_709 = arith.addi %mul3A_707, %add3A_708 : i32
        %get3A_710 = arith.index_cast %add3A_709 : i32 to index
        %get3A_711 = arith.constant 0 : index
        %get3A_712 = tpu.vector_load %arg13[%get3A_710, %get3A_711] {strides = array<i32>} : memref<128x64xf32, #tpu.memory_space<vmem>>, vector<1x16xf32>,
        %get3A_713 = vector.shape_cast %get3A_712 : vector<1x16xf32> to vector<16xf32>
        %mul3A_714 = vector.broadcast %squeeze3A_705 : f32 to vector<16xf32>
        %mul3A_715 = arith.mulf %get3A_713, %mul3A_714 : vector<16xf32>
        %swap3A_716 = arith.index_cast %add3A_709 : i32 to index
        %swap3A_717 = arith.constant 0 : index
        %swap3A_718 = tpu.vector_load %arg13[%swap3A_716, %swap3A_717] {strides = array<i32>} : memref<128x64xf32, #tpu.memory_space<vmem>>, vector<1x16xf32>,
        %swap3A_719 = vector.shape_cast %swap3A_718 : vector<1x16xf32> to vector<16xf32>
        %swap3A_720 = vector.shape_cast %mul3A_715 : vector<16xf32> to vector<1x16xf32>
        tpu.vector_store %arg13[%swap3A_716, %swap3A_717], %swap3A_720 {strides = array<i32>} : memref<128x64xf32, #tpu.memory_space<vmem>>, vector<1x16xf32>,
        %get3A_721 = arith.index_cast %add3A_709 : i32 to index
        %get3A_722 = arith.constant 16 : index
        %get3A_723 = tpu.vector_load %arg13[%get3A_721, %get3A_722] {strides = array<i32>} : memref<128x64xf32, #tpu.memory_space<vmem>>, vector<1x16xf32>,
        %get3A_724 = vector.shape_cast %get3A_723 : vector<1x16xf32> to vector<16xf32>
        %mul3A_725 = vector.broadcast %squeeze3A_705 : f32 to vector<16xf32>
        %mul3A_726 = arith.mulf %get3A_724, %mul3A_725 : vector<16xf32>
        %swap3A_727 = arith.index_cast %add3A_709 : i32 to index
        %swap3A_728 = arith.constant 16 : index
        %swap3A_729 = tpu.vector_load %arg13[%swap3A_727, %swap3A_728] {strides = array<i32>} : memref<128x64xf32, #tpu.memory_space<vmem>>, vector<1x16xf32>,
        %swap3A_730 = vector.shape_cast %swap3A_729 : vector<1x16xf32> to vector<16xf32>
        %swap3A_731 = vector.shape_cast %mul3A_726 : vector<16xf32> to vector<1x16xf32>
        tpu.vector_store %arg13[%swap3A_727, %swap3A_728], %swap3A_731 {strides = array<i32>} : memref<128x64xf32, #tpu.memory_space<vmem>>, vector<1x16xf32>,
        %get3A_732 = arith.index_cast %add3A_709 : i32 to index
        %get3A_733 = arith.constant 32 : index
        %get3A_734 = tpu.vector_load %arg13[%get3A_732, %get3A_733] {strides = array<i32>} : memref<128x64xf32, #tpu.memory_space<vmem>>, vector<1x16xf32>,
        %get3A_735 = vector.shape_cast %get3A_734 : vector<1x16xf32> to vector<16xf32>
        %mul3A_736 = vector.broadcast %squeeze3A_705 : f32 to vector<16xf32>
        %mul3A_737 = arith.mulf %get3A_735, %mul3A_736 : vector<16xf32>
        %swap3A_738 = arith.index_cast %add3A_709 : i32 to index
        %swap3A_739 = arith.constant 32 : index
        %swap3A_740 = tpu.vector_load %arg13[%swap3A_738, %swap3A_739] {strides = array<i32>} : memref<128x64xf32, #tpu.memory_space<vmem>>, vector<1x16xf32>,
        %swap3A_741 = vector.shape_cast %swap3A_740 : vector<1x16xf32> to vector<16xf32>
        %swap3A_742 = vector.shape_cast %mul3A_737 : vector<16xf32> to vector<1x16xf32>
        tpu.vector_store %arg13[%swap3A_738, %swap3A_739], %swap3A_742 {strides = array<i32>} : memref<128x64xf32, #tpu.memory_space<vmem>>, vector<1x16xf32>,
        %get3A_743 = arith.index_cast %add3A_709 : i32 to index
        %get3A_744 = arith.constant 48 : index
        %get3A_745 = tpu.vector_load %arg13[%get3A_743, %get3A_744] {strides = array<i32>} : memref<128x64xf32, #tpu.memory_space<vmem>>, vector<1x16xf32>,
        %get3A_746 = vector.shape_cast %get3A_745 : vector<1x16xf32> to vector<16xf32>
        %mul3A_747 = vector.broadcast %squeeze3A_705 : f32 to vector<16xf32>
        %mul3A_748 = arith.mulf %get3A_746, %mul3A_747 : vector<16xf32>
        %swap3A_749 = arith.index_cast %add3A_709 : i32 to index
        %swap3A_750 = arith.constant 48 : index
        %swap3A_751 = tpu.vector_load %arg13[%swap3A_749, %swap3A_750] {strides = array<i32>} : memref<128x64xf32, #tpu.memory_space<vmem>>, vector<1x16xf32>,
        %swap3A_752 = vector.shape_cast %swap3A_751 : vector<1x16xf32> to vector<16xf32>
        %swap3A_753 = vector.shape_cast %mul3A_748 : vector<16xf32> to vector<1x16xf32>
        tpu.vector_store %arg13[%swap3A_749, %swap3A_750], %swap3A_753 {strides = array<i32>} : memref<128x64xf32, #tpu.memory_space<vmem>>, vector<1x16xf32>,
        %slice3A_754 = vector.extract_strided_slice %get3A_56 {offsets = [14], sizes = [1], strides = [1]} : vector<16xf32> to vector<1xf32>
        %squeeze3A_755 = vector.extract %slice3A_754[0] : f32 from vector<1xf32>
        %mul3A_756 = arith.constant 16 : i32
        %mul3A_757 = arith.muli %scan3A_52, %mul3A_756 : i32
        %add3A_758 = arith.constant 14 : i32
        %add3A_759 = arith.addi %mul3A_757, %add3A_758 : i32
        %get3A_760 = arith.index_cast %add3A_759 : i32 to index
        %get3A_761 = arith.constant 0 : index
        %get3A_762 = tpu.vector_load %arg13[%get3A_760, %get3A_761] {strides = array<i32>} : memref<128x64xf32, #tpu.memory_space<vmem>>, vector<1x16xf32>,
        %get3A_763 = vector.shape_cast %get3A_762 : vector<1x16xf32> to vector<16xf32>
        %mul3A_764 = vector.broadcast %squeeze3A_755 : f32 to vector<16xf32>
        %mul3A_765 = arith.mulf %get3A_763, %mul3A_764 : vector<16xf32>
        %swap3A_766 = arith.index_cast %add3A_759 : i32 to index
        %swap3A_767 = arith.constant 0 : index
        %swap3A_768 = tpu.vector_load %arg13[%swap3A_766, %swap3A_767] {strides = array<i32>} : memref<128x64xf32, #tpu.memory_space<vmem>>, vector<1x16xf32>,
        %swap3A_769 = vector.shape_cast %swap3A_768 : vector<1x16xf32> to vector<16xf32>
        %swap3A_770 = vector.shape_cast %mul3A_765 : vector<16xf32> to vector<1x16xf32>
        tpu.vector_store %arg13[%swap3A_766, %swap3A_767], %swap3A_770 {strides = array<i32>} : memref<128x64xf32, #tpu.memory_space<vmem>>, vector<1x16xf32>,
        %get3A_771 = arith.index_cast %add3A_759 : i32 to index
        %get3A_772 = arith.constant 16 : index
        %get3A_773 = tpu.vector_load %arg13[%get3A_771, %get3A_772] {strides = array<i32>} : memref<128x64xf32, #tpu.memory_space<vmem>>, vector<1x16xf32>,
        %get3A_774 = vector.shape_cast %get3A_773 : vector<1x16xf32> to vector<16xf32>
        %mul3A_775 = vector.broadcast %squeeze3A_755 : f32 to vector<16xf32>
        %mul3A_776 = arith.mulf %get3A_774, %mul3A_775 : vector<16xf32>
        %swap3A_777 = arith.index_cast %add3A_759 : i32 to index
        %swap3A_778 = arith.constant 16 : index
        %swap3A_779 = tpu.vector_load %arg13[%swap3A_777, %swap3A_778] {strides = array<i32>} : memref<128x64xf32, #tpu.memory_space<vmem>>, vector<1x16xf32>,
        %swap3A_780 = vector.shape_cast %swap3A_779 : vector<1x16xf32> to vector<16xf32>
        %swap3A_781 = vector.shape_cast %mul3A_776 : vector<16xf32> to vector<1x16xf32>
        tpu.vector_store %arg13[%swap3A_777, %swap3A_778], %swap3A_781 {strides = array<i32>} : memref<128x64xf32, #tpu.memory_space<vmem>>, vector<1x16xf32>,
        %get3A_782 = arith.index_cast %add3A_759 : i32 to index
        %get3A_783 = arith.constant 32 : index
        %get3A_784 = tpu.vector_load %arg13[%get3A_782, %get3A_783] {strides = array<i32>} : memref<128x64xf32, #tpu.memory_space<vmem>>, vector<1x16xf32>,
        %get3A_785 = vector.shape_cast %get3A_784 : vector<1x16xf32> to vector<16xf32>
        %mul3A_786 = vector.broadcast %squeeze3A_755 : f32 to vector<16xf32>
        %mul3A_787 = arith.mulf %get3A_785, %mul3A_786 : vector<16xf32>
        %swap3A_788 = arith.index_cast %add3A_759 : i32 to index
        %swap3A_789 = arith.constant 32 : index
        %swap3A_790 = tpu.vector_load %arg13[%swap3A_788, %swap3A_789] {strides = array<i32>} : memref<128x64xf32, #tpu.memory_space<vmem>>, vector<1x16xf32>,
        %swap3A_791 = vector.shape_cast %swap3A_790 : vector<1x16xf32> to vector<16xf32>
        %swap3A_792 = vector.shape_cast %mul3A_787 : vector<16xf32> to vector<1x16xf32>
        tpu.vector_store %arg13[%swap3A_788, %swap3A_789], %swap3A_792 {strides = array<i32>} : memref<128x64xf32, #tpu.memory_space<vmem>>, vector<1x16xf32>,
        %get3A_793 = arith.index_cast %add3A_759 : i32 to index
        %get3A_794 = arith.constant 48 : index
        %get3A_795 = tpu.vector_load %arg13[%get3A_793, %get3A_794] {strides = array<i32>} : memref<128x64xf32, #tpu.memory_space<vmem>>, vector<1x16xf32>,
        %get3A_796 = vector.shape_cast %get3A_795 : vector<1x16xf32> to vector<16xf32>
        %mul3A_797 = vector.broadcast %squeeze3A_755 : f32 to vector<16xf32>
        %mul3A_798 = arith.mulf %get3A_796, %mul3A_797 : vector<16xf32>
        %swap3A_799 = arith.index_cast %add3A_759 : i32 to index
        %swap3A_800 = arith.constant 48 : index
        %swap3A_801 = tpu.vector_load %arg13[%swap3A_799, %swap3A_800] {strides = array<i32>} : memref<128x64xf32, #tpu.memory_space<vmem>>, vector<1x16xf32>,
        %swap3A_802 = vector.shape_cast %swap3A_801 : vector<1x16xf32> to vector<16xf32>
        %swap3A_803 = vector.shape_cast %mul3A_798 : vector<16xf32> to vector<1x16xf32>
        tpu.vector_store %arg13[%swap3A_799, %swap3A_800], %swap3A_803 {strides = array<i32>} : memref<128x64xf32, #tpu.memory_space<vmem>>, vector<1x16xf32>,
        %slice3A_804 = vector.extract_strided_slice %get3A_56 {offsets = [15], sizes = [1], strides = [1]} : vector<16xf32> to vector<1xf32>
        %squeeze3A_805 = vector.extract %slice3A_804[0] : f32 from vector<1xf32>
        %mul3A_806 = arith.constant 16 : i32
        %mul3A_807 = arith.muli %scan3A_52, %mul3A_806 : i32
        %add3A_808 = arith.constant 15 : i32
        %add3A_809 = arith.addi %mul3A_807, %add3A_808 : i32
        %get3A_810 = arith.index_cast %add3A_809 : i32 to index
        %get3A_811 = arith.constant 0 : index
        %get3A_812 = tpu.vector_load %arg13[%get3A_810, %get3A_811] {strides = array<i32>} : memref<128x64xf32, #tpu.memory_space<vmem>>, vector<1x16xf32>,
        %get3A_813 = vector.shape_cast %get3A_812 : vector<1x16xf32> to vector<16xf32>
        %mul3A_814 = vector.broadcast %squeeze3A_805 : f32 to vector<16xf32>
        %mul3A_815 = arith.mulf %get3A_813, %mul3A_814 : vector<16xf32>
        %swap3A_816 = arith.index_cast %add3A_809 : i32 to index
        %swap3A_817 = arith.constant 0 : index
        %swap3A_818 = tpu.vector_load %arg13[%swap3A_816, %swap3A_817] {strides = array<i32>} : memref<128x64xf32, #tpu.memory_space<vmem>>, vector<1x16xf32>,
        %swap3A_819 = vector.shape_cast %swap3A_818 : vector<1x16xf32> to vector<16xf32>
        %swap3A_820 = vector.shape_cast %mul3A_815 : vector<16xf32> to vector<1x16xf32>
        tpu.vector_store %arg13[%swap3A_816, %swap3A_817], %swap3A_820 {strides = array<i32>} : memref<128x64xf32, #tpu.memory_space<vmem>>, vector<1x16xf32>,
        %get3A_821 = arith.index_cast %add3A_809 : i32 to index
        %get3A_822 = arith.constant 16 : index
        %get3A_823 = tpu.vector_load %arg13[%get3A_821, %get3A_822] {strides = array<i32>} : memref<128x64xf32, #tpu.memory_space<vmem>>, vector<1x16xf32>,
        %get3A_824 = vector.shape_cast %get3A_823 : vector<1x16xf32> to vector<16xf32>
        %mul3A_825 = vector.broadcast %squeeze3A_805 : f32 to vector<16xf32>
        %mul3A_826 = arith.mulf %get3A_824, %mul3A_825 : vector<16xf32>
        %swap3A_827 = arith.index_cast %add3A_809 : i32 to index
        %swap3A_828 = arith.constant 16 : index
        %swap3A_829 = tpu.vector_load %arg13[%swap3A_827, %swap3A_828] {strides = array<i32>} : memref<128x64xf32, #tpu.memory_space<vmem>>, vector<1x16xf32>,
        %swap3A_830 = vector.shape_cast %swap3A_829 : vector<1x16xf32> to vector<16xf32>
        %swap3A_831 = vector.shape_cast %mul3A_826 : vector<16xf32> to vector<1x16xf32>
        tpu.vector_store %arg13[%swap3A_827, %swap3A_828], %swap3A_831 {strides = array<i32>} : memref<128x64xf32, #tpu.memory_space<vmem>>, vector<1x16xf32>,
        %get3A_832 = arith.index_cast %add3A_809 : i32 to index
        %get3A_833 = arith.constant 32 : index
        %get3A_834 = tpu.vector_load %arg13[%get3A_832, %get3A_833] {strides = array<i32>} : memref<128x64xf32, #tpu.memory_space<vmem>>, vector<1x16xf32>,
        %get3A_835 = vector.shape_cast %get3A_834 : vector<1x16xf32> to vector<16xf32>
        %mul3A_836 = vector.broadcast %squeeze3A_805 : f32 to vector<16xf32>
        %mul3A_837 = arith.mulf %get3A_835, %mul3A_836 : vector<16xf32>
        %swap3A_838 = arith.index_cast %add3A_809 : i32 to index
        %swap3A_839 = arith.constant 32 : index
        %swap3A_840 = tpu.vector_load %arg13[%swap3A_838, %swap3A_839] {strides = array<i32>} : memref<128x64xf32, #tpu.memory_space<vmem>>, vector<1x16xf32>,
        %swap3A_841 = vector.shape_cast %swap3A_840 : vector<1x16xf32> to vector<16xf32>
        %swap3A_842 = vector.shape_cast %mul3A_837 : vector<16xf32> to vector<1x16xf32>
        tpu.vector_store %arg13[%swap3A_838, %swap3A_839], %swap3A_842 {strides = array<i32>} : memref<128x64xf32, #tpu.memory_space<vmem>>, vector<1x16xf32>,
        %get3A_843 = arith.index_cast %add3A_809 : i32 to index
        %get3A_844 = arith.constant 48 : index
        %get3A_845 = tpu.vector_load %arg13[%get3A_843, %get3A_844] {strides = array<i32>} : memref<128x64xf32, #tpu.memory_space<vmem>>, vector<1x16xf32>,
        %get3A_846 = vector.shape_cast %get3A_845 : vector<1x16xf32> to vector<16xf32>
        %mul3A_847 = vector.broadcast %squeeze3A_805 : f32 to vector<16xf32>
        %mul3A_848 = arith.mulf %get3A_846, %mul3A_847 : vector<16xf32>
        %swap3A_849 = arith.index_cast %add3A_809 : i32 to index
        %swap3A_850 = arith.constant 48 : index
        %swap3A_851 = tpu.vector_load %arg13[%swap3A_849, %swap3A_850] {strides = array<i32>} : memref<128x64xf32, #tpu.memory_space<vmem>>, vector<1x16xf32>,
        %swap3A_852 = vector.shape_cast %swap3A_851 : vector<1x16xf32> to vector<16xf32>
        %swap3A_853 = vector.shape_cast %mul3A_848 : vector<16xf32> to vector<1x16xf32>
        tpu.vector_store %arg13[%swap3A_849, %swap3A_850], %swap3A_853 {strides = array<i32>} : memref<128x64xf32, #tpu.memory_space<vmem>>, vector<1x16xf32>,
      }
      %scan3A_51 = arith.constant 8 : i32
      "tpu.region"() ({
        %run_scoped3A = tpu.sem_alloc : memref<!tpu.dma_semaphore, #tpu.memory_space<semaphore_mem>>
        %dma_start3A_52 = arith.constant 0 : i32
        %dma_start3A_53 = arith.constant 0 : i32
        %dma_start3A_54 = tpu.memref_slice %arg8[%dma_start3A_52, %dma_start3A_53] : memref<10240x64xf32, #tpu.memory_space<vmem_shared>> -> memref<10240x64xf32, #tpu.memory_space<vmem_shared>>
        tpu.enqueue_indirect_dma source(%arg13 : memref<128x64xf32, #tpu.memory_space<vmem>>) target(%dma_start3A_54 : memref<10240x64xf32, #tpu.memory_space<vmem_shared>>) offsets(%arg11 : memref<128xi32, #tpu.memory_space<vmem>>) semaphore(%run_scoped3A : memref<!tpu.dma_semaphore, #tpu.memory_space<semaphore_mem>>) {add = true}
        %dma_wait3A_55 = arith.constant 0 : i32
        %dma_wait3A_56 = arith.constant 0 : i32
        %dma_wait3A_57 = tpu.memref_slice %arg8[%dma_wait3A_55, %dma_wait3A_56] : memref<10240x64xf32, #tpu.memory_space<vmem_shared>> -> memref<10240x64xf32, #tpu.memory_space<vmem_shared>>
        tpu.wait_indirect_dma semaphore(%run_scoped3A : memref<!tpu.dma_semaphore, #tpu.memory_space<semaphore_mem>>) src(%arg13 : memref<128x64xf32, #tpu.memory_space<vmem>>) dst(%dma_wait3A_57 : memref<10240x64xf32, #tpu.memory_space<vmem_shared>>)
        tpu.yield
      }) : () -> ()
    }
    %scan3A_29 = arith.constant 79 : i32
    %barrier3A_30 = arith.constant 0 : index
    tpu.barrier barrier_id(%barrier3A_30)
    %mul3A_31 = arith.constant 640 : i32
    %mul3A_32 = arith.muli %arg1, %mul3A_31 : i32
    %mul3A_33 = arith.constant 640 : i32
    %mul3A_34 = arith.muli %arg1, %mul3A_33 : i32
    "tpu.region"() ({
      %run_scoped3A = tpu.sem_alloc : memref<!tpu.dma_semaphore, #tpu.memory_space<semaphore_mem>>
      %dma_start3A = arith.constant 0 : i32
      %dma_start3A_35 = tpu.memref_slice %arg7[%arg0, %mul3A_34, %dma_start3A] : memref<2x10240x64xf32, #tpu.memory_space<hbm>> -> memref<1x640x64xf32, #tpu.memory_space<hbm>>
      %dma_start3A_36 = tpu.memref_squeeze %dma_start3A_35 : memref<1x640x64xf32, #tpu.memory_space<hbm>> -> memref<640x64xf32, #tpu.memory_space<hbm>>
      %dma_start3A_37 = arith.constant 0 : i32
      %dma_start3A_38 = tpu.memref_slice %arg8[%mul3A_32, %dma_start3A_37] : memref<10240x64xf32, #tpu.memory_space<vmem_shared>> -> memref<640x64xf32, #tpu.memory_space<vmem_shared>>
      tpu.enqueue_dma source(%dma_start3A_38 : memref<640x64xf32, #tpu.memory_space<vmem_shared>>) target(%dma_start3A_36 : memref<640x64xf32, #tpu.memory_space<hbm>>) target_semaphore(%run_scoped3A : memref<!tpu.dma_semaphore, #tpu.memory_space<semaphore_mem>>)
      %dma_wait3A = arith.constant 0 : i32
      %dma_wait3A_39 = tpu.memref_slice %arg7[%arg0, %mul3A_34, %dma_wait3A] : memref<2x10240x64xf32, #tpu.memory_space<hbm>> -> memref<1x640x64xf32, #tpu.memory_space<hbm>>
      %dma_wait3A_40 = tpu.memref_squeeze %dma_wait3A_39 : memref<1x640x64xf32, #tpu.memory_space<hbm>> -> memref<640x64xf32, #tpu.memory_space<hbm>>
      %dma_wait3A_41 = arith.constant 0 : i32
      %dma_wait3A_42 = tpu.memref_slice %arg8[%mul3A_32, %dma_wait3A_41] : memref<10240x64xf32, #tpu.memory_space<vmem_shared>> -> memref<640x64xf32, #tpu.memory_space<vmem_shared>>
      tpu.wait_dma2 semaphore(%run_scoped3A : memref<!tpu.dma_semaphore, #tpu.memory_space<semaphore_mem>>) src(%dma_wait3A_42 : memref<640x64xf32, #tpu.memory_space<vmem_shared>>) dst(%dma_wait3A_40 : memref<640x64xf32, #tpu.memory_space<hbm>>)
      tpu.yield
    }) : () -> ()
    return
  }
}

#map = affine_map<(d0, d1) -> (0, 0)>
#map1 = affine_map<(d0, d1) -> (0)>
#map2 = affine_map<(d0, d1) -> (0, 0, 0)>
module attributes {stable_mosaic.version = 14 : i64} {
  func.func @_agg_body(%arg0: i32, %arg1: i32, %arg2: memref<100000x64xf32, #tpu.memory_space<hbm>>, %arg3: memref<2528x128xi32, #tpu.memory_space<hbm>>, %arg4: memref<2528x128xi32, #tpu.memory_space<hbm>>, %arg5: memref<2528x128xi32, #tpu.memory_space<hbm>>, %arg6: memref<100352xf32, #tpu.memory_space<hbm>>, %arg7: memref<2x10240x64xf32, #tpu.memory_space<hbm>>, %arg8: memref<10240x64xf32, #tpu.memory_space<vmem_shared>>, %arg9: memref<128xi32, #tpu.memory_space<vmem>>, %arg10: memref<128xi32, #tpu.memory_space<vmem>>, %arg11: memref<128xi32, #tpu.memory_space<vmem>>, %arg12: memref<128xf32, #tpu.memory_space<vmem>>, %arg13: memref<128x64xf32, #tpu.memory_space<vmem>>, %arg14: memref<!tpu.dma_semaphore, #tpu.memory_space<semaphore_mem>>, %arg15: memref<!tpu.dma_semaphore, #tpu.memory_space<semaphore_mem>>) attributes {dimension_semantics = [#tpu.dimension_semantics<core_parallel>, #tpu.dimension_semantics<subcore_parallel>], iteration_bounds = array<i64: 2, 16>, scalar_prefetch = 0 : i64, scratch_operands = 8 : i64, tpu.core_type = #tpu.core_type<sc_vector_subcore>, window_params = [{transform_indices = #map}, {transform_indices = #map}, {transform_indices = #map}, {transform_indices = #map}, {transform_indices = #map1}, {transform_indices = #map2}]} {
    %mul3A = arith.constant 2 : i32
    %mul3A_0 = arith.muli %arg1, %mul3A : i32
    %add3A = arith.addi %mul3A_0, %arg0 : i32
    %scan3A = arith.constant 0 : i32
    %scan3A_1 = arith.constant 128 : i32
    %scan3A_2 = arith.addi %scan3A, %scan3A_1 : i32
    %scan3A_3 = arith.constant 1 : i32
    scf.for %scan3A_35 = %scan3A to %scan3A_2 step %scan3A_3  : i32 {
      %broadcast_in_dim3A = arith.constant 0.000000e+00 : f32
      %broadcast_in_dim3A_36 = vector.broadcast %broadcast_in_dim3A : f32 to vector<16xf32>
      %swap3A = arith.index_cast %scan3A_35 : i32 to index
      %swap3A_37 = arith.constant 0 : index
      %swap3A_38 = tpu.vector_load %arg13[%swap3A, %swap3A_37] {strides = array<i32>} : memref<128x64xf32, #tpu.memory_space<vmem>>, vector<1x16xf32>,
      %swap3A_39 = vector.shape_cast %swap3A_38 : vector<1x16xf32> to vector<16xf32>
      %swap3A_40 = vector.shape_cast %broadcast_in_dim3A_36 : vector<16xf32> to vector<1x16xf32>
      tpu.vector_store %arg13[%swap3A, %swap3A_37], %swap3A_40 {strides = array<i32>} : memref<128x64xf32, #tpu.memory_space<vmem>>, vector<1x16xf32>,
      %broadcast_in_dim3A_41 = arith.constant 0.000000e+00 : f32
      %broadcast_in_dim3A_42 = vector.broadcast %broadcast_in_dim3A_41 : f32 to vector<16xf32>
      %swap3A_43 = arith.index_cast %scan3A_35 : i32 to index
      %swap3A_44 = arith.constant 16 : index
      %swap3A_45 = tpu.vector_load %arg13[%swap3A_43, %swap3A_44] {strides = array<i32>} : memref<128x64xf32, #tpu.memory_space<vmem>>, vector<1x16xf32>,
      %swap3A_46 = vector.shape_cast %swap3A_45 : vector<1x16xf32> to vector<16xf32>
      %swap3A_47 = vector.shape_cast %broadcast_in_dim3A_42 : vector<16xf32> to vector<1x16xf32>
      tpu.vector_store %arg13[%swap3A_43, %swap3A_44], %swap3A_47 {strides = array<i32>} : memref<128x64xf32, #tpu.memory_space<vmem>>, vector<1x16xf32>,
      %broadcast_in_dim3A_48 = arith.constant 0.000000e+00 : f32
      %broadcast_in_dim3A_49 = vector.broadcast %broadcast_in_dim3A_48 : f32 to vector<16xf32>
      %swap3A_50 = arith.index_cast %scan3A_35 : i32 to index
      %swap3A_51 = arith.constant 32 : index
      %swap3A_52 = tpu.vector_load %arg13[%swap3A_50, %swap3A_51] {strides = array<i32>} : memref<128x64xf32, #tpu.memory_space<vmem>>, vector<1x16xf32>,
      %swap3A_53 = vector.shape_cast %swap3A_52 : vector<1x16xf32> to vector<16xf32>
      %swap3A_54 = vector.shape_cast %broadcast_in_dim3A_49 : vector<16xf32> to vector<1x16xf32>
      tpu.vector_store %arg13[%swap3A_50, %swap3A_51], %swap3A_54 {strides = array<i32>} : memref<128x64xf32, #tpu.memory_space<vmem>>, vector<1x16xf32>,
      %broadcast_in_dim3A_55 = arith.constant 0.000000e+00 : f32
      %broadcast_in_dim3A_56 = vector.broadcast %broadcast_in_dim3A_55 : f32 to vector<16xf32>
      %swap3A_57 = arith.index_cast %scan3A_35 : i32 to index
      %swap3A_58 = arith.constant 48 : index
      %swap3A_59 = tpu.vector_load %arg13[%swap3A_57, %swap3A_58] {strides = array<i32>} : memref<128x64xf32, #tpu.memory_space<vmem>>, vector<1x16xf32>,
      %swap3A_60 = vector.shape_cast %swap3A_59 : vector<1x16xf32> to vector<16xf32>
      %swap3A_61 = vector.shape_cast %broadcast_in_dim3A_56 : vector<16xf32> to vector<1x16xf32>
      tpu.vector_store %arg13[%swap3A_57, %swap3A_58], %swap3A_61 {strides = array<i32>} : memref<128x64xf32, #tpu.memory_space<vmem>>, vector<1x16xf32>,
    }
    %scan3A_4 = arith.constant 128 : i32
    %mul3A_5 = arith.constant 640 : i32
    %mul3A_6 = arith.muli %arg1, %mul3A_5 : i32
    %add3A_7 = arith.constant 0 : i32
    %add3A_8 = arith.addi %mul3A_6, %add3A_7 : i32
    "tpu.region"() ({
      %run_scoped3A = tpu.sem_alloc : memref<!tpu.dma_semaphore, #tpu.memory_space<semaphore_mem>>
      %dma_start3A = arith.constant 0 : i32
      %dma_start3A_35 = tpu.memref_slice %arg8[%add3A_8, %dma_start3A] : memref<10240x64xf32, #tpu.memory_space<vmem_shared>> -> memref<128x64xf32, #tpu.memory_space<vmem_shared>>
      %dma_start3A_36 = arith.constant 0 : i32
      %dma_start3A_37 = tpu.memref_slice %arg8[%add3A_8, %dma_start3A_36] : memref<10240x64xf32, #tpu.memory_space<vmem_shared>> -> memref<128x64xf32, #tpu.memory_space<vmem_shared>>
      tpu.enqueue_dma source(%arg13 : memref<128x64xf32, #tpu.memory_space<vmem>>) target(%dma_start3A_37 : memref<128x64xf32, #tpu.memory_space<vmem_shared>>) target_semaphore(%run_scoped3A : memref<!tpu.dma_semaphore, #tpu.memory_space<semaphore_mem>>)
      %dma_wait3A = arith.constant 0 : i32
      %dma_wait3A_38 = tpu.memref_slice %arg8[%add3A_8, %dma_wait3A] : memref<10240x64xf32, #tpu.memory_space<vmem_shared>> -> memref<128x64xf32, #tpu.memory_space<vmem_shared>>
      %dma_wait3A_39 = arith.constant 0 : i32
      %dma_wait3A_40 = tpu.memref_slice %arg8[%add3A_8, %dma_wait3A_39] : memref<10240x64xf32, #tpu.memory_space<vmem_shared>> -> memref<128x64xf32, #tpu.memory_space<vmem_shared>>
      tpu.wait_dma2 semaphore(%run_scoped3A : memref<!tpu.dma_semaphore, #tpu.memory_space<semaphore_mem>>) src(%arg13 : memref<128x64xf32, #tpu.memory_space<vmem>>) dst(%dma_wait3A_40 : memref<128x64xf32, #tpu.memory_space<vmem_shared>>)
      tpu.yield
    }) : () -> ()
    %mul3A_9 = arith.constant 640 : i32
    %mul3A_10 = arith.muli %arg1, %mul3A_9 : i32
    %add3A_11 = arith.constant 128 : i32
    %add3A_12 = arith.addi %mul3A_10, %add3A_11 : i32
    "tpu.region"() ({
      %run_scoped3A = tpu.sem_alloc : memref<!tpu.dma_semaphore, #tpu.memory_space<semaphore_mem>>
      %dma_start3A = arith.constant 0 : i32
      %dma_start3A_35 = tpu.memref_slice %arg8[%add3A_12, %dma_start3A] : memref<10240x64xf32, #tpu.memory_space<vmem_shared>> -> memref<128x64xf32, #tpu.memory_space<vmem_shared>>
      %dma_start3A_36 = arith.constant 0 : i32
      %dma_start3A_37 = tpu.memref_slice %arg8[%add3A_12, %dma_start3A_36] : memref<10240x64xf32, #tpu.memory_space<vmem_shared>> -> memref<128x64xf32, #tpu.memory_space<vmem_shared>>
      tpu.enqueue_dma source(%arg13 : memref<128x64xf32, #tpu.memory_space<vmem>>) target(%dma_start3A_37 : memref<128x64xf32, #tpu.memory_space<vmem_shared>>) target_semaphore(%run_scoped3A : memref<!tpu.dma_semaphore, #tpu.memory_space<semaphore_mem>>)
      %dma_wait3A = arith.constant 0 : i32
      %dma_wait3A_38 = tpu.memref_slice %arg8[%add3A_12, %dma_wait3A] : memref<10240x64xf32, #tpu.memory_space<vmem_shared>> -> memref<128x64xf32, #tpu.memory_space<vmem_shared>>
      %dma_wait3A_39 = arith.constant 0 : i32
      %dma_wait3A_40 = tpu.memref_slice %arg8[%add3A_12, %dma_wait3A_39] : memref<10240x64xf32, #tpu.memory_space<vmem_shared>> -> memref<128x64xf32, #tpu.memory_space<vmem_shared>>
      tpu.wait_dma2 semaphore(%run_scoped3A : memref<!tpu.dma_semaphore, #tpu.memory_space<semaphore_mem>>) src(%arg13 : memref<128x64xf32, #tpu.memory_space<vmem>>) dst(%dma_wait3A_40 : memref<128x64xf32, #tpu.memory_space<vmem_shared>>)
      tpu.yield
    }) : () -> ()
    %mul3A_13 = arith.constant 640 : i32
    %mul3A_14 = arith.muli %arg1, %mul3A_13 : i32
    %add3A_15 = arith.constant 256 : i32
    %add3A_16 = arith.addi %mul3A_14, %add3A_15 : i32
    "tpu.region"() ({
      %run_scoped3A = tpu.sem_alloc : memref<!tpu.dma_semaphore, #tpu.memory_space<semaphore_mem>>
      %dma_start3A = arith.constant 0 : i32
      %dma_start3A_35 = tpu.memref_slice %arg8[%add3A_16, %dma_start3A] : memref<10240x64xf32, #tpu.memory_space<vmem_shared>> -> memref<128x64xf32, #tpu.memory_space<vmem_shared>>
      %dma_start3A_36 = arith.constant 0 : i32
      %dma_start3A_37 = tpu.memref_slice %arg8[%add3A_16, %dma_start3A_36] : memref<10240x64xf32, #tpu.memory_space<vmem_shared>> -> memref<128x64xf32, #tpu.memory_space<vmem_shared>>
      tpu.enqueue_dma source(%arg13 : memref<128x64xf32, #tpu.memory_space<vmem>>) target(%dma_start3A_37 : memref<128x64xf32, #tpu.memory_space<vmem_shared>>) target_semaphore(%run_scoped3A : memref<!tpu.dma_semaphore, #tpu.memory_space<semaphore_mem>>)
      %dma_wait3A = arith.constant 0 : i32
      %dma_wait3A_38 = tpu.memref_slice %arg8[%add3A_16, %dma_wait3A] : memref<10240x64xf32, #tpu.memory_space<vmem_shared>> -> memref<128x64xf32, #tpu.memory_space<vmem_shared>>
      %dma_wait3A_39 = arith.constant 0 : i32
      %dma_wait3A_40 = tpu.memref_slice %arg8[%add3A_16, %dma_wait3A_39] : memref<10240x64xf32, #tpu.memory_space<vmem_shared>> -> memref<128x64xf32, #tpu.memory_space<vmem_shared>>
      tpu.wait_dma2 semaphore(%run_scoped3A : memref<!tpu.dma_semaphore, #tpu.memory_space<semaphore_mem>>) src(%arg13 : memref<128x64xf32, #tpu.memory_space<vmem>>) dst(%dma_wait3A_40 : memref<128x64xf32, #tpu.memory_space<vmem_shared>>)
      tpu.yield
    }) : () -> ()
    %mul3A_17 = arith.constant 640 : i32
    %mul3A_18 = arith.muli %arg1, %mul3A_17 : i32
    %add3A_19 = arith.constant 384 : i32
    %add3A_20 = arith.addi %mul3A_18, %add3A_19 : i32
    "tpu.region"() ({
      %run_scoped3A = tpu.sem_alloc : memref<!tpu.dma_semaphore, #tpu.memory_space<semaphore_mem>>
      %dma_start3A = arith.constant 0 : i32
      %dma_start3A_35 = tpu.memref_slice %arg8[%add3A_20, %dma_start3A] : memref<10240x64xf32, #tpu.memory_space<vmem_shared>> -> memref<128x64xf32, #tpu.memory_space<vmem_shared>>
      %dma_start3A_36 = arith.constant 0 : i32
      %dma_start3A_37 = tpu.memref_slice %arg8[%add3A_20, %dma_start3A_36] : memref<10240x64xf32, #tpu.memory_space<vmem_shared>> -> memref<128x64xf32, #tpu.memory_space<vmem_shared>>
      tpu.enqueue_dma source(%arg13 : memref<128x64xf32, #tpu.memory_space<vmem>>) target(%dma_start3A_37 : memref<128x64xf32, #tpu.memory_space<vmem_shared>>) target_semaphore(%run_scoped3A : memref<!tpu.dma_semaphore, #tpu.memory_space<semaphore_mem>>)
      %dma_wait3A = arith.constant 0 : i32
      %dma_wait3A_38 = tpu.memref_slice %arg8[%add3A_20, %dma_wait3A] : memref<10240x64xf32, #tpu.memory_space<vmem_shared>> -> memref<128x64xf32, #tpu.memory_space<vmem_shared>>
      %dma_wait3A_39 = arith.constant 0 : i32
      %dma_wait3A_40 = tpu.memref_slice %arg8[%add3A_20, %dma_wait3A_39] : memref<10240x64xf32, #tpu.memory_space<vmem_shared>> -> memref<128x64xf32, #tpu.memory_space<vmem_shared>>
      tpu.wait_dma2 semaphore(%run_scoped3A : memref<!tpu.dma_semaphore, #tpu.memory_space<semaphore_mem>>) src(%arg13 : memref<128x64xf32, #tpu.memory_space<vmem>>) dst(%dma_wait3A_40 : memref<128x64xf32, #tpu.memory_space<vmem_shared>>)
      tpu.yield
    }) : () -> ()
    %mul3A_21 = arith.constant 640 : i32
    %mul3A_22 = arith.muli %arg1, %mul3A_21 : i32
    %add3A_23 = arith.constant 512 : i32
    %add3A_24 = arith.addi %mul3A_22, %add3A_23 : i32
    "tpu.region"() ({
      %run_scoped3A = tpu.sem_alloc : memref<!tpu.dma_semaphore, #tpu.memory_space<semaphore_mem>>
      %dma_start3A = arith.constant 0 : i32
      %dma_start3A_35 = tpu.memref_slice %arg8[%add3A_24, %dma_start3A] : memref<10240x64xf32, #tpu.memory_space<vmem_shared>> -> memref<128x64xf32, #tpu.memory_space<vmem_shared>>
      %dma_start3A_36 = arith.constant 0 : i32
      %dma_start3A_37 = tpu.memref_slice %arg8[%add3A_24, %dma_start3A_36] : memref<10240x64xf32, #tpu.memory_space<vmem_shared>> -> memref<128x64xf32, #tpu.memory_space<vmem_shared>>
      tpu.enqueue_dma source(%arg13 : memref<128x64xf32, #tpu.memory_space<vmem>>) target(%dma_start3A_37 : memref<128x64xf32, #tpu.memory_space<vmem_shared>>) target_semaphore(%run_scoped3A : memref<!tpu.dma_semaphore, #tpu.memory_space<semaphore_mem>>)
      %dma_wait3A = arith.constant 0 : i32
      %dma_wait3A_38 = tpu.memref_slice %arg8[%add3A_24, %dma_wait3A] : memref<10240x64xf32, #tpu.memory_space<vmem_shared>> -> memref<128x64xf32, #tpu.memory_space<vmem_shared>>
      %dma_wait3A_39 = arith.constant 0 : i32
      %dma_wait3A_40 = tpu.memref_slice %arg8[%add3A_24, %dma_wait3A_39] : memref<10240x64xf32, #tpu.memory_space<vmem_shared>> -> memref<128x64xf32, #tpu.memory_space<vmem_shared>>
      tpu.wait_dma2 semaphore(%run_scoped3A : memref<!tpu.dma_semaphore, #tpu.memory_space<semaphore_mem>>) src(%arg13 : memref<128x64xf32, #tpu.memory_space<vmem>>) dst(%dma_wait3A_40 : memref<128x64xf32, #tpu.memory_space<vmem_shared>>)
      tpu.yield
    }) : () -> ()
    %barrier3A = arith.constant 0 : index
    tpu.barrier barrier_id(%barrier3A)
    %scan3A_25 = arith.constant 0 : i32
    %scan3A_26 = arith.constant 79 : i32
    %scan3A_27 = arith.addi %scan3A_25, %scan3A_26 : i32
    %scan3A_28 = arith.constant 1 : i32
    scf.for %scan3A_35 = %scan3A_25 to %scan3A_27 step %scan3A_28  : i32 {
      %mul3A_36 = arith.constant 79 : i32
      %mul3A_37 = arith.muli %add3A, %mul3A_36 : i32
      %add3A_38 = arith.addi %mul3A_37, %scan3A_35 : i32
      "tpu.region"() ({
        %run_scoped3A = tpu.sem_alloc : memref<!tpu.dma_semaphore, #tpu.memory_space<semaphore_mem>>
        %dma_start3A_52 = arith.constant 0 : i32
        %dma_start3A_53 = tpu.memref_slice %arg3[%add3A_38, %dma_start3A_52] : memref<2528x128xi32, #tpu.memory_space<hbm>> -> memref<1x128xi32, #tpu.memory_space<hbm>>
        %dma_start3A_54 = tpu.memref_squeeze %dma_start3A_53 : memref<1x128xi32, #tpu.memory_space<hbm>> -> memref<128xi32, #tpu.memory_space<hbm>>
        %dma_start3A_55 = arith.constant 0 : i32
        %dma_start3A_56 = tpu.memref_slice %arg3[%add3A_38, %dma_start3A_55] : memref<2528x128xi32, #tpu.memory_space<hbm>> -> memref<1x128xi32, #tpu.memory_space<hbm>>
        %dma_start3A_57 = tpu.memref_squeeze %dma_start3A_56 : memref<1x128xi32, #tpu.memory_space<hbm>> -> memref<128xi32, #tpu.memory_space<hbm>>
        tpu.enqueue_dma source(%dma_start3A_57 : memref<128xi32, #tpu.memory_space<hbm>>) target(%arg9 : memref<128xi32, #tpu.memory_space<vmem>>) target_semaphore(%run_scoped3A : memref<!tpu.dma_semaphore, #tpu.memory_space<semaphore_mem>>)
        %dma_wait3A_58 = arith.constant 0 : i32
        %dma_wait3A_59 = tpu.memref_slice %arg3[%add3A_38, %dma_wait3A_58] : memref<2528x128xi32, #tpu.memory_space<hbm>> -> memref<1x128xi32, #tpu.memory_space<hbm>>
        %dma_wait3A_60 = tpu.memref_squeeze %dma_wait3A_59 : memref<1x128xi32, #tpu.memory_space<hbm>> -> memref<128xi32, #tpu.memory_space<hbm>>
        %dma_wait3A_61 = arith.constant 0 : i32
        %dma_wait3A_62 = tpu.memref_slice %arg3[%add3A_38, %dma_wait3A_61] : memref<2528x128xi32, #tpu.memory_space<hbm>> -> memref<1x128xi32, #tpu.memory_space<hbm>>
        %dma_wait3A_63 = tpu.memref_squeeze %dma_wait3A_62 : memref<1x128xi32, #tpu.memory_space<hbm>> -> memref<128xi32, #tpu.memory_space<hbm>>
        tpu.wait_dma2 semaphore(%run_scoped3A : memref<!tpu.dma_semaphore, #tpu.memory_space<semaphore_mem>>) src(%dma_wait3A_63 : memref<128xi32, #tpu.memory_space<hbm>>) dst(%arg9 : memref<128xi32, #tpu.memory_space<vmem>>)
        tpu.yield
      }) : () -> ()
      "tpu.region"() ({
        %run_scoped3A = tpu.sem_alloc : memref<!tpu.dma_semaphore, #tpu.memory_space<semaphore_mem>>
        %dma_start3A_52 = arith.constant 0 : i32
        %dma_start3A_53 = tpu.memref_slice %arg4[%add3A_38, %dma_start3A_52] : memref<2528x128xi32, #tpu.memory_space<hbm>> -> memref<1x128xi32, #tpu.memory_space<hbm>>
        %dma_start3A_54 = tpu.memref_squeeze %dma_start3A_53 : memref<1x128xi32, #tpu.memory_space<hbm>> -> memref<128xi32, #tpu.memory_space<hbm>>
        %dma_start3A_55 = arith.constant 0 : i32
        %dma_start3A_56 = tpu.memref_slice %arg4[%add3A_38, %dma_start3A_55] : memref<2528x128xi32, #tpu.memory_space<hbm>> -> memref<1x128xi32, #tpu.memory_space<hbm>>
        %dma_start3A_57 = tpu.memref_squeeze %dma_start3A_56 : memref<1x128xi32, #tpu.memory_space<hbm>> -> memref<128xi32, #tpu.memory_space<hbm>>
        tpu.enqueue_dma source(%dma_start3A_57 : memref<128xi32, #tpu.memory_space<hbm>>) target(%arg10 : memref<128xi32, #tpu.memory_space<vmem>>) target_semaphore(%run_scoped3A : memref<!tpu.dma_semaphore, #tpu.memory_space<semaphore_mem>>)
        %dma_wait3A_58 = arith.constant 0 : i32
        %dma_wait3A_59 = tpu.memref_slice %arg4[%add3A_38, %dma_wait3A_58] : memref<2528x128xi32, #tpu.memory_space<hbm>> -> memref<1x128xi32, #tpu.memory_space<hbm>>
        %dma_wait3A_60 = tpu.memref_squeeze %dma_wait3A_59 : memref<1x128xi32, #tpu.memory_space<hbm>> -> memref<128xi32, #tpu.memory_space<hbm>>
        %dma_wait3A_61 = arith.constant 0 : i32
        %dma_wait3A_62 = tpu.memref_slice %arg4[%add3A_38, %dma_wait3A_61] : memref<2528x128xi32, #tpu.memory_space<hbm>> -> memref<1x128xi32, #tpu.memory_space<hbm>>
        %dma_wait3A_63 = tpu.memref_squeeze %dma_wait3A_62 : memref<1x128xi32, #tpu.memory_space<hbm>> -> memref<128xi32, #tpu.memory_space<hbm>>
        tpu.wait_dma2 semaphore(%run_scoped3A : memref<!tpu.dma_semaphore, #tpu.memory_space<semaphore_mem>>) src(%dma_wait3A_63 : memref<128xi32, #tpu.memory_space<hbm>>) dst(%arg10 : memref<128xi32, #tpu.memory_space<vmem>>)
        tpu.yield
      }) : () -> ()
      "tpu.region"() ({
        %run_scoped3A = tpu.sem_alloc : memref<!tpu.dma_semaphore, #tpu.memory_space<semaphore_mem>>
        %dma_start3A_52 = arith.constant 0 : i32
        %dma_start3A_53 = tpu.memref_slice %arg5[%add3A_38, %dma_start3A_52] : memref<2528x128xi32, #tpu.memory_space<hbm>> -> memref<1x128xi32, #tpu.memory_space<hbm>>
        %dma_start3A_54 = tpu.memref_squeeze %dma_start3A_53 : memref<1x128xi32, #tpu.memory_space<hbm>> -> memref<128xi32, #tpu.memory_space<hbm>>
        %dma_start3A_55 = arith.constant 0 : i32
        %dma_start3A_56 = tpu.memref_slice %arg5[%add3A_38, %dma_start3A_55] : memref<2528x128xi32, #tpu.memory_space<hbm>> -> memref<1x128xi32, #tpu.memory_space<hbm>>
        %dma_start3A_57 = tpu.memref_squeeze %dma_start3A_56 : memref<1x128xi32, #tpu.memory_space<hbm>> -> memref<128xi32, #tpu.memory_space<hbm>>
        tpu.enqueue_dma source(%dma_start3A_57 : memref<128xi32, #tpu.memory_space<hbm>>) target(%arg11 : memref<128xi32, #tpu.memory_space<vmem>>) target_semaphore(%run_scoped3A : memref<!tpu.dma_semaphore, #tpu.memory_space<semaphore_mem>>)
        %dma_wait3A_58 = arith.constant 0 : i32
        %dma_wait3A_59 = tpu.memref_slice %arg5[%add3A_38, %dma_wait3A_58] : memref<2528x128xi32, #tpu.memory_space<hbm>> -> memref<1x128xi32, #tpu.memory_space<hbm>>
        %dma_wait3A_60 = tpu.memref_squeeze %dma_wait3A_59 : memref<1x128xi32, #tpu.memory_space<hbm>> -> memref<128xi32, #tpu.memory_space<hbm>>
        %dma_wait3A_61 = arith.constant 0 : i32
        %dma_wait3A_62 = tpu.memref_slice %arg5[%add3A_38, %dma_wait3A_61] : memref<2528x128xi32, #tpu.memory_space<hbm>> -> memref<1x128xi32, #tpu.memory_space<hbm>>
        %dma_wait3A_63 = tpu.memref_squeeze %dma_wait3A_62 : memref<1x128xi32, #tpu.memory_space<hbm>> -> memref<128xi32, #tpu.memory_space<hbm>>
        tpu.wait_dma2 semaphore(%run_scoped3A : memref<!tpu.dma_semaphore, #tpu.memory_space<semaphore_mem>>) src(%dma_wait3A_63 : memref<128xi32, #tpu.memory_space<hbm>>) dst(%arg11 : memref<128xi32, #tpu.memory_space<vmem>>)
        tpu.yield
      }) : () -> ()
      %dma_start3A = arith.constant 0 : i32
      %dma_start3A_39 = tpu.memref_slice %arg6[%dma_start3A] : memref<100352xf32, #tpu.memory_space<hbm>> -> memref<100352xf32, #tpu.memory_space<hbm>>
      tpu.enqueue_indirect_dma source(%dma_start3A_39 : memref<100352xf32, #tpu.memory_space<hbm>>) target(%arg12 : memref<128xf32, #tpu.memory_space<vmem>>) offsets(%arg10 : memref<128xi32, #tpu.memory_space<vmem>>) semaphore(%arg14 : memref<!tpu.dma_semaphore, #tpu.memory_space<semaphore_mem>>)
      %dma_wait3A = arith.constant 0 : i32
      %dma_wait3A_40 = tpu.memref_slice %arg6[%dma_wait3A] : memref<100352xf32, #tpu.memory_space<hbm>> -> memref<100352xf32, #tpu.memory_space<hbm>>
      tpu.wait_indirect_dma semaphore(%arg14 : memref<!tpu.dma_semaphore, #tpu.memory_space<semaphore_mem>>) src(%dma_wait3A_40 : memref<100352xf32, #tpu.memory_space<hbm>>) dst(%arg12 : memref<128xf32, #tpu.memory_space<vmem>>)
      %dma_start3A_41 = arith.constant 0 : i32
      %dma_start3A_42 = arith.constant 0 : i32
      %dma_start3A_43 = tpu.memref_slice %arg2[%dma_start3A_41, %dma_start3A_42] : memref<100000x64xf32, #tpu.memory_space<hbm>> -> memref<100000x64xf32, #tpu.memory_space<hbm>>
      tpu.enqueue_indirect_dma source(%dma_start3A_43 : memref<100000x64xf32, #tpu.memory_space<hbm>>) target(%arg13 : memref<128x64xf32, #tpu.memory_space<vmem>>) offsets(%arg9 : memref<128xi32, #tpu.memory_space<vmem>>) semaphore(%arg15 : memref<!tpu.dma_semaphore, #tpu.memory_space<semaphore_mem>>)
      %dma_wait3A_44 = arith.constant 0 : i32
      %dma_wait3A_45 = arith.constant 0 : i32
      %dma_wait3A_46 = tpu.memref_slice %arg2[%dma_wait3A_44, %dma_wait3A_45] : memref<100000x64xf32, #tpu.memory_space<hbm>> -> memref<100000x64xf32, #tpu.memory_space<hbm>>
      tpu.wait_indirect_dma semaphore(%arg15 : memref<!tpu.dma_semaphore, #tpu.memory_space<semaphore_mem>>) src(%dma_wait3A_46 : memref<100000x64xf32, #tpu.memory_space<hbm>>) dst(%arg13 : memref<128x64xf32, #tpu.memory_space<vmem>>)
      %scan3A_47 = arith.constant 0 : i32
      %scan3A_48 = arith.constant 8 : i32
      %scan3A_49 = arith.addi %scan3A_47, %scan3A_48 : i32
      %scan3A_50 = arith.constant 1 : i32
      scf.for %scan3A_52 = %scan3A_47 to %scan3A_49 step %scan3A_50  : i32 {
        %mul3A_53 = arith.constant 16 : i32
        %mul3A_54 = arith.muli %scan3A_52, %mul3A_53 : i32
        %get3A = arith.index_cast %mul3A_54 : i32 to index
        %get3A_55 = tpu.vector_load %arg12[%get3A] {strides = array<i32>} : memref<128xf32, #tpu.memory_space<vmem>>, vector<16xf32>,
        %get3A_56 = vector.shape_cast %get3A_55 : vector<16xf32> to vector<16xf32>
        %slice3A = vector.extract_strided_slice %get3A_56 {offsets = [0], sizes = [1], strides = [1]} : vector<16xf32> to vector<1xf32>
        %squeeze3A = vector.extract %slice3A[0] : f32 from vector<1xf32>
        %mul3A_57 = arith.constant 16 : i32
        %mul3A_58 = arith.muli %scan3A_52, %mul3A_57 : i32
        %add3A_59 = arith.constant 0 : i32
        %add3A_60 = arith.addi %mul3A_58, %add3A_59 : i32
        %get3A_61 = arith.index_cast %add3A_60 : i32 to index
        %get3A_62 = arith.constant 0 : index
        %get3A_63 = tpu.vector_load %arg13[%get3A_61, %get3A_62] {strides = array<i32>} : memref<128x64xf32, #tpu.memory_space<vmem>>, vector<1x16xf32>,
        %get3A_64 = vector.shape_cast %get3A_63 : vector<1x16xf32> to vector<16xf32>
        %mul3A_65 = vector.broadcast %squeeze3A : f32 to vector<16xf32>
        %mul3A_66 = arith.mulf %get3A_64, %mul3A_65 : vector<16xf32>
        %swap3A = arith.index_cast %add3A_60 : i32 to index
        %swap3A_67 = arith.constant 0 : index
        %swap3A_68 = tpu.vector_load %arg13[%swap3A, %swap3A_67] {strides = array<i32>} : memref<128x64xf32, #tpu.memory_space<vmem>>, vector<1x16xf32>,
        %swap3A_69 = vector.shape_cast %swap3A_68 : vector<1x16xf32> to vector<16xf32>
        %swap3A_70 = vector.shape_cast %mul3A_66 : vector<16xf32> to vector<1x16xf32>
        tpu.vector_store %arg13[%swap3A, %swap3A_67], %swap3A_70 {strides = array<i32>} : memref<128x64xf32, #tpu.memory_space<vmem>>, vector<1x16xf32>,
        %get3A_71 = arith.index_cast %add3A_60 : i32 to index
        %get3A_72 = arith.constant 16 : index
        %get3A_73 = tpu.vector_load %arg13[%get3A_71, %get3A_72] {strides = array<i32>} : memref<128x64xf32, #tpu.memory_space<vmem>>, vector<1x16xf32>,
        %get3A_74 = vector.shape_cast %get3A_73 : vector<1x16xf32> to vector<16xf32>
        %mul3A_75 = vector.broadcast %squeeze3A : f32 to vector<16xf32>
        %mul3A_76 = arith.mulf %get3A_74, %mul3A_75 : vector<16xf32>
        %swap3A_77 = arith.index_cast %add3A_60 : i32 to index
        %swap3A_78 = arith.constant 16 : index
        %swap3A_79 = tpu.vector_load %arg13[%swap3A_77, %swap3A_78] {strides = array<i32>} : memref<128x64xf32, #tpu.memory_space<vmem>>, vector<1x16xf32>,
        %swap3A_80 = vector.shape_cast %swap3A_79 : vector<1x16xf32> to vector<16xf32>
        %swap3A_81 = vector.shape_cast %mul3A_76 : vector<16xf32> to vector<1x16xf32>
        tpu.vector_store %arg13[%swap3A_77, %swap3A_78], %swap3A_81 {strides = array<i32>} : memref<128x64xf32, #tpu.memory_space<vmem>>, vector<1x16xf32>,
        %get3A_82 = arith.index_cast %add3A_60 : i32 to index
        %get3A_83 = arith.constant 32 : index
        %get3A_84 = tpu.vector_load %arg13[%get3A_82, %get3A_83] {strides = array<i32>} : memref<128x64xf32, #tpu.memory_space<vmem>>, vector<1x16xf32>,
        %get3A_85 = vector.shape_cast %get3A_84 : vector<1x16xf32> to vector<16xf32>
        %mul3A_86 = vector.broadcast %squeeze3A : f32 to vector<16xf32>
        %mul3A_87 = arith.mulf %get3A_85, %mul3A_86 : vector<16xf32>
        %swap3A_88 = arith.index_cast %add3A_60 : i32 to index
        %swap3A_89 = arith.constant 32 : index
        %swap3A_90 = tpu.vector_load %arg13[%swap3A_88, %swap3A_89] {strides = array<i32>} : memref<128x64xf32, #tpu.memory_space<vmem>>, vector<1x16xf32>,
        %swap3A_91 = vector.shape_cast %swap3A_90 : vector<1x16xf32> to vector<16xf32>
        %swap3A_92 = vector.shape_cast %mul3A_87 : vector<16xf32> to vector<1x16xf32>
        tpu.vector_store %arg13[%swap3A_88, %swap3A_89], %swap3A_92 {strides = array<i32>} : memref<128x64xf32, #tpu.memory_space<vmem>>, vector<1x16xf32>,
        %get3A_93 = arith.index_cast %add3A_60 : i32 to index
        %get3A_94 = arith.constant 48 : index
        %get3A_95 = tpu.vector_load %arg13[%get3A_93, %get3A_94] {strides = array<i32>} : memref<128x64xf32, #tpu.memory_space<vmem>>, vector<1x16xf32>,
        %get3A_96 = vector.shape_cast %get3A_95 : vector<1x16xf32> to vector<16xf32>
        %mul3A_97 = vector.broadcast %squeeze3A : f32 to vector<16xf32>
        %mul3A_98 = arith.mulf %get3A_96, %mul3A_97 : vector<16xf32>
        %swap3A_99 = arith.index_cast %add3A_60 : i32 to index
        %swap3A_100 = arith.constant 48 : index
        %swap3A_101 = tpu.vector_load %arg13[%swap3A_99, %swap3A_100] {strides = array<i32>} : memref<128x64xf32, #tpu.memory_space<vmem>>, vector<1x16xf32>,
        %swap3A_102 = vector.shape_cast %swap3A_101 : vector<1x16xf32> to vector<16xf32>
        %swap3A_103 = vector.shape_cast %mul3A_98 : vector<16xf32> to vector<1x16xf32>
        tpu.vector_store %arg13[%swap3A_99, %swap3A_100], %swap3A_103 {strides = array<i32>} : memref<128x64xf32, #tpu.memory_space<vmem>>, vector<1x16xf32>,
        %slice3A_104 = vector.extract_strided_slice %get3A_56 {offsets = [1], sizes = [1], strides = [1]} : vector<16xf32> to vector<1xf32>
        %squeeze3A_105 = vector.extract %slice3A_104[0] : f32 from vector<1xf32>
        %mul3A_106 = arith.constant 16 : i32
        %mul3A_107 = arith.muli %scan3A_52, %mul3A_106 : i32
        %add3A_108 = arith.constant 1 : i32
        %add3A_109 = arith.addi %mul3A_107, %add3A_108 : i32
        %get3A_110 = arith.index_cast %add3A_109 : i32 to index
        %get3A_111 = arith.constant 0 : index
        %get3A_112 = tpu.vector_load %arg13[%get3A_110, %get3A_111] {strides = array<i32>} : memref<128x64xf32, #tpu.memory_space<vmem>>, vector<1x16xf32>,
        %get3A_113 = vector.shape_cast %get3A_112 : vector<1x16xf32> to vector<16xf32>
        %mul3A_114 = vector.broadcast %squeeze3A_105 : f32 to vector<16xf32>
        %mul3A_115 = arith.mulf %get3A_113, %mul3A_114 : vector<16xf32>
        %swap3A_116 = arith.index_cast %add3A_109 : i32 to index
        %swap3A_117 = arith.constant 0 : index
        %swap3A_118 = tpu.vector_load %arg13[%swap3A_116, %swap3A_117] {strides = array<i32>} : memref<128x64xf32, #tpu.memory_space<vmem>>, vector<1x16xf32>,
        %swap3A_119 = vector.shape_cast %swap3A_118 : vector<1x16xf32> to vector<16xf32>
        %swap3A_120 = vector.shape_cast %mul3A_115 : vector<16xf32> to vector<1x16xf32>
        tpu.vector_store %arg13[%swap3A_116, %swap3A_117], %swap3A_120 {strides = array<i32>} : memref<128x64xf32, #tpu.memory_space<vmem>>, vector<1x16xf32>,
        %get3A_121 = arith.index_cast %add3A_109 : i32 to index
        %get3A_122 = arith.constant 16 : index
        %get3A_123 = tpu.vector_load %arg13[%get3A_121, %get3A_122] {strides = array<i32>} : memref<128x64xf32, #tpu.memory_space<vmem>>, vector<1x16xf32>,
        %get3A_124 = vector.shape_cast %get3A_123 : vector<1x16xf32> to vector<16xf32>
        %mul3A_125 = vector.broadcast %squeeze3A_105 : f32 to vector<16xf32>
        %mul3A_126 = arith.mulf %get3A_124, %mul3A_125 : vector<16xf32>
        %swap3A_127 = arith.index_cast %add3A_109 : i32 to index
        %swap3A_128 = arith.constant 16 : index
        %swap3A_129 = tpu.vector_load %arg13[%swap3A_127, %swap3A_128] {strides = array<i32>} : memref<128x64xf32, #tpu.memory_space<vmem>>, vector<1x16xf32>,
        %swap3A_130 = vector.shape_cast %swap3A_129 : vector<1x16xf32> to vector<16xf32>
        %swap3A_131 = vector.shape_cast %mul3A_126 : vector<16xf32> to vector<1x16xf32>
        tpu.vector_store %arg13[%swap3A_127, %swap3A_128], %swap3A_131 {strides = array<i32>} : memref<128x64xf32, #tpu.memory_space<vmem>>, vector<1x16xf32>,
        %get3A_132 = arith.index_cast %add3A_109 : i32 to index
        %get3A_133 = arith.constant 32 : index
        %get3A_134 = tpu.vector_load %arg13[%get3A_132, %get3A_133] {strides = array<i32>} : memref<128x64xf32, #tpu.memory_space<vmem>>, vector<1x16xf32>,
        %get3A_135 = vector.shape_cast %get3A_134 : vector<1x16xf32> to vector<16xf32>
        %mul3A_136 = vector.broadcast %squeeze3A_105 : f32 to vector<16xf32>
        %mul3A_137 = arith.mulf %get3A_135, %mul3A_136 : vector<16xf32>
        %swap3A_138 = arith.index_cast %add3A_109 : i32 to index
        %swap3A_139 = arith.constant 32 : index
        %swap3A_140 = tpu.vector_load %arg13[%swap3A_138, %swap3A_139] {strides = array<i32>} : memref<128x64xf32, #tpu.memory_space<vmem>>, vector<1x16xf32>,
        %swap3A_141 = vector.shape_cast %swap3A_140 : vector<1x16xf32> to vector<16xf32>
        %swap3A_142 = vector.shape_cast %mul3A_137 : vector<16xf32> to vector<1x16xf32>
        tpu.vector_store %arg13[%swap3A_138, %swap3A_139], %swap3A_142 {strides = array<i32>} : memref<128x64xf32, #tpu.memory_space<vmem>>, vector<1x16xf32>,
        %get3A_143 = arith.index_cast %add3A_109 : i32 to index
        %get3A_144 = arith.constant 48 : index
        %get3A_145 = tpu.vector_load %arg13[%get3A_143, %get3A_144] {strides = array<i32>} : memref<128x64xf32, #tpu.memory_space<vmem>>, vector<1x16xf32>,
        %get3A_146 = vector.shape_cast %get3A_145 : vector<1x16xf32> to vector<16xf32>
        %mul3A_147 = vector.broadcast %squeeze3A_105 : f32 to vector<16xf32>
        %mul3A_148 = arith.mulf %get3A_146, %mul3A_147 : vector<16xf32>
        %swap3A_149 = arith.index_cast %add3A_109 : i32 to index
        %swap3A_150 = arith.constant 48 : index
        %swap3A_151 = tpu.vector_load %arg13[%swap3A_149, %swap3A_150] {strides = array<i32>} : memref<128x64xf32, #tpu.memory_space<vmem>>, vector<1x16xf32>,
        %swap3A_152 = vector.shape_cast %swap3A_151 : vector<1x16xf32> to vector<16xf32>
        %swap3A_153 = vector.shape_cast %mul3A_148 : vector<16xf32> to vector<1x16xf32>
        tpu.vector_store %arg13[%swap3A_149, %swap3A_150], %swap3A_153 {strides = array<i32>} : memref<128x64xf32, #tpu.memory_space<vmem>>, vector<1x16xf32>,
        %slice3A_154 = vector.extract_strided_slice %get3A_56 {offsets = [2], sizes = [1], strides = [1]} : vector<16xf32> to vector<1xf32>
        %squeeze3A_155 = vector.extract %slice3A_154[0] : f32 from vector<1xf32>
        %mul3A_156 = arith.constant 16 : i32
        %mul3A_157 = arith.muli %scan3A_52, %mul3A_156 : i32
        %add3A_158 = arith.constant 2 : i32
        %add3A_159 = arith.addi %mul3A_157, %add3A_158 : i32
        %get3A_160 = arith.index_cast %add3A_159 : i32 to index
        %get3A_161 = arith.constant 0 : index
        %get3A_162 = tpu.vector_load %arg13[%get3A_160, %get3A_161] {strides = array<i32>} : memref<128x64xf32, #tpu.memory_space<vmem>>, vector<1x16xf32>,
        %get3A_163 = vector.shape_cast %get3A_162 : vector<1x16xf32> to vector<16xf32>
        %mul3A_164 = vector.broadcast %squeeze3A_155 : f32 to vector<16xf32>
        %mul3A_165 = arith.mulf %get3A_163, %mul3A_164 : vector<16xf32>
        %swap3A_166 = arith.index_cast %add3A_159 : i32 to index
        %swap3A_167 = arith.constant 0 : index
        %swap3A_168 = tpu.vector_load %arg13[%swap3A_166, %swap3A_167] {strides = array<i32>} : memref<128x64xf32, #tpu.memory_space<vmem>>, vector<1x16xf32>,
        %swap3A_169 = vector.shape_cast %swap3A_168 : vector<1x16xf32> to vector<16xf32>
        %swap3A_170 = vector.shape_cast %mul3A_165 : vector<16xf32> to vector<1x16xf32>
        tpu.vector_store %arg13[%swap3A_166, %swap3A_167], %swap3A_170 {strides = array<i32>} : memref<128x64xf32, #tpu.memory_space<vmem>>, vector<1x16xf32>,
        %get3A_171 = arith.index_cast %add3A_159 : i32 to index
        %get3A_172 = arith.constant 16 : index
        %get3A_173 = tpu.vector_load %arg13[%get3A_171, %get3A_172] {strides = array<i32>} : memref<128x64xf32, #tpu.memory_space<vmem>>, vector<1x16xf32>,
        %get3A_174 = vector.shape_cast %get3A_173 : vector<1x16xf32> to vector<16xf32>
        %mul3A_175 = vector.broadcast %squeeze3A_155 : f32 to vector<16xf32>
        %mul3A_176 = arith.mulf %get3A_174, %mul3A_175 : vector<16xf32>
        %swap3A_177 = arith.index_cast %add3A_159 : i32 to index
        %swap3A_178 = arith.constant 16 : index
        %swap3A_179 = tpu.vector_load %arg13[%swap3A_177, %swap3A_178] {strides = array<i32>} : memref<128x64xf32, #tpu.memory_space<vmem>>, vector<1x16xf32>,
        %swap3A_180 = vector.shape_cast %swap3A_179 : vector<1x16xf32> to vector<16xf32>
        %swap3A_181 = vector.shape_cast %mul3A_176 : vector<16xf32> to vector<1x16xf32>
        tpu.vector_store %arg13[%swap3A_177, %swap3A_178], %swap3A_181 {strides = array<i32>} : memref<128x64xf32, #tpu.memory_space<vmem>>, vector<1x16xf32>,
        %get3A_182 = arith.index_cast %add3A_159 : i32 to index
        %get3A_183 = arith.constant 32 : index
        %get3A_184 = tpu.vector_load %arg13[%get3A_182, %get3A_183] {strides = array<i32>} : memref<128x64xf32, #tpu.memory_space<vmem>>, vector<1x16xf32>,
        %get3A_185 = vector.shape_cast %get3A_184 : vector<1x16xf32> to vector<16xf32>
        %mul3A_186 = vector.broadcast %squeeze3A_155 : f32 to vector<16xf32>
        %mul3A_187 = arith.mulf %get3A_185, %mul3A_186 : vector<16xf32>
        %swap3A_188 = arith.index_cast %add3A_159 : i32 to index
        %swap3A_189 = arith.constant 32 : index
        %swap3A_190 = tpu.vector_load %arg13[%swap3A_188, %swap3A_189] {strides = array<i32>} : memref<128x64xf32, #tpu.memory_space<vmem>>, vector<1x16xf32>,
        %swap3A_191 = vector.shape_cast %swap3A_190 : vector<1x16xf32> to vector<16xf32>
        %swap3A_192 = vector.shape_cast %mul3A_187 : vector<16xf32> to vector<1x16xf32>
        tpu.vector_store %arg13[%swap3A_188, %swap3A_189], %swap3A_192 {strides = array<i32>} : memref<128x64xf32, #tpu.memory_space<vmem>>, vector<1x16xf32>,
        %get3A_193 = arith.index_cast %add3A_159 : i32 to index
        %get3A_194 = arith.constant 48 : index
        %get3A_195 = tpu.vector_load %arg13[%get3A_193, %get3A_194] {strides = array<i32>} : memref<128x64xf32, #tpu.memory_space<vmem>>, vector<1x16xf32>,
        %get3A_196 = vector.shape_cast %get3A_195 : vector<1x16xf32> to vector<16xf32>
        %mul3A_197 = vector.broadcast %squeeze3A_155 : f32 to vector<16xf32>
        %mul3A_198 = arith.mulf %get3A_196, %mul3A_197 : vector<16xf32>
        %swap3A_199 = arith.index_cast %add3A_159 : i32 to index
        %swap3A_200 = arith.constant 48 : index
        %swap3A_201 = tpu.vector_load %arg13[%swap3A_199, %swap3A_200] {strides = array<i32>} : memref<128x64xf32, #tpu.memory_space<vmem>>, vector<1x16xf32>,
        %swap3A_202 = vector.shape_cast %swap3A_201 : vector<1x16xf32> to vector<16xf32>
        %swap3A_203 = vector.shape_cast %mul3A_198 : vector<16xf32> to vector<1x16xf32>
        tpu.vector_store %arg13[%swap3A_199, %swap3A_200], %swap3A_203 {strides = array<i32>} : memref<128x64xf32, #tpu.memory_space<vmem>>, vector<1x16xf32>,
        %slice3A_204 = vector.extract_strided_slice %get3A_56 {offsets = [3], sizes = [1], strides = [1]} : vector<16xf32> to vector<1xf32>
        %squeeze3A_205 = vector.extract %slice3A_204[0] : f32 from vector<1xf32>
        %mul3A_206 = arith.constant 16 : i32
        %mul3A_207 = arith.muli %scan3A_52, %mul3A_206 : i32
        %add3A_208 = arith.constant 3 : i32
        %add3A_209 = arith.addi %mul3A_207, %add3A_208 : i32
        %get3A_210 = arith.index_cast %add3A_209 : i32 to index
        %get3A_211 = arith.constant 0 : index
        %get3A_212 = tpu.vector_load %arg13[%get3A_210, %get3A_211] {strides = array<i32>} : memref<128x64xf32, #tpu.memory_space<vmem>>, vector<1x16xf32>,
        %get3A_213 = vector.shape_cast %get3A_212 : vector<1x16xf32> to vector<16xf32>
        %mul3A_214 = vector.broadcast %squeeze3A_205 : f32 to vector<16xf32>
        %mul3A_215 = arith.mulf %get3A_213, %mul3A_214 : vector<16xf32>
        %swap3A_216 = arith.index_cast %add3A_209 : i32 to index
        %swap3A_217 = arith.constant 0 : index
        %swap3A_218 = tpu.vector_load %arg13[%swap3A_216, %swap3A_217] {strides = array<i32>} : memref<128x64xf32, #tpu.memory_space<vmem>>, vector<1x16xf32>,
        %swap3A_219 = vector.shape_cast %swap3A_218 : vector<1x16xf32> to vector<16xf32>
        %swap3A_220 = vector.shape_cast %mul3A_215 : vector<16xf32> to vector<1x16xf32>
        tpu.vector_store %arg13[%swap3A_216, %swap3A_217], %swap3A_220 {strides = array<i32>} : memref<128x64xf32, #tpu.memory_space<vmem>>, vector<1x16xf32>,
        %get3A_221 = arith.index_cast %add3A_209 : i32 to index
        %get3A_222 = arith.constant 16 : index
        %get3A_223 = tpu.vector_load %arg13[%get3A_221, %get3A_222] {strides = array<i32>} : memref<128x64xf32, #tpu.memory_space<vmem>>, vector<1x16xf32>,
        %get3A_224 = vector.shape_cast %get3A_223 : vector<1x16xf32> to vector<16xf32>
        %mul3A_225 = vector.broadcast %squeeze3A_205 : f32 to vector<16xf32>
        %mul3A_226 = arith.mulf %get3A_224, %mul3A_225 : vector<16xf32>
        %swap3A_227 = arith.index_cast %add3A_209 : i32 to index
        %swap3A_228 = arith.constant 16 : index
        %swap3A_229 = tpu.vector_load %arg13[%swap3A_227, %swap3A_228] {strides = array<i32>} : memref<128x64xf32, #tpu.memory_space<vmem>>, vector<1x16xf32>,
        %swap3A_230 = vector.shape_cast %swap3A_229 : vector<1x16xf32> to vector<16xf32>
        %swap3A_231 = vector.shape_cast %mul3A_226 : vector<16xf32> to vector<1x16xf32>
        tpu.vector_store %arg13[%swap3A_227, %swap3A_228], %swap3A_231 {strides = array<i32>} : memref<128x64xf32, #tpu.memory_space<vmem>>, vector<1x16xf32>,
        %get3A_232 = arith.index_cast %add3A_209 : i32 to index
        %get3A_233 = arith.constant 32 : index
        %get3A_234 = tpu.vector_load %arg13[%get3A_232, %get3A_233] {strides = array<i32>} : memref<128x64xf32, #tpu.memory_space<vmem>>, vector<1x16xf32>,
        %get3A_235 = vector.shape_cast %get3A_234 : vector<1x16xf32> to vector<16xf32>
        %mul3A_236 = vector.broadcast %squeeze3A_205 : f32 to vector<16xf32>
        %mul3A_237 = arith.mulf %get3A_235, %mul3A_236 : vector<16xf32>
        %swap3A_238 = arith.index_cast %add3A_209 : i32 to index
        %swap3A_239 = arith.constant 32 : index
        %swap3A_240 = tpu.vector_load %arg13[%swap3A_238, %swap3A_239] {strides = array<i32>} : memref<128x64xf32, #tpu.memory_space<vmem>>, vector<1x16xf32>,
        %swap3A_241 = vector.shape_cast %swap3A_240 : vector<1x16xf32> to vector<16xf32>
        %swap3A_242 = vector.shape_cast %mul3A_237 : vector<16xf32> to vector<1x16xf32>
        tpu.vector_store %arg13[%swap3A_238, %swap3A_239], %swap3A_242 {strides = array<i32>} : memref<128x64xf32, #tpu.memory_space<vmem>>, vector<1x16xf32>,
        %get3A_243 = arith.index_cast %add3A_209 : i32 to index
        %get3A_244 = arith.constant 48 : index
        %get3A_245 = tpu.vector_load %arg13[%get3A_243, %get3A_244] {strides = array<i32>} : memref<128x64xf32, #tpu.memory_space<vmem>>, vector<1x16xf32>,
        %get3A_246 = vector.shape_cast %get3A_245 : vector<1x16xf32> to vector<16xf32>
        %mul3A_247 = vector.broadcast %squeeze3A_205 : f32 to vector<16xf32>
        %mul3A_248 = arith.mulf %get3A_246, %mul3A_247 : vector<16xf32>
        %swap3A_249 = arith.index_cast %add3A_209 : i32 to index
        %swap3A_250 = arith.constant 48 : index
        %swap3A_251 = tpu.vector_load %arg13[%swap3A_249, %swap3A_250] {strides = array<i32>} : memref<128x64xf32, #tpu.memory_space<vmem>>, vector<1x16xf32>,
        %swap3A_252 = vector.shape_cast %swap3A_251 : vector<1x16xf32> to vector<16xf32>
        %swap3A_253 = vector.shape_cast %mul3A_248 : vector<16xf32> to vector<1x16xf32>
        tpu.vector_store %arg13[%swap3A_249, %swap3A_250], %swap3A_253 {strides = array<i32>} : memref<128x64xf32, #tpu.memory_space<vmem>>, vector<1x16xf32>,
        %slice3A_254 = vector.extract_strided_slice %get3A_56 {offsets = [4], sizes = [1], strides = [1]} : vector<16xf32> to vector<1xf32>
        %squeeze3A_255 = vector.extract %slice3A_254[0] : f32 from vector<1xf32>
        %mul3A_256 = arith.constant 16 : i32
        %mul3A_257 = arith.muli %scan3A_52, %mul3A_256 : i32
        %add3A_258 = arith.constant 4 : i32
        %add3A_259 = arith.addi %mul3A_257, %add3A_258 : i32
        %get3A_260 = arith.index_cast %add3A_259 : i32 to index
        %get3A_261 = arith.constant 0 : index
        %get3A_262 = tpu.vector_load %arg13[%get3A_260, %get3A_261] {strides = array<i32>} : memref<128x64xf32, #tpu.memory_space<vmem>>, vector<1x16xf32>,
        %get3A_263 = vector.shape_cast %get3A_262 : vector<1x16xf32> to vector<16xf32>
        %mul3A_264 = vector.broadcast %squeeze3A_255 : f32 to vector<16xf32>
        %mul3A_265 = arith.mulf %get3A_263, %mul3A_264 : vector<16xf32>
        %swap3A_266 = arith.index_cast %add3A_259 : i32 to index
        %swap3A_267 = arith.constant 0 : index
        %swap3A_268 = tpu.vector_load %arg13[%swap3A_266, %swap3A_267] {strides = array<i32>} : memref<128x64xf32, #tpu.memory_space<vmem>>, vector<1x16xf32>,
        %swap3A_269 = vector.shape_cast %swap3A_268 : vector<1x16xf32> to vector<16xf32>
        %swap3A_270 = vector.shape_cast %mul3A_265 : vector<16xf32> to vector<1x16xf32>
        tpu.vector_store %arg13[%swap3A_266, %swap3A_267], %swap3A_270 {strides = array<i32>} : memref<128x64xf32, #tpu.memory_space<vmem>>, vector<1x16xf32>,
        %get3A_271 = arith.index_cast %add3A_259 : i32 to index
        %get3A_272 = arith.constant 16 : index
        %get3A_273 = tpu.vector_load %arg13[%get3A_271, %get3A_272] {strides = array<i32>} : memref<128x64xf32, #tpu.memory_space<vmem>>, vector<1x16xf32>,
        %get3A_274 = vector.shape_cast %get3A_273 : vector<1x16xf32> to vector<16xf32>
        %mul3A_275 = vector.broadcast %squeeze3A_255 : f32 to vector<16xf32>
        %mul3A_276 = arith.mulf %get3A_274, %mul3A_275 : vector<16xf32>
        %swap3A_277 = arith.index_cast %add3A_259 : i32 to index
        %swap3A_278 = arith.constant 16 : index
        %swap3A_279 = tpu.vector_load %arg13[%swap3A_277, %swap3A_278] {strides = array<i32>} : memref<128x64xf32, #tpu.memory_space<vmem>>, vector<1x16xf32>,
        %swap3A_280 = vector.shape_cast %swap3A_279 : vector<1x16xf32> to vector<16xf32>
        %swap3A_281 = vector.shape_cast %mul3A_276 : vector<16xf32> to vector<1x16xf32>
        tpu.vector_store %arg13[%swap3A_277, %swap3A_278], %swap3A_281 {strides = array<i32>} : memref<128x64xf32, #tpu.memory_space<vmem>>, vector<1x16xf32>,
        %get3A_282 = arith.index_cast %add3A_259 : i32 to index
        %get3A_283 = arith.constant 32 : index
        %get3A_284 = tpu.vector_load %arg13[%get3A_282, %get3A_283] {strides = array<i32>} : memref<128x64xf32, #tpu.memory_space<vmem>>, vector<1x16xf32>,
        %get3A_285 = vector.shape_cast %get3A_284 : vector<1x16xf32> to vector<16xf32>
        %mul3A_286 = vector.broadcast %squeeze3A_255 : f32 to vector<16xf32>
        %mul3A_287 = arith.mulf %get3A_285, %mul3A_286 : vector<16xf32>
        %swap3A_288 = arith.index_cast %add3A_259 : i32 to index
        %swap3A_289 = arith.constant 32 : index
        %swap3A_290 = tpu.vector_load %arg13[%swap3A_288, %swap3A_289] {strides = array<i32>} : memref<128x64xf32, #tpu.memory_space<vmem>>, vector<1x16xf32>,
        %swap3A_291 = vector.shape_cast %swap3A_290 : vector<1x16xf32> to vector<16xf32>
        %swap3A_292 = vector.shape_cast %mul3A_287 : vector<16xf32> to vector<1x16xf32>
        tpu.vector_store %arg13[%swap3A_288, %swap3A_289], %swap3A_292 {strides = array<i32>} : memref<128x64xf32, #tpu.memory_space<vmem>>, vector<1x16xf32>,
        %get3A_293 = arith.index_cast %add3A_259 : i32 to index
        %get3A_294 = arith.constant 48 : index
        %get3A_295 = tpu.vector_load %arg13[%get3A_293, %get3A_294] {strides = array<i32>} : memref<128x64xf32, #tpu.memory_space<vmem>>, vector<1x16xf32>,
        %get3A_296 = vector.shape_cast %get3A_295 : vector<1x16xf32> to vector<16xf32>
        %mul3A_297 = vector.broadcast %squeeze3A_255 : f32 to vector<16xf32>
        %mul3A_298 = arith.mulf %get3A_296, %mul3A_297 : vector<16xf32>
        %swap3A_299 = arith.index_cast %add3A_259 : i32 to index
        %swap3A_300 = arith.constant 48 : index
        %swap3A_301 = tpu.vector_load %arg13[%swap3A_299, %swap3A_300] {strides = array<i32>} : memref<128x64xf32, #tpu.memory_space<vmem>>, vector<1x16xf32>,
        %swap3A_302 = vector.shape_cast %swap3A_301 : vector<1x16xf32> to vector<16xf32>
        %swap3A_303 = vector.shape_cast %mul3A_298 : vector<16xf32> to vector<1x16xf32>
        tpu.vector_store %arg13[%swap3A_299, %swap3A_300], %swap3A_303 {strides = array<i32>} : memref<128x64xf32, #tpu.memory_space<vmem>>, vector<1x16xf32>,
        %slice3A_304 = vector.extract_strided_slice %get3A_56 {offsets = [5], sizes = [1], strides = [1]} : vector<16xf32> to vector<1xf32>
        %squeeze3A_305 = vector.extract %slice3A_304[0] : f32 from vector<1xf32>
        %mul3A_306 = arith.constant 16 : i32
        %mul3A_307 = arith.muli %scan3A_52, %mul3A_306 : i32
        %add3A_308 = arith.constant 5 : i32
        %add3A_309 = arith.addi %mul3A_307, %add3A_308 : i32
        %get3A_310 = arith.index_cast %add3A_309 : i32 to index
        %get3A_311 = arith.constant 0 : index
        %get3A_312 = tpu.vector_load %arg13[%get3A_310, %get3A_311] {strides = array<i32>} : memref<128x64xf32, #tpu.memory_space<vmem>>, vector<1x16xf32>,
        %get3A_313 = vector.shape_cast %get3A_312 : vector<1x16xf32> to vector<16xf32>
        %mul3A_314 = vector.broadcast %squeeze3A_305 : f32 to vector<16xf32>
        %mul3A_315 = arith.mulf %get3A_313, %mul3A_314 : vector<16xf32>
        %swap3A_316 = arith.index_cast %add3A_309 : i32 to index
        %swap3A_317 = arith.constant 0 : index
        %swap3A_318 = tpu.vector_load %arg13[%swap3A_316, %swap3A_317] {strides = array<i32>} : memref<128x64xf32, #tpu.memory_space<vmem>>, vector<1x16xf32>,
        %swap3A_319 = vector.shape_cast %swap3A_318 : vector<1x16xf32> to vector<16xf32>
        %swap3A_320 = vector.shape_cast %mul3A_315 : vector<16xf32> to vector<1x16xf32>
        tpu.vector_store %arg13[%swap3A_316, %swap3A_317], %swap3A_320 {strides = array<i32>} : memref<128x64xf32, #tpu.memory_space<vmem>>, vector<1x16xf32>,
        %get3A_321 = arith.index_cast %add3A_309 : i32 to index
        %get3A_322 = arith.constant 16 : index
        %get3A_323 = tpu.vector_load %arg13[%get3A_321, %get3A_322] {strides = array<i32>} : memref<128x64xf32, #tpu.memory_space<vmem>>, vector<1x16xf32>,
        %get3A_324 = vector.shape_cast %get3A_323 : vector<1x16xf32> to vector<16xf32>
        %mul3A_325 = vector.broadcast %squeeze3A_305 : f32 to vector<16xf32>
        %mul3A_326 = arith.mulf %get3A_324, %mul3A_325 : vector<16xf32>
        %swap3A_327 = arith.index_cast %add3A_309 : i32 to index
        %swap3A_328 = arith.constant 16 : index
        %swap3A_329 = tpu.vector_load %arg13[%swap3A_327, %swap3A_328] {strides = array<i32>} : memref<128x64xf32, #tpu.memory_space<vmem>>, vector<1x16xf32>,
        %swap3A_330 = vector.shape_cast %swap3A_329 : vector<1x16xf32> to vector<16xf32>
        %swap3A_331 = vector.shape_cast %mul3A_326 : vector<16xf32> to vector<1x16xf32>
        tpu.vector_store %arg13[%swap3A_327, %swap3A_328], %swap3A_331 {strides = array<i32>} : memref<128x64xf32, #tpu.memory_space<vmem>>, vector<1x16xf32>,
        %get3A_332 = arith.index_cast %add3A_309 : i32 to index
        %get3A_333 = arith.constant 32 : index
        %get3A_334 = tpu.vector_load %arg13[%get3A_332, %get3A_333] {strides = array<i32>} : memref<128x64xf32, #tpu.memory_space<vmem>>, vector<1x16xf32>,
        %get3A_335 = vector.shape_cast %get3A_334 : vector<1x16xf32> to vector<16xf32>
        %mul3A_336 = vector.broadcast %squeeze3A_305 : f32 to vector<16xf32>
        %mul3A_337 = arith.mulf %get3A_335, %mul3A_336 : vector<16xf32>
        %swap3A_338 = arith.index_cast %add3A_309 : i32 to index
        %swap3A_339 = arith.constant 32 : index
        %swap3A_340 = tpu.vector_load %arg13[%swap3A_338, %swap3A_339] {strides = array<i32>} : memref<128x64xf32, #tpu.memory_space<vmem>>, vector<1x16xf32>,
        %swap3A_341 = vector.shape_cast %swap3A_340 : vector<1x16xf32> to vector<16xf32>
        %swap3A_342 = vector.shape_cast %mul3A_337 : vector<16xf32> to vector<1x16xf32>
        tpu.vector_store %arg13[%swap3A_338, %swap3A_339], %swap3A_342 {strides = array<i32>} : memref<128x64xf32, #tpu.memory_space<vmem>>, vector<1x16xf32>,
        %get3A_343 = arith.index_cast %add3A_309 : i32 to index
        %get3A_344 = arith.constant 48 : index
        %get3A_345 = tpu.vector_load %arg13[%get3A_343, %get3A_344] {strides = array<i32>} : memref<128x64xf32, #tpu.memory_space<vmem>>, vector<1x16xf32>,
        %get3A_346 = vector.shape_cast %get3A_345 : vector<1x16xf32> to vector<16xf32>
        %mul3A_347 = vector.broadcast %squeeze3A_305 : f32 to vector<16xf32>
        %mul3A_348 = arith.mulf %get3A_346, %mul3A_347 : vector<16xf32>
        %swap3A_349 = arith.index_cast %add3A_309 : i32 to index
        %swap3A_350 = arith.constant 48 : index
        %swap3A_351 = tpu.vector_load %arg13[%swap3A_349, %swap3A_350] {strides = array<i32>} : memref<128x64xf32, #tpu.memory_space<vmem>>, vector<1x16xf32>,
        %swap3A_352 = vector.shape_cast %swap3A_351 : vector<1x16xf32> to vector<16xf32>
        %swap3A_353 = vector.shape_cast %mul3A_348 : vector<16xf32> to vector<1x16xf32>
        tpu.vector_store %arg13[%swap3A_349, %swap3A_350], %swap3A_353 {strides = array<i32>} : memref<128x64xf32, #tpu.memory_space<vmem>>, vector<1x16xf32>,
        %slice3A_354 = vector.extract_strided_slice %get3A_56 {offsets = [6], sizes = [1], strides = [1]} : vector<16xf32> to vector<1xf32>
        %squeeze3A_355 = vector.extract %slice3A_354[0] : f32 from vector<1xf32>
        %mul3A_356 = arith.constant 16 : i32
        %mul3A_357 = arith.muli %scan3A_52, %mul3A_356 : i32
        %add3A_358 = arith.constant 6 : i32
        %add3A_359 = arith.addi %mul3A_357, %add3A_358 : i32
        %get3A_360 = arith.index_cast %add3A_359 : i32 to index
        %get3A_361 = arith.constant 0 : index
        %get3A_362 = tpu.vector_load %arg13[%get3A_360, %get3A_361] {strides = array<i32>} : memref<128x64xf32, #tpu.memory_space<vmem>>, vector<1x16xf32>,
        %get3A_363 = vector.shape_cast %get3A_362 : vector<1x16xf32> to vector<16xf32>
        %mul3A_364 = vector.broadcast %squeeze3A_355 : f32 to vector<16xf32>
        %mul3A_365 = arith.mulf %get3A_363, %mul3A_364 : vector<16xf32>
        %swap3A_366 = arith.index_cast %add3A_359 : i32 to index
        %swap3A_367 = arith.constant 0 : index
        %swap3A_368 = tpu.vector_load %arg13[%swap3A_366, %swap3A_367] {strides = array<i32>} : memref<128x64xf32, #tpu.memory_space<vmem>>, vector<1x16xf32>,
        %swap3A_369 = vector.shape_cast %swap3A_368 : vector<1x16xf32> to vector<16xf32>
        %swap3A_370 = vector.shape_cast %mul3A_365 : vector<16xf32> to vector<1x16xf32>
        tpu.vector_store %arg13[%swap3A_366, %swap3A_367], %swap3A_370 {strides = array<i32>} : memref<128x64xf32, #tpu.memory_space<vmem>>, vector<1x16xf32>,
        %get3A_371 = arith.index_cast %add3A_359 : i32 to index
        %get3A_372 = arith.constant 16 : index
        %get3A_373 = tpu.vector_load %arg13[%get3A_371, %get3A_372] {strides = array<i32>} : memref<128x64xf32, #tpu.memory_space<vmem>>, vector<1x16xf32>,
        %get3A_374 = vector.shape_cast %get3A_373 : vector<1x16xf32> to vector<16xf32>
        %mul3A_375 = vector.broadcast %squeeze3A_355 : f32 to vector<16xf32>
        %mul3A_376 = arith.mulf %get3A_374, %mul3A_375 : vector<16xf32>
        %swap3A_377 = arith.index_cast %add3A_359 : i32 to index
        %swap3A_378 = arith.constant 16 : index
        %swap3A_379 = tpu.vector_load %arg13[%swap3A_377, %swap3A_378] {strides = array<i32>} : memref<128x64xf32, #tpu.memory_space<vmem>>, vector<1x16xf32>,
        %swap3A_380 = vector.shape_cast %swap3A_379 : vector<1x16xf32> to vector<16xf32>
        %swap3A_381 = vector.shape_cast %mul3A_376 : vector<16xf32> to vector<1x16xf32>
        tpu.vector_store %arg13[%swap3A_377, %swap3A_378], %swap3A_381 {strides = array<i32>} : memref<128x64xf32, #tpu.memory_space<vmem>>, vector<1x16xf32>,
        %get3A_382 = arith.index_cast %add3A_359 : i32 to index
        %get3A_383 = arith.constant 32 : index
        %get3A_384 = tpu.vector_load %arg13[%get3A_382, %get3A_383] {strides = array<i32>} : memref<128x64xf32, #tpu.memory_space<vmem>>, vector<1x16xf32>,
        %get3A_385 = vector.shape_cast %get3A_384 : vector<1x16xf32> to vector<16xf32>
        %mul3A_386 = vector.broadcast %squeeze3A_355 : f32 to vector<16xf32>
        %mul3A_387 = arith.mulf %get3A_385, %mul3A_386 : vector<16xf32>
        %swap3A_388 = arith.index_cast %add3A_359 : i32 to index
        %swap3A_389 = arith.constant 32 : index
        %swap3A_390 = tpu.vector_load %arg13[%swap3A_388, %swap3A_389] {strides = array<i32>} : memref<128x64xf32, #tpu.memory_space<vmem>>, vector<1x16xf32>,
        %swap3A_391 = vector.shape_cast %swap3A_390 : vector<1x16xf32> to vector<16xf32>
        %swap3A_392 = vector.shape_cast %mul3A_387 : vector<16xf32> to vector<1x16xf32>
        tpu.vector_store %arg13[%swap3A_388, %swap3A_389], %swap3A_392 {strides = array<i32>} : memref<128x64xf32, #tpu.memory_space<vmem>>, vector<1x16xf32>,
        %get3A_393 = arith.index_cast %add3A_359 : i32 to index
        %get3A_394 = arith.constant 48 : index
        %get3A_395 = tpu.vector_load %arg13[%get3A_393, %get3A_394] {strides = array<i32>} : memref<128x64xf32, #tpu.memory_space<vmem>>, vector<1x16xf32>,
        %get3A_396 = vector.shape_cast %get3A_395 : vector<1x16xf32> to vector<16xf32>
        %mul3A_397 = vector.broadcast %squeeze3A_355 : f32 to vector<16xf32>
        %mul3A_398 = arith.mulf %get3A_396, %mul3A_397 : vector<16xf32>
        %swap3A_399 = arith.index_cast %add3A_359 : i32 to index
        %swap3A_400 = arith.constant 48 : index
        %swap3A_401 = tpu.vector_load %arg13[%swap3A_399, %swap3A_400] {strides = array<i32>} : memref<128x64xf32, #tpu.memory_space<vmem>>, vector<1x16xf32>,
        %swap3A_402 = vector.shape_cast %swap3A_401 : vector<1x16xf32> to vector<16xf32>
        %swap3A_403 = vector.shape_cast %mul3A_398 : vector<16xf32> to vector<1x16xf32>
        tpu.vector_store %arg13[%swap3A_399, %swap3A_400], %swap3A_403 {strides = array<i32>} : memref<128x64xf32, #tpu.memory_space<vmem>>, vector<1x16xf32>,
        %slice3A_404 = vector.extract_strided_slice %get3A_56 {offsets = [7], sizes = [1], strides = [1]} : vector<16xf32> to vector<1xf32>
        %squeeze3A_405 = vector.extract %slice3A_404[0] : f32 from vector<1xf32>
        %mul3A_406 = arith.constant 16 : i32
        %mul3A_407 = arith.muli %scan3A_52, %mul3A_406 : i32
        %add3A_408 = arith.constant 7 : i32
        %add3A_409 = arith.addi %mul3A_407, %add3A_408 : i32
        %get3A_410 = arith.index_cast %add3A_409 : i32 to index
        %get3A_411 = arith.constant 0 : index
        %get3A_412 = tpu.vector_load %arg13[%get3A_410, %get3A_411] {strides = array<i32>} : memref<128x64xf32, #tpu.memory_space<vmem>>, vector<1x16xf32>,
        %get3A_413 = vector.shape_cast %get3A_412 : vector<1x16xf32> to vector<16xf32>
        %mul3A_414 = vector.broadcast %squeeze3A_405 : f32 to vector<16xf32>
        %mul3A_415 = arith.mulf %get3A_413, %mul3A_414 : vector<16xf32>
        %swap3A_416 = arith.index_cast %add3A_409 : i32 to index
        %swap3A_417 = arith.constant 0 : index
        %swap3A_418 = tpu.vector_load %arg13[%swap3A_416, %swap3A_417] {strides = array<i32>} : memref<128x64xf32, #tpu.memory_space<vmem>>, vector<1x16xf32>,
        %swap3A_419 = vector.shape_cast %swap3A_418 : vector<1x16xf32> to vector<16xf32>
        %swap3A_420 = vector.shape_cast %mul3A_415 : vector<16xf32> to vector<1x16xf32>
        tpu.vector_store %arg13[%swap3A_416, %swap3A_417], %swap3A_420 {strides = array<i32>} : memref<128x64xf32, #tpu.memory_space<vmem>>, vector<1x16xf32>,
        %get3A_421 = arith.index_cast %add3A_409 : i32 to index
        %get3A_422 = arith.constant 16 : index
        %get3A_423 = tpu.vector_load %arg13[%get3A_421, %get3A_422] {strides = array<i32>} : memref<128x64xf32, #tpu.memory_space<vmem>>, vector<1x16xf32>,
        %get3A_424 = vector.shape_cast %get3A_423 : vector<1x16xf32> to vector<16xf32>
        %mul3A_425 = vector.broadcast %squeeze3A_405 : f32 to vector<16xf32>
        %mul3A_426 = arith.mulf %get3A_424, %mul3A_425 : vector<16xf32>
        %swap3A_427 = arith.index_cast %add3A_409 : i32 to index
        %swap3A_428 = arith.constant 16 : index
        %swap3A_429 = tpu.vector_load %arg13[%swap3A_427, %swap3A_428] {strides = array<i32>} : memref<128x64xf32, #tpu.memory_space<vmem>>, vector<1x16xf32>,
        %swap3A_430 = vector.shape_cast %swap3A_429 : vector<1x16xf32> to vector<16xf32>
        %swap3A_431 = vector.shape_cast %mul3A_426 : vector<16xf32> to vector<1x16xf32>
        tpu.vector_store %arg13[%swap3A_427, %swap3A_428], %swap3A_431 {strides = array<i32>} : memref<128x64xf32, #tpu.memory_space<vmem>>, vector<1x16xf32>,
        %get3A_432 = arith.index_cast %add3A_409 : i32 to index
        %get3A_433 = arith.constant 32 : index
        %get3A_434 = tpu.vector_load %arg13[%get3A_432, %get3A_433] {strides = array<i32>} : memref<128x64xf32, #tpu.memory_space<vmem>>, vector<1x16xf32>,
        %get3A_435 = vector.shape_cast %get3A_434 : vector<1x16xf32> to vector<16xf32>
        %mul3A_436 = vector.broadcast %squeeze3A_405 : f32 to vector<16xf32>
        %mul3A_437 = arith.mulf %get3A_435, %mul3A_436 : vector<16xf32>
        %swap3A_438 = arith.index_cast %add3A_409 : i32 to index
        %swap3A_439 = arith.constant 32 : index
        %swap3A_440 = tpu.vector_load %arg13[%swap3A_438, %swap3A_439] {strides = array<i32>} : memref<128x64xf32, #tpu.memory_space<vmem>>, vector<1x16xf32>,
        %swap3A_441 = vector.shape_cast %swap3A_440 : vector<1x16xf32> to vector<16xf32>
        %swap3A_442 = vector.shape_cast %mul3A_437 : vector<16xf32> to vector<1x16xf32>
        tpu.vector_store %arg13[%swap3A_438, %swap3A_439], %swap3A_442 {strides = array<i32>} : memref<128x64xf32, #tpu.memory_space<vmem>>, vector<1x16xf32>,
        %get3A_443 = arith.index_cast %add3A_409 : i32 to index
        %get3A_444 = arith.constant 48 : index
        %get3A_445 = tpu.vector_load %arg13[%get3A_443, %get3A_444] {strides = array<i32>} : memref<128x64xf32, #tpu.memory_space<vmem>>, vector<1x16xf32>,
        %get3A_446 = vector.shape_cast %get3A_445 : vector<1x16xf32> to vector<16xf32>
        %mul3A_447 = vector.broadcast %squeeze3A_405 : f32 to vector<16xf32>
        %mul3A_448 = arith.mulf %get3A_446, %mul3A_447 : vector<16xf32>
        %swap3A_449 = arith.index_cast %add3A_409 : i32 to index
        %swap3A_450 = arith.constant 48 : index
        %swap3A_451 = tpu.vector_load %arg13[%swap3A_449, %swap3A_450] {strides = array<i32>} : memref<128x64xf32, #tpu.memory_space<vmem>>, vector<1x16xf32>,
        %swap3A_452 = vector.shape_cast %swap3A_451 : vector<1x16xf32> to vector<16xf32>
        %swap3A_453 = vector.shape_cast %mul3A_448 : vector<16xf32> to vector<1x16xf32>
        tpu.vector_store %arg13[%swap3A_449, %swap3A_450], %swap3A_453 {strides = array<i32>} : memref<128x64xf32, #tpu.memory_space<vmem>>, vector<1x16xf32>,
        %slice3A_454 = vector.extract_strided_slice %get3A_56 {offsets = [8], sizes = [1], strides = [1]} : vector<16xf32> to vector<1xf32>
        %squeeze3A_455 = vector.extract %slice3A_454[0] : f32 from vector<1xf32>
        %mul3A_456 = arith.constant 16 : i32
        %mul3A_457 = arith.muli %scan3A_52, %mul3A_456 : i32
        %add3A_458 = arith.constant 8 : i32
        %add3A_459 = arith.addi %mul3A_457, %add3A_458 : i32
        %get3A_460 = arith.index_cast %add3A_459 : i32 to index
        %get3A_461 = arith.constant 0 : index
        %get3A_462 = tpu.vector_load %arg13[%get3A_460, %get3A_461] {strides = array<i32>} : memref<128x64xf32, #tpu.memory_space<vmem>>, vector<1x16xf32>,
        %get3A_463 = vector.shape_cast %get3A_462 : vector<1x16xf32> to vector<16xf32>
        %mul3A_464 = vector.broadcast %squeeze3A_455 : f32 to vector<16xf32>
        %mul3A_465 = arith.mulf %get3A_463, %mul3A_464 : vector<16xf32>
        %swap3A_466 = arith.index_cast %add3A_459 : i32 to index
        %swap3A_467 = arith.constant 0 : index
        %swap3A_468 = tpu.vector_load %arg13[%swap3A_466, %swap3A_467] {strides = array<i32>} : memref<128x64xf32, #tpu.memory_space<vmem>>, vector<1x16xf32>,
        %swap3A_469 = vector.shape_cast %swap3A_468 : vector<1x16xf32> to vector<16xf32>
        %swap3A_470 = vector.shape_cast %mul3A_465 : vector<16xf32> to vector<1x16xf32>
        tpu.vector_store %arg13[%swap3A_466, %swap3A_467], %swap3A_470 {strides = array<i32>} : memref<128x64xf32, #tpu.memory_space<vmem>>, vector<1x16xf32>,
        %get3A_471 = arith.index_cast %add3A_459 : i32 to index
        %get3A_472 = arith.constant 16 : index
        %get3A_473 = tpu.vector_load %arg13[%get3A_471, %get3A_472] {strides = array<i32>} : memref<128x64xf32, #tpu.memory_space<vmem>>, vector<1x16xf32>,
        %get3A_474 = vector.shape_cast %get3A_473 : vector<1x16xf32> to vector<16xf32>
        %mul3A_475 = vector.broadcast %squeeze3A_455 : f32 to vector<16xf32>
        %mul3A_476 = arith.mulf %get3A_474, %mul3A_475 : vector<16xf32>
        %swap3A_477 = arith.index_cast %add3A_459 : i32 to index
        %swap3A_478 = arith.constant 16 : index
        %swap3A_479 = tpu.vector_load %arg13[%swap3A_477, %swap3A_478] {strides = array<i32>} : memref<128x64xf32, #tpu.memory_space<vmem>>, vector<1x16xf32>,
        %swap3A_480 = vector.shape_cast %swap3A_479 : vector<1x16xf32> to vector<16xf32>
        %swap3A_481 = vector.shape_cast %mul3A_476 : vector<16xf32> to vector<1x16xf32>
        tpu.vector_store %arg13[%swap3A_477, %swap3A_478], %swap3A_481 {strides = array<i32>} : memref<128x64xf32, #tpu.memory_space<vmem>>, vector<1x16xf32>,
        %get3A_482 = arith.index_cast %add3A_459 : i32 to index
        %get3A_483 = arith.constant 32 : index
        %get3A_484 = tpu.vector_load %arg13[%get3A_482, %get3A_483] {strides = array<i32>} : memref<128x64xf32, #tpu.memory_space<vmem>>, vector<1x16xf32>,
        %get3A_485 = vector.shape_cast %get3A_484 : vector<1x16xf32> to vector<16xf32>
        %mul3A_486 = vector.broadcast %squeeze3A_455 : f32 to vector<16xf32>
        %mul3A_487 = arith.mulf %get3A_485, %mul3A_486 : vector<16xf32>
        %swap3A_488 = arith.index_cast %add3A_459 : i32 to index
        %swap3A_489 = arith.constant 32 : index
        %swap3A_490 = tpu.vector_load %arg13[%swap3A_488, %swap3A_489] {strides = array<i32>} : memref<128x64xf32, #tpu.memory_space<vmem>>, vector<1x16xf32>,
        %swap3A_491 = vector.shape_cast %swap3A_490 : vector<1x16xf32> to vector<16xf32>
        %swap3A_492 = vector.shape_cast %mul3A_487 : vector<16xf32> to vector<1x16xf32>
        tpu.vector_store %arg13[%swap3A_488, %swap3A_489], %swap3A_492 {strides = array<i32>} : memref<128x64xf32, #tpu.memory_space<vmem>>, vector<1x16xf32>,
        %get3A_493 = arith.index_cast %add3A_459 : i32 to index
        %get3A_494 = arith.constant 48 : index
        %get3A_495 = tpu.vector_load %arg13[%get3A_493, %get3A_494] {strides = array<i32>} : memref<128x64xf32, #tpu.memory_space<vmem>>, vector<1x16xf32>,
        %get3A_496 = vector.shape_cast %get3A_495 : vector<1x16xf32> to vector<16xf32>
        %mul3A_497 = vector.broadcast %squeeze3A_455 : f32 to vector<16xf32>
        %mul3A_498 = arith.mulf %get3A_496, %mul3A_497 : vector<16xf32>
        %swap3A_499 = arith.index_cast %add3A_459 : i32 to index
        %swap3A_500 = arith.constant 48 : index
        %swap3A_501 = tpu.vector_load %arg13[%swap3A_499, %swap3A_500] {strides = array<i32>} : memref<128x64xf32, #tpu.memory_space<vmem>>, vector<1x16xf32>,
        %swap3A_502 = vector.shape_cast %swap3A_501 : vector<1x16xf32> to vector<16xf32>
        %swap3A_503 = vector.shape_cast %mul3A_498 : vector<16xf32> to vector<1x16xf32>
        tpu.vector_store %arg13[%swap3A_499, %swap3A_500], %swap3A_503 {strides = array<i32>} : memref<128x64xf32, #tpu.memory_space<vmem>>, vector<1x16xf32>,
        %slice3A_504 = vector.extract_strided_slice %get3A_56 {offsets = [9], sizes = [1], strides = [1]} : vector<16xf32> to vector<1xf32>
        %squeeze3A_505 = vector.extract %slice3A_504[0] : f32 from vector<1xf32>
        %mul3A_506 = arith.constant 16 : i32
        %mul3A_507 = arith.muli %scan3A_52, %mul3A_506 : i32
        %add3A_508 = arith.constant 9 : i32
        %add3A_509 = arith.addi %mul3A_507, %add3A_508 : i32
        %get3A_510 = arith.index_cast %add3A_509 : i32 to index
        %get3A_511 = arith.constant 0 : index
        %get3A_512 = tpu.vector_load %arg13[%get3A_510, %get3A_511] {strides = array<i32>} : memref<128x64xf32, #tpu.memory_space<vmem>>, vector<1x16xf32>,
        %get3A_513 = vector.shape_cast %get3A_512 : vector<1x16xf32> to vector<16xf32>
        %mul3A_514 = vector.broadcast %squeeze3A_505 : f32 to vector<16xf32>
        %mul3A_515 = arith.mulf %get3A_513, %mul3A_514 : vector<16xf32>
        %swap3A_516 = arith.index_cast %add3A_509 : i32 to index
        %swap3A_517 = arith.constant 0 : index
        %swap3A_518 = tpu.vector_load %arg13[%swap3A_516, %swap3A_517] {strides = array<i32>} : memref<128x64xf32, #tpu.memory_space<vmem>>, vector<1x16xf32>,
        %swap3A_519 = vector.shape_cast %swap3A_518 : vector<1x16xf32> to vector<16xf32>
        %swap3A_520 = vector.shape_cast %mul3A_515 : vector<16xf32> to vector<1x16xf32>
        tpu.vector_store %arg13[%swap3A_516, %swap3A_517], %swap3A_520 {strides = array<i32>} : memref<128x64xf32, #tpu.memory_space<vmem>>, vector<1x16xf32>,
        %get3A_521 = arith.index_cast %add3A_509 : i32 to index
        %get3A_522 = arith.constant 16 : index
        %get3A_523 = tpu.vector_load %arg13[%get3A_521, %get3A_522] {strides = array<i32>} : memref<128x64xf32, #tpu.memory_space<vmem>>, vector<1x16xf32>,
        %get3A_524 = vector.shape_cast %get3A_523 : vector<1x16xf32> to vector<16xf32>
        %mul3A_525 = vector.broadcast %squeeze3A_505 : f32 to vector<16xf32>
        %mul3A_526 = arith.mulf %get3A_524, %mul3A_525 : vector<16xf32>
        %swap3A_527 = arith.index_cast %add3A_509 : i32 to index
        %swap3A_528 = arith.constant 16 : index
        %swap3A_529 = tpu.vector_load %arg13[%swap3A_527, %swap3A_528] {strides = array<i32>} : memref<128x64xf32, #tpu.memory_space<vmem>>, vector<1x16xf32>,
        %swap3A_530 = vector.shape_cast %swap3A_529 : vector<1x16xf32> to vector<16xf32>
        %swap3A_531 = vector.shape_cast %mul3A_526 : vector<16xf32> to vector<1x16xf32>
        tpu.vector_store %arg13[%swap3A_527, %swap3A_528], %swap3A_531 {strides = array<i32>} : memref<128x64xf32, #tpu.memory_space<vmem>>, vector<1x16xf32>,
        %get3A_532 = arith.index_cast %add3A_509 : i32 to index
        %get3A_533 = arith.constant 32 : index
        %get3A_534 = tpu.vector_load %arg13[%get3A_532, %get3A_533] {strides = array<i32>} : memref<128x64xf32, #tpu.memory_space<vmem>>, vector<1x16xf32>,
        %get3A_535 = vector.shape_cast %get3A_534 : vector<1x16xf32> to vector<16xf32>
        %mul3A_536 = vector.broadcast %squeeze3A_505 : f32 to vector<16xf32>
        %mul3A_537 = arith.mulf %get3A_535, %mul3A_536 : vector<16xf32>
        %swap3A_538 = arith.index_cast %add3A_509 : i32 to index
        %swap3A_539 = arith.constant 32 : index
        %swap3A_540 = tpu.vector_load %arg13[%swap3A_538, %swap3A_539] {strides = array<i32>} : memref<128x64xf32, #tpu.memory_space<vmem>>, vector<1x16xf32>,
        %swap3A_541 = vector.shape_cast %swap3A_540 : vector<1x16xf32> to vector<16xf32>
        %swap3A_542 = vector.shape_cast %mul3A_537 : vector<16xf32> to vector<1x16xf32>
        tpu.vector_store %arg13[%swap3A_538, %swap3A_539], %swap3A_542 {strides = array<i32>} : memref<128x64xf32, #tpu.memory_space<vmem>>, vector<1x16xf32>,
        %get3A_543 = arith.index_cast %add3A_509 : i32 to index
        %get3A_544 = arith.constant 48 : index
        %get3A_545 = tpu.vector_load %arg13[%get3A_543, %get3A_544] {strides = array<i32>} : memref<128x64xf32, #tpu.memory_space<vmem>>, vector<1x16xf32>,
        %get3A_546 = vector.shape_cast %get3A_545 : vector<1x16xf32> to vector<16xf32>
        %mul3A_547 = vector.broadcast %squeeze3A_505 : f32 to vector<16xf32>
        %mul3A_548 = arith.mulf %get3A_546, %mul3A_547 : vector<16xf32>
        %swap3A_549 = arith.index_cast %add3A_509 : i32 to index
        %swap3A_550 = arith.constant 48 : index
        %swap3A_551 = tpu.vector_load %arg13[%swap3A_549, %swap3A_550] {strides = array<i32>} : memref<128x64xf32, #tpu.memory_space<vmem>>, vector<1x16xf32>,
        %swap3A_552 = vector.shape_cast %swap3A_551 : vector<1x16xf32> to vector<16xf32>
        %swap3A_553 = vector.shape_cast %mul3A_548 : vector<16xf32> to vector<1x16xf32>
        tpu.vector_store %arg13[%swap3A_549, %swap3A_550], %swap3A_553 {strides = array<i32>} : memref<128x64xf32, #tpu.memory_space<vmem>>, vector<1x16xf32>,
        %slice3A_554 = vector.extract_strided_slice %get3A_56 {offsets = [10], sizes = [1], strides = [1]} : vector<16xf32> to vector<1xf32>
        %squeeze3A_555 = vector.extract %slice3A_554[0] : f32 from vector<1xf32>
        %mul3A_556 = arith.constant 16 : i32
        %mul3A_557 = arith.muli %scan3A_52, %mul3A_556 : i32
        %add3A_558 = arith.constant 10 : i32
        %add3A_559 = arith.addi %mul3A_557, %add3A_558 : i32
        %get3A_560 = arith.index_cast %add3A_559 : i32 to index
        %get3A_561 = arith.constant 0 : index
        %get3A_562 = tpu.vector_load %arg13[%get3A_560, %get3A_561] {strides = array<i32>} : memref<128x64xf32, #tpu.memory_space<vmem>>, vector<1x16xf32>,
        %get3A_563 = vector.shape_cast %get3A_562 : vector<1x16xf32> to vector<16xf32>
        %mul3A_564 = vector.broadcast %squeeze3A_555 : f32 to vector<16xf32>
        %mul3A_565 = arith.mulf %get3A_563, %mul3A_564 : vector<16xf32>
        %swap3A_566 = arith.index_cast %add3A_559 : i32 to index
        %swap3A_567 = arith.constant 0 : index
        %swap3A_568 = tpu.vector_load %arg13[%swap3A_566, %swap3A_567] {strides = array<i32>} : memref<128x64xf32, #tpu.memory_space<vmem>>, vector<1x16xf32>,
        %swap3A_569 = vector.shape_cast %swap3A_568 : vector<1x16xf32> to vector<16xf32>
        %swap3A_570 = vector.shape_cast %mul3A_565 : vector<16xf32> to vector<1x16xf32>
        tpu.vector_store %arg13[%swap3A_566, %swap3A_567], %swap3A_570 {strides = array<i32>} : memref<128x64xf32, #tpu.memory_space<vmem>>, vector<1x16xf32>,
        %get3A_571 = arith.index_cast %add3A_559 : i32 to index
        %get3A_572 = arith.constant 16 : index
        %get3A_573 = tpu.vector_load %arg13[%get3A_571, %get3A_572] {strides = array<i32>} : memref<128x64xf32, #tpu.memory_space<vmem>>, vector<1x16xf32>,
        %get3A_574 = vector.shape_cast %get3A_573 : vector<1x16xf32> to vector<16xf32>
        %mul3A_575 = vector.broadcast %squeeze3A_555 : f32 to vector<16xf32>
        %mul3A_576 = arith.mulf %get3A_574, %mul3A_575 : vector<16xf32>
        %swap3A_577 = arith.index_cast %add3A_559 : i32 to index
        %swap3A_578 = arith.constant 16 : index
        %swap3A_579 = tpu.vector_load %arg13[%swap3A_577, %swap3A_578] {strides = array<i32>} : memref<128x64xf32, #tpu.memory_space<vmem>>, vector<1x16xf32>,
        %swap3A_580 = vector.shape_cast %swap3A_579 : vector<1x16xf32> to vector<16xf32>
        %swap3A_581 = vector.shape_cast %mul3A_576 : vector<16xf32> to vector<1x16xf32>
        tpu.vector_store %arg13[%swap3A_577, %swap3A_578], %swap3A_581 {strides = array<i32>} : memref<128x64xf32, #tpu.memory_space<vmem>>, vector<1x16xf32>,
        %get3A_582 = arith.index_cast %add3A_559 : i32 to index
        %get3A_583 = arith.constant 32 : index
        %get3A_584 = tpu.vector_load %arg13[%get3A_582, %get3A_583] {strides = array<i32>} : memref<128x64xf32, #tpu.memory_space<vmem>>, vector<1x16xf32>,
        %get3A_585 = vector.shape_cast %get3A_584 : vector<1x16xf32> to vector<16xf32>
        %mul3A_586 = vector.broadcast %squeeze3A_555 : f32 to vector<16xf32>
        %mul3A_587 = arith.mulf %get3A_585, %mul3A_586 : vector<16xf32>
        %swap3A_588 = arith.index_cast %add3A_559 : i32 to index
        %swap3A_589 = arith.constant 32 : index
        %swap3A_590 = tpu.vector_load %arg13[%swap3A_588, %swap3A_589] {strides = array<i32>} : memref<128x64xf32, #tpu.memory_space<vmem>>, vector<1x16xf32>,
        %swap3A_591 = vector.shape_cast %swap3A_590 : vector<1x16xf32> to vector<16xf32>
        %swap3A_592 = vector.shape_cast %mul3A_587 : vector<16xf32> to vector<1x16xf32>
        tpu.vector_store %arg13[%swap3A_588, %swap3A_589], %swap3A_592 {strides = array<i32>} : memref<128x64xf32, #tpu.memory_space<vmem>>, vector<1x16xf32>,
        %get3A_593 = arith.index_cast %add3A_559 : i32 to index
        %get3A_594 = arith.constant 48 : index
        %get3A_595 = tpu.vector_load %arg13[%get3A_593, %get3A_594] {strides = array<i32>} : memref<128x64xf32, #tpu.memory_space<vmem>>, vector<1x16xf32>,
        %get3A_596 = vector.shape_cast %get3A_595 : vector<1x16xf32> to vector<16xf32>
        %mul3A_597 = vector.broadcast %squeeze3A_555 : f32 to vector<16xf32>
        %mul3A_598 = arith.mulf %get3A_596, %mul3A_597 : vector<16xf32>
        %swap3A_599 = arith.index_cast %add3A_559 : i32 to index
        %swap3A_600 = arith.constant 48 : index
        %swap3A_601 = tpu.vector_load %arg13[%swap3A_599, %swap3A_600] {strides = array<i32>} : memref<128x64xf32, #tpu.memory_space<vmem>>, vector<1x16xf32>,
        %swap3A_602 = vector.shape_cast %swap3A_601 : vector<1x16xf32> to vector<16xf32>
        %swap3A_603 = vector.shape_cast %mul3A_598 : vector<16xf32> to vector<1x16xf32>
        tpu.vector_store %arg13[%swap3A_599, %swap3A_600], %swap3A_603 {strides = array<i32>} : memref<128x64xf32, #tpu.memory_space<vmem>>, vector<1x16xf32>,
        %slice3A_604 = vector.extract_strided_slice %get3A_56 {offsets = [11], sizes = [1], strides = [1]} : vector<16xf32> to vector<1xf32>
        %squeeze3A_605 = vector.extract %slice3A_604[0] : f32 from vector<1xf32>
        %mul3A_606 = arith.constant 16 : i32
        %mul3A_607 = arith.muli %scan3A_52, %mul3A_606 : i32
        %add3A_608 = arith.constant 11 : i32
        %add3A_609 = arith.addi %mul3A_607, %add3A_608 : i32
        %get3A_610 = arith.index_cast %add3A_609 : i32 to index
        %get3A_611 = arith.constant 0 : index
        %get3A_612 = tpu.vector_load %arg13[%get3A_610, %get3A_611] {strides = array<i32>} : memref<128x64xf32, #tpu.memory_space<vmem>>, vector<1x16xf32>,
        %get3A_613 = vector.shape_cast %get3A_612 : vector<1x16xf32> to vector<16xf32>
        %mul3A_614 = vector.broadcast %squeeze3A_605 : f32 to vector<16xf32>
        %mul3A_615 = arith.mulf %get3A_613, %mul3A_614 : vector<16xf32>
        %swap3A_616 = arith.index_cast %add3A_609 : i32 to index
        %swap3A_617 = arith.constant 0 : index
        %swap3A_618 = tpu.vector_load %arg13[%swap3A_616, %swap3A_617] {strides = array<i32>} : memref<128x64xf32, #tpu.memory_space<vmem>>, vector<1x16xf32>,
        %swap3A_619 = vector.shape_cast %swap3A_618 : vector<1x16xf32> to vector<16xf32>
        %swap3A_620 = vector.shape_cast %mul3A_615 : vector<16xf32> to vector<1x16xf32>
        tpu.vector_store %arg13[%swap3A_616, %swap3A_617], %swap3A_620 {strides = array<i32>} : memref<128x64xf32, #tpu.memory_space<vmem>>, vector<1x16xf32>,
        %get3A_621 = arith.index_cast %add3A_609 : i32 to index
        %get3A_622 = arith.constant 16 : index
        %get3A_623 = tpu.vector_load %arg13[%get3A_621, %get3A_622] {strides = array<i32>} : memref<128x64xf32, #tpu.memory_space<vmem>>, vector<1x16xf32>,
        %get3A_624 = vector.shape_cast %get3A_623 : vector<1x16xf32> to vector<16xf32>
        %mul3A_625 = vector.broadcast %squeeze3A_605 : f32 to vector<16xf32>
        %mul3A_626 = arith.mulf %get3A_624, %mul3A_625 : vector<16xf32>
        %swap3A_627 = arith.index_cast %add3A_609 : i32 to index
        %swap3A_628 = arith.constant 16 : index
        %swap3A_629 = tpu.vector_load %arg13[%swap3A_627, %swap3A_628] {strides = array<i32>} : memref<128x64xf32, #tpu.memory_space<vmem>>, vector<1x16xf32>,
        %swap3A_630 = vector.shape_cast %swap3A_629 : vector<1x16xf32> to vector<16xf32>
        %swap3A_631 = vector.shape_cast %mul3A_626 : vector<16xf32> to vector<1x16xf32>
        tpu.vector_store %arg13[%swap3A_627, %swap3A_628], %swap3A_631 {strides = array<i32>} : memref<128x64xf32, #tpu.memory_space<vmem>>, vector<1x16xf32>,
        %get3A_632 = arith.index_cast %add3A_609 : i32 to index
        %get3A_633 = arith.constant 32 : index
        %get3A_634 = tpu.vector_load %arg13[%get3A_632, %get3A_633] {strides = array<i32>} : memref<128x64xf32, #tpu.memory_space<vmem>>, vector<1x16xf32>,
        %get3A_635 = vector.shape_cast %get3A_634 : vector<1x16xf32> to vector<16xf32>
        %mul3A_636 = vector.broadcast %squeeze3A_605 : f32 to vector<16xf32>
        %mul3A_637 = arith.mulf %get3A_635, %mul3A_636 : vector<16xf32>
        %swap3A_638 = arith.index_cast %add3A_609 : i32 to index
        %swap3A_639 = arith.constant 32 : index
        %swap3A_640 = tpu.vector_load %arg13[%swap3A_638, %swap3A_639] {strides = array<i32>} : memref<128x64xf32, #tpu.memory_space<vmem>>, vector<1x16xf32>,
        %swap3A_641 = vector.shape_cast %swap3A_640 : vector<1x16xf32> to vector<16xf32>
        %swap3A_642 = vector.shape_cast %mul3A_637 : vector<16xf32> to vector<1x16xf32>
        tpu.vector_store %arg13[%swap3A_638, %swap3A_639], %swap3A_642 {strides = array<i32>} : memref<128x64xf32, #tpu.memory_space<vmem>>, vector<1x16xf32>,
        %get3A_643 = arith.index_cast %add3A_609 : i32 to index
        %get3A_644 = arith.constant 48 : index
        %get3A_645 = tpu.vector_load %arg13[%get3A_643, %get3A_644] {strides = array<i32>} : memref<128x64xf32, #tpu.memory_space<vmem>>, vector<1x16xf32>,
        %get3A_646 = vector.shape_cast %get3A_645 : vector<1x16xf32> to vector<16xf32>
        %mul3A_647 = vector.broadcast %squeeze3A_605 : f32 to vector<16xf32>
        %mul3A_648 = arith.mulf %get3A_646, %mul3A_647 : vector<16xf32>
        %swap3A_649 = arith.index_cast %add3A_609 : i32 to index
        %swap3A_650 = arith.constant 48 : index
        %swap3A_651 = tpu.vector_load %arg13[%swap3A_649, %swap3A_650] {strides = array<i32>} : memref<128x64xf32, #tpu.memory_space<vmem>>, vector<1x16xf32>,
        %swap3A_652 = vector.shape_cast %swap3A_651 : vector<1x16xf32> to vector<16xf32>
        %swap3A_653 = vector.shape_cast %mul3A_648 : vector<16xf32> to vector<1x16xf32>
        tpu.vector_store %arg13[%swap3A_649, %swap3A_650], %swap3A_653 {strides = array<i32>} : memref<128x64xf32, #tpu.memory_space<vmem>>, vector<1x16xf32>,
        %slice3A_654 = vector.extract_strided_slice %get3A_56 {offsets = [12], sizes = [1], strides = [1]} : vector<16xf32> to vector<1xf32>
        %squeeze3A_655 = vector.extract %slice3A_654[0] : f32 from vector<1xf32>
        %mul3A_656 = arith.constant 16 : i32
        %mul3A_657 = arith.muli %scan3A_52, %mul3A_656 : i32
        %add3A_658 = arith.constant 12 : i32
        %add3A_659 = arith.addi %mul3A_657, %add3A_658 : i32
        %get3A_660 = arith.index_cast %add3A_659 : i32 to index
        %get3A_661 = arith.constant 0 : index
        %get3A_662 = tpu.vector_load %arg13[%get3A_660, %get3A_661] {strides = array<i32>} : memref<128x64xf32, #tpu.memory_space<vmem>>, vector<1x16xf32>,
        %get3A_663 = vector.shape_cast %get3A_662 : vector<1x16xf32> to vector<16xf32>
        %mul3A_664 = vector.broadcast %squeeze3A_655 : f32 to vector<16xf32>
        %mul3A_665 = arith.mulf %get3A_663, %mul3A_664 : vector<16xf32>
        %swap3A_666 = arith.index_cast %add3A_659 : i32 to index
        %swap3A_667 = arith.constant 0 : index
        %swap3A_668 = tpu.vector_load %arg13[%swap3A_666, %swap3A_667] {strides = array<i32>} : memref<128x64xf32, #tpu.memory_space<vmem>>, vector<1x16xf32>,
        %swap3A_669 = vector.shape_cast %swap3A_668 : vector<1x16xf32> to vector<16xf32>
        %swap3A_670 = vector.shape_cast %mul3A_665 : vector<16xf32> to vector<1x16xf32>
        tpu.vector_store %arg13[%swap3A_666, %swap3A_667], %swap3A_670 {strides = array<i32>} : memref<128x64xf32, #tpu.memory_space<vmem>>, vector<1x16xf32>,
        %get3A_671 = arith.index_cast %add3A_659 : i32 to index
        %get3A_672 = arith.constant 16 : index
        %get3A_673 = tpu.vector_load %arg13[%get3A_671, %get3A_672] {strides = array<i32>} : memref<128x64xf32, #tpu.memory_space<vmem>>, vector<1x16xf32>,
        %get3A_674 = vector.shape_cast %get3A_673 : vector<1x16xf32> to vector<16xf32>
        %mul3A_675 = vector.broadcast %squeeze3A_655 : f32 to vector<16xf32>
        %mul3A_676 = arith.mulf %get3A_674, %mul3A_675 : vector<16xf32>
        %swap3A_677 = arith.index_cast %add3A_659 : i32 to index
        %swap3A_678 = arith.constant 16 : index
        %swap3A_679 = tpu.vector_load %arg13[%swap3A_677, %swap3A_678] {strides = array<i32>} : memref<128x64xf32, #tpu.memory_space<vmem>>, vector<1x16xf32>,
        %swap3A_680 = vector.shape_cast %swap3A_679 : vector<1x16xf32> to vector<16xf32>
        %swap3A_681 = vector.shape_cast %mul3A_676 : vector<16xf32> to vector<1x16xf32>
        tpu.vector_store %arg13[%swap3A_677, %swap3A_678], %swap3A_681 {strides = array<i32>} : memref<128x64xf32, #tpu.memory_space<vmem>>, vector<1x16xf32>,
        %get3A_682 = arith.index_cast %add3A_659 : i32 to index
        %get3A_683 = arith.constant 32 : index
        %get3A_684 = tpu.vector_load %arg13[%get3A_682, %get3A_683] {strides = array<i32>} : memref<128x64xf32, #tpu.memory_space<vmem>>, vector<1x16xf32>,
        %get3A_685 = vector.shape_cast %get3A_684 : vector<1x16xf32> to vector<16xf32>
        %mul3A_686 = vector.broadcast %squeeze3A_655 : f32 to vector<16xf32>
        %mul3A_687 = arith.mulf %get3A_685, %mul3A_686 : vector<16xf32>
        %swap3A_688 = arith.index_cast %add3A_659 : i32 to index
        %swap3A_689 = arith.constant 32 : index
        %swap3A_690 = tpu.vector_load %arg13[%swap3A_688, %swap3A_689] {strides = array<i32>} : memref<128x64xf32, #tpu.memory_space<vmem>>, vector<1x16xf32>,
        %swap3A_691 = vector.shape_cast %swap3A_690 : vector<1x16xf32> to vector<16xf32>
        %swap3A_692 = vector.shape_cast %mul3A_687 : vector<16xf32> to vector<1x16xf32>
        tpu.vector_store %arg13[%swap3A_688, %swap3A_689], %swap3A_692 {strides = array<i32>} : memref<128x64xf32, #tpu.memory_space<vmem>>, vector<1x16xf32>,
        %get3A_693 = arith.index_cast %add3A_659 : i32 to index
        %get3A_694 = arith.constant 48 : index
        %get3A_695 = tpu.vector_load %arg13[%get3A_693, %get3A_694] {strides = array<i32>} : memref<128x64xf32, #tpu.memory_space<vmem>>, vector<1x16xf32>,
        %get3A_696 = vector.shape_cast %get3A_695 : vector<1x16xf32> to vector<16xf32>
        %mul3A_697 = vector.broadcast %squeeze3A_655 : f32 to vector<16xf32>
        %mul3A_698 = arith.mulf %get3A_696, %mul3A_697 : vector<16xf32>
        %swap3A_699 = arith.index_cast %add3A_659 : i32 to index
        %swap3A_700 = arith.constant 48 : index
        %swap3A_701 = tpu.vector_load %arg13[%swap3A_699, %swap3A_700] {strides = array<i32>} : memref<128x64xf32, #tpu.memory_space<vmem>>, vector<1x16xf32>,
        %swap3A_702 = vector.shape_cast %swap3A_701 : vector<1x16xf32> to vector<16xf32>
        %swap3A_703 = vector.shape_cast %mul3A_698 : vector<16xf32> to vector<1x16xf32>
        tpu.vector_store %arg13[%swap3A_699, %swap3A_700], %swap3A_703 {strides = array<i32>} : memref<128x64xf32, #tpu.memory_space<vmem>>, vector<1x16xf32>,
        %slice3A_704 = vector.extract_strided_slice %get3A_56 {offsets = [13], sizes = [1], strides = [1]} : vector<16xf32> to vector<1xf32>
        %squeeze3A_705 = vector.extract %slice3A_704[0] : f32 from vector<1xf32>
        %mul3A_706 = arith.constant 16 : i32
        %mul3A_707 = arith.muli %scan3A_52, %mul3A_706 : i32
        %add3A_708 = arith.constant 13 : i32
        %add3A_709 = arith.addi %mul3A_707, %add3A_708 : i32
        %get3A_710 = arith.index_cast %add3A_709 : i32 to index
        %get3A_711 = arith.constant 0 : index
        %get3A_712 = tpu.vector_load %arg13[%get3A_710, %get3A_711] {strides = array<i32>} : memref<128x64xf32, #tpu.memory_space<vmem>>, vector<1x16xf32>,
        %get3A_713 = vector.shape_cast %get3A_712 : vector<1x16xf32> to vector<16xf32>
        %mul3A_714 = vector.broadcast %squeeze3A_705 : f32 to vector<16xf32>
        %mul3A_715 = arith.mulf %get3A_713, %mul3A_714 : vector<16xf32>
        %swap3A_716 = arith.index_cast %add3A_709 : i32 to index
        %swap3A_717 = arith.constant 0 : index
        %swap3A_718 = tpu.vector_load %arg13[%swap3A_716, %swap3A_717] {strides = array<i32>} : memref<128x64xf32, #tpu.memory_space<vmem>>, vector<1x16xf32>,
        %swap3A_719 = vector.shape_cast %swap3A_718 : vector<1x16xf32> to vector<16xf32>
        %swap3A_720 = vector.shape_cast %mul3A_715 : vector<16xf32> to vector<1x16xf32>
        tpu.vector_store %arg13[%swap3A_716, %swap3A_717], %swap3A_720 {strides = array<i32>} : memref<128x64xf32, #tpu.memory_space<vmem>>, vector<1x16xf32>,
        %get3A_721 = arith.index_cast %add3A_709 : i32 to index
        %get3A_722 = arith.constant 16 : index
        %get3A_723 = tpu.vector_load %arg13[%get3A_721, %get3A_722] {strides = array<i32>} : memref<128x64xf32, #tpu.memory_space<vmem>>, vector<1x16xf32>,
        %get3A_724 = vector.shape_cast %get3A_723 : vector<1x16xf32> to vector<16xf32>
        %mul3A_725 = vector.broadcast %squeeze3A_705 : f32 to vector<16xf32>
        %mul3A_726 = arith.mulf %get3A_724, %mul3A_725 : vector<16xf32>
        %swap3A_727 = arith.index_cast %add3A_709 : i32 to index
        %swap3A_728 = arith.constant 16 : index
        %swap3A_729 = tpu.vector_load %arg13[%swap3A_727, %swap3A_728] {strides = array<i32>} : memref<128x64xf32, #tpu.memory_space<vmem>>, vector<1x16xf32>,
        %swap3A_730 = vector.shape_cast %swap3A_729 : vector<1x16xf32> to vector<16xf32>
        %swap3A_731 = vector.shape_cast %mul3A_726 : vector<16xf32> to vector<1x16xf32>
        tpu.vector_store %arg13[%swap3A_727, %swap3A_728], %swap3A_731 {strides = array<i32>} : memref<128x64xf32, #tpu.memory_space<vmem>>, vector<1x16xf32>,
        %get3A_732 = arith.index_cast %add3A_709 : i32 to index
        %get3A_733 = arith.constant 32 : index
        %get3A_734 = tpu.vector_load %arg13[%get3A_732, %get3A_733] {strides = array<i32>} : memref<128x64xf32, #tpu.memory_space<vmem>>, vector<1x16xf32>,
        %get3A_735 = vector.shape_cast %get3A_734 : vector<1x16xf32> to vector<16xf32>
        %mul3A_736 = vector.broadcast %squeeze3A_705 : f32 to vector<16xf32>
        %mul3A_737 = arith.mulf %get3A_735, %mul3A_736 : vector<16xf32>
        %swap3A_738 = arith.index_cast %add3A_709 : i32 to index
        %swap3A_739 = arith.constant 32 : index
        %swap3A_740 = tpu.vector_load %arg13[%swap3A_738, %swap3A_739] {strides = array<i32>} : memref<128x64xf32, #tpu.memory_space<vmem>>, vector<1x16xf32>,
        %swap3A_741 = vector.shape_cast %swap3A_740 : vector<1x16xf32> to vector<16xf32>
        %swap3A_742 = vector.shape_cast %mul3A_737 : vector<16xf32> to vector<1x16xf32>
        tpu.vector_store %arg13[%swap3A_738, %swap3A_739], %swap3A_742 {strides = array<i32>} : memref<128x64xf32, #tpu.memory_space<vmem>>, vector<1x16xf32>,
        %get3A_743 = arith.index_cast %add3A_709 : i32 to index
        %get3A_744 = arith.constant 48 : index
        %get3A_745 = tpu.vector_load %arg13[%get3A_743, %get3A_744] {strides = array<i32>} : memref<128x64xf32, #tpu.memory_space<vmem>>, vector<1x16xf32>,
        %get3A_746 = vector.shape_cast %get3A_745 : vector<1x16xf32> to vector<16xf32>
        %mul3A_747 = vector.broadcast %squeeze3A_705 : f32 to vector<16xf32>
        %mul3A_748 = arith.mulf %get3A_746, %mul3A_747 : vector<16xf32>
        %swap3A_749 = arith.index_cast %add3A_709 : i32 to index
        %swap3A_750 = arith.constant 48 : index
        %swap3A_751 = tpu.vector_load %arg13[%swap3A_749, %swap3A_750] {strides = array<i32>} : memref<128x64xf32, #tpu.memory_space<vmem>>, vector<1x16xf32>,
        %swap3A_752 = vector.shape_cast %swap3A_751 : vector<1x16xf32> to vector<16xf32>
        %swap3A_753 = vector.shape_cast %mul3A_748 : vector<16xf32> to vector<1x16xf32>
        tpu.vector_store %arg13[%swap3A_749, %swap3A_750], %swap3A_753 {strides = array<i32>} : memref<128x64xf32, #tpu.memory_space<vmem>>, vector<1x16xf32>,
        %slice3A_754 = vector.extract_strided_slice %get3A_56 {offsets = [14], sizes = [1], strides = [1]} : vector<16xf32> to vector<1xf32>
        %squeeze3A_755 = vector.extract %slice3A_754[0] : f32 from vector<1xf32>
        %mul3A_756 = arith.constant 16 : i32
        %mul3A_757 = arith.muli %scan3A_52, %mul3A_756 : i32
        %add3A_758 = arith.constant 14 : i32
        %add3A_759 = arith.addi %mul3A_757, %add3A_758 : i32
        %get3A_760 = arith.index_cast %add3A_759 : i32 to index
        %get3A_761 = arith.constant 0 : index
        %get3A_762 = tpu.vector_load %arg13[%get3A_760, %get3A_761] {strides = array<i32>} : memref<128x64xf32, #tpu.memory_space<vmem>>, vector<1x16xf32>,
        %get3A_763 = vector.shape_cast %get3A_762 : vector<1x16xf32> to vector<16xf32>
        %mul3A_764 = vector.broadcast %squeeze3A_755 : f32 to vector<16xf32>
        %mul3A_765 = arith.mulf %get3A_763, %mul3A_764 : vector<16xf32>
        %swap3A_766 = arith.index_cast %add3A_759 : i32 to index
        %swap3A_767 = arith.constant 0 : index
        %swap3A_768 = tpu.vector_load %arg13[%swap3A_766, %swap3A_767] {strides = array<i32>} : memref<128x64xf32, #tpu.memory_space<vmem>>, vector<1x16xf32>,
        %swap3A_769 = vector.shape_cast %swap3A_768 : vector<1x16xf32> to vector<16xf32>
        %swap3A_770 = vector.shape_cast %mul3A_765 : vector<16xf32> to vector<1x16xf32>
        tpu.vector_store %arg13[%swap3A_766, %swap3A_767], %swap3A_770 {strides = array<i32>} : memref<128x64xf32, #tpu.memory_space<vmem>>, vector<1x16xf32>,
        %get3A_771 = arith.index_cast %add3A_759 : i32 to index
        %get3A_772 = arith.constant 16 : index
        %get3A_773 = tpu.vector_load %arg13[%get3A_771, %get3A_772] {strides = array<i32>} : memref<128x64xf32, #tpu.memory_space<vmem>>, vector<1x16xf32>,
        %get3A_774 = vector.shape_cast %get3A_773 : vector<1x16xf32> to vector<16xf32>
        %mul3A_775 = vector.broadcast %squeeze3A_755 : f32 to vector<16xf32>
        %mul3A_776 = arith.mulf %get3A_774, %mul3A_775 : vector<16xf32>
        %swap3A_777 = arith.index_cast %add3A_759 : i32 to index
        %swap3A_778 = arith.constant 16 : index
        %swap3A_779 = tpu.vector_load %arg13[%swap3A_777, %swap3A_778] {strides = array<i32>} : memref<128x64xf32, #tpu.memory_space<vmem>>, vector<1x16xf32>,
        %swap3A_780 = vector.shape_cast %swap3A_779 : vector<1x16xf32> to vector<16xf32>
        %swap3A_781 = vector.shape_cast %mul3A_776 : vector<16xf32> to vector<1x16xf32>
        tpu.vector_store %arg13[%swap3A_777, %swap3A_778], %swap3A_781 {strides = array<i32>} : memref<128x64xf32, #tpu.memory_space<vmem>>, vector<1x16xf32>,
        %get3A_782 = arith.index_cast %add3A_759 : i32 to index
        %get3A_783 = arith.constant 32 : index
        %get3A_784 = tpu.vector_load %arg13[%get3A_782, %get3A_783] {strides = array<i32>} : memref<128x64xf32, #tpu.memory_space<vmem>>, vector<1x16xf32>,
        %get3A_785 = vector.shape_cast %get3A_784 : vector<1x16xf32> to vector<16xf32>
        %mul3A_786 = vector.broadcast %squeeze3A_755 : f32 to vector<16xf32>
        %mul3A_787 = arith.mulf %get3A_785, %mul3A_786 : vector<16xf32>
        %swap3A_788 = arith.index_cast %add3A_759 : i32 to index
        %swap3A_789 = arith.constant 32 : index
        %swap3A_790 = tpu.vector_load %arg13[%swap3A_788, %swap3A_789] {strides = array<i32>} : memref<128x64xf32, #tpu.memory_space<vmem>>, vector<1x16xf32>,
        %swap3A_791 = vector.shape_cast %swap3A_790 : vector<1x16xf32> to vector<16xf32>
        %swap3A_792 = vector.shape_cast %mul3A_787 : vector<16xf32> to vector<1x16xf32>
        tpu.vector_store %arg13[%swap3A_788, %swap3A_789], %swap3A_792 {strides = array<i32>} : memref<128x64xf32, #tpu.memory_space<vmem>>, vector<1x16xf32>,
        %get3A_793 = arith.index_cast %add3A_759 : i32 to index
        %get3A_794 = arith.constant 48 : index
        %get3A_795 = tpu.vector_load %arg13[%get3A_793, %get3A_794] {strides = array<i32>} : memref<128x64xf32, #tpu.memory_space<vmem>>, vector<1x16xf32>,
        %get3A_796 = vector.shape_cast %get3A_795 : vector<1x16xf32> to vector<16xf32>
        %mul3A_797 = vector.broadcast %squeeze3A_755 : f32 to vector<16xf32>
        %mul3A_798 = arith.mulf %get3A_796, %mul3A_797 : vector<16xf32>
        %swap3A_799 = arith.index_cast %add3A_759 : i32 to index
        %swap3A_800 = arith.constant 48 : index
        %swap3A_801 = tpu.vector_load %arg13[%swap3A_799, %swap3A_800] {strides = array<i32>} : memref<128x64xf32, #tpu.memory_space<vmem>>, vector<1x16xf32>,
        %swap3A_802 = vector.shape_cast %swap3A_801 : vector<1x16xf32> to vector<16xf32>
        %swap3A_803 = vector.shape_cast %mul3A_798 : vector<16xf32> to vector<1x16xf32>
        tpu.vector_store %arg13[%swap3A_799, %swap3A_800], %swap3A_803 {strides = array<i32>} : memref<128x64xf32, #tpu.memory_space<vmem>>, vector<1x16xf32>,
        %slice3A_804 = vector.extract_strided_slice %get3A_56 {offsets = [15], sizes = [1], strides = [1]} : vector<16xf32> to vector<1xf32>
        %squeeze3A_805 = vector.extract %slice3A_804[0] : f32 from vector<1xf32>
        %mul3A_806 = arith.constant 16 : i32
        %mul3A_807 = arith.muli %scan3A_52, %mul3A_806 : i32
        %add3A_808 = arith.constant 15 : i32
        %add3A_809 = arith.addi %mul3A_807, %add3A_808 : i32
        %get3A_810 = arith.index_cast %add3A_809 : i32 to index
        %get3A_811 = arith.constant 0 : index
        %get3A_812 = tpu.vector_load %arg13[%get3A_810, %get3A_811] {strides = array<i32>} : memref<128x64xf32, #tpu.memory_space<vmem>>, vector<1x16xf32>,
        %get3A_813 = vector.shape_cast %get3A_812 : vector<1x16xf32> to vector<16xf32>
        %mul3A_814 = vector.broadcast %squeeze3A_805 : f32 to vector<16xf32>
        %mul3A_815 = arith.mulf %get3A_813, %mul3A_814 : vector<16xf32>
        %swap3A_816 = arith.index_cast %add3A_809 : i32 to index
        %swap3A_817 = arith.constant 0 : index
        %swap3A_818 = tpu.vector_load %arg13[%swap3A_816, %swap3A_817] {strides = array<i32>} : memref<128x64xf32, #tpu.memory_space<vmem>>, vector<1x16xf32>,
        %swap3A_819 = vector.shape_cast %swap3A_818 : vector<1x16xf32> to vector<16xf32>
        %swap3A_820 = vector.shape_cast %mul3A_815 : vector<16xf32> to vector<1x16xf32>
        tpu.vector_store %arg13[%swap3A_816, %swap3A_817], %swap3A_820 {strides = array<i32>} : memref<128x64xf32, #tpu.memory_space<vmem>>, vector<1x16xf32>,
        %get3A_821 = arith.index_cast %add3A_809 : i32 to index
        %get3A_822 = arith.constant 16 : index
        %get3A_823 = tpu.vector_load %arg13[%get3A_821, %get3A_822] {strides = array<i32>} : memref<128x64xf32, #tpu.memory_space<vmem>>, vector<1x16xf32>,
        %get3A_824 = vector.shape_cast %get3A_823 : vector<1x16xf32> to vector<16xf32>
        %mul3A_825 = vector.broadcast %squeeze3A_805 : f32 to vector<16xf32>
        %mul3A_826 = arith.mulf %get3A_824, %mul3A_825 : vector<16xf32>
        %swap3A_827 = arith.index_cast %add3A_809 : i32 to index
        %swap3A_828 = arith.constant 16 : index
        %swap3A_829 = tpu.vector_load %arg13[%swap3A_827, %swap3A_828] {strides = array<i32>} : memref<128x64xf32, #tpu.memory_space<vmem>>, vector<1x16xf32>,
        %swap3A_830 = vector.shape_cast %swap3A_829 : vector<1x16xf32> to vector<16xf32>
        %swap3A_831 = vector.shape_cast %mul3A_826 : vector<16xf32> to vector<1x16xf32>
        tpu.vector_store %arg13[%swap3A_827, %swap3A_828], %swap3A_831 {strides = array<i32>} : memref<128x64xf32, #tpu.memory_space<vmem>>, vector<1x16xf32>,
        %get3A_832 = arith.index_cast %add3A_809 : i32 to index
        %get3A_833 = arith.constant 32 : index
        %get3A_834 = tpu.vector_load %arg13[%get3A_832, %get3A_833] {strides = array<i32>} : memref<128x64xf32, #tpu.memory_space<vmem>>, vector<1x16xf32>,
        %get3A_835 = vector.shape_cast %get3A_834 : vector<1x16xf32> to vector<16xf32>
        %mul3A_836 = vector.broadcast %squeeze3A_805 : f32 to vector<16xf32>
        %mul3A_837 = arith.mulf %get3A_835, %mul3A_836 : vector<16xf32>
        %swap3A_838 = arith.index_cast %add3A_809 : i32 to index
        %swap3A_839 = arith.constant 32 : index
        %swap3A_840 = tpu.vector_load %arg13[%swap3A_838, %swap3A_839] {strides = array<i32>} : memref<128x64xf32, #tpu.memory_space<vmem>>, vector<1x16xf32>,
        %swap3A_841 = vector.shape_cast %swap3A_840 : vector<1x16xf32> to vector<16xf32>
        %swap3A_842 = vector.shape_cast %mul3A_837 : vector<16xf32> to vector<1x16xf32>
        tpu.vector_store %arg13[%swap3A_838, %swap3A_839], %swap3A_842 {strides = array<i32>} : memref<128x64xf32, #tpu.memory_space<vmem>>, vector<1x16xf32>,
        %get3A_843 = arith.index_cast %add3A_809 : i32 to index
        %get3A_844 = arith.constant 48 : index
        %get3A_845 = tpu.vector_load %arg13[%get3A_843, %get3A_844] {strides = array<i32>} : memref<128x64xf32, #tpu.memory_space<vmem>>, vector<1x16xf32>,
        %get3A_846 = vector.shape_cast %get3A_845 : vector<1x16xf32> to vector<16xf32>
        %mul3A_847 = vector.broadcast %squeeze3A_805 : f32 to vector<16xf32>
        %mul3A_848 = arith.mulf %get3A_846, %mul3A_847 : vector<16xf32>
        %swap3A_849 = arith.index_cast %add3A_809 : i32 to index
        %swap3A_850 = arith.constant 48 : index
        %swap3A_851 = tpu.vector_load %arg13[%swap3A_849, %swap3A_850] {strides = array<i32>} : memref<128x64xf32, #tpu.memory_space<vmem>>, vector<1x16xf32>,
        %swap3A_852 = vector.shape_cast %swap3A_851 : vector<1x16xf32> to vector<16xf32>
        %swap3A_853 = vector.shape_cast %mul3A_848 : vector<16xf32> to vector<1x16xf32>
        tpu.vector_store %arg13[%swap3A_849, %swap3A_850], %swap3A_853 {strides = array<i32>} : memref<128x64xf32, #tpu.memory_space<vmem>>, vector<1x16xf32>,
      }
      %scan3A_51 = arith.constant 8 : i32
      "tpu.region"() ({
        %run_scoped3A = tpu.sem_alloc : memref<!tpu.dma_semaphore, #tpu.memory_space<semaphore_mem>>
        %dma_start3A_52 = arith.constant 0 : i32
        %dma_start3A_53 = arith.constant 0 : i32
        %dma_start3A_54 = tpu.memref_slice %arg8[%dma_start3A_52, %dma_start3A_53] : memref<10240x64xf32, #tpu.memory_space<vmem_shared>> -> memref<10240x64xf32, #tpu.memory_space<vmem_shared>>
        tpu.enqueue_indirect_dma source(%arg13 : memref<128x64xf32, #tpu.memory_space<vmem>>) target(%dma_start3A_54 : memref<10240x64xf32, #tpu.memory_space<vmem_shared>>) offsets(%arg11 : memref<128xi32, #tpu.memory_space<vmem>>) semaphore(%run_scoped3A : memref<!tpu.dma_semaphore, #tpu.memory_space<semaphore_mem>>) {add = true}
        %dma_wait3A_55 = arith.constant 0 : i32
        %dma_wait3A_56 = arith.constant 0 : i32
        %dma_wait3A_57 = tpu.memref_slice %arg8[%dma_wait3A_55, %dma_wait3A_56] : memref<10240x64xf32, #tpu.memory_space<vmem_shared>> -> memref<10240x64xf32, #tpu.memory_space<vmem_shared>>
        tpu.wait_indirect_dma semaphore(%run_scoped3A : memref<!tpu.dma_semaphore, #tpu.memory_space<semaphore_mem>>) src(%arg13 : memref<128x64xf32, #tpu.memory_space<vmem>>) dst(%dma_wait3A_57 : memref<10240x64xf32, #tpu.memory_space<vmem_shared>>)
        tpu.yield
      }) : () -> ()
    }
    %scan3A_29 = arith.constant 79 : i32
    %barrier3A_30 = arith.constant 0 : index
    tpu.barrier barrier_id(%barrier3A_30)
    %mul3A_31 = arith.constant 640 : i32
    %mul3A_32 = arith.muli %arg1, %mul3A_31 : i32
    %mul3A_33 = arith.constant 640 : i32
    %mul3A_34 = arith.muli %arg1, %mul3A_33 : i32
    "tpu.region"() ({
      %run_scoped3A = tpu.sem_alloc : memref<!tpu.dma_semaphore, #tpu.memory_space<semaphore_mem>>
      %dma_start3A = arith.constant 0 : i32
      %dma_start3A_35 = tpu.memref_slice %arg7[%arg0, %mul3A_34, %dma_start3A] : memref<2x10240x64xf32, #tpu.memory_space<hbm>> -> memref<1x640x64xf32, #tpu.memory_space<hbm>>
      %dma_start3A_36 = tpu.memref_squeeze %dma_start3A_35 : memref<1x640x64xf32, #tpu.memory_space<hbm>> -> memref<640x64xf32, #tpu.memory_space<hbm>>
      %dma_start3A_37 = arith.constant 0 : i32
      %dma_start3A_38 = tpu.memref_slice %arg8[%mul3A_32, %dma_start3A_37] : memref<10240x64xf32, #tpu.memory_space<vmem_shared>> -> memref<640x64xf32, #tpu.memory_space<vmem_shared>>
      tpu.enqueue_dma source(%dma_start3A_38 : memref<640x64xf32, #tpu.memory_space<vmem_shared>>) target(%dma_start3A_36 : memref<640x64xf32, #tpu.memory_space<hbm>>) target_semaphore(%run_scoped3A : memref<!tpu.dma_semaphore, #tpu.memory_space<semaphore_mem>>)
      %dma_wait3A = arith.constant 0 : i32
      %dma_wait3A_39 = tpu.memref_slice %arg7[%arg0, %mul3A_34, %dma_wait3A] : memref<2x10240x64xf32, #tpu.memory_space<hbm>> -> memref<1x640x64xf32, #tpu.memory_space<hbm>>
      %dma_wait3A_40 = tpu.memref_squeeze %dma_wait3A_39 : memref<1x640x64xf32, #tpu.memory_space<hbm>> -> memref<640x64xf32, #tpu.memory_space<hbm>>
      %dma_wait3A_41 = arith.constant 0 : i32
      %dma_wait3A_42 = tpu.memref_slice %arg8[%mul3A_32, %dma_wait3A_41] : memref<10240x64xf32, #tpu.memory_space<vmem_shared>> -> memref<640x64xf32, #tpu.memory_space<vmem_shared>>
      tpu.wait_dma2 semaphore(%run_scoped3A : memref<!tpu.dma_semaphore, #tpu.memory_space<semaphore_mem>>) src(%dma_wait3A_42 : memref<640x64xf32, #tpu.memory_space<vmem_shared>>) dst(%dma_wait3A_40 : memref<640x64xf32, #tpu.memory_space<hbm>>)
      tpu.yield
    }) : () -> ()
    return
  }
}

module attributes {stable_mosaic.version = 14 : i64} {
  func.func @_dense_body(%arg0: i32, %arg1: i32, %arg2: memref<400x128xf32, #tpu.memory_space<vmem>>, %arg3: memref<10x128x64xf32, #tpu.memory_space<vmem>>, %arg4: memref<128x64xf32, #tpu.memory_space<vmem>>, %arg5: memref<1x64xf32, #tpu.memory_space<vmem>>, %arg6: memref<1x400x64xf32, #tpu.memory_space<vmem>>, %arg7: memref<400x64xf32, #tpu.memory_space<vmem>>) attributes {dimension_semantics = [#tpu.dimension_semantics<arbitrary>, #tpu.dimension_semantics<arbitrary>], iteration_bounds = array<i64: 25, 10>, scalar_prefetch = 0 : i64, scratch_operands = 0 : i64, tpu.core_type = #tpu.core_type<tc>, window_params = [{transform_indices = @transform_0, window_bounds = array<i64: 400, 128>}, {pipeline_mode = #tpu.pipeline_mode<synchronous>, transform_indices = @transform_1, window_bounds = array<i64: 10, 128, 64>}, {pipeline_mode = #tpu.pipeline_mode<synchronous>, transform_indices = @transform_2, window_bounds = array<i64: 128, 64>}, {pipeline_mode = #tpu.pipeline_mode<synchronous>, transform_indices = @transform_3, window_bounds = array<i64: 1, 64>}, {transform_indices = @transform_4, window_bounds = array<i64: 1, 400, 64>}, {transform_indices = @transform_5, window_bounds = array<i64: 400, 64>}]} {
    %get3A = arith.constant 0 : index
    %get3A_0 = arith.constant 0 : index
    %get3A_1 = vector.load %arg2[%get3A, %get3A_0] : memref<400x128xf32, #tpu.memory_space<vmem>>, vector<400x128xf32>
    %get3A_2 = arith.index_cast %arg1 : i32 to index
    %get3A_3 = arith.constant 0 : index
    %get3A_4 = arith.constant 0 : index
    %get3A_5 = vector.load %arg3[%get3A_2, %get3A_3, %get3A_4] : memref<10x128x64xf32, #tpu.memory_space<vmem>>, vector<1x128x64xf32>
    %get3A_6 = vector.shape_cast %get3A_5 : vector<1x128x64xf32> to vector<128x64xf32>
    %dot_general3A = arith.constant dense<0.000000e+00> : vector<400x64xf32>
    %dot_general3A_7 = tpu.matmul %get3A_1, %get3A_6, %dot_general3A {dimension_numbers = #tpu.dot_dimension_numbers<[1], [0], [0], [1], [0, 0, 1, 1], [], []>, transpose_lhs_hint = false} : vector<400x128xf32>, vector<128x64xf32>, vector<400x64xf32> -> vector<400x64xf32>
    %swap3A = arith.constant 0 : index
    %swap3A_8 = arith.constant 0 : index
    %swap3A_9 = arith.constant 0 : index
    %swap3A_10 = vector.load %arg6[%swap3A, %swap3A_8, %swap3A_9] : memref<1x400x64xf32, #tpu.memory_space<vmem>>, vector<1x400x64xf32>
    %swap3A_11 = vector.shape_cast %swap3A_10 : vector<1x400x64xf32> to vector<400x64xf32>
    %swap3A_12 = vector.shape_cast %dot_general3A_7 : vector<400x64xf32> to vector<1x400x64xf32>
    tpu.vector_store %arg6[%swap3A, %swap3A_8, %swap3A_9], %swap3A_12 {strides = array<i32>} : memref<1x400x64xf32, #tpu.memory_space<vmem>>, vector<1x400x64xf32>,
    %eq3A = arith.constant 0 : i32
    %eq3A_13 = arith.cmpi eq, %arg1, %eq3A : i32
    %convert_element_type3A = arith.extui %eq3A_13 : i1 to i32
    %cond3A = arith.constant 0 : i32
    %cond3A_14 = arith.cmpi ne, %convert_element_type3A, %cond3A : i32
    scf.if %cond3A_14 {
      %get3A_15 = arith.constant 0 : index
      %get3A_16 = arith.constant 0 : index
      %get3A_17 = vector.load %arg4[%get3A_15, %get3A_16] : memref<128x64xf32, #tpu.memory_space<vmem>>, vector<128x64xf32>
      %dot_general3A_18 = arith.constant dense<0.000000e+00> : vector<400x64xf32>
      %dot_general3A_19 = tpu.matmul %get3A_1, %get3A_17, %dot_general3A_18 {dimension_numbers = #tpu.dot_dimension_numbers<[1], [0], [0], [1], [0, 0, 1, 1], [], []>, transpose_lhs_hint = false} : vector<400x128xf32>, vector<128x64xf32>, vector<400x64xf32> -> vector<400x64xf32>
      %get3A_20 = arith.constant 0 : index
      %get3A_21 = arith.constant 0 : index
      %get3A_22 = vector.load %arg5[%get3A_20, %get3A_21] : memref<1x64xf32, #tpu.memory_space<vmem>>, vector<1x64xf32>
      %add3A = vector.broadcast %get3A_22 : vector<1x64xf32> to vector<400x64xf32>
      %add3A_23 = arith.addf %dot_general3A_19, %add3A : vector<400x64xf32>
      %swap3A_24 = arith.constant 0 : index
      %swap3A_25 = arith.constant 0 : index
      %swap3A_26 = vector.load %arg7[%swap3A_24, %swap3A_25] : memref<400x64xf32, #tpu.memory_space<vmem>>, vector<400x64xf32>
      tpu.vector_store %arg7[%swap3A_24, %swap3A_25], %add3A_23 {strides = array<i32>} : memref<400x64xf32, #tpu.memory_space<vmem>>, vector<400x64xf32>,
    } else {
    }
    return
  }
  func.func @transform_0(%arg0: i32, %arg1: i32) -> (i32, i32) {
    %c0_i32 = arith.constant 0 : i32
    %c0_i32_0 = arith.constant 0 : i32
    return %arg0, %c0_i32 : i32, i32
  }
  func.func @transform_1(%arg0: i32, %arg1: i32) -> (i32, i32, i32) {
    %c0_i32 = arith.constant 0 : i32
    %c0_i32_0 = arith.constant 0 : i32
    %c0_i32_1 = arith.constant 0 : i32
    %c0_i32_2 = arith.constant 0 : i32
    return %c0_i32, %c0_i32_0, %c0_i32_1 : i32, i32, i32
  }
  func.func @transform_2(%arg0: i32, %arg1: i32) -> (i32, i32) {
    %c0_i32 = arith.constant 0 : i32
    %c0_i32_0 = arith.constant 0 : i32
    %c0_i32_1 = arith.constant 0 : i32
    return %c0_i32, %c0_i32_0 : i32, i32
  }
  func.func @transform_3(%arg0: i32, %arg1: i32) -> (i32, i32) {
    %c0_i32 = arith.constant 0 : i32
    %c0_i32_0 = arith.constant 0 : i32
    %c0_i32_1 = arith.constant 0 : i32
    return %c0_i32, %c0_i32_0 : i32, i32
  }
  func.func @transform_4(%arg0: i32, %arg1: i32) -> (i32, i32, i32) {
    %c0_i32 = arith.constant 0 : i32
    %c0_i32_0 = arith.constant 0 : i32
    return %arg1, %arg0, %c0_i32 : i32, i32, i32
  }
  func.func @transform_5(%arg0: i32, %arg1: i32) -> (i32, i32) {
    %c0_i32 = arith.constant 0 : i32
    %c0_i32_0 = arith.constant 0 : i32
    return %arg0, %c0_i32 : i32, i32
  }
}

module attributes {stable_mosaic.version = 14 : i64} {
  func.func @_dense2_body(%arg0: i32, %arg1: i32, %arg2: memref<400x64xf32, #tpu.memory_space<vmem>>, %arg3: memref<400x64xf32, #tpu.memory_space<vmem>>, %arg4: memref<400x64xf32, #tpu.memory_space<vmem>>, %arg5: memref<10x64x64xf32, #tpu.memory_space<vmem>>, %arg6: memref<64x64xf32, #tpu.memory_space<vmem>>, %arg7: memref<1x64xf32, #tpu.memory_space<vmem>>, %arg8: memref<1x400x64xf32, #tpu.memory_space<vmem>>, %arg9: memref<400x64xf32, #tpu.memory_space<vmem>>) attributes {dimension_semantics = [#tpu.dimension_semantics<arbitrary>, #tpu.dimension_semantics<arbitrary>], iteration_bounds = array<i64: 25, 10>, scalar_prefetch = 0 : i64, scratch_operands = 0 : i64, tpu.core_type = #tpu.core_type<tc>, window_params = [{transform_indices = @transform_0, window_bounds = array<i64: 400, 64>}, {transform_indices = @transform_1, window_bounds = array<i64: 400, 64>}, {transform_indices = @transform_2, window_bounds = array<i64: 400, 64>}, {pipeline_mode = #tpu.pipeline_mode<synchronous>, transform_indices = @transform_3, window_bounds = array<i64: 10, 64, 64>}, {pipeline_mode = #tpu.pipeline_mode<synchronous>, transform_indices = @transform_4, window_bounds = array<i64: 64, 64>}, {pipeline_mode = #tpu.pipeline_mode<synchronous>, transform_indices = @transform_5, window_bounds = array<i64: 1, 64>}, {transform_indices = @transform_6, window_bounds = array<i64: 1, 400, 64>}, {transform_indices = @transform_7, window_bounds = array<i64: 400, 64>}]} {
    %get3A = arith.constant 0 : index
    %get3A_0 = arith.constant 0 : index
    %get3A_1 = vector.load %arg2[%get3A, %get3A_0] : memref<400x64xf32, #tpu.memory_space<vmem>>, vector<400x64xf32>
    %get3A_2 = arith.constant 0 : index
    %get3A_3 = arith.constant 0 : index
    %get3A_4 = vector.load %arg3[%get3A_2, %get3A_3] : memref<400x64xf32, #tpu.memory_space<vmem>>, vector<400x64xf32>
    %add3A = arith.addf %get3A_1, %get3A_4 : vector<400x64xf32>
    %get3A_5 = arith.constant 0 : index
    %get3A_6 = arith.constant 0 : index
    %get3A_7 = vector.load %arg4[%get3A_5, %get3A_6] : memref<400x64xf32, #tpu.memory_space<vmem>>, vector<400x64xf32>
    %add3A_8 = arith.addf %add3A, %get3A_7 : vector<400x64xf32>
    %max3A = arith.constant 0.000000e+00 : f32
    %max3A_9 = vector.broadcast %max3A : f32 to vector<400x64xf32>
    %max3A_10 = arith.maximumf %add3A_8, %max3A_9 : vector<400x64xf32>
    %get3A_11 = arith.index_cast %arg1 : i32 to index
    %get3A_12 = arith.constant 0 : index
    %get3A_13 = arith.constant 0 : index
    %get3A_14 = vector.load %arg5[%get3A_11, %get3A_12, %get3A_13] : memref<10x64x64xf32, #tpu.memory_space<vmem>>, vector<1x64x64xf32>
    %get3A_15 = vector.shape_cast %get3A_14 : vector<1x64x64xf32> to vector<64x64xf32>
    %dot_general3A = arith.constant dense<0.000000e+00> : vector<400x64xf32>
    %dot_general3A_16 = tpu.matmul %max3A_10, %get3A_15, %dot_general3A {dimension_numbers = #tpu.dot_dimension_numbers<[1], [0], [0], [1], [0, 0, 1, 1], [], []>, transpose_lhs_hint = false} : vector<400x64xf32>, vector<64x64xf32>, vector<400x64xf32> -> vector<400x64xf32>
    %swap3A = arith.constant 0 : index
    %swap3A_17 = arith.constant 0 : index
    %swap3A_18 = arith.constant 0 : index
    %swap3A_19 = vector.load %arg8[%swap3A, %swap3A_17, %swap3A_18] : memref<1x400x64xf32, #tpu.memory_space<vmem>>, vector<1x400x64xf32>
    %swap3A_20 = vector.shape_cast %swap3A_19 : vector<1x400x64xf32> to vector<400x64xf32>
    %swap3A_21 = vector.shape_cast %dot_general3A_16 : vector<400x64xf32> to vector<1x400x64xf32>
    tpu.vector_store %arg8[%swap3A, %swap3A_17, %swap3A_18], %swap3A_21 {strides = array<i32>} : memref<1x400x64xf32, #tpu.memory_space<vmem>>, vector<1x400x64xf32>,
    %eq3A = arith.constant 0 : i32
    %eq3A_22 = arith.cmpi eq, %arg1, %eq3A : i32
    %convert_element_type3A = arith.extui %eq3A_22 : i1 to i32
    %cond3A = arith.constant 0 : i32
    %cond3A_23 = arith.cmpi ne, %convert_element_type3A, %cond3A : i32
    scf.if %cond3A_23 {
      %get3A_24 = arith.constant 0 : index
      %get3A_25 = arith.constant 0 : index
      %get3A_26 = vector.load %arg6[%get3A_24, %get3A_25] : memref<64x64xf32, #tpu.memory_space<vmem>>, vector<64x64xf32>
      %dot_general3A_27 = arith.constant dense<0.000000e+00> : vector<400x64xf32>
      %dot_general3A_28 = tpu.matmul %max3A_10, %get3A_26, %dot_general3A_27 {dimension_numbers = #tpu.dot_dimension_numbers<[1], [0], [0], [1], [0, 0, 1, 1], [], []>, transpose_lhs_hint = false} : vector<400x64xf32>, vector<64x64xf32>, vector<400x64xf32> -> vector<400x64xf32>
      %get3A_29 = arith.constant 0 : index
      %get3A_30 = arith.constant 0 : index
      %get3A_31 = vector.load %arg7[%get3A_29, %get3A_30] : memref<1x64xf32, #tpu.memory_space<vmem>>, vector<1x64xf32>
      %add3A_32 = vector.broadcast %get3A_31 : vector<1x64xf32> to vector<400x64xf32>
      %add3A_33 = arith.addf %dot_general3A_28, %add3A_32 : vector<400x64xf32>
      %swap3A_34 = arith.constant 0 : index
      %swap3A_35 = arith.constant 0 : index
      %swap3A_36 = vector.load %arg9[%swap3A_34, %swap3A_35] : memref<400x64xf32, #tpu.memory_space<vmem>>, vector<400x64xf32>
      tpu.vector_store %arg9[%swap3A_34, %swap3A_35], %add3A_33 {strides = array<i32>} : memref<400x64xf32, #tpu.memory_space<vmem>>, vector<400x64xf32>,
    } else {
    }
    return
  }
  func.func @transform_0(%arg0: i32, %arg1: i32) -> (i32, i32) {
    %c0_i32 = arith.constant 0 : i32
    %c0_i32_0 = arith.constant 0 : i32
    return %arg0, %c0_i32 : i32, i32
  }
  func.func @transform_1(%arg0: i32, %arg1: i32) -> (i32, i32) {
    %c0_i32 = arith.constant 0 : i32
    %c0_i32_0 = arith.constant 0 : i32
    return %arg0, %c0_i32 : i32, i32
  }
  func.func @transform_2(%arg0: i32, %arg1: i32) -> (i32, i32) {
    %c0_i32 = arith.constant 0 : i32
    %c0_i32_0 = arith.constant 0 : i32
    return %arg0, %c0_i32 : i32, i32
  }
  func.func @transform_3(%arg0: i32, %arg1: i32) -> (i32, i32, i32) {
    %c0_i32 = arith.constant 0 : i32
    %c0_i32_0 = arith.constant 0 : i32
    %c0_i32_1 = arith.constant 0 : i32
    %c0_i32_2 = arith.constant 0 : i32
    return %c0_i32, %c0_i32_0, %c0_i32_1 : i32, i32, i32
  }
  func.func @transform_4(%arg0: i32, %arg1: i32) -> (i32, i32) {
    %c0_i32 = arith.constant 0 : i32
    %c0_i32_0 = arith.constant 0 : i32
    %c0_i32_1 = arith.constant 0 : i32
    return %c0_i32, %c0_i32_0 : i32, i32
  }
  func.func @transform_5(%arg0: i32, %arg1: i32) -> (i32, i32) {
    %c0_i32 = arith.constant 0 : i32
    %c0_i32_0 = arith.constant 0 : i32
    %c0_i32_1 = arith.constant 0 : i32
    return %c0_i32, %c0_i32_0 : i32, i32
  }
  func.func @transform_6(%arg0: i32, %arg1: i32) -> (i32, i32, i32) {
    %c0_i32 = arith.constant 0 : i32
    %c0_i32_0 = arith.constant 0 : i32
    return %arg1, %arg0, %c0_i32 : i32, i32, i32
  }
  func.func @transform_7(%arg0: i32, %arg1: i32) -> (i32, i32) {
    %c0_i32 = arith.constant 0 : i32
    %c0_i32_0 = arith.constant 0 : i32
    return %arg0, %c0_i32 : i32, i32
  }
}

module attributes {stable_mosaic.version = 14 : i64} {
  func.func @_head_body(%arg0: i32, %arg1: memref<400x64xf32, #tpu.memory_space<vmem>>, %arg2: memref<400x64xf32, #tpu.memory_space<vmem>>, %arg3: memref<400x64xf32, #tpu.memory_space<vmem>>, %arg4: memref<400x1xi32, #tpu.memory_space<vmem>>, %arg5: memref<64x1xf32, #tpu.memory_space<vmem>>, %arg6: memref<1x1xf32, #tpu.memory_space<vmem>>, %arg7: memref<64x1xf32, #tpu.memory_space<vmem>>, %arg8: memref<64x64xf32, #tpu.memory_space<vmem>>, %arg9: memref<64x1xf32, #tpu.memory_space<vmem>>) attributes {dimension_semantics = [#tpu.dimension_semantics<arbitrary>], iteration_bounds = array<i64: 25>, scalar_prefetch = 0 : i64, scratch_operands = 2 : i64, tpu.core_type = #tpu.core_type<tc>, window_params = [{transform_indices = @transform_0, window_bounds = array<i64: 400, 64>}, {transform_indices = @transform_1, window_bounds = array<i64: 400, 64>}, {transform_indices = @transform_2, window_bounds = array<i64: 400, 64>}, {transform_indices = @transform_3, window_bounds = array<i64: 400, 1>}, {pipeline_mode = #tpu.pipeline_mode<synchronous>, transform_indices = @transform_4, window_bounds = array<i64: 64, 1>}, {pipeline_mode = #tpu.pipeline_mode<synchronous>, transform_indices = @transform_5, window_bounds = array<i64: 1, 1>}, {pipeline_mode = #tpu.pipeline_mode<synchronous>, transform_indices = @transform_6, window_bounds = array<i64: 64, 1>}]} {
    %eq3A = arith.constant 0 : i32
    %eq3A_0 = arith.cmpi eq, %arg0, %eq3A : i32
    %convert_element_type3A = arith.extui %eq3A_0 : i1 to i32
    %cond3A = arith.constant 0 : i32
    %cond3A_1 = arith.cmpi ne, %convert_element_type3A, %cond3A : i32
    scf.if %cond3A_1 {
      %broadcast_in_dim3A_42 = arith.constant 0.000000e+00 : f32
      %broadcast_in_dim3A_43 = vector.broadcast %broadcast_in_dim3A_42 : f32 to vector<64x64xf32>
      %swap3A_44 = arith.constant 0 : index
      %swap3A_45 = arith.constant 0 : index
      %swap3A_46 = vector.load %arg8[%swap3A_44, %swap3A_45] : memref<64x64xf32, #tpu.memory_space<vmem>>, vector<64x64xf32>
      tpu.vector_store %arg8[%swap3A_44, %swap3A_45], %broadcast_in_dim3A_43 {strides = array<i32>} : memref<64x64xf32, #tpu.memory_space<vmem>>, vector<64x64xf32>,
      %broadcast_in_dim3A_47 = arith.constant 0.000000e+00 : f32
      %broadcast_in_dim3A_48 = vector.broadcast %broadcast_in_dim3A_47 : f32 to vector<64x1xf32>
      %swap3A_49 = arith.constant 0 : index
      %swap3A_50 = arith.constant 0 : index
      %swap3A_51 = vector.load %arg9[%swap3A_49, %swap3A_50] : memref<64x1xf32, #tpu.memory_space<vmem>>, vector<64x1xf32>
      tpu.vector_store %arg9[%swap3A_49, %swap3A_50], %broadcast_in_dim3A_48 {strides = array<i32>} : memref<64x1xf32, #tpu.memory_space<vmem>>, vector<64x1xf32>,
    } else {
    }
    %get3A = arith.constant 0 : index
    %get3A_2 = arith.constant 0 : index
    %get3A_3 = vector.load %arg1[%get3A, %get3A_2] : memref<400x64xf32, #tpu.memory_space<vmem>>, vector<400x64xf32>
    %get3A_4 = arith.constant 0 : index
    %get3A_5 = arith.constant 0 : index
    %get3A_6 = vector.load %arg2[%get3A_4, %get3A_5] : memref<400x64xf32, #tpu.memory_space<vmem>>, vector<400x64xf32>
    %add3A = arith.addf %get3A_3, %get3A_6 : vector<400x64xf32>
    %get3A_7 = arith.constant 0 : index
    %get3A_8 = arith.constant 0 : index
    %get3A_9 = vector.load %arg3[%get3A_7, %get3A_8] : memref<400x64xf32, #tpu.memory_space<vmem>>, vector<400x64xf32>
    %add3A_10 = arith.addf %add3A, %get3A_9 : vector<400x64xf32>
    %max3A = arith.constant 0.000000e+00 : f32
    %max3A_11 = vector.broadcast %max3A : f32 to vector<400x64xf32>
    %max3A_12 = arith.maximumf %add3A_10, %max3A_11 : vector<400x64xf32>
    %get3A_13 = arith.constant 0 : index
    %get3A_14 = arith.constant 0 : index
    %get3A_15 = vector.load %arg4[%get3A_13, %get3A_14] : memref<400x1xi32, #tpu.memory_space<vmem>>, vector<400x1xi32>
    %iota3A = tpu.iota {dimensions = array<i32: 1>} : vector<400x64xi32>
    %eq3A_16 = vector.broadcast %get3A_15 : vector<400x1xi32> to vector<400x64xi32>
    %eq3A_17 = arith.cmpi eq, %eq3A_16, %iota3A : vector<400x64xi32>
    %convert_element_type3A_18 = arith.extui %eq3A_17 : vector<400x64xi1> to vector<400x64xi32>
    %convert_element_type3A_19 = arith.sitofp %convert_element_type3A_18 : vector<400x64xi32> to vector<400x64xf32>
    %get3A_20 = arith.constant 0 : index
    %get3A_21 = arith.constant 0 : index
    %get3A_22 = vector.load %arg8[%get3A_20, %get3A_21] : memref<64x64xf32, #tpu.memory_space<vmem>>, vector<64x64xf32>
    %dot_general3A = arith.constant dense<0.000000e+00> : vector<64x64xf32>
    %dot_general3A_23 = tpu.matmul %convert_element_type3A_19, %max3A_12, %dot_general3A {dimension_numbers = #tpu.dot_dimension_numbers<[0], [0], [1], [1], [0, 1, 1, 1], [], []>, transpose_lhs_hint = false} : vector<400x64xf32>, vector<400x64xf32>, vector<64x64xf32> -> vector<64x64xf32>
    %add3A_24 = arith.addf %get3A_22, %dot_general3A_23 : vector<64x64xf32>
    %swap3A = arith.constant 0 : index
    %swap3A_25 = arith.constant 0 : index
    %swap3A_26 = vector.load %arg8[%swap3A, %swap3A_25] : memref<64x64xf32, #tpu.memory_space<vmem>>, vector<64x64xf32>
    tpu.vector_store %arg8[%swap3A, %swap3A_25], %add3A_24 {strides = array<i32>} : memref<64x64xf32, #tpu.memory_space<vmem>>, vector<64x64xf32>,
    %get3A_27 = arith.constant 0 : index
    %get3A_28 = arith.constant 0 : index
    %get3A_29 = vector.load %arg9[%get3A_27, %get3A_28] : memref<64x1xf32, #tpu.memory_space<vmem>>, vector<64x1xf32>
    %broadcast_in_dim3A = arith.constant 1.000000e+00 : f32
    %broadcast_in_dim3A_30 = vector.broadcast %broadcast_in_dim3A : f32 to vector<400x1xf32>
    %dot_general3A_31 = arith.constant dense<0.000000e+00> : vector<64x1xf32>
    %dot_general3A_32 = tpu.matmul %convert_element_type3A_19, %broadcast_in_dim3A_30, %dot_general3A_31 {dimension_numbers = #tpu.dot_dimension_numbers<[0], [0], [1], [1], [0, 1, 1, 1], [], []>, transpose_lhs_hint = false} : vector<400x64xf32>, vector<400x1xf32>, vector<64x1xf32> -> vector<64x1xf32>
    %add3A_33 = arith.addf %get3A_29, %dot_general3A_32 : vector<64x1xf32>
    %swap3A_34 = arith.constant 0 : index
    %swap3A_35 = arith.constant 0 : index
    %swap3A_36 = vector.load %arg9[%swap3A_34, %swap3A_35] : memref<64x1xf32, #tpu.memory_space<vmem>>, vector<64x1xf32>
    tpu.vector_store %arg9[%swap3A_34, %swap3A_35], %add3A_33 {strides = array<i32>} : memref<64x1xf32, #tpu.memory_space<vmem>>, vector<64x1xf32>,
    %eq3A_37 = arith.constant 24 : i32
    %eq3A_38 = arith.cmpi eq, %arg0, %eq3A_37 : i32
    %convert_element_type3A_39 = arith.extui %eq3A_38 : i1 to i32
    %cond3A_40 = arith.constant 0 : i32
    %cond3A_41 = arith.cmpi ne, %convert_element_type3A_39, %cond3A_40 : i32
    scf.if %cond3A_41 {
      %get3A_42 = arith.constant 0 : index
      %get3A_43 = arith.constant 0 : index
      %get3A_44 = vector.load %arg8[%get3A_42, %get3A_43] : memref<64x64xf32, #tpu.memory_space<vmem>>, vector<64x64xf32>
      %get3A_45 = arith.constant 0 : index
      %get3A_46 = arith.constant 0 : index
      %get3A_47 = vector.load %arg5[%get3A_45, %get3A_46] : memref<64x1xf32, #tpu.memory_space<vmem>>, vector<64x1xf32>
      %dot_general3A_48 = arith.constant dense<0.000000e+00> : vector<64x1xf32>
      %dot_general3A_49 = tpu.matmul %get3A_44, %get3A_47, %dot_general3A_48 {dimension_numbers = #tpu.dot_dimension_numbers<[1], [0], [0], [1], [0, 0, 1, 1], [], []>, transpose_lhs_hint = false} : vector<64x64xf32>, vector<64x1xf32>, vector<64x1xf32> -> vector<64x1xf32>
      %get3A_50 = arith.constant 0 : index
      %get3A_51 = arith.constant 0 : index
      %get3A_52 = vector.load %arg9[%get3A_50, %get3A_51] : memref<64x1xf32, #tpu.memory_space<vmem>>, vector<64x1xf32>
      %max3A_53 = arith.constant 1.000000e+00 : f32
      %max3A_54 = vector.broadcast %max3A_53 : f32 to vector<64x1xf32>
      %max3A_55 = arith.maximumf %get3A_52, %max3A_54 : vector<64x1xf32>
      %div3A = arith.divf %dot_general3A_49, %max3A_55 : vector<64x1xf32>
      %get3A_56 = arith.constant 0 : index
      %get3A_57 = arith.constant 0 : index
      %get3A_58 = vector.load %arg6[%get3A_56, %get3A_57] : memref<1x1xf32, #tpu.memory_space<vmem>>, vector<1x1xf32>
      %add3A_59 = vector.broadcast %get3A_58 : vector<1x1xf32> to vector<64x1xf32>
      %add3A_60 = arith.addf %div3A, %add3A_59 : vector<64x1xf32>
      %swap3A_61 = arith.constant 0 : index
      %swap3A_62 = arith.constant 0 : index
      %swap3A_63 = vector.load %arg7[%swap3A_61, %swap3A_62] : memref<64x1xf32, #tpu.memory_space<vmem>>, vector<64x1xf32>
      tpu.vector_store %arg7[%swap3A_61, %swap3A_62], %add3A_60 {strides = array<i32>} : memref<64x1xf32, #tpu.memory_space<vmem>>, vector<64x1xf32>,
    } else {
    }
    return
  }
  func.func @transform_0(%arg0: i32) -> (i32, i32) {
    %c0_i32 = arith.constant 0 : i32
    %c0_i32_0 = arith.constant 0 : i32
    return %arg0, %c0_i32 : i32, i32
  }
  func.func @transform_1(%arg0: i32) -> (i32, i32) {
    %c0_i32 = arith.constant 0 : i32
    %c0_i32_0 = arith.constant 0 : i32
    return %arg0, %c0_i32 : i32, i32
  }
  func.func @transform_2(%arg0: i32) -> (i32, i32) {
    %c0_i32 = arith.constant 0 : i32
    %c0_i32_0 = arith.constant 0 : i32
    return %arg0, %c0_i32 : i32, i32
  }
  func.func @transform_3(%arg0: i32) -> (i32, i32) {
    %c0_i32 = arith.constant 0 : i32
    %c0_i32_0 = arith.constant 0 : i32
    return %arg0, %c0_i32 : i32, i32
  }
  func.func @transform_4(%arg0: i32) -> (i32, i32) {
    %c0_i32 = arith.constant 0 : i32
    %c0_i32_0 = arith.constant 0 : i32
    %c0_i32_1 = arith.constant 0 : i32
    return %c0_i32, %c0_i32_0 : i32, i32
  }
  func.func @transform_5(%arg0: i32) -> (i32, i32) {
    %c0_i32 = arith.constant 0 : i32
    %c0_i32_0 = arith.constant 0 : i32
    %c0_i32_1 = arith.constant 0 : i32
    return %c0_i32, %c0_i32_0 : i32, i32
  }
  func.func @transform_6(%arg0: i32) -> (i32, i32) {
    %c0_i32 = arith.constant 0 : i32
    %c0_i32_0 = arith.constant 0 : i32
    %c0_i32_1 = arith.constant 0 : i32
    return %c0_i32, %c0_i32_0 : i32, i32
  }
}

</mosaic_0001>

<sc_bundles>
// kernel: kernel.11.cloned.1.call-start
scs
__scs_entry_jumppad:
0x0: {  	(pc) =	sbr.rel $0x88, $3  }
0x1: {  	(tag) =	ssettag $0x0;
	lr =	simm.s32 $0x1  }
0x2: {  	[smem:$0x3F95] =	sst lr;
	_ =	strace $0xD0000000  }
0x3: {  	_ = 	snop  }
0x4: {  	_ = 	snop  }
0x5: {  	_ = 	snop  }
0x6: {  	_ = 	snop  }
0x7: {  	_ = 	snop  }
__scs_overlays_trampoline_lowered:
0x8: {  	[smem:$0x3FA4] =	sst s0  }
0x9: {  	[smem:$0x3FA5] =	sst s1  }
0xa: {  	[smem:$0x3FA6] =	sst s2  }
0xb: {  	[smem:$0x3FA7] =	sst s3  }
0xc: {  	[smem:$0x3FA8] =	sst s4  }
0xd: {  	[smem:$0x3FA9] =	sst s5  }
0xe: {  	[smem:$0x3FAA] =	sst s6  }
0xf: {  	[smem:$0x3FAB] =	sst s7  }
0x10: {  	[smem:$0x3FAC] =	sst s8  }
0x11: {  	[smem:$0x3FAD] =	sst s9;
	s0 =	simm.s32 @!p0 $0x0  }
0x12: {  	s1 =	sld [smem:$0x3F93];
	s0 =	simm.s32 @p0 $0x1  }
0x13: {  	[smem:$0x3FAE] =	sst s0;
	s0 =	simm.s32 @!p1 $0x0  }
0x14: {  	s2 =	sld [smem:$0x3F92];
	s0 =	simm.s32 @p1 $0x1  }
0x15: {  	[smem:$0x3FAF] =	sst s0;
	s0 =	simm.s32 @!p2 $0x0  }
0x16: {  	s3 =	sld [smem:$0x3FDB];
	s0 =	simm.s32 @p2 $0x1  }
0x17: {  	s4 =	simm.s32 $0x1BF5;
	[smem:$0x3FB1] =	sst s0  }
0x18: {  	s0 =	sld [smem:$0x3F94];
	_ =	swait.ge [sflag:s4], $0x0  }
0x19: {  	s7 =	sld [smem:$0x3F95]  }
0x1a: {  	s8 =	sadd.s32 $0xFFFFE003, lr  }
0x1b: {  	s9 =	sadd.s32 $0xFFFFFEF7, lr;
	s5 =	simm.s32 $0xFFFFFFFF;
	p2 =	slt.u32 s8, $0xFFFFF086  }
0x1c: {  	p1 =	slt.u32 s9, $0xF7A;
	s5 =	simm.s32 @!p2 $0x0  }
0x1d: {  	s5 =	simm.s32 @p1 $0x1;
	p0 =	seq.s32 s7, s2  }
0x1e: {  	s7 =	smul.u32 @!p0 $0xF7A, s2;
	p2 =	seq.s32 @!p0 s5, $0x0  }
0x1f: {  	s9 =	smul.u32 $0xF7A, s1;
	s8 =	simm.s32 @!p0 $0x1BF5;
	p2 =	por !p2, p0  }
0x20: {  	[sflag:s8] =	ssyncset.s32 @!p0 $0xFFFFF086;
	s6 =	sadd.s32 @!p0 s3, s7;
	s7 =	simm.s32 @!p0 $0x108  }
0x21: {  	s3 =	sadd.s32 s3, s9;
	s6 =	sadd.s32 @!p0 $0x88, s6;
	s7 =	simm.s32 @p2 $0x1082  }
0x22: {  	[simem:s7], [sflag:s8] =	dma.local @!p0 [hbm:s6], $0xF7A  }
0x23: {  	s9 =	sor.u32 $0xD0000000, s2;
	s6 =	simm.s32 $0x108;
	_ =	swait.ge @!p0 [sflag:s8], $0x0  }
0x24: {  	s3 =	sadd.s32 $0x88, s3;
	s6 =	simm.s32 @!p1 $0x1082;
	[sflag:s4] =	ssyncset.s32 $0xFFFFF086  }
0x25: {  	[simem:s6], [sflag:s4] =	dma.local [hbm:s3], $0xF7A  }
0x26: {  	[smem:$0x3F95] =	sst s1;
	(tag) =	ssettag s2;
	_ =	strace s9  }
0x27: {  	s1 =	sld [smem:$0x3FA5]  }
0x28: {  	s2 =	sld [smem:$0x3FA6]  }
0x29: {  	s4 =	sld [smem:$0x3FA8]  }
0x2a: {  	p0 =	seq.s32 s5, $0x0;
	s5 =	sld [smem:$0x3FA9]  }
0x2b: {  	s6 =	sld [smem:$0x3FAA]  }
0x2c: {  	s7 =	sld [smem:$0x3FAB]  }
0x2d: {  	s3 =	simm.s32 $0x108;
	s8 =	sld [smem:$0x3FAC]  }
0x2e: {  	s3 =	simm.s32 @!p0 $0x1082;
	s9 =	sld [smem:$0x3FAD]  }
0x2f: {  	lr =	sadd.s32 s0, s3;
	s0 =	sld [smem:$0x3FA4]  }
0x30: {  	s3 =	sld [smem:$0x3FA7]  }
0x31: {  	[smem:$0x3FB0] =	sst s10  }
0x32: {  	s10 =	sld [smem:$0x3FAE];
	_ =	sdelay $0x3  }
0x33: {  	p0 =	seq.s32 s10, $0x1;
	s10 =	sld [smem:$0x3FB0];
	_ =	sdelay $0x3  }
0x34: {  	[smem:$0x3FB0] =	sst s10  }
0x35: {  	s10 =	sld [smem:$0x3FAF];
	_ =	sdelay $0x3  }
0x36: {  	p1 =	seq.s32 s10, $0x1;
	s10 =	sld [smem:$0x3FB0];
	_ =	sdelay $0x3  }
0x37: {  	[smem:$0x3FB0] =	sst s10  }
0x38: {  	s10 =	sld [smem:$0x3FB1]  }
0x39: {  	_ = 	snop;
	(pc) =	sbr.ind lr, $3  }
0x3a: {  	_ = 	snop  }
0x3b: {  	_ = 	snop  }
0x3c: {  	p2 =	seq.s32 s10, $0x1;
	s10 =	sld [smem:$0x3FB0]  }
0x3d: {  	_ =	shalt  }
0x3e: {  	_ =	shalt  }
0x3f: {  	_ =	shalt  }
0x40: {  	_ =	shalt  }
0x41: {  	_ =	shalt  }
0x42: {  	_ =	shalt  }
0x43: {  	_ =	shalt  }
0x44: {  	_ =	shalt  }
0x45: {  	_ =	shalt  }
0x46: {  	_ =	shalt  }
0x47: {  	_ =	shalt  }
0x48: {  	_ =	shalt  }
0x49: {  	_ =	shalt  }
0x4a: {  	_ =	shalt  }
0x4b: {  	_ =	shalt  }
0x4c: {  	_ =	shalt  }
0x4d: {  	_ =	shalt  }
0x4e: {  	_ =	shalt  }
0x4f: {  	_ =	shalt  }
0x50: {  	_ =	shalt  }
0x51: {  	_ =	shalt  }
0x52: {  	_ =	shalt  }
0x53: {  	_ =	shalt  }
0x54: {  	_ =	shalt  }
0x55: {  	_ =	shalt  }
0x56: {  	_ =	shalt  }
0x57: {  	_ =	shalt  }
0x58: {  	_ =	shalt  }
0x59: {  	_ =	shalt  }
0x5a: {  	_ =	shalt  }
0x5b: {  	_ =	shalt  }
0x5c: {  	_ =	shalt  }
0x5d: {  	_ =	shalt  }
0x5e: {  	_ =	shalt  }
0x5f: {  	_ =	shalt  }
0x60: {  	_ =	shalt  }
0x61: {  	_ =	shalt  }
0x62: {  	_ =	shalt  }
0x63: {  	_ =	shalt  }
0x64: {  	_ =	shalt  }
0x65: {  	_ =	shalt  }
0x66: {  	_ =	shalt  }
0x67: {  	_ =	shalt  }
0x68: {  	_ =	shalt  }
0x69: {  	_ =	shalt  }
0x6a: {  	_ =	shalt  }
0x6b: {  	_ =	shalt  }
0x6c: {  	_ =	shalt  }
0x6d: {  	_ =	shalt  }
0x6e: {  	_ =	shalt  }
0x6f: {  	_ =	shalt  }
0x70: {  	_ =	shalt  }
0x71: {  	_ =	shalt  }
0x72: {  	_ =	shalt  }
0x73: {  	_ =	shalt  }
0x74: {  	_ =	shalt  }
0x75: {  	_ =	shalt  }
0x76: {  	_ =	shalt  }
0x77: {  	_ =	shalt  }
0x78: {  	_ =	shalt  }
0x79: {  	_ =	shalt  }
0x7a: {  	_ =	shalt  }
0x7b: {  	_ =	shalt  }
0x7c: {  	_ =	shalt  }
0x7d: {  	_ =	shalt  }
0x7e: {  	_ =	shalt  }
0x7f: {  	_ =	shalt  }
0x80: {  	_ =	shalt  }
0x81: {  	_ =	shalt  }
0x82: {  	_ =	shalt  }
0x83: {  	_ =	shalt  }
0x84: {  	_ =	shalt  }
0x85: {  	_ =	shalt  }
0x86: {  	_ =	shalt  }
0x87: {  	_ =	shalt  }
.Lfunc_end0:
.L_simem_size_0:
called_computation.1_lowered:
.L_overlay_start_0:
0x88: {  	s2 =	sld [smem:$0x3FD9]  }
0x89: {  	s3 =	sld [smem:$0x3FFE];
	_ =	sdelay $0x1  }
0x8a: {  	s1 =	srdreg.scid  }
0x8b: {  	s0 =	sand.u32 $0x1, s1  }
0x8c: {  	s16 =	sshll.u32 s0, $0xA;
	s2 =	sadd.s32 s3, s2  }
0x8d: {  	s2 =	sadd.s32 s2, s16  }
0x8e: {  	[smem:$0x3FBC] =	sst s2  }
0x8f: {  	_ = 	snop  }
0x90: {  	(tm) =	ssettm $0x1  }
0x91: {  	s17 =	sld [smem:$0x3FFB];
	_ =	sdelay $0x3  }
0x92: {  	_ =	strace s17  }
0x93: {  	s2 =	sld [smem:$0x3FFC];
	_ =	sdelay $0x3  }
0x94: {  	_ =	strace s2  }
0x95: {  	s2 =	sld [smem:$0x3FFD];
	_ =	sdelay $0x3  }
0x96: {  	_ =	strace s2  }
0x97: {  	_ =	strace $0x8FFFFFFF  }
0x98: {  	s18 =	sld [smem:$0x3FDB];
	_ =	sdelay $0x1  }
0x99: {  	s19 =	simm.s32 $_scs_section_size  }
0x9a: {  	s4 =	simm.s32 $_size__tile_overlayer_lowered;
	s5 =	simm.s32 $_tile_overlayer_lowered  }
0x9b: {  	s22 =	simm.s32 $0x1BFF;
	s21 =	sshll.u32 s5, $0x1;
	s2 =	sadd.s32 s19, s18  }
0x9c: {  	s6 =	simm.s32 $0x0;
	s20 =	sshll.u32 s4, $0x1;
	s4 =	sadd.s32 s21, s2  }
0x9d: {  	[timem:s6], [sflag:s22] =	dma.local [hbm:s4], s20  }
0x9e: {  	_ =	swait.ge [sflag:s22], s20  }
0x9f: {  	s3 =	ssub.s32 $0x0, s20;
	[sflag:s22] =	ssyncset.done $0x0  }
0xa0: {  	[sflag:s22] =	ssyncadd.s32 s3;
	_ =	sdelay $0x1  }
0xa1: {  	s23 =	simm.s32 $0x1B8B  }
0xa2: {  	_ =	swait.ge [sflag:s23], $0x1  }
0xa3: {  	[sflag:s23] =	ssyncset.done $0x0  }
0xa4: {  	s25 =	simm.s32 $0x1B8E;
	s24 =	sld [smem:$0x3FFE];
	[sflag:s23] =	ssyncadd.s32 $0xFFFFFFFF  }
0xa5: {  	s26 =	simm.s32 $execute0_lowered;
	[smem:$0x3FD2] =	sst s25  }
0xa6: {  	s4 =	sshll.u32 s26, $0x1;
	_ =	strace $0x80000049;
	[dreg:$0x1] =	wrdreg $0xFFFFFFFF  }
0xa7: {  	s28 =	simm.s32 $_size_execute0_lowered;
	s2 =	sadd.s32 s2, s4;
	[dreg:$0x0] =	wrdreg $0x0  }
0xa8: {  	s4 =	sshll.u32 s28, $0x1;
	[dreg:$0x2] =	wrdreg s2  }
0xa9: {  	[dreg:$0x3] =	wrdreg s4  }
0xaa: {  	[dreg:$0x4] =	wrdreg $0xC0  }
0xab: {  	_ =	task [dreg:s6], $0x5FFFF  }
0xac: {  	[dreg:$0x1] =	wrdreg $0xFFFFFFFF  }
0xad: {  	[dreg:$0x0] =	wrdreg $0x60  }
0xae: {  	[dreg:$0x2] =	wrdreg s24  }
0xaf: {  	[dreg:$0x3] =	wrdreg $0x0  }
0xb0: {  	[dreg:$0x4] =	wrdreg $0x9  }
0xb1: {  	_ =	task.clear_ibuf [dreg:s6], $0x5FFFF;
	_ =	strace $0x90000049  }
0xb2: {  	s29 =	simm.s32 $0x9;
	_ =	strace $0x8000004B  }
0xb3: {  	_ =	swait.ge [sflag:s29], $0x1  }
0xb4: {  	[sflag:s29] =	ssyncadd.s32 $0xFFFFFFFF  }
0xb5: {  	_ =	strace $0x9000004B  }
0xb6: {  	_ =	sfence  }
0xb7: {  	s30 =	sld [smem:$0x0];
	_ =	sdelay $0x2  }
0xb8: {  	s31 =	sshll.u32 s1, $0xD;
	s1 =	sshrl.u32 s1, $0x2  }
0xb9: {  	s3 =	sand.u32 $0x4000, s31;
	s1 =	sadd.s32 s1, s30  }
0xba: {  	s0 =	sor.u32 s3, s0;
	s1 =	sshll.u32 s1, $0x11  }
0xbb: {  	s0 =	sor.u32 s1, s0  }
0xbc: {  	s0 =	sadd.s32 $0x8F2B, s0  }
0xbd: {  	[sflag:s0] =	ssyncadd.remote.s32 $0x1  }
0xbe: {  	_ =	sfence.sel $0xFFFF  }
0xbf: {  	[dreg:$0x0] =	wrdreg $0xFFFFFFFF;
	(pc) =	sbr.abs _section_cstart, $3  }
0xc0: {  	[dreg:$0x1] =	wrdreg $0xFFFFFFFF  }
0xc1: {  	_ =	task.clear_ibuf [dreg:s6], $0x2FFFF;
	_ =	strace $0x9FFFFFFF  }
0xc2: {  	(tm) =	ssettm $0x7FFFFFFF  }
0xc3: {  	_ =	shalt  }
tec
execute0_lowered:
.L_overlay_start_1:
0x0: {  	(tag) =	ssettag $0x1  }
0x1: {  	s9 =	rddreg [dreg:$0x0]  }
0x2: {  	s2 =	rddreg [dreg:$0x1]  }
0x3: {  	s0 =	rddreg [dreg:$0x2];
	s3 =	simm.s32 $0x0;
	s4 =	srdreg.scid  }
0x4: {  	s1 =	stileid.u32;
	s17 =	simm.s32 $0xA200;
	s18 =	simm.s32 $0x3  }
0x5: {  	s19 =	simm.s32 $0xA000;
	s20 =	simm.s32 $0xA080;
	s21 =	simm.s32 $0xA100  }
0x6: {  	s22 =	simm.s32 $0x80;
	s23 =	simm.s32 $0xA180;
	s24 =	simm.s32 $0x1  }
0x7: {  	s25 =	simm.s32 $0x2;
	[smem:$0x7FF] =	sst s3;
	s10 =	sand.u32 $0x1, s4  }
0x8: {  	s11 =	smul.u32 $0xA000, s1;
	s4 =	sadd.s32 $0x1C7800, s9;
	s5 =	sadd.s32 $0x2D200, s9  }
0x9: {  	s6 =	sadd.s32 $0x37000, s9;
	s7 =	sadd.s32 $0xC600, s9;
	s13 =	smul.u32 $0x28000, s1  }
0xa: {  	s30 =	sshll.u32 s1, $0x1;
	s8 =	smul.u32 $0xA0000, s10;
	s14 =	ssub.s32 $0x2, s10  }
0xb: {  	_ =	strace $0x8000004A;
	s31 =	sor.u32 s10, s30;
	s28 =	sshrl.u32 s14, $0x1  }
0xc: {  	s29 =	sshrl.u32 s13, $0x2;
	s12 =	sadd.s32 s11, s8;
	s8 =	sadd.s32 $0x2A000, s9  }
0xd: {  	s16 =	ssub.s32 s14, s28;
	s13 =	sadd.s32 s29, s2;
	s14 =	smul.u32 $0x4F, s31  }
0xe: {  	s12 =	sshrl.u32 s12, $0x3;
	s10 =	sadd.s32 $0x2000, s13;
	s16 =	smax.u32 s16, $0x1  }
0xf: {  	s15 =	sadd.s32 s12, s9;
	s9 =	sadd.s32 s11, s2;
	s11 =	sadd.s32 $0x4000, s13  }
0x10: {  	v0 =	vimm.f32 $0.0e+00;
	s12 =	sadd.s32 $0x6000, s13;
	s13 =	sadd.s32 $0x8000, s13;
	s15 =	sadd.s32 $0x40E00, s15  }
.LBB2_1:
0x11: {  	s28 =	simm.s32 $0x100;
	s26 =	simm.s32 $0x0  }
.LBB2_2:
0x12: {  	p0 =	sne.s32 s28, $0x7F00;
	[tilespmem:s26+$0xA230] =	vst v0;
	s29 =	smov.u32 s28;
	s28 =	sadd.s32 $0x100, s28  }
.Ltmp0:
0x13: {  	[tilespmem:s26+$0xA220] =	vst v0;
	(pc) =	sbr.rel @p0 .LBB2_2-.Ltmp0, $3  }
0x14: {  	[tilespmem:s26+$0xA200] =	vst v0  }
0x15: {  	[tilespmem:s26+$0xA210] =	vst v0;
	_ =	sdelay $0x1  }
0x16: {  	s26 =	sshra.s32 s29, $0x2  }
0x17: {  	[tilespmem:s26+$0xA230] =	vst v0  }
0x18: {  	[tilespmem:s26+$0xA220] =	vst v0  }
0x19: {  	[tilespmem:s26+$0xA200] =	vst v0  }
0x1a: {  	[tilespmem:s26+$0xA210] =	vst v0  }
0x1b: {  	[spmem:s9] =	stream.linear.scatter [tilespmem:s17], [sflag:$0x3], $0x2000, $0x38;
	[tilespmem:$0xC200] =	vst v63  }
0x1c: {  	_ =	swait.ge [sflag:s18], $0x2000  }
0x1d: {  	[sflag:s18] =	ssyncset.done $0x0  }
0x1e: {  	[sflag:s18] =	ssyncadd.s32 $0xFFFFE000  }
0x1f: {  	[spmem:s10] =	stream.linear.scatter [tilespmem:s17], [sflag:$0x3], $0x2000, $0x38;
	[tilespmem:$0xC200] =	vst v63  }
0x20: {  	_ =	swait.ge [sflag:s18], $0x2000  }
0x21: {  	[sflag:s18] =	ssyncset.done $0x0  }
0x22: {  	[sflag:s18] =	ssyncadd.s32 $0xFFFFE000  }
0x23: {  	[spmem:s11] =	stream.linear.scatter [tilespmem:s17], [sflag:$0x3], $0x2000, $0x38;
	[tilespmem:$0xC200] =	vst v63  }
0x24: {  	_ =	swait.ge [sflag:s18], $0x2000  }
0x25: {  	[sflag:s18] =	ssyncset.done $0x0  }
0x26: {  	[sflag:s18] =	ssyncadd.s32 $0xFFFFE000  }
0x27: {  	[spmem:s12] =	stream.linear.scatter [tilespmem:s17], [sflag:$0x3], $0x2000, $0x38;
	[tilespmem:$0xC200] =	vst v63  }
0x28: {  	_ =	swait.ge [sflag:s18], $0x2000  }
0x29: {  	[sflag:s18] =	ssyncset.done $0x0  }
0x2a: {  	[sflag:s18] =	ssyncadd.s32 $0xFFFFE000  }
0x2b: {  	[spmem:s13] =	stream.linear.scatter [tilespmem:s17], [sflag:$0x3], $0x2000, $0x38;
	[tilespmem:$0xC200] =	vst v63  }
0x2c: {  	_ =	swait.ge [sflag:s18], $0x2000  }
0x2d: {  	[sflag:s18] =	ssyncset.done $0x0  }
0x2e: {  	[sflag:s18] =	ssyncadd.s32 $0xFFFFE000  }
0x2f: {  	s26 =	simm.s32 $0x0;
	s28 =	simm.s32 $0x0;
	[bflag:$0x0] =	sbarrier.arrive $0xFFFF  }
.LBB2_4:
0x30: {  	s29 =	sadd.s32 s14, s28  }
0x31: {  	s29 =	sshll.u32 s29, $0x4  }
0x32: {  	s30 =	sadd.s32 s5, s29  }
0x33: {  	[tilespmem:s19], [sflag:$0x3] =	stream.linear.gather [hbm4b:s30+s26], $0x80, $0x38;
	[tilespmem:$0xC200] =	vst v63  }
0x34: {  	_ =	swait.ge [sflag:s18], $0x80  }
0x35: {  	[sflag:s18] =	ssyncset.done $0x0  }
0x36: {  	s30 =	sadd.s32 s6, s29;
	[sflag:s18] =	ssyncadd.s32 $0xFFFFFF80  }
0x37: {  	[tilespmem:s20], [sflag:$0x3] =	stream.linear.gather [hbm4b:s30+s26], $0x80, $0x38;
	[tilespmem:$0xC200] =	vst v63  }
0x38: {  	_ =	swait.ge [sflag:s18], $0x80  }
0x39: {  	[sflag:s18] =	ssyncset.done $0x0  }
0x3a: {  	s29 =	sadd.s32 s7, s29;
	[sflag:s18] =	ssyncadd.s32 $0xFFFFFF80  }
0x3b: {  	[tilespmem:s21], [sflag:$0x3] =	stream.linear.gather [hbm4b:s29+s26], $0x80, $0x38;
	[tilespmem:$0xC200] =	vst v63  }
0x3c: {  	_ =	swait.ge [sflag:s18], $0x80  }
0x3d: {  	[sflag:s18] =	ssyncset.done $0x0  }
0x3e: {  	[sflag:s18] =	ssyncadd.s32 $0xFFFFFF80  }
0x3f: {  	[tilespmem:s23], [sflag:$0x1] =	stream.indirect.gather [hbm4b:s8+s22], $0x1, s20, s22, $0xb8;
	[tilespmem:$0xC200] =	vst v63  }
0x40: {  	_ =	swait.ge [sflag:s24], $0x80  }
0x41: {  	[sflag:s24] =	ssyncset.done $0x0  }
0x42: {  	[sflag:s24] =	ssyncadd.s32 $0xFFFFFF80  }
0x43: {  	[tilespmem:s17], [sflag:$0x2] =	stream.indirect.gather [hbm4b:s4+s22], $0x40, s19, s22, $0xb8;
	[tilespmem:$0xC200] =	vst v63  }
0x44: {  	_ =	swait.ge [sflag:s25], $0x2000  }
0x45: {  	[sflag:s25] =	ssyncset.done $0x0  }
0x46: {  	s30 =	simm.s32 $0x0;
	s29 =	simm.s32 $0xA400;
	[sflag:s25] =	ssyncadd.s32 $0xFFFFE000  }
.LBB2_5:
0x47: {  	s31 =	sshra.s32 s30, $0x2  }
0x48: {  	v1 =	vld [tilespmem:s31+$0xA180];
	_ =	sdelay $0x1  }
0x49: {  	v2 =	vld [tilespmem:s29+$0xFFFFFE00];
	_ =	sdelay $0x2  }
0x4a: {  	v3 =	vbroadcast v1, $0x0;
	_ =	sdelay $0x1  }
0x4b: {  	v2 =	vmul.f32 v3, v2;
	_ =	sdelay $0x1  }
0x4c: {  	[tilespmem:s29+$0xFFFFFE00] =	vst v2;
	v2 =	vld [tilespmem:s29+$0xFFFFFE10];
	_ =	sdelay $0x4  }
0x4d: {  	v2 =	vmul.f32 v2, v3;
	_ =	sdelay $0x1  }
0x4e: {  	[tilespmem:s29+$0xFFFFFE10] =	vst v2;
	v2 =	vld [tilespmem:s29+$0xFFFFFE20];
	_ =	sdelay $0x4  }
0x4f: {  	v2 =	vmul.f32 v2, v3;
	_ =	sdelay $0x1  }
0x50: {  	[tilespmem:s29+$0xFFFFFE20] =	vst v2;
	v2 =	vld [tilespmem:s29+$0xFFFFFE30];
	_ =	sdelay $0x4  }
0x51: {  	v2 =	vmul.f32 v2, v3;
	_ =	sdelay $0x1  }
0x52: {  	[tilespmem:s29+$0xFFFFFE30] =	vst v2;
	v2 =	vld [tilespmem:s29+$0xFFFFFE40];
	_ =	sdelay $0x2  }
0x53: {  	v3 =	vbroadcast v1, $0x1;
	_ =	sdelay $0x1  }
0x54: {  	v2 =	vmul.f32 v2, v3;
	_ =	sdelay $0x1  }
0x55: {  	[tilespmem:s29+$0xFFFFFE40] =	vst v2;
	v2 =	vld [tilespmem:s29+$0xFFFFFE50];
	_ =	sdelay $0x4  }
0x56: {  	v2 =	vmul.f32 v2, v3;
	_ =	sdelay $0x1  }
0x57: {  	[tilespmem:s29+$0xFFFFFE50] =	vst v2;
	v2 =	vld [tilespmem:s29+$0xFFFFFE60];
	_ =	sdelay $0x4  }
0x58: {  	v2 =	vmul.f32 v2, v3;
	_ =	sdelay $0x1  }
0x59: {  	[tilespmem:s29+$0xFFFFFE60] =	vst v2;
	v2 =	vld [tilespmem:s29+$0xFFFFFE70];
	_ =	sdelay $0x4  }
0x5a: {  	v2 =	vmul.f32 v2, v3;
	_ =	sdelay $0x1  }
0x5b: {  	[tilespmem:s29+$0xFFFFFE70] =	vst v2;
	v2 =	vld [tilespmem:s29+$0xFFFFFE80];
	_ =	sdelay $0x2  }
0x5c: {  	v3 =	vbroadcast v1, $0x2;
	_ =	sdelay $0x1  }
0x5d: {  	v2 =	vmul.f32 v2, v3;
	_ =	sdelay $0x1  }
0x5e: {  	[tilespmem:s29+$0xFFFFFE80] =	vst v2;
	v2 =	vld [tilespmem:s29+$0xFFFFFE90];
	_ =	sdelay $0x4  }
0x5f: {  	v2 =	vmul.f32 v2, v3;
	_ =	sdelay $0x1  }
0x60: {  	[tilespmem:s29+$0xFFFFFE90] =	vst v2;
	v2 =	vld [tilespmem:s29+$0xFFFFFEA0];
	_ =	sdelay $0x4  }
0x61: {  	v2 =	vmul.f32 v2, v3;
	_ =	sdelay $0x1  }
0x62: {  	[tilespmem:s29+$0xFFFFFEA0] =	vst v2;
	v2 =	vld [tilespmem:s29+$0xFFFFFEB0];
	_ =	sdelay $0x4  }
0x63: {  	v2 =	vmul.f32 v2, v3;
	_ =	sdelay $0x1  }
0x64: {  	[tilespmem:s29+$0xFFFFFEB0] =	vst v2;
	v2 =	vld [tilespmem:s29+$0xFFFFFEC0];
	_ =	sdelay $0x2  }
0x65: {  	v3 =	vbroadcast v1, $0x3;
	_ =	sdelay $0x1  }
0x66: {  	v2 =	vmul.f32 v2, v3;
	_ =	sdelay $0x1  }
0x67: {  	[tilespmem:s29+$0xFFFFFEC0] =	vst v2;
	v2 =	vld [tilespmem:s29+$0xFFFFFED0];
	_ =	sdelay $0x4  }
0x68: {  	v2 =	vmul.f32 v2, v3;
	_ =	sdelay $0x1  }
0x69: {  	[tilespmem:s29+$0xFFFFFED0] =	vst v2;
	v2 =	vld [tilespmem:s29+$0xFFFFFEE0];
	_ =	sdelay $0x4  }
0x6a: {  	v2 =	vmul.f32 v2, v3;
	_ =	sdelay $0x1  }
0x6b: {  	[tilespmem:s29+$0xFFFFFEE0] =	vst v2;
	v2 =	vld [tilespmem:s29+$0xFFFFFEF0];
	_ =	sdelay $0x4  }
0x6c: {  	v2 =	vmul.f32 v2, v3;
	_ =	sdelay $0x1  }
0x6d: {  	[tilespmem:s29+$0xFFFFFEF0] =	vst v2;
	v2 =	vld [tilespmem:s29+$0xFFFFFF00];
	_ =	sdelay $0x2  }
0x6e: {  	v3 =	vbroadcast v1, $0x4;
	_ =	sdelay $0x1  }
0x6f: {  	v2 =	vmul.f32 v2, v3;
	_ =	sdelay $0x1  }
0x70: {  	[tilespmem:s29+$0xFFFFFF00] =	vst v2;
	v2 =	vld [tilespmem:s29+$0xFFFFFF10];
	_ =	sdelay $0x4  }
0x71: {  	v2 =	vmul.f32 v2, v3;
	_ =	sdelay $0x1  }
0x72: {  	[tilespmem:s29+$0xFFFFFF10] =	vst v2;
	v2 =	vld [tilespmem:s29+$0xFFFFFF20];
	_ =	sdelay $0x4  }
0x73: {  	v2 =	vmul.f32 v2, v3;
	_ =	sdelay $0x1  }
0x74: {  	[tilespmem:s29+$0xFFFFFF20] =	vst v2;
	v2 =	vld [tilespmem:s29+$0xFFFFFF30];
	_ =	sdelay $0x4  }
0x75: {  	v2 =	vmul.f32 v2, v3;
	_ =	sdelay $0x1  }
0x76: {  	[tilespmem:s29+$0xFFFFFF30] =	vst v2;
	v2 =	vld [tilespmem:s29+$0xFFFFFF40];
	_ =	sdelay $0x2  }
0x77: {  	v3 =	vbroadcast v1, $0x5;
	_ =	sdelay $0x1  }
0x78: {  	v2 =	vmul.f32 v2, v3;
	_ =	sdelay $0x1  }
0x79: {  	[tilespmem:s29+$0xFFFFFF40] =	vst v2;
	v2 =	vld [tilespmem:s29+$0xFFFFFF50];
	_ =	sdelay $0x4  }
0x7a: {  	v2 =	vmul.f32 v2, v3;
	_ =	sdelay $0x1  }
0x7b: {  	[tilespmem:s29+$0xFFFFFF50] =	vst v2;
	v2 =	vld [tilespmem:s29+$0xFFFFFF60];
	_ =	sdelay $0x4  }
0x7c: {  	v2 =	vmul.f32 v2, v3;
	_ =	sdelay $0x1  }
0x7d: {  	[tilespmem:s29+$0xFFFFFF60] =	vst v2;
	v2 =	vld [tilespmem:s29+$0xFFFFFF70];
	_ =	sdelay $0x4  }
0x7e: {  	v2 =	vmul.f32 v2, v3;
	_ =	sdelay $0x1  }
0x7f: {  	[tilespmem:s29+$0xFFFFFF70] =	vst v2;
	v2 =	vld [tilespmem:s29+$0xFFFFFF80];
	_ =	sdelay $0x2  }
0x80: {  	v3 =	vbroadcast v1, $0x6;
	_ =	sdelay $0x1  }
0x81: {  	v2 =	vmul.f32 v2, v3;
	_ =	sdelay $0x1  }
0x82: {  	[tilespmem:s29+$0xFFFFFF80] =	vst v2;
	v2 =	vld [tilespmem:s29+$0xFFFFFF90];
	_ =	sdelay $0x4  }
0x83: {  	v2 =	vmul.f32 v2, v3;
	_ =	sdelay $0x1  }
0x84: {  	[tilespmem:s29+$0xFFFFFF90] =	vst v2;
	v2 =	vld [tilespmem:s29+$0xFFFFFFA0];
	_ =	sdelay $0x4  }
0x85: {  	v2 =	vmul.f32 v2, v3;
	_ =	sdelay $0x1  }
0x86: {  	[tilespmem:s29+$0xFFFFFFA0] =	vst v2;
	v2 =	vld [tilespmem:s29+$0xFFFFFFB0];
	_ =	sdelay $0x4  }
0x87: {  	v2 =	vmul.f32 v2, v3;
	_ =	sdelay $0x1  }
0x88: {  	[tilespmem:s29+$0xFFFFFFB0] =	vst v2;
	v2 =	vld [tilespmem:s29+$0xFFFFFFC0];
	_ =	sdelay $0x2  }
0x89: {  	v3 =	vbroadcast v1, $0x7;
	_ =	sdelay $0x1  }
0x8a: {  	v2 =	vmul.f32 v2, v3;
	_ =	sdelay $0x1  }
0x8b: {  	[tilespmem:s29+$0xFFFFFFC0] =	vst v2;
	v2 =	vld [tilespmem:s29+$0xFFFFFFD0];
	_ =	sdelay $0x4  }
0x8c: {  	v2 =	vmul.f32 v2, v3;
	_ =	sdelay $0x1  }
0x8d: {  	[tilespmem:s29+$0xFFFFFFD0] =	vst v2;
	v2 =	vld [tilespmem:s29+$0xFFFFFFE0];
	_ =	sdelay $0x4  }
0x8e: {  	v2 =	vmul.f32 v2, v3;
	_ =	sdelay $0x1  }
0x8f: {  	[tilespmem:s29+$0xFFFFFFE0] =	vst v2;
	v2 =	vld [tilespmem:s29+$0xFFFFFFF0];
	_ =	sdelay $0x4  }
0x90: {  	v2 =	vmul.f32 v2, v3;
	_ =	sdelay $0x1  }
0x91: {  	[tilespmem:s29+$0xFFFFFFF0] =	vst v2;
	v2 =	vld [tilespmem:s29+$0x0];
	_ =	sdelay $0x2  }
0x92: {  	v3 =	vbroadcast v1, $0x8;
	_ =	sdelay $0x1  }
0x93: {  	v2 =	vmul.f32 v2, v3;
	_ =	sdelay $0x1  }
0x94: {  	[tilespmem:s29+$0x0] =	vst v2;
	v2 =	vld [tilespmem:s29+$0x10];
	_ =	sdelay $0x4  }
0x95: {  	v2 =	vmul.f32 v2, v3;
	_ =	sdelay $0x1  }
0x96: {  	[tilespmem:s29+$0x10] =	vst v2;
	v2 =	vld [tilespmem:s29+$0x20];
	_ =	sdelay $0x4  }
0x97: {  	v2 =	vmul.f32 v2, v3;
	_ =	sdelay $0x1  }
0x98: {  	[tilespmem:s29+$0x20] =	vst v2;
	v2 =	vld [tilespmem:s29+$0x30];
	_ =	sdelay $0x4  }
0x99: {  	v2 =	vmul.f32 v2, v3;
	_ =	sdelay $0x1  }
0x9a: {  	[tilespmem:s29+$0x30] =	vst v2;
	v2 =	vld [tilespmem:s29+$0x40];
	_ =	sdelay $0x2  }
0x9b: {  	v3 =	vbroadcast v1, $0x9;
	_ =	sdelay $0x1  }
0x9c: {  	v2 =	vmul.f32 v2, v3;
	_ =	sdelay $0x1  }
0x9d: {  	[tilespmem:s29+$0x40] =	vst v2;
	v2 =	vld [tilespmem:s29+$0x50];
	_ =	sdelay $0x4  }
0x9e: {  	v2 =	vmul.f32 v2, v3;
	_ =	sdelay $0x1  }
0x9f: {  	[tilespmem:s29+$0x50] =	vst v2;
	v2 =	vld [tilespmem:s29+$0x60];
	_ =	sdelay $0x4  }
0xa0: {  	v2 =	vmul.f32 v2, v3;
	_ =	sdelay $0x1  }
0xa1: {  	[tilespmem:s29+$0x60] =	vst v2;
	v2 =	vld [tilespmem:s29+$0x70];
	_ =	sdelay $0x4  }
0xa2: {  	v2 =	vmul.f32 v2, v3;
	_ =	sdelay $0x1  }
0xa3: {  	[tilespmem:s29+$0x70] =	vst v2;
	v2 =	vld [tilespmem:s29+$0x80];
	_ =	sdelay $0x2  }
0xa4: {  	v3 =	vbroadcast v1, $0xA;
	_ =	sdelay $0x1  }
0xa5: {  	v2 =	vmul.f32 v2, v3;
	_ =	sdelay $0x1  }
0xa6: {  	[tilespmem:s29+$0x80] =	vst v2;
	v2 =	vld [tilespmem:s29+$0x90];
	_ =	sdelay $0x4  }
0xa7: {  	v2 =	vmul.f32 v2, v3;
	_ =	sdelay $0x1  }
0xa8: {  	[tilespmem:s29+$0x90] =	vst v2;
	v2 =	vld [tilespmem:s29+$0xA0];
	_ =	sdelay $0x4  }
0xa9: {  	v2 =	vmul.f32 v2, v3;
	_ =	sdelay $0x1  }
0xaa: {  	[tilespmem:s29+$0xA0] =	vst v2;
	v2 =	vld [tilespmem:s29+$0xB0];
	_ =	sdelay $0x4  }
0xab: {  	v2 =	vmul.f32 v2, v3;
	_ =	sdelay $0x1  }
0xac: {  	[tilespmem:s29+$0xB0] =	vst v2;
	v2 =	vld [tilespmem:s29+$0xC0];
	_ =	sdelay $0x2  }
0xad: {  	v3 =	vbroadcast v1, $0xB;
	_ =	sdelay $0x1  }
0xae: {  	v2 =	vmul.f32 v2, v3;
	_ =	sdelay $0x1  }
0xaf: {  	[tilespmem:s29+$0xC0] =	vst v2;
	v2 =	vld [tilespmem:s29+$0xD0];
	_ =	sdelay $0x4  }
0xb0: {  	v2 =	vmul.f32 v2, v3;
	_ =	sdelay $0x1  }
0xb1: {  	[tilespmem:s29+$0xD0] =	vst v2;
	v2 =	vld [tilespmem:s29+$0xE0];
	_ =	sdelay $0x4  }
0xb2: {  	v2 =	vmul.f32 v2, v3;
	_ =	sdelay $0x1  }
0xb3: {  	[tilespmem:s29+$0xE0] =	vst v2;
	v2 =	vld [tilespmem:s29+$0xF0];
	_ =	sdelay $0x4  }
0xb4: {  	v2 =	vmul.f32 v2, v3;
	_ =	sdelay $0x1  }
0xb5: {  	[tilespmem:s29+$0xF0] =	vst v2;
	v2 =	vld [tilespmem:s29+$0x100];
	_ =	sdelay $0x2  }
0xb6: {  	v3 =	vbroadcast v1, $0xC;
	_ =	sdelay $0x1  }
0xb7: {  	v2 =	vmul.f32 v2, v3;
	_ =	sdelay $0x1  }
0xb8: {  	[tilespmem:s29+$0x100] =	vst v2;
	v2 =	vld [tilespmem:s29+$0x110];
	_ =	sdelay $0x4  }
0xb9: {  	v2 =	vmul.f32 v2, v3;
	_ =	sdelay $0x1  }
0xba: {  	[tilespmem:s29+$0x110] =	vst v2;
	v2 =	vld [tilespmem:s29+$0x120];
	_ =	sdelay $0x4  }
0xbb: {  	v2 =	vmul.f32 v2, v3;
	_ =	sdelay $0x1  }
0xbc: {  	[tilespmem:s29+$0x120] =	vst v2;
	v2 =	vld [tilespmem:s29+$0x130];
	_ =	sdelay $0x4  }
0xbd: {  	v2 =	vmul.f32 v2, v3;
	_ =	sdelay $0x1  }
0xbe: {  	[tilespmem:s29+$0x130] =	vst v2;
	v2 =	vld [tilespmem:s29+$0x140];
	_ =	sdelay $0x2  }
0xbf: {  	v3 =	vbroadcast v1, $0xD;
	_ =	sdelay $0x1  }
0xc0: {  	v2 =	vmul.f32 v2, v3;
	_ =	sdelay $0x1  }
0xc1: {  	[tilespmem:s29+$0x140] =	vst v2;
	v2 =	vld [tilespmem:s29+$0x150];
	_ =	sdelay $0x4  }
0xc2: {  	v2 =	vmul.f32 v2, v3;
	_ =	sdelay $0x1  }
0xc3: {  	[tilespmem:s29+$0x150] =	vst v2;
	v2 =	vld [tilespmem:s29+$0x160];
	_ =	sdelay $0x4  }
0xc4: {  	v2 =	vmul.f32 v2, v3;
	_ =	sdelay $0x1  }
0xc5: {  	[tilespmem:s29+$0x160] =	vst v2;
	v2 =	vld [tilespmem:s29+$0x170];
	_ =	sdelay $0x4  }
0xc6: {  	v2 =	vmul.f32 v2, v3;
	_ =	sdelay $0x1  }
0xc7: {  	[tilespmem:s29+$0x170] =	vst v2;
	v2 =	vld [tilespmem:s29+$0x180];
	_ =	sdelay $0x2  }
0xc8: {  	v3 =	vbroadcast v1, $0xE;
	_ =	sdelay $0x1  }
0xc9: {  	v2 =	vmul.f32 v2, v3;
	_ =	sdelay $0x1  }
0xca: {  	[tilespmem:s29+$0x180] =	vst v2;
	v2 =	vld [tilespmem:s29+$0x190];
	_ =	sdelay $0x4  }
0xcb: {  	v2 =	vmul.f32 v2, v3;
	_ =	sdelay $0x1  }
0xcc: {  	[tilespmem:s29+$0x190] =	vst v2;
	v2 =	vld [tilespmem:s29+$0x1A0];
	_ =	sdelay $0x4  }
0xcd: {  	v2 =	vmul.f32 v2, v3;
	_ =	sdelay $0x1  }
0xce: {  	[tilespmem:s29+$0x1A0] =	vst v2;
	v2 =	vld [tilespmem:s29+$0x1B0];
	_ =	sdelay $0x4  }
0xcf: {  	v2 =	vmul.f32 v2, v3;
	_ =	sdelay $0x1  }
0xd0: {  	[tilespmem:s29+$0x1B0] =	vst v2;
	v2 =	vld [tilespmem:s29+$0x1C0];
	_ =	sdelay $0x2  }
0xd1: {  	v1 =	vbroadcast v1, $0xF;
	_ =	sdelay $0x1  }
0xd2: {  	v2 =	vmul.f32 v2, v1;
	_ =	sdelay $0x1  }
0xd3: {  	[tilespmem:s29+$0x1C0] =	vst v2;
	v2 =	vld [tilespmem:s29+$0x1D0];
	_ =	sdelay $0x4  }
0xd4: {  	v2 =	vmul.f32 v2, v1;
	_ =	sdelay $0x1  }
0xd5: {  	[tilespmem:s29+$0x1D0] =	vst v2;
	v2 =	vld [tilespmem:s29+$0x1E0];
	_ =	sdelay $0x4  }
0xd6: {  	v2 =	vmul.f32 v2, v1;
	_ =	sdelay $0x1  }
0xd7: {  	[tilespmem:s29+$0x1E0] =	vst v2;
	v2 =	vld [tilespmem:s29+$0x1F0];
	_ =	sdelay $0x1  }
0xd8: {  	p0 =	sne.s32 s30, $0x1C0  }
.Ltmp1:
0xd9: {  	_ = 	snop;
	(pc) =	sbr.rel @p0 .LBB2_5-.Ltmp1, $3  }
0xda: {  	_ = 	snop  }
0xdb: {  	v1 =	vmul.f32 v2, v1;
	_ =	sdelay $0x1  }
0xdc: {  	s30 =	sadd.s32 $0x40, s30;
	[tilespmem:s29+$0x1F0] =	vst v1;
	s29 =	sadd.s32 $0x400, s29  }
0xdd: {  	s28 =	sadd.s32 $0x1, s28  }
0xde: {  	p0 =	sne.s32 s28, $0x4F  }
.Ltmp2:
0xdf: {  	_ = 	snop;
	(pc) =	sbr.rel @p0 .LBB2_4-.Ltmp2, $4  }
0xe0: {  	[spmem:s2] =	stream.indirect.scatter.add.f32 [tilespmem:s17], [sflag:$0x3], $0x40, s21, s22, $0xb8;
	[tilespmem:$0xC200] =	vst v63  }
0xe1: {  	_ =	swait.ge [sflag:s18], $0x2000  }
0xe2: {  	[sflag:s18] =	ssyncset.done $0x0  }
0xe3: {  	[sflag:s18] =	ssyncadd.s32 $0xFFFFE000  }
0xe4: {  	s3 =	sadd.s32 $0x1, s3  }
0xe5: {  	s26 =	sshll.u32 s1, $0x6;
	[bflag:$0x0] =	sbarrier.arrive $0xFFFF;
	p0 =	sne.s32 s3, s16  }
.Ltmp3:
0xe6: {  	s28 =	sshrl.u32 s9, $0x3;
	s26 =	sor.u32 $0x1C03, s26;
	(pc) =	sbr.rel @p0 .LBB2_1-.Ltmp3, $4  }
0xe7: {  	[hbm:s15], [sflag:s26] =	dma.local [spmem:s28], $0x1400  }
0xe8: {  	_ =	swait.ge [sflag:s18], $0x1400  }
0xe9: {  	[sflag:s18] =	ssyncset.done $0x0  }
0xea: {  	[sflag:s18] =	ssyncadd.s32 $0xFFFFEC00  }
0xeb: {  	_ =	sfence.sel $0x180000  }
0xec: {  	[bflag:$0x0] =	sbarrier.arrive $0xFFFF  }
0xed: {  	p0 =	sne.s32 s1, $0x0;
	_ =	strace $0x9000004A  }
0xee: {  	s0 =	sadd.s32 @!p0 $0x100000, s0;
	[bflag:$0x2] =	sbarrier.arrive $0xFFFF  }
0xef: {  	[sflag:s0] =	ssyncadd.tile.s32 @!p0 $0x1;
	_ =	shalt  }
.Lfunc_end2:
_tile_overlayer_lowered:
.L_overlay_start_2:
0xf0: {  	(tag) =	ssettag $0x2  }
0xf1: {  	s0 =	rddreg [dreg:$0x0];
	s2 =	stileid.u32  }
0xf2: {  	s1 =	rddreg [dreg:$0x1];
	p0 =	sne.s32 s2, $0x0  }
0xf3: {  	s3 =	rddreg [dreg:$0x2];
	[bflag:$0x3] =	sbarrier.arrive $0xFFFF;
	s2 =	simm.s32 @!p0 $0x1C03  }
0xf4: {  	[timem:s3], [sflag:s2] =	dma.local @!p0 [hbm:s0], s1  }
0xf5: {  	s0 =	simm.s32 @!p0 $0x3  }
0xf6: {  	_ =	swait.ge @!p0 [sflag:s0], s1  }
0xf7: {  	s1 =	ssub.s32 @!p0 $0x0, s1;
	[sflag:s0] =	ssyncset.done @!p0 $0x0  }
0xf8: {  	[sflag:s0] =	ssyncadd.s32 @!p0 s1  }
0xf9: {  	[bflag:$0x3] =	sbarrier.arrive $0xFFFF  }
0xfa: {  	_ =	shalt  }

// kernel: kernel.14.cloned.1.call-start
scs
__scs_entry_jumppad:
0x0: {  	(pc) =	sbr.rel $0x88, $3  }
0x1: {  	(tag) =	ssettag $0x0;
	lr =	simm.s32 $0x1  }
0x2: {  	[smem:$0x3F95] =	sst lr;
	_ =	strace $0xD0000000  }
0x3: {  	_ = 	snop  }
0x4: {  	_ = 	snop  }
0x5: {  	_ = 	snop  }
0x6: {  	_ = 	snop  }
0x7: {  	_ = 	snop  }
__scs_overlays_trampoline_lowered:
0x8: {  	[smem:$0x3FA4] =	sst s0  }
0x9: {  	[smem:$0x3FA5] =	sst s1  }
0xa: {  	[smem:$0x3FA6] =	sst s2  }
0xb: {  	[smem:$0x3FA7] =	sst s3  }
0xc: {  	[smem:$0x3FA8] =	sst s4  }
0xd: {  	[smem:$0x3FA9] =	sst s5  }
0xe: {  	[smem:$0x3FAA] =	sst s6  }
0xf: {  	[smem:$0x3FAB] =	sst s7  }
0x10: {  	[smem:$0x3FAC] =	sst s8  }
0x11: {  	[smem:$0x3FAD] =	sst s9;
	s0 =	simm.s32 @!p0 $0x0  }
0x12: {  	s1 =	sld [smem:$0x3F93];
	s0 =	simm.s32 @p0 $0x1  }
0x13: {  	[smem:$0x3FAE] =	sst s0;
	s0 =	simm.s32 @!p1 $0x0  }
0x14: {  	s2 =	sld [smem:$0x3F92];
	s0 =	simm.s32 @p1 $0x1  }
0x15: {  	[smem:$0x3FAF] =	sst s0;
	s0 =	simm.s32 @!p2 $0x0  }
0x16: {  	s3 =	sld [smem:$0x3FDB];
	s0 =	simm.s32 @p2 $0x1  }
0x17: {  	s4 =	simm.s32 $0x1BF5;
	[smem:$0x3FB1] =	sst s0  }
0x18: {  	s0 =	sld [smem:$0x3F94];
	_ =	swait.ge [sflag:s4], $0x0  }
0x19: {  	s7 =	sld [smem:$0x3F95]  }
0x1a: {  	s8 =	sadd.s32 $0xFFFFE003, lr  }
0x1b: {  	s9 =	sadd.s32 $0xFFFFFEF7, lr;
	s5 =	simm.s32 $0xFFFFFFFF;
	p2 =	slt.u32 s8, $0xFFFFF086  }
0x1c: {  	p1 =	slt.u32 s9, $0xF7A;
	s5 =	simm.s32 @!p2 $0x0  }
0x1d: {  	s5 =	simm.s32 @p1 $0x1;
	p0 =	seq.s32 s7, s2  }
0x1e: {  	s7 =	smul.u32 @!p0 $0xF7A, s2;
	p2 =	seq.s32 @!p0 s5, $0x0  }
0x1f: {  	s9 =	smul.u32 $0xF7A, s1;
	s8 =	simm.s32 @!p0 $0x1BF5;
	p2 =	por !p2, p0  }
0x20: {  	[sflag:s8] =	ssyncset.s32 @!p0 $0xFFFFF086;
	s6 =	sadd.s32 @!p0 s3, s7;
	s7 =	simm.s32 @!p0 $0x108  }
0x21: {  	s3 =	sadd.s32 s3, s9;
	s6 =	sadd.s32 @!p0 $0x88, s6;
	s7 =	simm.s32 @p2 $0x1082  }
0x22: {  	[simem:s7], [sflag:s8] =	dma.local @!p0 [hbm:s6], $0xF7A  }
0x23: {  	s9 =	sor.u32 $0xD0000000, s2;
	s6 =	simm.s32 $0x108;
	_ =	swait.ge @!p0 [sflag:s8], $0x0  }
0x24: {  	s3 =	sadd.s32 $0x88, s3;
	s6 =	simm.s32 @!p1 $0x1082;
	[sflag:s4] =	ssyncset.s32 $0xFFFFF086  }
0x25: {  	[simem:s6], [sflag:s4] =	dma.local [hbm:s3], $0xF7A  }
0x26: {  	[smem:$0x3F95] =	sst s1;
	(tag) =	ssettag s2;
	_ =	strace s9  }
0x27: {  	s1 =	sld [smem:$0x3FA5]  }
0x28: {  	s2 =	sld [smem:$0x3FA6]  }
0x29: {  	s4 =	sld [smem:$0x3FA8]  }
0x2a: {  	p0 =	seq.s32 s5, $0x0;
	s5 =	sld [smem:$0x3FA9]  }
0x2b: {  	s6 =	sld [smem:$0x3FAA]  }
0x2c: {  	s7 =	sld [smem:$0x3FAB]  }
0x2d: {  	s3 =	simm.s32 $0x108;
	s8 =	sld [smem:$0x3FAC]  }
0x2e: {  	s3 =	simm.s32 @!p0 $0x1082;
	s9 =	sld [smem:$0x3FAD]  }
0x2f: {  	lr =	sadd.s32 s0, s3;
	s0 =	sld [smem:$0x3FA4]  }
0x30: {  	s3 =	sld [smem:$0x3FA7]  }
0x31: {  	[smem:$0x3FB0] =	sst s10  }
0x32: {  	s10 =	sld [smem:$0x3FAE];
	_ =	sdelay $0x3  }
0x33: {  	p0 =	seq.s32 s10, $0x1;
	s10 =	sld [smem:$0x3FB0];
	_ =	sdelay $0x3  }
0x34: {  	[smem:$0x3FB0] =	sst s10  }
0x35: {  	s10 =	sld [smem:$0x3FAF];
	_ =	sdelay $0x3  }
0x36: {  	p1 =	seq.s32 s10, $0x1;
	s10 =	sld [smem:$0x3FB0];
	_ =	sdelay $0x3  }
0x37: {  	[smem:$0x3FB0] =	sst s10  }
0x38: {  	s10 =	sld [smem:$0x3FB1]  }
0x39: {  	_ = 	snop;
	(pc) =	sbr.ind lr, $3  }
0x3a: {  	_ = 	snop  }
0x3b: {  	_ = 	snop  }
0x3c: {  	p2 =	seq.s32 s10, $0x1;
	s10 =	sld [smem:$0x3FB0]  }
0x3d: {  	_ =	shalt  }
0x3e: {  	_ =	shalt  }
0x3f: {  	_ =	shalt  }
0x40: {  	_ =	shalt  }
0x41: {  	_ =	shalt  }
0x42: {  	_ =	shalt  }
0x43: {  	_ =	shalt  }
0x44: {  	_ =	shalt  }
0x45: {  	_ =	shalt  }
0x46: {  	_ =	shalt  }
0x47: {  	_ =	shalt  }
0x48: {  	_ =	shalt  }
0x49: {  	_ =	shalt  }
0x4a: {  	_ =	shalt  }
0x4b: {  	_ =	shalt  }
0x4c: {  	_ =	shalt  }
0x4d: {  	_ =	shalt  }
0x4e: {  	_ =	shalt  }
0x4f: {  	_ =	shalt  }
0x50: {  	_ =	shalt  }
0x51: {  	_ =	shalt  }
0x52: {  	_ =	shalt  }
0x53: {  	_ =	shalt  }
0x54: {  	_ =	shalt  }
0x55: {  	_ =	shalt  }
0x56: {  	_ =	shalt  }
0x57: {  	_ =	shalt  }
0x58: {  	_ =	shalt  }
0x59: {  	_ =	shalt  }
0x5a: {  	_ =	shalt  }
0x5b: {  	_ =	shalt  }
0x5c: {  	_ =	shalt  }
0x5d: {  	_ =	shalt  }
0x5e: {  	_ =	shalt  }
0x5f: {  	_ =	shalt  }
0x60: {  	_ =	shalt  }
0x61: {  	_ =	shalt  }
0x62: {  	_ =	shalt  }
0x63: {  	_ =	shalt  }
0x64: {  	_ =	shalt  }
0x65: {  	_ =	shalt  }
0x66: {  	_ =	shalt  }
0x67: {  	_ =	shalt  }
0x68: {  	_ =	shalt  }
0x69: {  	_ =	shalt  }
0x6a: {  	_ =	shalt  }
0x6b: {  	_ =	shalt  }
0x6c: {  	_ =	shalt  }
0x6d: {  	_ =	shalt  }
0x6e: {  	_ =	shalt  }
0x6f: {  	_ =	shalt  }
0x70: {  	_ =	shalt  }
0x71: {  	_ =	shalt  }
0x72: {  	_ =	shalt  }
0x73: {  	_ =	shalt  }
0x74: {  	_ =	shalt  }
0x75: {  	_ =	shalt  }
0x76: {  	_ =	shalt  }
0x77: {  	_ =	shalt  }
0x78: {  	_ =	shalt  }
0x79: {  	_ =	shalt  }
0x7a: {  	_ =	shalt  }
0x7b: {  	_ =	shalt  }
0x7c: {  	_ =	shalt  }
0x7d: {  	_ =	shalt  }
0x7e: {  	_ =	shalt  }
0x7f: {  	_ =	shalt  }
0x80: {  	_ =	shalt  }
0x81: {  	_ =	shalt  }
0x82: {  	_ =	shalt  }
0x83: {  	_ =	shalt  }
0x84: {  	_ =	shalt  }
0x85: {  	_ =	shalt  }
0x86: {  	_ =	shalt  }
0x87: {  	_ =	shalt  }
.Lfunc_end0:
.L_simem_size_0:
called_computation.2_lowered:
.L_overlay_start_0:
0x88: {  	s2 =	sld [smem:$0x3FD9]  }
0x89: {  	s3 =	sld [smem:$0x3FFE];
	_ =	sdelay $0x1  }
0x8a: {  	s1 =	srdreg.scid  }
0x8b: {  	s0 =	sand.u32 $0x1, s1  }
0x8c: {  	s16 =	sshll.u32 s0, $0xA;
	s2 =	sadd.s32 s3, s2  }
0x8d: {  	s2 =	sadd.s32 s2, s16  }
0x8e: {  	[smem:$0x3FBC] =	sst s2  }
0x8f: {  	_ = 	snop  }
0x90: {  	(tm) =	ssettm $0x1  }
0x91: {  	s17 =	sld [smem:$0x3FFB];
	_ =	sdelay $0x3  }
0x92: {  	_ =	strace s17  }
0x93: {  	s2 =	sld [smem:$0x3FFC];
	_ =	sdelay $0x3  }
0x94: {  	_ =	strace s2  }
0x95: {  	s2 =	sld [smem:$0x3FFD];
	_ =	sdelay $0x3  }
0x96: {  	_ =	strace s2  }
0x97: {  	_ =	strace $0x8FFFFFFF  }
0x98: {  	s18 =	sld [smem:$0x3FDB];
	_ =	sdelay $0x1  }
0x99: {  	s19 =	simm.s32 $_scs_section_size  }
0x9a: {  	s4 =	simm.s32 $_size__tile_overlayer_lowered;
	s5 =	simm.s32 $_tile_overlayer_lowered  }
0x9b: {  	s22 =	simm.s32 $0x1BFF;
	s21 =	sshll.u32 s5, $0x1;
	s2 =	sadd.s32 s19, s18  }
0x9c: {  	s6 =	simm.s32 $0x0;
	s20 =	sshll.u32 s4, $0x1;
	s4 =	sadd.s32 s21, s2  }
0x9d: {  	[timem:s6], [sflag:s22] =	dma.local [hbm:s4], s20  }
0x9e: {  	_ =	swait.ge [sflag:s22], s20  }
0x9f: {  	s3 =	ssub.s32 $0x0, s20;
	[sflag:s22] =	ssyncset.done $0x0  }
0xa0: {  	[sflag:s22] =	ssyncadd.s32 s3;
	_ =	sdelay $0x1  }
0xa1: {  	s23 =	simm.s32 $0x1B8B  }
0xa2: {  	_ =	swait.ge [sflag:s23], $0x1  }
0xa3: {  	[sflag:s23] =	ssyncset.done $0x0  }
0xa4: {  	s25 =	simm.s32 $0x1B8E;
	s24 =	sld [smem:$0x3FFE];
	[sflag:s23] =	ssyncadd.s32 $0xFFFFFFFF  }
0xa5: {  	s26 =	simm.s32 $execute0_lowered;
	[smem:$0x3FD2] =	sst s25  }
0xa6: {  	s4 =	sshll.u32 s26, $0x1;
	_ =	strace $0x8000004C;
	[dreg:$0x1] =	wrdreg $0xFFFFFFFF  }
0xa7: {  	s28 =	simm.s32 $_size_execute0_lowered;
	s2 =	sadd.s32 s2, s4;
	[dreg:$0x0] =	wrdreg $0x0  }
0xa8: {  	s4 =	sshll.u32 s28, $0x1;
	[dreg:$0x2] =	wrdreg s2  }
0xa9: {  	[dreg:$0x3] =	wrdreg s4  }
0xaa: {  	[dreg:$0x4] =	wrdreg $0xC0  }
0xab: {  	_ =	task [dreg:s6], $0x5FFFF  }
0xac: {  	[dreg:$0x1] =	wrdreg $0xFFFFFFFF  }
0xad: {  	[dreg:$0x0] =	wrdreg $0x60  }
0xae: {  	[dreg:$0x2] =	wrdreg s24  }
0xaf: {  	[dreg:$0x3] =	wrdreg $0x0  }
0xb0: {  	[dreg:$0x4] =	wrdreg $0x9  }
0xb1: {  	_ =	task.clear_ibuf [dreg:s6], $0x5FFFF;
	_ =	strace $0x9000004C  }
0xb2: {  	s29 =	simm.s32 $0x9;
	_ =	strace $0x8000004E  }
0xb3: {  	_ =	swait.ge [sflag:s29], $0x1  }
0xb4: {  	[sflag:s29] =	ssyncadd.s32 $0xFFFFFFFF  }
0xb5: {  	_ =	strace $0x9000004E  }
0xb6: {  	_ =	sfence  }
0xb7: {  	s30 =	sld [smem:$0x0];
	_ =	sdelay $0x2  }
0xb8: {  	s31 =	sshll.u32 s1, $0xD;
	s1 =	sshrl.u32 s1, $0x2  }
0xb9: {  	s3 =	sand.u32 $0x4000, s31;
	s1 =	sadd.s32 s1, s30  }
0xba: {  	s0 =	sor.u32 s3, s0;
	s1 =	sshll.u32 s1, $0x11  }
0xbb: {  	s0 =	sor.u32 s1, s0  }
0xbc: {  	s0 =	sadd.s32 $0x8F2B, s0  }
0xbd: {  	[sflag:s0] =	ssyncadd.remote.s32 $0x1  }
0xbe: {  	_ =	sfence.sel $0xFFFF  }
0xbf: {  	[dreg:$0x0] =	wrdreg $0xFFFFFFFF;
	(pc) =	sbr.abs _section_cstart, $3  }
0xc0: {  	[dreg:$0x1] =	wrdreg $0xFFFFFFFF  }
0xc1: {  	_ =	task.clear_ibuf [dreg:s6], $0x2FFFF;
	_ =	strace $0x9FFFFFFF  }
0xc2: {  	(tm) =	ssettm $0x7FFFFFFF  }
0xc3: {  	_ =	shalt  }
tec
execute0_lowered:
.L_overlay_start_1:
0x0: {  	(tag) =	ssettag $0x1  }
0x1: {  	s9 =	rddreg [dreg:$0x0]  }
0x2: {  	s2 =	rddreg [dreg:$0x1]  }
0x3: {  	s0 =	rddreg [dreg:$0x2];
	s3 =	simm.s32 $0x0;
	s4 =	srdreg.scid  }
0x4: {  	s1 =	stileid.u32;
	s17 =	simm.s32 $0xA200;
	s18 =	simm.s32 $0x3  }
0x5: {  	s19 =	simm.s32 $0xA000;
	s20 =	simm.s32 $0xA080;
	s21 =	simm.s32 $0xA100  }
0x6: {  	s22 =	simm.s32 $0x80;
	s23 =	simm.s32 $0xA180;
	s24 =	simm.s32 $0x1  }
0x7: {  	s25 =	simm.s32 $0x2;
	[smem:$0x7FF] =	sst s3;
	s10 =	sand.u32 $0x1, s4  }
0x8: {  	s11 =	smul.u32 $0xA000, s1;
	s4 =	sadd.s32 $0x1C7800, s9;
	s5 =	sadd.s32 $0x2D200, s9  }
0x9: {  	s6 =	sadd.s32 $0x37000, s9;
	s7 =	sadd.s32 $0xC600, s9;
	s13 =	smul.u32 $0x28000, s1  }
0xa: {  	s30 =	sshll.u32 s1, $0x1;
	s8 =	smul.u32 $0xA0000, s10;
	s14 =	ssub.s32 $0x2, s10  }
0xb: {  	_ =	strace $0x8000004D;
	s31 =	sor.u32 s10, s30;
	s28 =	sshrl.u32 s14, $0x1  }
0xc: {  	s29 =	sshrl.u32 s13, $0x2;
	s12 =	sadd.s32 s11, s8;
	s8 =	sadd.s32 $0x2A000, s9  }
0xd: {  	s16 =	ssub.s32 s14, s28;
	s13 =	sadd.s32 s29, s2;
	s14 =	smul.u32 $0x4F, s31  }
0xe: {  	s12 =	sshrl.u32 s12, $0x3;
	s10 =	sadd.s32 $0x2000, s13;
	s16 =	smax.u32 s16, $0x1  }
0xf: {  	s15 =	sadd.s32 s12, s9;
	s9 =	sadd.s32 s11, s2;
	s11 =	sadd.s32 $0x4000, s13  }
0x10: {  	v0 =	vimm.f32 $0.0e+00;
	s12 =	sadd.s32 $0x6000, s13;
	s13 =	sadd.s32 $0x8000, s13;
	s15 =	sadd.s32 $0x40E00, s15  }
.LBB2_1:
0x11: {  	s28 =	simm.s32 $0x100;
	s26 =	simm.s32 $0x0  }
.LBB2_2:
0x12: {  	p0 =	sne.s32 s28, $0x7F00;
	[tilespmem:s26+$0xA230] =	vst v0;
	s29 =	smov.u32 s28;
	s28 =	sadd.s32 $0x100, s28  }
.Ltmp0:
0x13: {  	[tilespmem:s26+$0xA220] =	vst v0;
	(pc) =	sbr.rel @p0 .LBB2_2-.Ltmp0, $3  }
0x14: {  	[tilespmem:s26+$0xA200] =	vst v0  }
0x15: {  	[tilespmem:s26+$0xA210] =	vst v0;
	_ =	sdelay $0x1  }
0x16: {  	s26 =	sshra.s32 s29, $0x2  }
0x17: {  	[tilespmem:s26+$0xA230] =	vst v0  }
0x18: {  	[tilespmem:s26+$0xA220] =	vst v0  }
0x19: {  	[tilespmem:s26+$0xA200] =	vst v0  }
0x1a: {  	[tilespmem:s26+$0xA210] =	vst v0  }
0x1b: {  	[spmem:s9] =	stream.linear.scatter [tilespmem:s17], [sflag:$0x3], $0x2000, $0x38;
	[tilespmem:$0xC200] =	vst v63  }
0x1c: {  	_ =	swait.ge [sflag:s18], $0x2000  }
0x1d: {  	[sflag:s18] =	ssyncset.done $0x0  }
0x1e: {  	[sflag:s18] =	ssyncadd.s32 $0xFFFFE000  }
0x1f: {  	[spmem:s10] =	stream.linear.scatter [tilespmem:s17], [sflag:$0x3], $0x2000, $0x38;
	[tilespmem:$0xC200] =	vst v63  }
0x20: {  	_ =	swait.ge [sflag:s18], $0x2000  }
0x21: {  	[sflag:s18] =	ssyncset.done $0x0  }
0x22: {  	[sflag:s18] =	ssyncadd.s32 $0xFFFFE000  }
0x23: {  	[spmem:s11] =	stream.linear.scatter [tilespmem:s17], [sflag:$0x3], $0x2000, $0x38;
	[tilespmem:$0xC200] =	vst v63  }
0x24: {  	_ =	swait.ge [sflag:s18], $0x2000  }
0x25: {  	[sflag:s18] =	ssyncset.done $0x0  }
0x26: {  	[sflag:s18] =	ssyncadd.s32 $0xFFFFE000  }
0x27: {  	[spmem:s12] =	stream.linear.scatter [tilespmem:s17], [sflag:$0x3], $0x2000, $0x38;
	[tilespmem:$0xC200] =	vst v63  }
0x28: {  	_ =	swait.ge [sflag:s18], $0x2000  }
0x29: {  	[sflag:s18] =	ssyncset.done $0x0  }
0x2a: {  	[sflag:s18] =	ssyncadd.s32 $0xFFFFE000  }
0x2b: {  	[spmem:s13] =	stream.linear.scatter [tilespmem:s17], [sflag:$0x3], $0x2000, $0x38;
	[tilespmem:$0xC200] =	vst v63  }
0x2c: {  	_ =	swait.ge [sflag:s18], $0x2000  }
0x2d: {  	[sflag:s18] =	ssyncset.done $0x0  }
0x2e: {  	[sflag:s18] =	ssyncadd.s32 $0xFFFFE000  }
0x2f: {  	s26 =	simm.s32 $0x0;
	s28 =	simm.s32 $0x0;
	[bflag:$0x0] =	sbarrier.arrive $0xFFFF  }
.LBB2_4:
0x30: {  	s29 =	sadd.s32 s14, s28  }
0x31: {  	s29 =	sshll.u32 s29, $0x4  }
0x32: {  	s30 =	sadd.s32 s5, s29  }
0x33: {  	[tilespmem:s19], [sflag:$0x3] =	stream.linear.gather [hbm4b:s30+s26], $0x80, $0x38;
	[tilespmem:$0xC200] =	vst v63  }
0x34: {  	_ =	swait.ge [sflag:s18], $0x80  }
0x35: {  	[sflag:s18] =	ssyncset.done $0x0  }
0x36: {  	s30 =	sadd.s32 s6, s29;
	[sflag:s18] =	ssyncadd.s32 $0xFFFFFF80  }
0x37: {  	[tilespmem:s20], [sflag:$0x3] =	stream.linear.gather [hbm4b:s30+s26], $0x80, $0x38;
	[tilespmem:$0xC200] =	vst v63  }
0x38: {  	_ =	swait.ge [sflag:s18], $0x80  }
0x39: {  	[sflag:s18] =	ssyncset.done $0x0  }
0x3a: {  	s29 =	sadd.s32 s7, s29;
	[sflag:s18] =	ssyncadd.s32 $0xFFFFFF80  }
0x3b: {  	[tilespmem:s21], [sflag:$0x3] =	stream.linear.gather [hbm4b:s29+s26], $0x80, $0x38;
	[tilespmem:$0xC200] =	vst v63  }
0x3c: {  	_ =	swait.ge [sflag:s18], $0x80  }
0x3d: {  	[sflag:s18] =	ssyncset.done $0x0  }
0x3e: {  	[sflag:s18] =	ssyncadd.s32 $0xFFFFFF80  }
0x3f: {  	[tilespmem:s23], [sflag:$0x1] =	stream.indirect.gather [hbm4b:s8+s22], $0x1, s20, s22, $0xb8;
	[tilespmem:$0xC200] =	vst v63  }
0x40: {  	_ =	swait.ge [sflag:s24], $0x80  }
0x41: {  	[sflag:s24] =	ssyncset.done $0x0  }
0x42: {  	[sflag:s24] =	ssyncadd.s32 $0xFFFFFF80  }
0x43: {  	[tilespmem:s17], [sflag:$0x2] =	stream.indirect.gather [hbm4b:s4+s22], $0x40, s19, s22, $0xb8;
	[tilespmem:$0xC200] =	vst v63  }
0x44: {  	_ =	swait.ge [sflag:s25], $0x2000  }
0x45: {  	[sflag:s25] =	ssyncset.done $0x0  }
0x46: {  	s30 =	simm.s32 $0x0;
	s29 =	simm.s32 $0xA400;
	[sflag:s25] =	ssyncadd.s32 $0xFFFFE000  }
.LBB2_5:
0x47: {  	s31 =	sshra.s32 s30, $0x2  }
0x48: {  	v1 =	vld [tilespmem:s31+$0xA180];
	_ =	sdelay $0x1  }
0x49: {  	v2 =	vld [tilespmem:s29+$0xFFFFFE00];
	_ =	sdelay $0x2  }
0x4a: {  	v3 =	vbroadcast v1, $0x0;
	_ =	sdelay $0x1  }
0x4b: {  	v2 =	vmul.f32 v3, v2;
	_ =	sdelay $0x1  }
0x4c: {  	[tilespmem:s29+$0xFFFFFE00] =	vst v2;
	v2 =	vld [tilespmem:s29+$0xFFFFFE10];
	_ =	sdelay $0x4  }
0x4d: {  	v2 =	vmul.f32 v2, v3;
	_ =	sdelay $0x1  }
0x4e: {  	[tilespmem:s29+$0xFFFFFE10] =	vst v2;
	v2 =	vld [tilespmem:s29+$0xFFFFFE20];
	_ =	sdelay $0x4  }
0x4f: {  	v2 =	vmul.f32 v2, v3;
	_ =	sdelay $0x1  }
0x50: {  	[tilespmem:s29+$0xFFFFFE20] =	vst v2;
	v2 =	vld [tilespmem:s29+$0xFFFFFE30];
	_ =	sdelay $0x4  }
0x51: {  	v2 =	vmul.f32 v2, v3;
	_ =	sdelay $0x1  }
0x52: {  	[tilespmem:s29+$0xFFFFFE30] =	vst v2;
	v2 =	vld [tilespmem:s29+$0xFFFFFE40];
	_ =	sdelay $0x2  }
0x53: {  	v3 =	vbroadcast v1, $0x1;
	_ =	sdelay $0x1  }
0x54: {  	v2 =	vmul.f32 v2, v3;
	_ =	sdelay $0x1  }
0x55: {  	[tilespmem:s29+$0xFFFFFE40] =	vst v2;
	v2 =	vld [tilespmem:s29+$0xFFFFFE50];
	_ =	sdelay $0x4  }
0x56: {  	v2 =	vmul.f32 v2, v3;
	_ =	sdelay $0x1  }
0x57: {  	[tilespmem:s29+$0xFFFFFE50] =	vst v2;
	v2 =	vld [tilespmem:s29+$0xFFFFFE60];
	_ =	sdelay $0x4  }
0x58: {  	v2 =	vmul.f32 v2, v3;
	_ =	sdelay $0x1  }
0x59: {  	[tilespmem:s29+$0xFFFFFE60] =	vst v2;
	v2 =	vld [tilespmem:s29+$0xFFFFFE70];
	_ =	sdelay $0x4  }
0x5a: {  	v2 =	vmul.f32 v2, v3;
	_ =	sdelay $0x1  }
0x5b: {  	[tilespmem:s29+$0xFFFFFE70] =	vst v2;
	v2 =	vld [tilespmem:s29+$0xFFFFFE80];
	_ =	sdelay $0x2  }
0x5c: {  	v3 =	vbroadcast v1, $0x2;
	_ =	sdelay $0x1  }
0x5d: {  	v2 =	vmul.f32 v2, v3;
	_ =	sdelay $0x1  }
0x5e: {  	[tilespmem:s29+$0xFFFFFE80] =	vst v2;
	v2 =	vld [tilespmem:s29+$0xFFFFFE90];
	_ =	sdelay $0x4  }
0x5f: {  	v2 =	vmul.f32 v2, v3;
	_ =	sdelay $0x1  }
0x60: {  	[tilespmem:s29+$0xFFFFFE90] =	vst v2;
	v2 =	vld [tilespmem:s29+$0xFFFFFEA0];
	_ =	sdelay $0x4  }
0x61: {  	v2 =	vmul.f32 v2, v3;
	_ =	sdelay $0x1  }
0x62: {  	[tilespmem:s29+$0xFFFFFEA0] =	vst v2;
	v2 =	vld [tilespmem:s29+$0xFFFFFEB0];
	_ =	sdelay $0x4  }
0x63: {  	v2 =	vmul.f32 v2, v3;
	_ =	sdelay $0x1  }
0x64: {  	[tilespmem:s29+$0xFFFFFEB0] =	vst v2;
	v2 =	vld [tilespmem:s29+$0xFFFFFEC0];
	_ =	sdelay $0x2  }
0x65: {  	v3 =	vbroadcast v1, $0x3;
	_ =	sdelay $0x1  }
0x66: {  	v2 =	vmul.f32 v2, v3;
	_ =	sdelay $0x1  }
0x67: {  	[tilespmem:s29+$0xFFFFFEC0] =	vst v2;
	v2 =	vld [tilespmem:s29+$0xFFFFFED0];
	_ =	sdelay $0x4  }
0x68: {  	v2 =	vmul.f32 v2, v3;
	_ =	sdelay $0x1  }
0x69: {  	[tilespmem:s29+$0xFFFFFED0] =	vst v2;
	v2 =	vld [tilespmem:s29+$0xFFFFFEE0];
	_ =	sdelay $0x4  }
0x6a: {  	v2 =	vmul.f32 v2, v3;
	_ =	sdelay $0x1  }
0x6b: {  	[tilespmem:s29+$0xFFFFFEE0] =	vst v2;
	v2 =	vld [tilespmem:s29+$0xFFFFFEF0];
	_ =	sdelay $0x4  }
0x6c: {  	v2 =	vmul.f32 v2, v3;
	_ =	sdelay $0x1  }
0x6d: {  	[tilespmem:s29+$0xFFFFFEF0] =	vst v2;
	v2 =	vld [tilespmem:s29+$0xFFFFFF00];
	_ =	sdelay $0x2  }
0x6e: {  	v3 =	vbroadcast v1, $0x4;
	_ =	sdelay $0x1  }
0x6f: {  	v2 =	vmul.f32 v2, v3;
	_ =	sdelay $0x1  }
0x70: {  	[tilespmem:s29+$0xFFFFFF00] =	vst v2;
	v2 =	vld [tilespmem:s29+$0xFFFFFF10];
	_ =	sdelay $0x4  }
0x71: {  	v2 =	vmul.f32 v2, v3;
	_ =	sdelay $0x1  }
0x72: {  	[tilespmem:s29+$0xFFFFFF10] =	vst v2;
	v2 =	vld [tilespmem:s29+$0xFFFFFF20];
	_ =	sdelay $0x4  }
0x73: {  	v2 =	vmul.f32 v2, v3;
	_ =	sdelay $0x1  }
0x74: {  	[tilespmem:s29+$0xFFFFFF20] =	vst v2;
	v2 =	vld [tilespmem:s29+$0xFFFFFF30];
	_ =	sdelay $0x4  }
0x75: {  	v2 =	vmul.f32 v2, v3;
	_ =	sdelay $0x1  }
0x76: {  	[tilespmem:s29+$0xFFFFFF30] =	vst v2;
	v2 =	vld [tilespmem:s29+$0xFFFFFF40];
	_ =	sdelay $0x2  }
0x77: {  	v3 =	vbroadcast v1, $0x5;
	_ =	sdelay $0x1  }
0x78: {  	v2 =	vmul.f32 v2, v3;
	_ =	sdelay $0x1  }
0x79: {  	[tilespmem:s29+$0xFFFFFF40] =	vst v2;
	v2 =	vld [tilespmem:s29+$0xFFFFFF50];
	_ =	sdelay $0x4  }
0x7a: {  	v2 =	vmul.f32 v2, v3;
	_ =	sdelay $0x1  }
0x7b: {  	[tilespmem:s29+$0xFFFFFF50] =	vst v2;
	v2 =	vld [tilespmem:s29+$0xFFFFFF60];
	_ =	sdelay $0x4  }
0x7c: {  	v2 =	vmul.f32 v2, v3;
	_ =	sdelay $0x1  }
0x7d: {  	[tilespmem:s29+$0xFFFFFF60] =	vst v2;
	v2 =	vld [tilespmem:s29+$0xFFFFFF70];
	_ =	sdelay $0x4  }
0x7e: {  	v2 =	vmul.f32 v2, v3;
	_ =	sdelay $0x1  }
0x7f: {  	[tilespmem:s29+$0xFFFFFF70] =	vst v2;
	v2 =	vld [tilespmem:s29+$0xFFFFFF80];
	_ =	sdelay $0x2  }
0x80: {  	v3 =	vbroadcast v1, $0x6;
	_ =	sdelay $0x1  }
0x81: {  	v2 =	vmul.f32 v2, v3;
	_ =	sdelay $0x1  }
0x82: {  	[tilespmem:s29+$0xFFFFFF80] =	vst v2;
	v2 =	vld [tilespmem:s29+$0xFFFFFF90];
	_ =	sdelay $0x4  }
0x83: {  	v2 =	vmul.f32 v2, v3;
	_ =	sdelay $0x1  }
0x84: {  	[tilespmem:s29+$0xFFFFFF90] =	vst v2;
	v2 =	vld [tilespmem:s29+$0xFFFFFFA0];
	_ =	sdelay $0x4  }
0x85: {  	v2 =	vmul.f32 v2, v3;
	_ =	sdelay $0x1  }
0x86: {  	[tilespmem:s29+$0xFFFFFFA0] =	vst v2;
	v2 =	vld [tilespmem:s29+$0xFFFFFFB0];
	_ =	sdelay $0x4  }
0x87: {  	v2 =	vmul.f32 v2, v3;
	_ =	sdelay $0x1  }
0x88: {  	[tilespmem:s29+$0xFFFFFFB0] =	vst v2;
	v2 =	vld [tilespmem:s29+$0xFFFFFFC0];
	_ =	sdelay $0x2  }
0x89: {  	v3 =	vbroadcast v1, $0x7;
	_ =	sdelay $0x1  }
0x8a: {  	v2 =	vmul.f32 v2, v3;
	_ =	sdelay $0x1  }
0x8b: {  	[tilespmem:s29+$0xFFFFFFC0] =	vst v2;
	v2 =	vld [tilespmem:s29+$0xFFFFFFD0];
	_ =	sdelay $0x4  }
0x8c: {  	v2 =	vmul.f32 v2, v3;
	_ =	sdelay $0x1  }
0x8d: {  	[tilespmem:s29+$0xFFFFFFD0] =	vst v2;
	v2 =	vld [tilespmem:s29+$0xFFFFFFE0];
	_ =	sdelay $0x4  }
0x8e: {  	v2 =	vmul.f32 v2, v3;
	_ =	sdelay $0x1  }
0x8f: {  	[tilespmem:s29+$0xFFFFFFE0] =	vst v2;
	v2 =	vld [tilespmem:s29+$0xFFFFFFF0];
	_ =	sdelay $0x4  }
0x90: {  	v2 =	vmul.f32 v2, v3;
	_ =	sdelay $0x1  }
0x91: {  	[tilespmem:s29+$0xFFFFFFF0] =	vst v2;
	v2 =	vld [tilespmem:s29+$0x0];
	_ =	sdelay $0x2  }
0x92: {  	v3 =	vbroadcast v1, $0x8;
	_ =	sdelay $0x1  }
0x93: {  	v2 =	vmul.f32 v2, v3;
	_ =	sdelay $0x1  }
0x94: {  	[tilespmem:s29+$0x0] =	vst v2;
	v2 =	vld [tilespmem:s29+$0x10];
	_ =	sdelay $0x4  }
0x95: {  	v2 =	vmul.f32 v2, v3;
	_ =	sdelay $0x1  }
0x96: {  	[tilespmem:s29+$0x10] =	vst v2;
	v2 =	vld [tilespmem:s29+$0x20];
	_ =	sdelay $0x4  }
0x97: {  	v2 =	vmul.f32 v2, v3;
	_ =	sdelay $0x1  }
0x98: {  	[tilespmem:s29+$0x20] =	vst v2;
	v2 =	vld [tilespmem:s29+$0x30];
	_ =	sdelay $0x4  }
0x99: {  	v2 =	vmul.f32 v2, v3;
	_ =	sdelay $0x1  }
0x9a: {  	[tilespmem:s29+$0x30] =	vst v2;
	v2 =	vld [tilespmem:s29+$0x40];
	_ =	sdelay $0x2  }
0x9b: {  	v3 =	vbroadcast v1, $0x9;
	_ =	sdelay $0x1  }
0x9c: {  	v2 =	vmul.f32 v2, v3;
	_ =	sdelay $0x1  }
0x9d: {  	[tilespmem:s29+$0x40] =	vst v2;
	v2 =	vld [tilespmem:s29+$0x50];
	_ =	sdelay $0x4  }
0x9e: {  	v2 =	vmul.f32 v2, v3;
	_ =	sdelay $0x1  }
0x9f: {  	[tilespmem:s29+$0x50] =	vst v2;
	v2 =	vld [tilespmem:s29+$0x60];
	_ =	sdelay $0x4  }
0xa0: {  	v2 =	vmul.f32 v2, v3;
	_ =	sdelay $0x1  }
0xa1: {  	[tilespmem:s29+$0x60] =	vst v2;
	v2 =	vld [tilespmem:s29+$0x70];
	_ =	sdelay $0x4  }
0xa2: {  	v2 =	vmul.f32 v2, v3;
	_ =	sdelay $0x1  }
0xa3: {  	[tilespmem:s29+$0x70] =	vst v2;
	v2 =	vld [tilespmem:s29+$0x80];
	_ =	sdelay $0x2  }
0xa4: {  	v3 =	vbroadcast v1, $0xA;
	_ =	sdelay $0x1  }
0xa5: {  	v2 =	vmul.f32 v2, v3;
	_ =	sdelay $0x1  }
0xa6: {  	[tilespmem:s29+$0x80] =	vst v2;
	v2 =	vld [tilespmem:s29+$0x90];
	_ =	sdelay $0x4  }
0xa7: {  	v2 =	vmul.f32 v2, v3;
	_ =	sdelay $0x1  }
0xa8: {  	[tilespmem:s29+$0x90] =	vst v2;
	v2 =	vld [tilespmem:s29+$0xA0];
	_ =	sdelay $0x4  }
0xa9: {  	v2 =	vmul.f32 v2, v3;
	_ =	sdelay $0x1  }
0xaa: {  	[tilespmem:s29+$0xA0] =	vst v2;
	v2 =	vld [tilespmem:s29+$0xB0];
	_ =	sdelay $0x4  }
0xab: {  	v2 =	vmul.f32 v2, v3;
	_ =	sdelay $0x1  }
0xac: {  	[tilespmem:s29+$0xB0] =	vst v2;
	v2 =	vld [tilespmem:s29+$0xC0];
	_ =	sdelay $0x2  }
0xad: {  	v3 =	vbroadcast v1, $0xB;
	_ =	sdelay $0x1  }
0xae: {  	v2 =	vmul.f32 v2, v3;
	_ =	sdelay $0x1  }
0xaf: {  	[tilespmem:s29+$0xC0] =	vst v2;
	v2 =	vld [tilespmem:s29+$0xD0];
	_ =	sdelay $0x4  }
0xb0: {  	v2 =	vmul.f32 v2, v3;
	_ =	sdelay $0x1  }
0xb1: {  	[tilespmem:s29+$0xD0] =	vst v2;
	v2 =	vld [tilespmem:s29+$0xE0];
	_ =	sdelay $0x4  }
0xb2: {  	v2 =	vmul.f32 v2, v3;
	_ =	sdelay $0x1  }
0xb3: {  	[tilespmem:s29+$0xE0] =	vst v2;
	v2 =	vld [tilespmem:s29+$0xF0];
	_ =	sdelay $0x4  }
0xb4: {  	v2 =	vmul.f32 v2, v3;
	_ =	sdelay $0x1  }
0xb5: {  	[tilespmem:s29+$0xF0] =	vst v2;
	v2 =	vld [tilespmem:s29+$0x100];
	_ =	sdelay $0x2  }
0xb6: {  	v3 =	vbroadcast v1, $0xC;
	_ =	sdelay $0x1  }
0xb7: {  	v2 =	vmul.f32 v2, v3;
	_ =	sdelay $0x1  }
0xb8: {  	[tilespmem:s29+$0x100] =	vst v2;
	v2 =	vld [tilespmem:s29+$0x110];
	_ =	sdelay $0x4  }
0xb9: {  	v2 =	vmul.f32 v2, v3;
	_ =	sdelay $0x1  }
0xba: {  	[tilespmem:s29+$0x110] =	vst v2;
	v2 =	vld [tilespmem:s29+$0x120];
	_ =	sdelay $0x4  }
0xbb: {  	v2 =	vmul.f32 v2, v3;
	_ =	sdelay $0x1  }
0xbc: {  	[tilespmem:s29+$0x120] =	vst v2;
	v2 =	vld [tilespmem:s29+$0x130];
	_ =	sdelay $0x4  }
0xbd: {  	v2 =	vmul.f32 v2, v3;
	_ =	sdelay $0x1  }
0xbe: {  	[tilespmem:s29+$0x130] =	vst v2;
	v2 =	vld [tilespmem:s29+$0x140];
	_ =	sdelay $0x2  }
0xbf: {  	v3 =	vbroadcast v1, $0xD;
	_ =	sdelay $0x1  }
0xc0: {  	v2 =	vmul.f32 v2, v3;
	_ =	sdelay $0x1  }
0xc1: {  	[tilespmem:s29+$0x140] =	vst v2;
	v2 =	vld [tilespmem:s29+$0x150];
	_ =	sdelay $0x4  }
0xc2: {  	v2 =	vmul.f32 v2, v3;
	_ =	sdelay $0x1  }
0xc3: {  	[tilespmem:s29+$0x150] =	vst v2;
	v2 =	vld [tilespmem:s29+$0x160];
	_ =	sdelay $0x4  }
0xc4: {  	v2 =	vmul.f32 v2, v3;
	_ =	sdelay $0x1  }
0xc5: {  	[tilespmem:s29+$0x160] =	vst v2;
	v2 =	vld [tilespmem:s29+$0x170];
	_ =	sdelay $0x4  }
0xc6: {  	v2 =	vmul.f32 v2, v3;
	_ =	sdelay $0x1  }
0xc7: {  	[tilespmem:s29+$0x170] =	vst v2;
	v2 =	vld [tilespmem:s29+$0x180];
	_ =	sdelay $0x2  }
0xc8: {  	v3 =	vbroadcast v1, $0xE;
	_ =	sdelay $0x1  }
0xc9: {  	v2 =	vmul.f32 v2, v3;
	_ =	sdelay $0x1  }
0xca: {  	[tilespmem:s29+$0x180] =	vst v2;
	v2 =	vld [tilespmem:s29+$0x190];
	_ =	sdelay $0x4  }
0xcb: {  	v2 =	vmul.f32 v2, v3;
	_ =	sdelay $0x1  }
0xcc: {  	[tilespmem:s29+$0x190] =	vst v2;
	v2 =	vld [tilespmem:s29+$0x1A0];
	_ =	sdelay $0x4  }
0xcd: {  	v2 =	vmul.f32 v2, v3;
	_ =	sdelay $0x1  }
0xce: {  	[tilespmem:s29+$0x1A0] =	vst v2;
	v2 =	vld [tilespmem:s29+$0x1B0];
	_ =	sdelay $0x4  }
0xcf: {  	v2 =	vmul.f32 v2, v3;
	_ =	sdelay $0x1  }
0xd0: {  	[tilespmem:s29+$0x1B0] =	vst v2;
	v2 =	vld [tilespmem:s29+$0x1C0];
	_ =	sdelay $0x2  }
0xd1: {  	v1 =	vbroadcast v1, $0xF;
	_ =	sdelay $0x1  }
0xd2: {  	v2 =	vmul.f32 v2, v1;
	_ =	sdelay $0x1  }
0xd3: {  	[tilespmem:s29+$0x1C0] =	vst v2;
	v2 =	vld [tilespmem:s29+$0x1D0];
	_ =	sdelay $0x4  }
0xd4: {  	v2 =	vmul.f32 v2, v1;
	_ =	sdelay $0x1  }
0xd5: {  	[tilespmem:s29+$0x1D0] =	vst v2;
	v2 =	vld [tilespmem:s29+$0x1E0];
	_ =	sdelay $0x4  }
0xd6: {  	v2 =	vmul.f32 v2, v1;
	_ =	sdelay $0x1  }
0xd7: {  	[tilespmem:s29+$0x1E0] =	vst v2;
	v2 =	vld [tilespmem:s29+$0x1F0];
	_ =	sdelay $0x1  }
0xd8: {  	p0 =	sne.s32 s30, $0x1C0  }
.Ltmp1:
0xd9: {  	_ = 	snop;
	(pc) =	sbr.rel @p0 .LBB2_5-.Ltmp1, $3  }
0xda: {  	_ = 	snop  }
0xdb: {  	v1 =	vmul.f32 v2, v1;
	_ =	sdelay $0x1  }
0xdc: {  	s30 =	sadd.s32 $0x40, s30;
	[tilespmem:s29+$0x1F0] =	vst v1;
	s29 =	sadd.s32 $0x400, s29  }
0xdd: {  	s28 =	sadd.s32 $0x1, s28  }
0xde: {  	p0 =	sne.s32 s28, $0x4F  }
.Ltmp2:
0xdf: {  	_ = 	snop;
	(pc) =	sbr.rel @p0 .LBB2_4-.Ltmp2, $4  }
0xe0: {  	[spmem:s2] =	stream.indirect.scatter.add.f32 [tilespmem:s17], [sflag:$0x3], $0x40, s21, s22, $0xb8;
	[tilespmem:$0xC200] =	vst v63  }
0xe1: {  	_ =	swait.ge [sflag:s18], $0x2000  }
0xe2: {  	[sflag:s18] =	ssyncset.done $0x0  }
0xe3: {  	[sflag:s18] =	ssyncadd.s32 $0xFFFFE000  }
0xe4: {  	s3 =	sadd.s32 $0x1, s3  }
0xe5: {  	s26 =	sshll.u32 s1, $0x6;
	[bflag:$0x0] =	sbarrier.arrive $0xFFFF;
	p0 =	sne.s32 s3, s16  }
.Ltmp3:
0xe6: {  	s28 =	sshrl.u32 s9, $0x3;
	s26 =	sor.u32 $0x1C03, s26;
	(pc) =	sbr.rel @p0 .LBB2_1-.Ltmp3, $4  }
0xe7: {  	[hbm:s15], [sflag:s26] =	dma.local [spmem:s28], $0x1400  }
0xe8: {  	_ =	swait.ge [sflag:s18], $0x1400  }
0xe9: {  	[sflag:s18] =	ssyncset.done $0x0  }
0xea: {  	[sflag:s18] =	ssyncadd.s32 $0xFFFFEC00  }
0xeb: {  	_ =	sfence.sel $0x180000  }
0xec: {  	[bflag:$0x0] =	sbarrier.arrive $0xFFFF  }
0xed: {  	p0 =	sne.s32 s1, $0x0;
	_ =	strace $0x9000004D  }
0xee: {  	s0 =	sadd.s32 @!p0 $0x100000, s0;
	[bflag:$0x2] =	sbarrier.arrive $0xFFFF  }
0xef: {  	[sflag:s0] =	ssyncadd.tile.s32 @!p0 $0x1;
	_ =	shalt  }
.Lfunc_end2:
_tile_overlayer_lowered:
.L_overlay_start_2:
0xf0: {  	(tag) =	ssettag $0x2  }
0xf1: {  	s0 =	rddreg [dreg:$0x0];
	s2 =	stileid.u32  }
0xf2: {  	s1 =	rddreg [dreg:$0x1];
	p0 =	sne.s32 s2, $0x0  }
0xf3: {  	s3 =	rddreg [dreg:$0x2];
	[bflag:$0x3] =	sbarrier.arrive $0xFFFF;
	s2 =	simm.s32 @!p0 $0x1C03  }
0xf4: {  	[timem:s3], [sflag:s2] =	dma.local @!p0 [hbm:s0], s1  }
0xf5: {  	s0 =	simm.s32 @!p0 $0x3  }
0xf6: {  	_ =	swait.ge @!p0 [sflag:s0], s1  }
0xf7: {  	s1 =	ssub.s32 @!p0 $0x0, s1;
	[sflag:s0] =	ssyncset.done @!p0 $0x0  }
0xf8: {  	[sflag:s0] =	ssyncadd.s32 @!p0 s1  }
0xf9: {  	[bflag:$0x3] =	sbarrier.arrive $0xFFFF  }
0xfa: {  	_ =	shalt  }

// kernel: kernel.8.cloned.1.call-start
scs
__scs_entry_jumppad:
0x0: {  	(pc) =	sbr.rel $0x88, $3  }
0x1: {  	(tag) =	ssettag $0x0;
	lr =	simm.s32 $0x1  }
0x2: {  	[smem:$0x3F95] =	sst lr;
	_ =	strace $0xD0000000  }
0x3: {  	_ = 	snop  }
0x4: {  	_ = 	snop  }
0x5: {  	_ = 	snop  }
0x6: {  	_ = 	snop  }
0x7: {  	_ = 	snop  }
__scs_overlays_trampoline_lowered:
0x8: {  	[smem:$0x3FA4] =	sst s0  }
0x9: {  	[smem:$0x3FA5] =	sst s1  }
0xa: {  	[smem:$0x3FA6] =	sst s2  }
0xb: {  	[smem:$0x3FA7] =	sst s3  }
0xc: {  	[smem:$0x3FA8] =	sst s4  }
0xd: {  	[smem:$0x3FA9] =	sst s5  }
0xe: {  	[smem:$0x3FAA] =	sst s6  }
0xf: {  	[smem:$0x3FAB] =	sst s7  }
0x10: {  	[smem:$0x3FAC] =	sst s8  }
0x11: {  	[smem:$0x3FAD] =	sst s9;
	s0 =	simm.s32 @!p0 $0x0  }
0x12: {  	s1 =	sld [smem:$0x3F93];
	s0 =	simm.s32 @p0 $0x1  }
0x13: {  	[smem:$0x3FAE] =	sst s0;
	s0 =	simm.s32 @!p1 $0x0  }
0x14: {  	s2 =	sld [smem:$0x3F92];
	s0 =	simm.s32 @p1 $0x1  }
0x15: {  	[smem:$0x3FAF] =	sst s0;
	s0 =	simm.s32 @!p2 $0x0  }
0x16: {  	s3 =	sld [smem:$0x3FDB];
	s0 =	simm.s32 @p2 $0x1  }
0x17: {  	s4 =	simm.s32 $0x1BF5;
	[smem:$0x3FB1] =	sst s0  }
0x18: {  	s0 =	sld [smem:$0x3F94];
	_ =	swait.ge [sflag:s4], $0x0  }
0x19: {  	s7 =	sld [smem:$0x3F95]  }
0x1a: {  	s8 =	sadd.s32 $0xFFFFE003, lr  }
0x1b: {  	s9 =	sadd.s32 $0xFFFFFEF7, lr;
	s5 =	simm.s32 $0xFFFFFFFF;
	p2 =	slt.u32 s8, $0xFFFFF086  }
0x1c: {  	p1 =	slt.u32 s9, $0xF7A;
	s5 =	simm.s32 @!p2 $0x0  }
0x1d: {  	s5 =	simm.s32 @p1 $0x1;
	p0 =	seq.s32 s7, s2  }
0x1e: {  	s7 =	smul.u32 @!p0 $0xF7A, s2;
	p2 =	seq.s32 @!p0 s5, $0x0  }
0x1f: {  	s9 =	smul.u32 $0xF7A, s1;
	s8 =	simm.s32 @!p0 $0x1BF5;
	p2 =	por !p2, p0  }
0x20: {  	[sflag:s8] =	ssyncset.s32 @!p0 $0xFFFFF086;
	s6 =	sadd.s32 @!p0 s3, s7;
	s7 =	simm.s32 @!p0 $0x108  }
0x21: {  	s3 =	sadd.s32 s3, s9;
	s6 =	sadd.s32 @!p0 $0x88, s6;
	s7 =	simm.s32 @p2 $0x1082  }
0x22: {  	[simem:s7], [sflag:s8] =	dma.local @!p0 [hbm:s6], $0xF7A  }
0x23: {  	s9 =	sor.u32 $0xD0000000, s2;
	s6 =	simm.s32 $0x108;
	_ =	swait.ge @!p0 [sflag:s8], $0x0  }
0x24: {  	s3 =	sadd.s32 $0x88, s3;
	s6 =	simm.s32 @!p1 $0x1082;
	[sflag:s4] =	ssyncset.s32 $0xFFFFF086  }
0x25: {  	[simem:s6], [sflag:s4] =	dma.local [hbm:s3], $0xF7A  }
0x26: {  	[smem:$0x3F95] =	sst s1;
	(tag) =	ssettag s2;
	_ =	strace s9  }
0x27: {  	s1 =	sld [smem:$0x3FA5]  }
0x28: {  	s2 =	sld [smem:$0x3FA6]  }
0x29: {  	s4 =	sld [smem:$0x3FA8]  }
0x2a: {  	p0 =	seq.s32 s5, $0x0;
	s5 =	sld [smem:$0x3FA9]  }
0x2b: {  	s6 =	sld [smem:$0x3FAA]  }
0x2c: {  	s7 =	sld [smem:$0x3FAB]  }
0x2d: {  	s3 =	simm.s32 $0x108;
	s8 =	sld [smem:$0x3FAC]  }
0x2e: {  	s3 =	simm.s32 @!p0 $0x1082;
	s9 =	sld [smem:$0x3FAD]  }
0x2f: {  	lr =	sadd.s32 s0, s3;
	s0 =	sld [smem:$0x3FA4]  }
0x30: {  	s3 =	sld [smem:$0x3FA7]  }
0x31: {  	[smem:$0x3FB0] =	sst s10  }
0x32: {  	s10 =	sld [smem:$0x3FAE];
	_ =	sdelay $0x3  }
0x33: {  	p0 =	seq.s32 s10, $0x1;
	s10 =	sld [smem:$0x3FB0];
	_ =	sdelay $0x3  }
0x34: {  	[smem:$0x3FB0] =	sst s10  }
0x35: {  	s10 =	sld [smem:$0x3FAF];
	_ =	sdelay $0x3  }
0x36: {  	p1 =	seq.s32 s10, $0x1;
	s10 =	sld [smem:$0x3FB0];
	_ =	sdelay $0x3  }
0x37: {  	[smem:$0x3FB0] =	sst s10  }
0x38: {  	s10 =	sld [smem:$0x3FB1]  }
0x39: {  	_ = 	snop;
	(pc) =	sbr.ind lr, $3  }
0x3a: {  	_ = 	snop  }
0x3b: {  	_ = 	snop  }
0x3c: {  	p2 =	seq.s32 s10, $0x1;
	s10 =	sld [smem:$0x3FB0]  }
0x3d: {  	_ =	shalt  }
0x3e: {  	_ =	shalt  }
0x3f: {  	_ =	shalt  }
0x40: {  	_ =	shalt  }
0x41: {  	_ =	shalt  }
0x42: {  	_ =	shalt  }
0x43: {  	_ =	shalt  }
0x44: {  	_ =	shalt  }
0x45: {  	_ =	shalt  }
0x46: {  	_ =	shalt  }
0x47: {  	_ =	shalt  }
0x48: {  	_ =	shalt  }
0x49: {  	_ =	shalt  }
0x4a: {  	_ =	shalt  }
0x4b: {  	_ =	shalt  }
0x4c: {  	_ =	shalt  }
0x4d: {  	_ =	shalt  }
0x4e: {  	_ =	shalt  }
0x4f: {  	_ =	shalt  }
0x50: {  	_ =	shalt  }
0x51: {  	_ =	shalt  }
0x52: {  	_ =	shalt  }
0x53: {  	_ =	shalt  }
0x54: {  	_ =	shalt  }
0x55: {  	_ =	shalt  }
0x56: {  	_ =	shalt  }
0x57: {  	_ =	shalt  }
0x58: {  	_ =	shalt  }
0x59: {  	_ =	shalt  }
0x5a: {  	_ =	shalt  }
0x5b: {  	_ =	shalt  }
0x5c: {  	_ =	shalt  }
0x5d: {  	_ =	shalt  }
0x5e: {  	_ =	shalt  }
0x5f: {  	_ =	shalt  }
0x60: {  	_ =	shalt  }
0x61: {  	_ =	shalt  }
0x62: {  	_ =	shalt  }
0x63: {  	_ =	shalt  }
0x64: {  	_ =	shalt  }
0x65: {  	_ =	shalt  }
0x66: {  	_ =	shalt  }
0x67: {  	_ =	shalt  }
0x68: {  	_ =	shalt  }
0x69: {  	_ =	shalt  }
0x6a: {  	_ =	shalt  }
0x6b: {  	_ =	shalt  }
0x6c: {  	_ =	shalt  }
0x6d: {  	_ =	shalt  }
0x6e: {  	_ =	shalt  }
0x6f: {  	_ =	shalt  }
0x70: {  	_ =	shalt  }
0x71: {  	_ =	shalt  }
0x72: {  	_ =	shalt  }
0x73: {  	_ =	shalt  }
0x74: {  	_ =	shalt  }
0x75: {  	_ =	shalt  }
0x76: {  	_ =	shalt  }
0x77: {  	_ =	shalt  }
0x78: {  	_ =	shalt  }
0x79: {  	_ =	shalt  }
0x7a: {  	_ =	shalt  }
0x7b: {  	_ =	shalt  }
0x7c: {  	_ =	shalt  }
0x7d: {  	_ =	shalt  }
0x7e: {  	_ =	shalt  }
0x7f: {  	_ =	shalt  }
0x80: {  	_ =	shalt  }
0x81: {  	_ =	shalt  }
0x82: {  	_ =	shalt  }
0x83: {  	_ =	shalt  }
0x84: {  	_ =	shalt  }
0x85: {  	_ =	shalt  }
0x86: {  	_ =	shalt  }
0x87: {  	_ =	shalt  }
.Lfunc_end0:
.L_simem_size_0:
called_computation_lowered:
.L_overlay_start_0:
0x88: {  	s2 =	sld [smem:$0x3FD9]  }
0x89: {  	s3 =	sld [smem:$0x3FFE];
	_ =	sdelay $0x1  }
0x8a: {  	s1 =	srdreg.scid  }
0x8b: {  	s0 =	sand.u32 $0x1, s1  }
0x8c: {  	s16 =	sshll.u32 s0, $0xA;
	s2 =	sadd.s32 s3, s2  }
0x8d: {  	s2 =	sadd.s32 s2, s16  }
0x8e: {  	[smem:$0x3FBC] =	sst s2  }
0x8f: {  	_ = 	snop  }
0x90: {  	(tm) =	ssettm $0x1  }
0x91: {  	s17 =	sld [smem:$0x3FFB];
	_ =	sdelay $0x3  }
0x92: {  	_ =	strace s17  }
0x93: {  	s2 =	sld [smem:$0x3FFC];
	_ =	sdelay $0x3  }
0x94: {  	_ =	strace s2  }
0x95: {  	s2 =	sld [smem:$0x3FFD];
	_ =	sdelay $0x3  }
0x96: {  	_ =	strace s2  }
0x97: {  	_ =	strace $0x8FFFFFFF  }
0x98: {  	s18 =	sld [smem:$0x3FDB];
	_ =	sdelay $0x1  }
0x99: {  	s19 =	simm.s32 $_scs_section_size  }
0x9a: {  	s4 =	simm.s32 $_size__tile_overlayer_lowered;
	s5 =	simm.s32 $_tile_overlayer_lowered  }
0x9b: {  	s22 =	simm.s32 $0x1BFF;
	s21 =	sshll.u32 s5, $0x1;
	s2 =	sadd.s32 s19, s18  }
0x9c: {  	s6 =	simm.s32 $0x0;
	s20 =	sshll.u32 s4, $0x1;
	s4 =	sadd.s32 s21, s2  }
0x9d: {  	[timem:s6], [sflag:s22] =	dma.local [hbm:s4], s20  }
0x9e: {  	_ =	swait.ge [sflag:s22], s20  }
0x9f: {  	s3 =	ssub.s32 $0x0, s20;
	[sflag:s22] =	ssyncset.done $0x0  }
0xa0: {  	[sflag:s22] =	ssyncadd.s32 s3;
	_ =	sdelay $0x1  }
0xa1: {  	s23 =	simm.s32 $0x1B8B  }
0xa2: {  	_ =	swait.ge [sflag:s23], $0x1  }
0xa3: {  	[sflag:s23] =	ssyncset.done $0x0  }
0xa4: {  	s25 =	simm.s32 $0x1B8E;
	s24 =	sld [smem:$0x3FFE];
	[sflag:s23] =	ssyncadd.s32 $0xFFFFFFFF  }
0xa5: {  	s26 =	simm.s32 $execute0_lowered;
	[smem:$0x3FD2] =	sst s25  }
0xa6: {  	s4 =	sshll.u32 s26, $0x1;
	_ =	strace $0x80000046;
	[dreg:$0x1] =	wrdreg $0xFFFFFFFF  }
0xa7: {  	s28 =	simm.s32 $_size_execute0_lowered;
	s2 =	sadd.s32 s2, s4;
	[dreg:$0x0] =	wrdreg $0x0  }
0xa8: {  	s4 =	sshll.u32 s28, $0x1;
	[dreg:$0x2] =	wrdreg s2  }
0xa9: {  	[dreg:$0x3] =	wrdreg s4  }
0xaa: {  	[dreg:$0x4] =	wrdreg $0xC0  }
0xab: {  	_ =	task [dreg:s6], $0x5FFFF  }
0xac: {  	[dreg:$0x1] =	wrdreg $0xFFFFFFFF  }
0xad: {  	[dreg:$0x0] =	wrdreg $0x60  }
0xae: {  	[dreg:$0x2] =	wrdreg s24  }
0xaf: {  	[dreg:$0x3] =	wrdreg $0x0  }
0xb0: {  	[dreg:$0x4] =	wrdreg $0x9  }
0xb1: {  	_ =	task.clear_ibuf [dreg:s6], $0x5FFFF;
	_ =	strace $0x90000046  }
0xb2: {  	s29 =	simm.s32 $0x9;
	_ =	strace $0x80000048  }
0xb3: {  	_ =	swait.ge [sflag:s29], $0x1  }
0xb4: {  	[sflag:s29] =	ssyncadd.s32 $0xFFFFFFFF  }
0xb5: {  	_ =	strace $0x90000048  }
0xb6: {  	_ =	sfence  }
0xb7: {  	s30 =	sld [smem:$0x0];
	_ =	sdelay $0x2  }
0xb8: {  	s31 =	sshll.u32 s1, $0xD;
	s1 =	sshrl.u32 s1, $0x2  }
0xb9: {  	s3 =	sand.u32 $0x4000, s31;
	s1 =	sadd.s32 s1, s30  }
0xba: {  	s0 =	sor.u32 s3, s0;
	s1 =	sshll.u32 s1, $0x11  }
0xbb: {  	s0 =	sor.u32 s1, s0  }
0xbc: {  	s0 =	sadd.s32 $0x8F2B, s0  }
0xbd: {  	[sflag:s0] =	ssyncadd.remote.s32 $0x1  }
0xbe: {  	_ =	sfence.sel $0xFFFF  }
0xbf: {  	[dreg:$0x0] =	wrdreg $0xFFFFFFFF;
	(pc) =	sbr.abs _section_cstart, $3  }
0xc0: {  	[dreg:$0x1] =	wrdreg $0xFFFFFFFF  }
0xc1: {  	_ =	task.clear_ibuf [dreg:s6], $0x2FFFF;
	_ =	strace $0x9FFFFFFF  }
0xc2: {  	(tm) =	ssettm $0x7FFFFFFF  }
0xc3: {  	_ =	shalt  }
tec
execute0_lowered:
.L_overlay_start_1:
0x0: {  	(tag) =	ssettag $0x1  }
0x1: {  	s0 =	rddreg [dreg:$0x0];
	s1 =	srdreg.scid  }
0x2: {  	s2 =	rddreg [dreg:$0x1];
	s6 =	stileid.u32;
	s3 =	simm.s32 $0x0  }
0x3: {  	s15 =	simm.s32 $0x1;
	s16 =	simm.s32 $0x1880;
	s17 =	simm.s32 $0x1900  }
0x4: {  	s18 =	simm.s32 $0x1980;
	s19 =	simm.s32 $0x1;
	s20 =	simm.s32 $0x80  }
0x5: {  	s21 =	simm.s32 $0x1A00;
	s22 =	simm.s32 $0x1B00;
	s4 =	smul.u32 $0xC40, s6  }
0x6: {  	s23 =	simm.s32 $0x3400;
	s24 =	simm.s32 $0x0;
	s28 =	smul.u32 $0x6200, s6  }
0x7: {  	s9 =	sand.u32 $0x1, s1;
	[smem:$0x7FF] =	sst s3;
	s6 =	smul.u32 $0x9E0, s6  }
0x8: {  	s1 =	smul.u32 $0xC400, s9;
	s7 =	ssub.s32 $0x2, s9;
	p0 =	seq.s32 s9, $0x0  }
0x9: {  	_ =	strace $0x80000047;
	s29 =	sshrl.u32 s7, $0x1;
	s19 =	simm.s32 @!p0 $0x0  }
0xa: {  	s4 =	sadd.s32 s4, s1;
	s1 =	sshrl.u32 s28, $0x2;
	s10 =	ssub.s32 s7, s29  }
0xb: {  	s5 =	sshrl.u32 s4, $0x3;
	s1 =	sadd.s32 s1, s2;
	s30 =	sadd.s32 s4, s2  }
0xc: {  	s8 =	sadd.s32 s5, s0;
	s0 =	sadd.s32 s6, s0;
	[dreg:$0x3] =	wrdreg s1  }
0xd: {  	[dreg:$0x4] =	wrdreg s30;
	s31 =	sadd.s32 $0x2A000, s8;
	s8 =	smax.u32 s10, $0x1  }
0xe: {  	s1 =	sadd.s32 $0x20200, s0;
	s14 =	sadd.s32 $0x2800, s0;
	s11 =	sadd.s32 $0x16400, s0  }
0xf: {  	v0 =	vimm.f32 $0.0e+00;
	v1 =	vimm.f32 $1.000000000e+00;
	s12 =	sadd.s32 $0x37000, s0;
	s13 =	sadd.s32 $0x2D200, s0;
	[dreg:$0x5] =	wrdreg s31  }
.LBB2_1:
0x10: {  	s0 =	simm.s32 $0x40;
	s9 =	simm.s32 $0x0  }
.LBB2_2:
0x11: {  	p0 =	sne.s32 s0, $0x61C0;
	[tilespmem:s9+$0x1B80] =	vst v0;
	s9 =	smov.u32 s0;
	s0 =	sadd.s32 $0x40, s0  }
.Ltmp0:
0x12: {  	(pc) =	sbr.rel @p0 .LBB2_2-.Ltmp0, $2  }
0x13: {  	_ =	sdelay $0x2  }
0x14: {  	s9 =	sshra.s32 s9, $0x2  }
0x15: {  	[tilespmem:s9+$0x1B80] =	vst v0;
	s0 =	rddreg [dreg:$0x3];
	s5 =	simm.s32 $0x1B80  }
0x16: {  	[spmem:s0] =	stream.linear.scatter [tilespmem:s5], [sflag:$0x1], $0x1880, $0x38;
	[tilespmem:$0x4080] =	vst v63  }
0x17: {  	_ =	swait.ge [sflag:s15], $0x1880  }
0x18: {  	[sflag:s15] =	ssyncset.done $0x0  }
0x19: {  	[sflag:s15] =	ssyncadd.s32 $0xFFFFE780  }
0x1a: {  	[tilespmem:$0x1B00] =	vst v1  }
0x1b: {  	[tilespmem:$0x1B10] =	vst v1  }
0x1c: {  	[tilespmem:$0x1B20] =	vst v1  }
0x1d: {  	[tilespmem:$0x1B30] =	vst v1  }
0x1e: {  	[tilespmem:$0x1B40] =	vst v1  }
0x1f: {  	[tilespmem:$0x1B50] =	vst v1  }
0x20: {  	[tilespmem:$0x1B60] =	vst v1  }
0x21: {  	[tilespmem:$0x1B70] =	vst v1  }
0x22: {  	[bflag:$0x0] =	sbarrier.arrive $0xFFFF  }
0x23: {  	[tilespmem:s16], [sflag:$0x1] =	stream.linear.gather [hbm4b:s1+s3], $0x80, $0x38;
	[tilespmem:$0x4080] =	vst v63  }
0x24: {  	_ =	swait.ge [sflag:s15], $0x80  }
0x25: {  	[sflag:s15] =	ssyncset.done $0x0  }
0x26: {  	[sflag:s15] =	ssyncadd.s32 $0xFFFFFF80  }
0x27: {  	[tilespmem:s17], [sflag:$0x1] =	stream.linear.gather [hbm4b:s14+s3], $0x80, $0x38;
	[tilespmem:$0x4080] =	vst v63  }
0x28: {  	_ =	swait.ge [sflag:s15], $0x80  }
0x29: {  	[sflag:s15] =	ssyncset.done $0x0  }
0x2a: {  	[sflag:s15] =	ssyncadd.s32 $0xFFFFFF80  }
0x2b: {  	[tilespmem:s18], [sflag:$0x1] =	stream.linear.gather [hbm4b:s11+s3], $0x80, $0x38;
	[tilespmem:$0x4080] =	vst v63  }
0x2c: {  	_ =	swait.ge [sflag:s15], $0x80  }
0x2d: {  	[sflag:s15] =	ssyncset.done $0x0  }
0x2e: {  	[sflag:s15] =	ssyncadd.s32 $0xFFFFFF80  }
0x2f: {  	v9 =	vld [tilespmem:$0x1930]  }
0x30: {  	v5 =	vld [tilespmem:$0x18D0]  }
0x31: {  	v13 =	vld [tilespmem:$0x19D0]  }
0x32: {  	v8 =	vld [tilespmem:$0x1950]  }
0x33: {  	v12 =	vld [tilespmem:$0x19B0]  }
0x34: {  	v7 =	vld [tilespmem:$0x1940]  }
0x35: {  	v6 =	vld [tilespmem:$0x18C0]  }
0x36: {  	v3 =	vld [tilespmem:$0x18E0]  }
0x37: {  	v2 =	vld [tilespmem:$0x19A0]  }
0x38: {  	v4 =	vld [tilespmem:$0x19E0]  }
0x39: {  	v16 =	vld [tilespmem:$0x19C0]  }
0x3a: {  	v11 =	vld [tilespmem:$0x18B0]  }
0x3b: {  	s26 =	simm.s32 $0x0;
	s29 =	simm.s32 $0x1;
	s30 =	sadd.s32 $0x10, s11;
	v14 =	vld [tilespmem:$0x1980]  }
0x3c: {  	s31 =	sadd.s32 $0x10, s12;
	s9 =	smov.u32 s1;
	s10 =	smov.u32 s14;
	v10 =	vld [tilespmem:$0x1880]  }
0x3d: {  	s28 =	smov.u32 s12;
	s25 =	smov.u32 s13;
	s0 =	sadd.s32 $0x10, s13;
	v2 =	vmul.u32 $0x2710, v2;
	v15 =	vmul.u32 $0x2710, v12;
	v12 =	vld [tilespmem:$0x1900];
	v13 =	vmul.u32 $0x2710, v13  }
.LBB2_4:
0x3e: {  	s9 =	sadd.s32 $0x10, s9  }
0x3f: {  	v9 =	vadd.s32 v9, v15;
	v16 =	vmul.u32 $0x2710, v16;
	v17 =	vld [tilespmem:$0x19F0];
	s10 =	sadd.s32 $0x10, s10;
	s5 =	smov.u32 s29;
	s29 =	sadd.s32 $0x1, s29  }
0x40: {  	p0 =	sne.s32 s29, $0x9E;
	[tilespmem:$0x1A30] =	vst v9;
	v9 =	vadd.s32 v15, v11;
	v8 =	vadd.s32 v8, v13;
	v5 =	vadd.s32 v13, v5;
	v11 =	vld [tilespmem:$0x18F0]  }
0x41: {  	v13 =	vmul.u32 $0x2710, v14;
	v7 =	vadd.s32 v7, v16;
	v6 =	vadd.s32 v16, v6;
	[tilespmem:$0x1A50] =	vst v8;
	v8 =	vld [tilespmem:$0x1970]  }
0x42: {  	v14 =	vld [tilespmem:$0x1990];
	[tilespmem:$0x1A40] =	vst v7  }
0x43: {  	v7 =	vadd.s32 v12, v13;
	v10 =	vadd.s32 v13, v10;
	[tilespmem:$0x1AC0] =	vst v6;
	v6 =	vld [tilespmem:$0x1960]  }
0x44: {  	[tilespmem:$0x1A80] =	vst v10;
	v10 =	vld [tilespmem:$0x1910];
	v12 =	vmul.u32 $0x2710, v17  }
0x45: {  	[tilespmem:$0x1A00] =	vst v7;
	v7 =	vld [tilespmem:$0x1890]  }
0x46: {  	v4 =	vmul.u32 $0x2710, v4;
	[tilespmem:$0x1AB0] =	vst v9;
	v8 =	vadd.s32 v8, v12;
	v9 =	vadd.s32 v12, v11  }
0x47: {  	v11 =	vmul.u32 $0x2710, v14;
	v12 =	vld [tilespmem:$0x1920];
	[tilespmem:$0x1A70] =	vst v8  }
0x48: {  	v3 =	vadd.s32 v4, v3;
	v8 =	vld [tilespmem:$0x18A0];
	v6 =	vadd.s32 v6, v4;
	[tilespmem:$0x1AF0] =	vst v9  }
0x49: {  	v4 =	vadd.s32 v10, v11;
	[tilespmem:$0x1AD0] =	vst v5  }
0x4a: {  	[tilespmem:$0x1A10] =	vst v4;
	v4 =	vadd.s32 v11, v7  }
0x4b: {  	p1 =	sgt.u32 s26, $0x4E;
	s26 =	smov.u32 s5;
	s5 =	simm.s32 $0x1;
	[tilespmem:$0x1A60] =	vst v6  }
0x4c: {  	s5 =	simm.s32 @!p1 $0x0;
	v5 =	vadd.s32 v12, v2;
	[tilespmem:$0x1AE0] =	vst v3  }
0x4d: {  	p1 =	seq.s32 s19, s5;
	[tilespmem:$0x1A20] =	vst v5;
	v2 =	vadd.s32 v2, v8  }
0x4e: {  	s5 =	simm.s32 @!p1 $0x0;
	s6 =	simm.s32 @!p1 $0x1A00;
	[tilespmem:$0x1AA0] =	vst v2  }
0x4f: {  	s7 =	simm.s32 @!p1 $0x1;
	[tilespmem:$0x1A90] =	vst v4  }
0x50: {  	[hbm4b:s28+s5] =	stream.linear.scatter @!p1 [tilespmem:s6], [sflag:$0x1], $0x80, $0x38;
	[tilespmem:$0x4080] =	vst v63  }
0x51: {  	s28 =	smov.u32 s31;
	_ =	swait.ge @!p1 [sflag:s7], $0x80  }
0x52: {  	s6 =	simm.s32 @!p1 $0x1A80;
	[sflag:s7] =	ssyncset.done @!p1 $0x0  }
0x53: {  	[sflag:s7] =	ssyncadd.s32 @!p1 $0xFFFFFF80  }
0x54: {  	[hbm4b:s25+s5] =	stream.linear.scatter @!p1 [tilespmem:s6], [sflag:$0x1], $0x80, $0x38;
	[tilespmem:$0x4080] =	vst v63  }
0x55: {  	s25 =	smov.u32 s0;
	_ =	swait.ge @!p1 [sflag:s7], $0x80  }
0x56: {  	[sflag:s7] =	ssyncset.done @!p1 $0x0  }
0x57: {  	[sflag:s7] =	ssyncadd.s32 @!p1 $0xFFFFFF80  }
0x58: {  	[spmem:s2] =	stream.indirect.scatter.add.f32 [tilespmem:s22], [sflag:$0x1], $0x1, s21, s20, $0xb8;
	[tilespmem:$0x4080] =	vst v63  }
0x59: {  	_ =	swait.ge [sflag:s15], $0x80  }
0x5a: {  	[sflag:s15] =	ssyncset.done $0x0  }
0x5b: {  	[sflag:s15] =	ssyncadd.s32 $0xFFFFFF80  }
0x5c: {  	[tilespmem:s16], [sflag:$0x1] =	stream.linear.gather [hbm4b:s9+s3], $0x80, $0x38;
	[tilespmem:$0x4080] =	vst v63  }
0x5d: {  	_ =	swait.ge [sflag:s15], $0x80  }
0x5e: {  	[sflag:s15] =	ssyncset.done $0x0  }
0x5f: {  	[sflag:s15] =	ssyncadd.s32 $0xFFFFFF80  }
0x60: {  	[tilespmem:s17], [sflag:$0x1] =	stream.linear.gather [hbm4b:s10+s3], $0x80, $0x38;
	[tilespmem:$0x4080] =	vst v63  }
0x61: {  	_ =	swait.ge [sflag:s15], $0x80  }
0x62: {  	[sflag:s15] =	ssyncset.done $0x0  }
0x63: {  	[sflag:s15] =	ssyncadd.s32 $0xFFFFFF80  }
0x64: {  	[tilespmem:s18], [sflag:$0x1] =	stream.linear.gather [hbm4b:s30+s3], $0x80, $0x38;
	[tilespmem:$0x4080] =	vst v63  }
0x65: {  	_ =	swait.ge [sflag:s15], $0x80  }
0x66: {  	[sflag:s15] =	ssyncset.done $0x0  }
0x67: {  	[sflag:s15] =	ssyncadd.s32 $0xFFFFFF80  }
0x68: {  	v9 =	vld [tilespmem:$0x1930]  }
0x69: {  	v5 =	vld [tilespmem:$0x18D0]  }
0x6a: {  	v13 =	vld [tilespmem:$0x19D0]  }
0x6b: {  	v8 =	vld [tilespmem:$0x1950]  }
0x6c: {  	v12 =	vld [tilespmem:$0x19B0]  }
0x6d: {  	v7 =	vld [tilespmem:$0x1940]  }
0x6e: {  	v6 =	vld [tilespmem:$0x18C0]  }
0x6f: {  	v3 =	vld [tilespmem:$0x18E0]  }
0x70: {  	v2 =	vld [tilespmem:$0x19A0]  }
0x71: {  	v4 =	vld [tilespmem:$0x19E0]  }
.Ltmp1:
0x72: {  	v16 =	vld [tilespmem:$0x19C0];
	(pc) =	sbr.rel @p0 .LBB2_4-.Ltmp1, $4  }
0x73: {  	v11 =	vld [tilespmem:$0x18B0]  }
0x74: {  	v14 =	vld [tilespmem:$0x1980]  }
0x75: {  	v15 =	vmul.u32 $0x2710, v12;
	v10 =	vld [tilespmem:$0x1880];
	v2 =	vmul.u32 $0x2710, v2  }
0x76: {  	s31 =	sadd.s32 $0x10, s31;
	s0 =	sadd.s32 $0x10, s0;
	s30 =	sadd.s32 $0x10, s30;
	v13 =	vmul.u32 $0x2710, v13;
	v12 =	vld [tilespmem:$0x1900]  }
0x77: {  	v9 =	vadd.s32 v9, v15  }
0x78: {  	[tilespmem:$0x1A30] =	vst v9;
	v8 =	vadd.s32 v8, v13  }
0x79: {  	v16 =	vmul.u32 $0x2710, v16;
	v17 =	vld [tilespmem:$0x19F0];
	v11 =	vadd.s32 v15, v11;
	[tilespmem:$0x1A50] =	vst v8  }
0x7a: {  	v49 =	vld [tilespmem:$0x1970];
	v5 =	vadd.s32 v13, v5;
	[tilespmem:$0x1AB0] =	vst v11  }
0x7b: {  	v55 =	vld [tilespmem:$0x1960];
	v4 =	vmul.u32 $0x2710, v4;
	v7 =	vadd.s32 v7, v16;
	[tilespmem:$0x1AD0] =	vst v5  }
0x7c: {  	v59 =	vld [tilespmem:$0x1920];
	v14 =	vmul.u32 $0x2710, v14;
	v6 =	vadd.s32 v16, v6;
	[tilespmem:$0x1A40] =	vst v7  }
0x7d: {  	v60 =	vld [tilespmem:$0x18A0];
	v3 =	vadd.s32 v4, v3;
	[tilespmem:$0x1AC0] =	vst v6  }
0x7e: {  	v50 =	vld [tilespmem:$0x1990];
	[tilespmem:$0x1AE0] =	vst v3;
	v51 =	vadd.s32 v14, v10  }
0x7f: {  	v48 =	vld [tilespmem:$0x18F0];
	v52 =	vadd.s32 v12, v14;
	[tilespmem:$0x1A80] =	vst v51  }
0x80: {  	v53 =	vld [tilespmem:$0x1910];
	[tilespmem:$0x1A00] =	vst v52;
	v62 =	vadd.s32 v55, v4  }
0x81: {  	v61 =	vld [tilespmem:$0x1890];
	v54 =	vmul.u32 $0x2710, v17;
	v63 =	vadd.s32 v59, v2;
	[tilespmem:$0x1A60] =	vst v62  }
0x82: {  	v2 =	vadd.s32 v2, v60;
	[tilespmem:$0x1A20] =	vst v63  }
0x83: {  	v58 =	vmul.u32 $0x2710, v50;
	[tilespmem:$0x1AA0] =	vst v2;
	v56 =	vadd.s32 v49, v54  }
0x84: {  	p0 =	sgt.u32 s26, $0x4E;
	s0 =	simm.s32 $0x1;
	v57 =	vadd.s32 v54, v48;
	[tilespmem:$0x1A70] =	vst v56  }
0x85: {  	s0 =	simm.s32 @!p0 $0x0;
	v7 =	vadd.s32 v53, v58;
	[tilespmem:$0x1AF0] =	vst v57  }
0x86: {  	p0 =	seq.s32 s19, s0;
	v3 =	vadd.s32 v58, v61;
	[tilespmem:$0x1A10] =	vst v7  }
0x87: {  	s0 =	simm.s32 @!p0 $0x0;
	s5 =	simm.s32 @!p0 $0x1A00;
	s6 =	simm.s32 @!p0 $0x1;
	[tilespmem:$0x1A90] =	vst v3  }
0x88: {  	[hbm4b:s28+s0] =	stream.linear.scatter @!p0 [tilespmem:s5], [sflag:$0x1], $0x80, $0x38;
	[tilespmem:$0x4080] =	vst v63  }
0x89: {  	_ =	swait.ge @!p0 [sflag:s6], $0x80  }
0x8a: {  	[sflag:s6] =	ssyncset.done @!p0 $0x0  }
0x8b: {  	s5 =	simm.s32 @!p0 $0x1A80;
	[sflag:s6] =	ssyncadd.s32 @!p0 $0xFFFFFF80  }
0x8c: {  	[hbm4b:s25+s0] =	stream.linear.scatter @!p0 [tilespmem:s5], [sflag:$0x1], $0x80, $0x38;
	[tilespmem:$0x4080] =	vst v63  }
0x8d: {  	_ =	swait.ge @!p0 [sflag:s6], $0x80  }
0x8e: {  	[sflag:s6] =	ssyncset.done @!p0 $0x0  }
0x8f: {  	[sflag:s6] =	ssyncadd.s32 @!p0 $0xFFFFFF80  }
0x90: {  	[spmem:s2] =	stream.indirect.scatter.add.f32 [tilespmem:s22], [sflag:$0x1], $0x1, s21, s20, $0xb8;
	[tilespmem:$0x4080] =	vst v63  }
0x91: {  	_ =	swait.ge [sflag:s15], $0x80  }
0x92: {  	[sflag:s15] =	ssyncset.done $0x0  }
0x93: {  	[sflag:s15] =	ssyncadd.s32 $0xFFFFFF80  }
0x94: {  	[bflag:$0x0] =	sbarrier.arrive $0xFFFF  }
0x95: {  	s30 =	rddreg [dreg:$0x4]  }
0x96: {  	[tilespmem:s23], [sflag:$0x1] =	stream.linear.gather [spmem:s30], $0xC40, $0x38;
	[tilespmem:$0x4080] =	vst v63  }
0x97: {  	_ =	swait.ge [sflag:s15], $0xC40  }
0x98: {  	[sflag:s15] =	ssyncset.done $0x0  }
0x99: {  	s31 =	simm.s32 $0x0;
	[sflag:s15] =	ssyncadd.s32 $0xFFFFF3C0  }
0x9a: {  	v2 =	vld [tilespmem:s31+$0x3400];
	_ =	sdelay $0x4  }
0x9b: {  	v2 =	vmax.f32 v2, $1.000000000e+00  }
0x9c: {  	(erf) = vrcp.f32 v2;
	_ =	sdelay $0x8  }
0x9d: {  	p6 =	slt.u32 s4, $0x186A0;
	v2 =	vpop (erf)  }
0x9e: {  	v2 =	vpsel !p6, $0x0, v2  }
0x9f: {  	s10 =	simm.s32 $0x80;
	s9 =	smov.u32 s4;
	s0 =	simm.s32 $0x10;
	[tilespmem:s31+$0x3400] =	vst v2  }
.LBB2_6:
0xa0: {  	p0 =	sne.s32 s10, $0x30C0;
	v2 =	vld [tilespmem:s0+$0x3400];
	_ =	sdelay $0x4  }
0xa1: {  	v2 =	vmax.f32 v2, $1.000000000e+00  }
0xa2: {  	(erf) = vrcp.f32 v2;
	_ =	sdelay $0x6  }
.Ltmp2:
0xa3: {  	(pc) =	sbr.rel @p0 .LBB2_6-.Ltmp2, $4  }
0xa4: {  	s9 =	sadd.s32 $0x10, s9  }
0xa5: {  	p1 =	slt.u32 s9, $0x186A0;
	v2 =	vpop (erf)  }
0xa6: {  	v2 =	vpsel !p1, $0x0, v2  }
0xa7: {  	[tilespmem:s0+$0x3400] =	vst v2;
	s0 =	sshra.s32 s10, $0x2;
	s10 =	sadd.s32 $0x40, s10  }
0xa8: {  	v2 =	vld [tilespmem:s0+$0x3400];
	_ =	sdelay $0x4  }
0xa9: {  	v2 =	vmax.f32 v2, $1.000000000e+00  }
0xaa: {  	(erf) = vrcp.f32 v2;
	_ =	sdelay $0x7  }
0xab: {  	s5 =	sadd.s32 $0x10, s9  }
0xac: {  	s24 =	sadd.s32 $0x1, s24;
	p0 =	slt.u32 s5, $0x186A0;
	v2 =	vpop (erf)  }
0xad: {  	v2 =	vpsel !p0, $0x0, v2;
	p0 =	sne.s32 s24, s8  }
.Ltmp3:
0xae: {  	s31 =	rddreg [dreg:$0x5];
	[tilespmem:s0+$0x3400] =	vst v2;
	(pc) =	sbr.rel @p0 .LBB2_1-.Ltmp3, $4  }
0xaf: {  	[hbm4b:s31+s3] =	stream.linear.scatter [tilespmem:s23], [sflag:$0x1], $0xC40, $0x38;
	[tilespmem:$0x4080] =	vst v63  }
0xb0: {  	_ =	swait.ge [sflag:s15], $0xC40  }
0xb1: {  	[sflag:s15] =	ssyncset.done $0x0  }
0xb2: {  	[sflag:s15] =	ssyncadd.s32 $0xFFFFF3C0  }
0xb3: {  	_ =	sfence.sel $0x180000  }
0xb4: {  	[bflag:$0x0] =	sbarrier.arrive $0xFFFF  }
0xb5: {  	_ =	strace $0x90000047  }
0xb6: {  	s0 =	stileid.u32;
	[bflag:$0x2] =	sbarrier.arrive $0xFFFF  }
0xb7: {  	p0 =	sne.s32 s0, $0x0;
	s0 =	rddreg [dreg:$0x2]  }
0xb8: {  	s0 =	sadd.s32 @!p0 $0x100000, s0  }
0xb9: {  	[sflag:s0] =	ssyncadd.tile.s32 @!p0 $0x1;
	_ =	shalt  }
.Lfunc_end2:
_tile_overlayer_lowered:
.L_overlay_start_2:
0xba: {  	(tag) =	ssettag $0x2  }
0xbb: {  	s0 =	rddreg [dreg:$0x0];
	s2 =	stileid.u32  }
0xbc: {  	s1 =	rddreg [dreg:$0x1];
	p0 =	sne.s32 s2, $0x0  }
0xbd: {  	s3 =	rddreg [dreg:$0x2];
	[bflag:$0x3] =	sbarrier.arrive $0xFFFF;
	s2 =	simm.s32 @!p0 $0x1C01  }
0xbe: {  	[timem:s3], [sflag:s2] =	dma.local @!p0 [hbm:s0], s1  }
0xbf: {  	s0 =	simm.s32 @!p0 $0x1  }
0xc0: {  	_ =	swait.ge @!p0 [sflag:s0], s1  }
0xc1: {  	s1 =	ssub.s32 @!p0 $0x0, s1;
	[sflag:s0] =	ssyncset.done @!p0 $0x0  }
0xc2: {  	[sflag:s0] =	ssyncadd.s32 @!p0 s1  }
0xc3: {  	[bflag:$0x3] =	sbarrier.arrive $0xFFFF  }
0xc4: {  	_ =	shalt  }

</sc_bundles>
